<compile_context>
chip_gen: v7x
topology: tpu7x:2x2x1
jax: 0.10.2.dev20260603
libtpu: 0.0.44.dev20260713+nightly
codegen_flags: <defaults>
</compile_context>

<pallas_src>
import functools
import jax
import jax.numpy as jnp
from jax import lax
from jax.experimental import pallas as pl
from jax.experimental.pallas import tpu as pltpu
from jax.experimental.pallas import tpu_sc as plsc

N = 10000
E = 320000
D = 128
R = 32

NC = 2
NS = 16
NW = NC * NS

IB = 128
ZCH = 80
ZCHUNKS = N // ZCH
ZITERS = -(-ZCHUNKS // NS)

EBLK = 2000
SLICE_EDGES = (64000, 64000, 64000, 64000, 64000)


def _silu(v):
    return v * jax.nn.sigmoid(v)


GROWS = 80
GLAST = (E // IB) - (NW - 1) * GROWS


def _sc_gather_body(xi_hbm, xj_hbm, dst_hbm, src_hbm, g_hbm,
                    idx_d, idx_s, ra0, rb0, ra1, rb1, ra2, rb2,
                    sa0, sb0, sa1, sb1, sa2, sb2, so0, so1, so2):
    wid = lax.axis_index("s") * NC + lax.axis_index("c")
    cnt = jnp.where(wid < NW - 1, GROWS, GLAST)

    @pl.when(wid < NW - 1)
    def _():
        pltpu.sync_copy(dst_hbm.at[pl.ds(wid * GROWS, GROWS)], idx_d)
        pltpu.sync_copy(src_hbm.at[pl.ds(wid * GROWS, GROWS)], idx_s)

    @pl.when(wid == NW - 1)
    def _():
        pltpu.sync_copy(dst_hbm.at[pl.ds((NW - 1) * GROWS, GLAST)],
                        idx_d.at[pl.ds(0, GLAST)])
        pltpu.sync_copy(src_hbm.at[pl.ds((NW - 1) * GROWS, GLAST)],
                        idx_s.at[pl.ds(0, GLAST)])

    def cid_of(k):
        return wid * GROWS + k

    def issue(k, ra, rb, sa, sb):
        pltpu.async_copy(xi_hbm.at[idx_d.at[k]], ra, sa)
        pltpu.async_copy(xj_hbm.at[idx_s.at[k]], rb, sb)

    def drain_gather(ra, rb, sa, sb):
        pltpu.make_async_copy(xi_hbm.at[idx_d.at[0]], ra, sa).wait()
        pltpu.make_async_copy(xj_hbm.at[idx_s.at[0]], rb, sb).wait()

    def drain_store(ra, so):
        pltpu.make_async_copy(ra, g_hbm.at[pl.ds(0, IB)], so).wait()

    bufs = ((ra0, rb0, sa0, sb0, so0), (ra1, rb1, sa1, sb1, so1),
            (ra2, rb2, sa2, sb2, so2))

    issue(0, ra0, rb0, sa0, sb0)
    issue(1, ra1, rb1, sa1, sb1)

    def trip(k3, carry):
        for p in (0, 1, 2):
            k = 3 * k3 + p
            ra, rb, sa, sb, so = bufs[p]
            nra, nrb, nsa, nsb, nso = bufs[(p + 2) % 3]

            @pl.when((k + 2 < cnt) & (k >= 1))
            def _():
                drain_store(nra, nso)

            @pl.when(k + 2 < cnt)
            def _():
                issue(k + 2, nra, nrb, nsa, nsb)

            @pl.when(k < cnt)
            def _():
                drain_gather(ra, rb, sa, sb)

                def add_row(r, c2):
                    for j in range(D // 16):
                        sl = pl.ds(j * 16, 16)
                        ra[r, sl] = ra[r, sl] + rb[r, sl]
                    return c2

                lax.fori_loop(0, IB, add_row, 0)
                pltpu.async_copy(ra, g_hbm.at[pl.ds(cid_of(k) * IB, IB)], so)
        return carry

    lax.fori_loop(0, (GROWS + 2) // 3, trip, 0)

    drain_store(ra0, so0)
    drain_store(ra1, so1)
    drain_store(ra2, so2)


def _sc_gather(xi_proj, xj_proj, dst2, src2):
    mesh = plsc.VectorSubcoreMesh(core_axis_name="c", subcore_axis_name="s",
                                  num_cores=NC, num_subcores=NS)
    return pl.kernel(
        _sc_gather_body,
        out_type=jax.ShapeDtypeStruct((E, D), jnp.float32),
        mesh=mesh,
        scratch_types=[
            pltpu.VMEM((GROWS, IB), jnp.int32),
            pltpu.VMEM((GROWS, IB), jnp.int32),
            pltpu.VMEM((IB, D), jnp.float32),
            pltpu.VMEM((IB, D), jnp.float32),
            pltpu.VMEM((IB, D), jnp.float32),
            pltpu.VMEM((IB, D), jnp.float32),
            pltpu.VMEM((IB, D), jnp.float32),
            pltpu.VMEM((IB, D), jnp.float32),
            pltpu.SemaphoreType.DMA,
            pltpu.SemaphoreType.DMA,
            pltpu.SemaphoreType.DMA,
            pltpu.SemaphoreType.DMA,
            pltpu.SemaphoreType.DMA,
            pltpu.SemaphoreType.DMA,
            pltpu.SemaphoreType.DMA,
            pltpu.SemaphoreType.DMA,
            pltpu.SemaphoreType.DMA,
        ],
    )(xi_proj, xj_proj, dst2, src2)


def _sc_scatter_body(chunk_lo, n_chunks, msg_hbm, dst_hbm, out_hbm,
                     idx0, rows0, idx1, rows1, sl0, sl1, acc):
    c = lax.axis_index("c")
    s = lax.axis_index("s")
    idx = idx0
    rows = rows0

    def zrow(r, carry):
        for j in range(D // 16):
            rows[r, pl.ds(j * 16, 16)] = jnp.zeros((16,), jnp.float32)
        return carry

    lax.fori_loop(0, ZCH, zrow, 0)

    def zcopy(i, carry):
        cid = s + NS * i

        @pl.when(cid < ZCHUNKS)
        def _():
            pltpu.sync_copy(rows.at[pl.ds(0, ZCH)],
                            acc.at[pl.ds(cid * ZCH, ZCH)])
        return carry

    lax.fori_loop(0, ZITERS, zcopy, 0)
    plsc.subcore_barrier()

    def local_of(i):
        return NC * (s + NS * i) + c

    def issue(i, idxb, rowsb, sem):
        local = local_of(i)
        pltpu.async_copy(dst_hbm.at[pl.ds(chunk_lo + local, 1)], idxb, sem)
        pltpu.async_copy(msg_hbm.at[pl.ds(local * IB, IB)], rowsb, sem)

    def drain(idxb, rowsb, sem):
        pltpu.make_async_copy(dst_hbm.at[pl.ds(0, 1)], idxb, sem).wait()
        pltpu.make_async_copy(msg_hbm.at[pl.ds(0, IB)], rowsb, sem).wait()

    @pl.when(local_of(0) < n_chunks)
    def _():
        issue(0, idx0, rows0, sl0)

    bufs = ((idx0, rows0, sl0), (idx1, rows1, sl1))
    per_sc = -(-n_chunks // NC)
    niter = -(-per_sc // NS)

    def chunk(i2, carry):
        for p in (0, 1):
            i = 2 * i2 + p
            idxb, rowsb, sem = bufs[p]
            nidx, nrows, nsem = bufs[1 - p]

            @pl.when(local_of(i + 1) < n_chunks)
            def _():
                issue(i + 1, nidx, nrows, nsem)

            @pl.when(local_of(i) < n_chunks)
            def _():
                drain(idxb, rowsb, sem)
                pltpu.sync_copy(rowsb, acc.at[idxb.at[0]], add=True)
        return carry

    lax.fori_loop(0, (niter + 1) // 2, chunk, 0)
    plsc.subcore_barrier()

    def ocopy(i, carry):
        cid = s + NS * i

        @pl.when(cid < ZCHUNKS)
        def _():
            pltpu.sync_copy(acc.at[pl.ds(cid * ZCH, ZCH)],
                            out_hbm.at[c].at[pl.ds(cid * ZCH, ZCH)])
        return carry

    lax.fori_loop(0, ZITERS, ocopy, 0)


def _sc_scatter(msg, dst2, chunk_lo, n_chunks):
    mesh = plsc.VectorSubcoreMesh(core_axis_name="c", subcore_axis_name="s",
                                  num_cores=NC, num_subcores=NS)
    return pl.kernel(
        functools.partial(_sc_scatter_body, chunk_lo, n_chunks),
        out_type=jax.ShapeDtypeStruct((NC, N, D), jnp.float32),
        mesh=mesh,
        scratch_types=[
            pltpu.VMEM((1, IB), jnp.int32),
            pltpu.VMEM((IB, D), jnp.float32),
            pltpu.VMEM((1, IB), jnp.int32),
            pltpu.VMEM((IB, D), jnp.float32),
            pltpu.SemaphoreType.DMA,
            pltpu.SemaphoreType.DMA,
            pltpu.VMEM_SHARED((N, D), jnp.float32),
        ],
    )(msg, dst2)


def _proj_body(x_ref, wmi_ref, wmj_ref, we2_ref, wme_ref, wg_ref, be2_ref,
               bm1_ref, bg_ref, xi_ref, xj_ref, we2m_ref, we2g_ref,
               bm1p_ref, bgp_ref):
    x = x_ref[...]
    xi_ref[...] = jnp.dot(x, wmi_ref[...], preferred_element_type=jnp.float32)
    xj_ref[...] = jnp.dot(x, wmj_ref[...], preferred_element_type=jnp.float32)
    we2 = we2_ref[...]
    be2 = be2_ref[...]
    wme = wme_ref[...]
    wg = wg_ref[...]
    we2m_ref[...] = jnp.dot(we2, wme, preferred_element_type=jnp.float32)
    we2g_ref[...] = jnp.dot(we2, wg, preferred_element_type=jnp.float32)
    bm1p_ref[...] = jnp.dot(be2, wme, preferred_element_type=jnp.float32) \
        + bm1_ref[...]
    bgp_ref[...] = jnp.dot(be2, wg, preferred_element_type=jnp.float32) \
        + bg_ref[...]


def _node_proj(x, wmi, wmj, we2, wme, wg, be2, bm1, bg):
    return pl.pallas_call(
        _proj_body,
        out_shape=(
            jax.ShapeDtypeStruct((N, D), jnp.float32),
            jax.ShapeDtypeStruct((N, D), jnp.float32),
            jax.ShapeDtypeStruct((D, D), jnp.float32),
            jax.ShapeDtypeStruct((D, D), jnp.float32),
            jax.ShapeDtypeStruct((1, D), jnp.float32),
            jax.ShapeDtypeStruct((1, D), jnp.float32),
        ),
    )(x, wmi, wmj, we2, wme, wg, be2.reshape(1, D), bm1.reshape(1, D),
      bg.reshape(1, D))


def _edge_body(ea_ref, g_ref, we1_ref, be1_ref, we2m_ref, bm1p_ref,
               wm2_ref, bm2_ref, we2g_ref, bgp_ref, out_ref):
    def mm(a, w_ref):
        return jnp.dot(a, w_ref[...], preferred_element_type=jnp.float32)

    ea = ea_ref[...]
    h1 = _silu(mm(ea, we1_ref) + be1_ref[...])
    pre = g_ref[...] + mm(h1, we2m_ref) + bm1p_ref[...]
    msg = mm(_silu(pre), wm2_ref) + bm2_ref[...]
    gate = jax.nn.sigmoid(mm(h1, we2g_ref) + bgp_ref[...])
    out_ref[...] = msg * gate


def _edge_compute(edge_attr, g, we1, be1, we2m, bm1p, wm2, bm2, we2g, bgp,
                  blk_lo, nblk):

    def wfull(shape):
        return pl.BlockSpec(shape, lambda i: (0, 0))

    return pl.pallas_call(
        _edge_body,
        grid=(nblk,),
        in_specs=[
            pl.BlockSpec((EBLK, R), lambda i: (i + blk_lo, 0)),
            pl.BlockSpec((EBLK, D), lambda i: (i + blk_lo, 0)),
            wfull((R, D)),
            wfull((1, D)),
            wfull((D, D)),
            wfull((1, D)),
            wfull((D, D)),
            wfull((1, D)),
            wfull((D, D)),
            wfull((1, D)),
        ],
        out_specs=pl.BlockSpec((EBLK, D), lambda i: (i, 0)),
        out_shape=jax.ShapeDtypeStruct((nblk * EBLK, D), jnp.float32),
    )(edge_attr, g, we1, be1.reshape(1, D), we2m, bm1p, wm2,
      bm2.reshape(1, D), we2g, bgp)


def _update_body(*refs):
    part_refs = refs[:len(refs) - 9]
    (x_ref, wua_ref, wux_ref, bu1_ref, wu2_ref, bu2_ref, g_ref, b_ref,
     out_ref) = refs[len(refs) - 9:]
    x = x_ref[...]
    aggr = part_refs[0][...]
    for pr in part_refs[1:]:
        aggr = aggr + pr[...]
    u1 = _silu(jnp.dot(aggr, wua_ref[...], preferred_element_type=jnp.float32)
               + jnp.dot(x, wux_ref[...], preferred_element_type=jnp.float32)
               + bu1_ref[...])
    h = x + jnp.dot(u1, wu2_ref[...], preferred_element_type=jnp.float32) \
        + bu2_ref[...]
    mu = jnp.mean(h, axis=-1, keepdims=True)
    hc = h - mu
    var = jnp.mean(hc * hc, axis=-1, keepdims=True)
    out_ref[...] = hc * jax.lax.rsqrt(var + 1e-5) * g_ref[...] + b_ref[...]


UBLK = 2000


def _node_update(parts, x, wua, wux, bu1, wu2, bu2, gamma, beta):
    def nspec():
        return pl.BlockSpec((UBLK, D), lambda i: (i, 0))

    def wfull(shape):
        return pl.BlockSpec(shape, lambda i: (0, 0))

    return pl.pallas_call(
        _update_body,
        grid=(N // UBLK,),
        in_specs=[nspec() for _ in parts] + [
            nspec(),
            wfull((D, D)), wfull((D, D)), wfull((1, D)),
            wfull((D, D)), wfull((1, D)), wfull((1, D)), wfull((1, D)),
        ],
        out_specs=nspec(),
        out_shape=jax.ShapeDtypeStruct((N, D), jnp.float32),
    )(*parts, x, wua, wux, bu1.reshape(1, D), wu2, bu2.reshape(1, D),
      gamma.reshape(1, D), beta.reshape(1, D))


def kernel(x, edge_index, edge_attr, We1, be1, We2, be2, Wm1, bm1, Wm2, bm2,
           Wu1, bu1, Wu2, bu2, Wg, bg, ln_gamma, ln_beta):
    src2 = edge_index[0].reshape(E // IB, IB)
    dst2 = edge_index[1].reshape(E // IB, IB)

    wmi = Wm1[:D]
    wmj = Wm1[D:2 * D]
    wme = Wm1[2 * D:]

    xi_proj, xj_proj, we2m, we2g, bm1p, bgp = _node_proj(
        x, wmi, wmj, We2, wme, Wg, be2, bm1, bg)

    g = _sc_gather(xi_proj, xj_proj, dst2, src2)

    parts = []
    blk = 0
    ch = 0
    for sz in SLICE_EDGES:
        msg_k = _edge_compute(edge_attr, g, We1, be1, we2m, bm1p, Wm2, bm2,
                              we2g, bgp, blk, sz // EBLK)
        pk = _sc_scatter(msg_k, dst2, ch, sz // IB)
        parts.extend([pk[0], pk[1]])
        blk += sz // EBLK
        ch += sz // IB

    wua = Wu1[:D]
    wux = Wu1[D:]
    return _node_update(parts, x, wua, wux, bu1, Wu2, bu2, ln_gamma, ln_beta)

# --- scband reference (transcript-rebuilt; emitter-appended) ---
"""Pipeline reference for scband-hierarchical-gnn-7275674599787 (READ-ONLY COPY).

The authoritative reference and input builder live on the scoring server;
editing this copy changes nothing except your own understanding.
"""

import jax, jax.numpy as jnp
import numpy as np

N = 10000
E = 320000
D = 128
R = 32


def silu(v):
    return v * jax.nn.sigmoid(v)


def setup_inputs(seed: int = 0) -> dict:
    key = jax.random.key(seed)
    ks = jax.random.split(key, 24)
    s = 0.02
    inp = {}
    inp['x'] = jax.random.normal(ks[0], (N, D), dtype=jnp.float32)
    inp['edge_index'] = jax.random.randint(ks[1], (2, E), 0, N, dtype=jnp.int32)
    inp['edge_attr'] = jax.random.normal(ks[2], (E, R), dtype=jnp.float32)
    # edge_embed: Linear(R->D), SiLU, Linear(D->D)
    inp['We1'] = jax.random.normal(ks[3], (R, D), dtype=jnp.float32) * s
    inp['be1'] = jnp.zeros((D,), dtype=jnp.float32)
    inp['We2'] = jax.random.normal(ks[4], (D, D), dtype=jnp.float32) * s
    inp['be2'] = jnp.zeros((D,), dtype=jnp.float32)
    # message_net: Linear(3D->D), SiLU, Linear(D->D)
    inp['Wm1'] = jax.random.normal(ks[5], (3 * D, D), dtype=jnp.float32) * s
    inp['bm1'] = jnp.zeros((D,), dtype=jnp.float32)
    inp['Wm2'] = jax.random.normal(ks[6], (D, D), dtype=jnp.float32) * s
    inp['bm2'] = jnp.zeros((D,), dtype=jnp.float32)
    # update_net: Linear(2D->D), SiLU, Linear(D->D)
    inp['Wu1'] = jax.random.normal(ks[7], (2 * D, D), dtype=jnp.float32) * s
    inp['bu1'] = jnp.zeros((D,), dtype=jnp.float32)
    inp['Wu2'] = jax.random.normal(ks[8], (D, D), dtype=jnp.float32) * s
    inp['bu2'] = jnp.zeros((D,), dtype=jnp.float32)
    # gate: Linear(D->D)
    inp['Wg'] = jax.random.normal(ks[9], (D, D), dtype=jnp.float32) * s
    inp['bg'] = jnp.zeros((D,), dtype=jnp.float32)
    # LayerNorm(D)
    inp['ln_gamma'] = jnp.ones((D,), dtype=jnp.float32)
    inp['ln_beta'] = jnp.zeros((D,), dtype=jnp.float32)
    return inp


def reference(x, edge_index, edge_attr, We1, be1, We2, be2, Wm1, bm1, Wm2, bm2, Wu1, bu1, Wu2, bu2, Wg, bg, ln_gamma, ln_beta):
    # PyG MessagePassing flow source_to_target: row=src (j), col=dst (i)
    src = edge_index[0]
    dst = edge_index[1]
    # message: edge_embed MLP
    edge_emb = silu(edge_attr @ We1 + be1) @ We2 + be2
    x_i = x[dst]
    x_j = x[src]
    msg_in = jnp.concatenate([x_i, x_j, edge_emb], axis=-1)
    msg = silu(msg_in @ Wm1 + bm1) @ Wm2 + bm2
    gate = jax.nn.sigmoid(edge_emb @ Wg + bg)
    msg = msg * gate
    # aggregate: scatter-add over destination nodes
    aggr = jnp.zeros((x.shape[0], msg.shape[-1]), dtype=msg.dtype).at[dst].add(msg)
    # update
    upd_in = jnp.concatenate([aggr, x], axis=-1)
    upd = silu(upd_in @ Wu1 + bu1) @ Wu2 + bu2
    h = x + upd
    mu = jnp.mean(h, axis=-1, keepdims=True)
    var = jnp.var(h, axis=-1, keepdims=True)
    out = (h - mu) / jnp.sqrt(var + 1e-5) * ln_gamma + ln_beta
    return out

if __name__ == "__main__":
    import jax
    _d = setup_inputs()
    print(jax.jit(kernel)(*tuple(_d.values())))

</pallas_src>

<mosaic_0001>
#map = affine_map<(d0, d1) -> (0, 0)>
#map1 = affine_map<(d0, d1) -> (0, 0, 0)>
module attributes {stable_mosaic.version = 14 : i64} {
  func.func @_sc_scatter_body(%arg0: i32, %arg1: i32, %arg2: memref<64000x128xf32, #tpu.memory_space<hbm>>, %arg3: memref<2500x128xi32, #tpu.memory_space<hbm>>, %arg4: memref<2x10000x128xf32, #tpu.memory_space<hbm>>, %arg5: memref<1x128xi32, #tpu.memory_space<vmem>>, %arg6: memref<128x128xf32, #tpu.memory_space<vmem>>, %arg7: memref<1x128xi32, #tpu.memory_space<vmem>>, %arg8: memref<128x128xf32, #tpu.memory_space<vmem>>, %arg9: memref<!tpu.dma_semaphore, #tpu.memory_space<semaphore_mem>>, %arg10: memref<!tpu.dma_semaphore, #tpu.memory_space<semaphore_mem>>, %arg11: memref<10000x128xf32, #tpu.memory_space<vmem_shared>>) attributes {dimension_semantics = [#tpu.dimension_semantics<core_parallel>, #tpu.dimension_semantics<subcore_parallel>], iteration_bounds = array<i64: 2, 16>, scalar_prefetch = 0 : i64, scratch_operands = 7 : i64, tpu.core_type = #tpu.core_type<sc_vector_subcore>, window_params = [{transform_indices = #map}, {transform_indices = #map}, {transform_indices = #map1}]} {
    %scan3A = arith.constant 0 : i32
    %scan3A_0 = arith.constant 0 : i32
    %scan3A_1 = arith.constant 80 : i32
    %scan3A_2 = arith.addi %scan3A_0, %scan3A_1 : i32
    %scan3A_3 = arith.constant 1 : i32
    scf.for %scan3A_29 = %scan3A_0 to %scan3A_2 step %scan3A_3  : i32 {
      %broadcast_in_dim3A = arith.constant 0.000000e+00 : f32
      %broadcast_in_dim3A_30 = vector.broadcast %broadcast_in_dim3A : f32 to vector<16xf32>
      %swap3A = arith.index_cast %scan3A_29 : i32 to index
      %swap3A_31 = arith.constant 0 : index
      %swap3A_32 = tpu.vector_load %arg6[%swap3A, %swap3A_31] {strides = array<i32>} : memref<128x128xf32, #tpu.memory_space<vmem>>, vector<1x16xf32>,
      %swap3A_33 = vector.shape_cast %swap3A_32 : vector<1x16xf32> to vector<16xf32>
      %swap3A_34 = vector.shape_cast %broadcast_in_dim3A_30 : vector<16xf32> to vector<1x16xf32>
      tpu.vector_store %arg6[%swap3A, %swap3A_31], %swap3A_34 {strides = array<i32>} : memref<128x128xf32, #tpu.memory_space<vmem>>, vector<1x16xf32>,
      %broadcast_in_dim3A_35 = arith.constant 0.000000e+00 : f32
      %broadcast_in_dim3A_36 = vector.broadcast %broadcast_in_dim3A_35 : f32 to vector<16xf32>
      %swap3A_37 = arith.index_cast %scan3A_29 : i32 to index
      %swap3A_38 = arith.constant 16 : index
      %swap3A_39 = tpu.vector_load %arg6[%swap3A_37, %swap3A_38] {strides = array<i32>} : memref<128x128xf32, #tpu.memory_space<vmem>>, vector<1x16xf32>,
      %swap3A_40 = vector.shape_cast %swap3A_39 : vector<1x16xf32> to vector<16xf32>
      %swap3A_41 = vector.shape_cast %broadcast_in_dim3A_36 : vector<16xf32> to vector<1x16xf32>
      tpu.vector_store %arg6[%swap3A_37, %swap3A_38], %swap3A_41 {strides = array<i32>} : memref<128x128xf32, #tpu.memory_space<vmem>>, vector<1x16xf32>,
      %broadcast_in_dim3A_42 = arith.constant 0.000000e+00 : f32
      %broadcast_in_dim3A_43 = vector.broadcast %broadcast_in_dim3A_42 : f32 to vector<16xf32>
      %swap3A_44 = arith.index_cast %scan3A_29 : i32 to index
      %swap3A_45 = arith.constant 32 : index
      %swap3A_46 = tpu.vector_load %arg6[%swap3A_44, %swap3A_45] {strides = array<i32>} : memref<128x128xf32, #tpu.memory_space<vmem>>, vector<1x16xf32>,
      %swap3A_47 = vector.shape_cast %swap3A_46 : vector<1x16xf32> to vector<16xf32>
      %swap3A_48 = vector.shape_cast %broadcast_in_dim3A_43 : vector<16xf32> to vector<1x16xf32>
      tpu.vector_store %arg6[%swap3A_44, %swap3A_45], %swap3A_48 {strides = array<i32>} : memref<128x128xf32, #tpu.memory_space<vmem>>, vector<1x16xf32>,
      %broadcast_in_dim3A_49 = arith.constant 0.000000e+00 : f32
      %broadcast_in_dim3A_50 = vector.broadcast %broadcast_in_dim3A_49 : f32 to vector<16xf32>
      %swap3A_51 = arith.index_cast %scan3A_29 : i32 to index
      %swap3A_52 = arith.constant 48 : index
      %swap3A_53 = tpu.vector_load %arg6[%swap3A_51, %swap3A_52] {strides = array<i32>} : memref<128x128xf32, #tpu.memory_space<vmem>>, vector<1x16xf32>,
      %swap3A_54 = vector.shape_cast %swap3A_53 : vector<1x16xf32> to vector<16xf32>
      %swap3A_55 = vector.shape_cast %broadcast_in_dim3A_50 : vector<16xf32> to vector<1x16xf32>
      tpu.vector_store %arg6[%swap3A_51, %swap3A_52], %swap3A_55 {strides = array<i32>} : memref<128x128xf32, #tpu.memory_space<vmem>>, vector<1x16xf32>,
      %broadcast_in_dim3A_56 = arith.constant 0.000000e+00 : f32
      %broadcast_in_dim3A_57 = vector.broadcast %broadcast_in_dim3A_56 : f32 to vector<16xf32>
      %swap3A_58 = arith.index_cast %scan3A_29 : i32 to index
      %swap3A_59 = arith.constant 64 : index
      %swap3A_60 = tpu.vector_load %arg6[%swap3A_58, %swap3A_59] {strides = array<i32>} : memref<128x128xf32, #tpu.memory_space<vmem>>, vector<1x16xf32>,
      %swap3A_61 = vector.shape_cast %swap3A_60 : vector<1x16xf32> to vector<16xf32>
      %swap3A_62 = vector.shape_cast %broadcast_in_dim3A_57 : vector<16xf32> to vector<1x16xf32>
      tpu.vector_store %arg6[%swap3A_58, %swap3A_59], %swap3A_62 {strides = array<i32>} : memref<128x128xf32, #tpu.memory_space<vmem>>, vector<1x16xf32>,
      %broadcast_in_dim3A_63 = arith.constant 0.000000e+00 : f32
      %broadcast_in_dim3A_64 = vector.broadcast %broadcast_in_dim3A_63 : f32 to vector<16xf32>
      %swap3A_65 = arith.index_cast %scan3A_29 : i32 to index
      %swap3A_66 = arith.constant 80 : index
      %swap3A_67 = tpu.vector_load %arg6[%swap3A_65, %swap3A_66] {strides = array<i32>} : memref<128x128xf32, #tpu.memory_space<vmem>>, vector<1x16xf32>,
      %swap3A_68 = vector.shape_cast %swap3A_67 : vector<1x16xf32> to vector<16xf32>
      %swap3A_69 = vector.shape_cast %broadcast_in_dim3A_64 : vector<16xf32> to vector<1x16xf32>
      tpu.vector_store %arg6[%swap3A_65, %swap3A_66], %swap3A_69 {strides = array<i32>} : memref<128x128xf32, #tpu.memory_space<vmem>>, vector<1x16xf32>,
      %broadcast_in_dim3A_70 = arith.constant 0.000000e+00 : f32
      %broadcast_in_dim3A_71 = vector.broadcast %broadcast_in_dim3A_70 : f32 to vector<16xf32>
      %swap3A_72 = arith.index_cast %scan3A_29 : i32 to index
      %swap3A_73 = arith.constant 96 : index
      %swap3A_74 = tpu.vector_load %arg6[%swap3A_72, %swap3A_73] {strides = array<i32>} : memref<128x128xf32, #tpu.memory_space<vmem>>, vector<1x16xf32>,
      %swap3A_75 = vector.shape_cast %swap3A_74 : vector<1x16xf32> to vector<16xf32>
      %swap3A_76 = vector.shape_cast %broadcast_in_dim3A_71 : vector<16xf32> to vector<1x16xf32>
      tpu.vector_store %arg6[%swap3A_72, %swap3A_73], %swap3A_76 {strides = array<i32>} : memref<128x128xf32, #tpu.memory_space<vmem>>, vector<1x16xf32>,
      %broadcast_in_dim3A_77 = arith.constant 0.000000e+00 : f32
      %broadcast_in_dim3A_78 = vector.broadcast %broadcast_in_dim3A_77 : f32 to vector<16xf32>
      %swap3A_79 = arith.index_cast %scan3A_29 : i32 to index
      %swap3A_80 = arith.constant 112 : index
      %swap3A_81 = tpu.vector_load %arg6[%swap3A_79, %swap3A_80] {strides = array<i32>} : memref<128x128xf32, #tpu.memory_space<vmem>>, vector<1x16xf32>,
      %swap3A_82 = vector.shape_cast %swap3A_81 : vector<1x16xf32> to vector<16xf32>
      %swap3A_83 = vector.shape_cast %broadcast_in_dim3A_78 : vector<16xf32> to vector<1x16xf32>
      tpu.vector_store %arg6[%swap3A_79, %swap3A_80], %swap3A_83 {strides = array<i32>} : memref<128x128xf32, #tpu.memory_space<vmem>>, vector<1x16xf32>,
    }
    %scan3A_4 = arith.constant 80 : i32
    %scan3A_5 = arith.constant 0 : i32
    %scan3A_6 = arith.constant 0 : i32
    %scan3A_7 = arith.constant 8 : i32
    %scan3A_8 = arith.addi %scan3A_6, %scan3A_7 : i32
    %scan3A_9 = arith.constant 1 : i32
    scf.for %scan3A_29 = %scan3A_6 to %scan3A_8 step %scan3A_9  : i32 {
      %mul3A_30 = arith.constant 16 : i32
      %mul3A_31 = arith.muli %mul3A_30, %scan3A_29 : i32
      %add3A_32 = arith.addi %arg1, %mul3A_31 : i32
      %lt3A_33 = arith.constant 125 : i32
      %lt3A_34 = arith.cmpi slt, %add3A_32, %lt3A_33 : i32
      %convert_element_type3A_35 = arith.extui %lt3A_34 : i1 to i32
      %cond3A_36 = arith.constant 0 : i32
      %cond3A_37 = arith.cmpi ne, %convert_element_type3A_35, %cond3A_36 : i32
      scf.if %cond3A_37 {
        %mul3A_38 = arith.constant 80 : i32
        %mul3A_39 = arith.muli %add3A_32, %mul3A_38 : i32
        "tpu.region"() ({
          %run_scoped3A = tpu.sem_alloc : memref<!tpu.dma_semaphore, #tpu.memory_space<semaphore_mem>>
          %dma_start3A = arith.constant 0 : i32
          %dma_start3A_40 = arith.constant 0 : i32
          %dma_start3A_41 = tpu.memref_slice %arg6[%dma_start3A, %dma_start3A_40] : memref<128x128xf32, #tpu.memory_space<vmem>> -> memref<80x128xf32, #tpu.memory_space<vmem>>
          %dma_start3A_42 = arith.constant 0 : i32
          %dma_start3A_43 = tpu.memref_slice %arg11[%mul3A_39, %dma_start3A_42] : memref<10000x128xf32, #tpu.memory_space<vmem_shared>> -> memref<80x128xf32, #tpu.memory_space<vmem_shared>>
          %dma_start3A_44 = arith.constant 0 : i32
          %dma_start3A_45 = tpu.memref_slice %arg11[%mul3A_39, %dma_start3A_44] : memref<10000x128xf32, #tpu.memory_space<vmem_shared>> -> memref<80x128xf32, #tpu.memory_space<vmem_shared>>
          %dma_start3A_46 = arith.constant 0 : i32
          %dma_start3A_47 = arith.constant 0 : i32
          %dma_start3A_48 = tpu.memref_slice %arg6[%dma_start3A_46, %dma_start3A_47] : memref<128x128xf32, #tpu.memory_space<vmem>> -> memref<80x128xf32, #tpu.memory_space<vmem>>
          tpu.enqueue_dma source(%dma_start3A_48 : memref<80x128xf32, #tpu.memory_space<vmem>>) target(%dma_start3A_45 : memref<80x128xf32, #tpu.memory_space<vmem_shared>>) target_semaphore(%run_scoped3A : memref<!tpu.dma_semaphore, #tpu.memory_space<semaphore_mem>>)
          %dma_wait3A = arith.constant 0 : i32
          %dma_wait3A_49 = arith.constant 0 : i32
          %dma_wait3A_50 = tpu.memref_slice %arg6[%dma_wait3A, %dma_wait3A_49] : memref<128x128xf32, #tpu.memory_space<vmem>> -> memref<80x128xf32, #tpu.memory_space<vmem>>
          %dma_wait3A_51 = arith.constant 0 : i32
          %dma_wait3A_52 = tpu.memref_slice %arg11[%mul3A_39, %dma_wait3A_51] : memref<10000x128xf32, #tpu.memory_space<vmem_shared>> -> memref<80x128xf32, #tpu.memory_space<vmem_shared>>
          %dma_wait3A_53 = arith.constant 0 : i32
          %dma_wait3A_54 = tpu.memref_slice %arg11[%mul3A_39, %dma_wait3A_53] : memref<10000x128xf32, #tpu.memory_space<vmem_shared>> -> memref<80x128xf32, #tpu.memory_space<vmem_shared>>
          %dma_wait3A_55 = arith.constant 0 : i32
          %dma_wait3A_56 = arith.constant 0 : i32
          %dma_wait3A_57 = tpu.memref_slice %arg6[%dma_wait3A_55, %dma_wait3A_56] : memref<128x128xf32, #tpu.memory_space<vmem>> -> memref<80x128xf32, #tpu.memory_space<vmem>>
          tpu.wait_dma2 semaphore(%run_scoped3A : memref<!tpu.dma_semaphore, #tpu.memory_space<semaphore_mem>>) src(%dma_wait3A_57 : memref<80x128xf32, #tpu.memory_space<vmem>>) dst(%dma_wait3A_54 : memref<80x128xf32, #tpu.memory_space<vmem_shared>>)
          tpu.yield
        }) : () -> ()
      } else {
      }
    }
    %scan3A_10 = arith.constant 8 : i32
    %barrier3A = arith.constant 0 : index
    tpu.barrier barrier_id(%barrier3A)
    %add3A = arith.constant 0 : i32
    %add3A_11 = arith.addi %arg1, %add3A : i32
    %mul3A = arith.constant 2 : i32
    %mul3A_12 = arith.muli %mul3A, %add3A_11 : i32
    %add3A_13 = arith.addi %mul3A_12, %arg0 : i32
    %lt3A = arith.constant 500 : i32
    %lt3A_14 = arith.cmpi slt, %add3A_13, %lt3A : i32
    %convert_element_type3A = arith.extui %lt3A_14 : i1 to i32
    %cond3A = arith.constant 0 : i32
    %cond3A_15 = arith.cmpi ne, %convert_element_type3A, %cond3A : i32
    scf.if %cond3A_15 {
      %add3A_29 = arith.constant 0 : i32
      %add3A_30 = arith.addi %arg1, %add3A_29 : i32
      %mul3A_31 = arith.constant 2 : i32
      %mul3A_32 = arith.muli %mul3A_31, %add3A_30 : i32
      %add3A_33 = arith.addi %mul3A_32, %arg0 : i32
      %add3A_34 = arith.constant 1500 : i32
      %add3A_35 = arith.addi %add3A_34, %add3A_33 : i32
      %dma_start3A = arith.constant 0 : i32
      %dma_start3A_36 = tpu.memref_slice %arg3[%add3A_35, %dma_start3A] : memref<2500x128xi32, #tpu.memory_space<hbm>> -> memref<1x128xi32, #tpu.memory_space<hbm>>
      %dma_start3A_37 = arith.constant 0 : i32
      %dma_start3A_38 = tpu.memref_slice %arg3[%add3A_35, %dma_start3A_37] : memref<2500x128xi32, #tpu.memory_space<hbm>> -> memref<1x128xi32, #tpu.memory_space<hbm>>
      tpu.enqueue_dma source(%dma_start3A_38 : memref<1x128xi32, #tpu.memory_space<hbm>>) target(%arg5 : memref<1x128xi32, #tpu.memory_space<vmem>>) target_semaphore(%arg9 : memref<!tpu.dma_semaphore, #tpu.memory_space<semaphore_mem>>)
      %mul3A_39 = arith.constant 128 : i32
      %mul3A_40 = arith.muli %add3A_33, %mul3A_39 : i32
      %dma_start3A_41 = arith.constant 0 : i32
      %dma_start3A_42 = tpu.memref_slice %arg2[%mul3A_40, %dma_start3A_41] : memref<64000x128xf32, #tpu.memory_space<hbm>> -> memref<128x128xf32, #tpu.memory_space<hbm>>
      %dma_start3A_43 = arith.constant 0 : i32
      %dma_start3A_44 = tpu.memref_slice %arg2[%mul3A_40, %dma_start3A_43] : memref<64000x128xf32, #tpu.memory_space<hbm>> -> memref<128x128xf32, #tpu.memory_space<hbm>>
      tpu.enqueue_dma source(%dma_start3A_44 : memref<128x128xf32, #tpu.memory_space<hbm>>) target(%arg6 : memref<128x128xf32, #tpu.memory_space<vmem>>) target_semaphore(%arg9 : memref<!tpu.dma_semaphore, #tpu.memory_space<semaphore_mem>>)
    } else {
    }
    %scan3A_16 = arith.constant 0 : i32
    %scan3A_17 = arith.constant 0 : i32
    %scan3A_18 = arith.constant 8 : i32
    %scan3A_19 = arith.addi %scan3A_17, %scan3A_18 : i32
    %scan3A_20 = arith.constant 1 : i32
    scf.for %scan3A_29 = %scan3A_17 to %scan3A_19 step %scan3A_20  : i32 {
      %mul3A_30 = arith.constant 2 : i32
      %mul3A_31 = arith.muli %mul3A_30, %scan3A_29 : i32
      %add3A_32 = arith.constant 0 : i32
      %add3A_33 = arith.addi %mul3A_31, %add3A_32 : i32
      %add3A_34 = arith.constant 1 : i32
      %add3A_35 = arith.addi %add3A_33, %add3A_34 : i32
      %mul3A_36 = arith.constant 16 : i32
      %mul3A_37 = arith.muli %mul3A_36, %add3A_35 : i32
      %add3A_38 = arith.addi %arg1, %mul3A_37 : i32
      %mul3A_39 = arith.constant 2 : i32
      %mul3A_40 = arith.muli %mul3A_39, %add3A_38 : i32
      %add3A_41 = arith.addi %mul3A_40, %arg0 : i32
      %lt3A_42 = arith.constant 500 : i32
      %lt3A_43 = arith.cmpi slt, %add3A_41, %lt3A_42 : i32
      %convert_element_type3A_44 = arith.extui %lt3A_43 : i1 to i32
      %cond3A_45 = arith.constant 0 : i32
      %cond3A_46 = arith.cmpi ne, %convert_element_type3A_44, %cond3A_45 : i32
      scf.if %cond3A_46 {
        %add3A_86 = arith.constant 1 : i32
        %add3A_87 = arith.addi %add3A_33, %add3A_86 : i32
        %mul3A_88 = arith.constant 16 : i32
        %mul3A_89 = arith.muli %mul3A_88, %add3A_87 : i32
        %add3A_90 = arith.addi %arg1, %mul3A_89 : i32
        %mul3A_91 = arith.constant 2 : i32
        %mul3A_92 = arith.muli %mul3A_91, %add3A_90 : i32
        %add3A_93 = arith.addi %mul3A_92, %arg0 : i32
        %add3A_94 = arith.constant 1500 : i32
        %add3A_95 = arith.addi %add3A_94, %add3A_93 : i32
        %dma_start3A = arith.constant 0 : i32
        %dma_start3A_96 = tpu.memref_slice %arg3[%add3A_95, %dma_start3A] : memref<2500x128xi32, #tpu.memory_space<hbm>> -> memref<1x128xi32, #tpu.memory_space<hbm>>
        %dma_start3A_97 = arith.constant 0 : i32
        %dma_start3A_98 = tpu.memref_slice %arg3[%add3A_95, %dma_start3A_97] : memref<2500x128xi32, #tpu.memory_space<hbm>> -> memref<1x128xi32, #tpu.memory_space<hbm>>
        tpu.enqueue_dma source(%dma_start3A_98 : memref<1x128xi32, #tpu.memory_space<hbm>>) target(%arg7 : memref<1x128xi32, #tpu.memory_space<vmem>>) target_semaphore(%arg10 : memref<!tpu.dma_semaphore, #tpu.memory_space<semaphore_mem>>)
        %mul3A_99 = arith.constant 128 : i32
        %mul3A_100 = arith.muli %add3A_93, %mul3A_99 : i32
        %dma_start3A_101 = arith.constant 0 : i32
        %dma_start3A_102 = tpu.memref_slice %arg2[%mul3A_100, %dma_start3A_101] : memref<64000x128xf32, #tpu.memory_space<hbm>> -> memref<128x128xf32, #tpu.memory_space<hbm>>
        %dma_start3A_103 = arith.constant 0 : i32
        %dma_start3A_104 = tpu.memref_slice %arg2[%mul3A_100, %dma_start3A_103] : memref<64000x128xf32, #tpu.memory_space<hbm>> -> memref<128x128xf32, #tpu.memory_space<hbm>>
        tpu.enqueue_dma source(%dma_start3A_104 : memref<128x128xf32, #tpu.memory_space<hbm>>) target(%arg8 : memref<128x128xf32, #tpu.memory_space<vmem>>) target_semaphore(%arg10 : memref<!tpu.dma_semaphore, #tpu.memory_space<semaphore_mem>>)
      } else {
      }
      %mul3A_47 = arith.constant 16 : i32
      %mul3A_48 = arith.muli %mul3A_47, %add3A_33 : i32
      %add3A_49 = arith.addi %arg1, %mul3A_48 : i32
      %mul3A_50 = arith.constant 2 : i32
      %mul3A_51 = arith.muli %mul3A_50, %add3A_49 : i32
      %add3A_52 = arith.addi %mul3A_51, %arg0 : i32
      %lt3A_53 = arith.constant 500 : i32
      %lt3A_54 = arith.cmpi slt, %add3A_52, %lt3A_53 : i32
      %convert_element_type3A_55 = arith.extui %lt3A_54 : i1 to i32
      %cond3A_56 = arith.constant 0 : i32
      %cond3A_57 = arith.cmpi ne, %convert_element_type3A_55, %cond3A_56 : i32
      scf.if %cond3A_57 {
        %dma_wait3A = arith.constant 0 : i32
        %dma_wait3A_86 = arith.constant 0 : i32
        %dma_wait3A_87 = tpu.memref_slice %arg3[%dma_wait3A, %dma_wait3A_86] : memref<2500x128xi32, #tpu.memory_space<hbm>> -> memref<1x128xi32, #tpu.memory_space<hbm>>
        %dma_wait3A_88 = arith.constant 0 : i32
        %dma_wait3A_89 = arith.constant 0 : i32
        %dma_wait3A_90 = tpu.memref_slice %arg3[%dma_wait3A_88, %dma_wait3A_89] : memref<2500x128xi32, #tpu.memory_space<hbm>> -> memref<1x128xi32, #tpu.memory_space<hbm>>
        tpu.wait_dma2 semaphore(%arg9 : memref<!tpu.dma_semaphore, #tpu.memory_space<semaphore_mem>>) src(%dma_wait3A_90 : memref<1x128xi32, #tpu.memory_space<hbm>>) dst(%arg5 : memref<1x128xi32, #tpu.memory_space<vmem>>)
        %dma_wait3A_91 = arith.constant 0 : i32
        %dma_wait3A_92 = arith.constant 0 : i32
        %dma_wait3A_93 = tpu.memref_slice %arg2[%dma_wait3A_91, %dma_wait3A_92] : memref<64000x128xf32, #tpu.memory_space<hbm>> -> memref<128x128xf32, #tpu.memory_space<hbm>>
        %dma_wait3A_94 = arith.constant 0 : i32
        %dma_wait3A_95 = arith.constant 0 : i32
        %dma_wait3A_96 = tpu.memref_slice %arg2[%dma_wait3A_94, %dma_wait3A_95] : memref<64000x128xf32, #tpu.memory_space<hbm>> -> memref<128x128xf32, #tpu.memory_space<hbm>>
        tpu.wait_dma2 semaphore(%arg9 : memref<!tpu.dma_semaphore, #tpu.memory_space<semaphore_mem>>) src(%dma_wait3A_96 : memref<128x128xf32, #tpu.memory_space<hbm>>) dst(%arg6 : memref<128x128xf32, #tpu.memory_space<vmem>>)
        %run_scoped3A = arith.constant 0 : i32
        "tpu.region"() ({
          %run_scoped3A_97 = tpu.sem_alloc : memref<!tpu.dma_semaphore, #tpu.memory_space<semaphore_mem>>
          %dma_start3A = arith.constant 0 : i32
          %dma_start3A_98 = tpu.memref_slice %arg5[%run_scoped3A, %dma_start3A] : memref<1x128xi32, #tpu.memory_space<vmem>> -> memref<1x128xi32, #tpu.memory_space<vmem>>
          %dma_start3A_99 = tpu.memref_squeeze %dma_start3A_98 : memref<1x128xi32, #tpu.memory_space<vmem>> -> memref<128xi32, #tpu.memory_space<vmem>>
          %dma_start3A_100 = arith.constant 0 : i32
          %dma_start3A_101 = arith.constant 0 : i32
          %dma_start3A_102 = tpu.memref_slice %arg11[%dma_start3A_100, %dma_start3A_101] : memref<10000x128xf32, #tpu.memory_space<vmem_shared>> -> memref<10000x128xf32, #tpu.memory_space<vmem_shared>>
          tpu.enqueue_indirect_dma source(%arg6 : memref<128x128xf32, #tpu.memory_space<vmem>>) target(%dma_start3A_102 : memref<10000x128xf32, #tpu.memory_space<vmem_shared>>) offsets(%dma_start3A_99 : memref<128xi32, #tpu.memory_space<vmem>>) semaphore(%run_scoped3A_97 : memref<!tpu.dma_semaphore, #tpu.memory_space<semaphore_mem>>) {add = true}
          %dma_wait3A_103 = arith.constant 0 : i32
          %dma_wait3A_104 = tpu.memref_slice %arg5[%run_scoped3A, %dma_wait3A_103] : memref<1x128xi32, #tpu.memory_space<vmem>> -> memref<1x128xi32, #tpu.memory_space<vmem>>
          %dma_wait3A_105 = tpu.memref_squeeze %dma_wait3A_104 : memref<1x128xi32, #tpu.memory_space<vmem>> -> memref<128xi32, #tpu.memory_space<vmem>>
          %dma_wait3A_106 = arith.constant 0 : i32
          %dma_wait3A_107 = arith.constant 0 : i32
          %dma_wait3A_108 = tpu.memref_slice %arg11[%dma_wait3A_106, %dma_wait3A_107] : memref<10000x128xf32, #tpu.memory_space<vmem_shared>> -> memref<10000x128xf32, #tpu.memory_space<vmem_shared>>
          tpu.wait_indirect_dma semaphore(%run_scoped3A_97 : memref<!tpu.dma_semaphore, #tpu.memory_space<semaphore_mem>>) src(%arg6 : memref<128x128xf32, #tpu.memory_space<vmem>>) dst(%dma_wait3A_108 : memref<10000x128xf32, #tpu.memory_space<vmem_shared>>)
          tpu.yield
        }) : () -> ()
      } else {
      }
      %mul3A_58 = arith.constant 2 : i32
      %mul3A_59 = arith.muli %mul3A_58, %scan3A_29 : i32
      %add3A_60 = arith.constant 1 : i32
      %add3A_61 = arith.addi %mul3A_59, %add3A_60 : i32
      %add3A_62 = arith.constant 1 : i32
      %add3A_63 = arith.addi %add3A_61, %add3A_62 : i32
      %mul3A_64 = arith.constant 16 : i32
      %mul3A_65 = arith.muli %mul3A_64, %add3A_63 : i32
      %add3A_66 = arith.addi %arg1, %mul3A_65 : i32
      %mul3A_67 = arith.constant 2 : i32
      %mul3A_68 = arith.muli %mul3A_67, %add3A_66 : i32
      %add3A_69 = arith.addi %mul3A_68, %arg0 : i32
      %lt3A_70 = arith.constant 500 : i32
      %lt3A_71 = arith.cmpi slt, %add3A_69, %lt3A_70 : i32
      %convert_element_type3A_72 = arith.extui %lt3A_71 : i1 to i32
      %cond3A_73 = arith.constant 0 : i32
      %cond3A_74 = arith.cmpi ne, %convert_element_type3A_72, %cond3A_73 : i32
      scf.if %cond3A_74 {
        %add3A_86 = arith.constant 1 : i32
        %add3A_87 = arith.addi %add3A_61, %add3A_86 : i32
        %mul3A_88 = arith.constant 16 : i32
        %mul3A_89 = arith.muli %mul3A_88, %add3A_87 : i32
        %add3A_90 = arith.addi %arg1, %mul3A_89 : i32
        %mul3A_91 = arith.constant 2 : i32
        %mul3A_92 = arith.muli %mul3A_91, %add3A_90 : i32
        %add3A_93 = arith.addi %mul3A_92, %arg0 : i32
        %add3A_94 = arith.constant 1500 : i32
        %add3A_95 = arith.addi %add3A_94, %add3A_93 : i32
        %dma_start3A = arith.constant 0 : i32
        %dma_start3A_96 = tpu.memref_slice %arg3[%add3A_95, %dma_start3A] : memref<2500x128xi32, #tpu.memory_space<hbm>> -> memref<1x128xi32, #tpu.memory_space<hbm>>
        %dma_start3A_97 = arith.constant 0 : i32
        %dma_start3A_98 = tpu.memref_slice %arg3[%add3A_95, %dma_start3A_97] : memref<2500x128xi32, #tpu.memory_space<hbm>> -> memref<1x128xi32, #tpu.memory_space<hbm>>
        tpu.enqueue_dma source(%dma_start3A_98 : memref<1x128xi32, #tpu.memory_space<hbm>>) target(%arg5 : memref<1x128xi32, #tpu.memory_space<vmem>>) target_semaphore(%arg9 : memref<!tpu.dma_semaphore, #tpu.memory_space<semaphore_mem>>)
        %mul3A_99 = arith.constant 128 : i32
        %mul3A_100 = arith.muli %add3A_93, %mul3A_99 : i32
        %dma_start3A_101 = arith.constant 0 : i32
        %dma_start3A_102 = tpu.memref_slice %arg2[%mul3A_100, %dma_start3A_101] : memref<64000x128xf32, #tpu.memory_space<hbm>> -> memref<128x128xf32, #tpu.memory_space<hbm>>
        %dma_start3A_103 = arith.constant 0 : i32
        %dma_start3A_104 = tpu.memref_slice %arg2[%mul3A_100, %dma_start3A_103] : memref<64000x128xf32, #tpu.memory_space<hbm>> -> memref<128x128xf32, #tpu.memory_space<hbm>>
        tpu.enqueue_dma source(%dma_start3A_104 : memref<128x128xf32, #tpu.memory_space<hbm>>) target(%arg6 : memref<128x128xf32, #tpu.memory_space<vmem>>) target_semaphore(%arg9 : memref<!tpu.dma_semaphore, #tpu.memory_space<semaphore_mem>>)
      } else {
      }
      %mul3A_75 = arith.constant 16 : i32
      %mul3A_76 = arith.muli %mul3A_75, %add3A_61 : i32
      %add3A_77 = arith.addi %arg1, %mul3A_76 : i32
      %mul3A_78 = arith.constant 2 : i32
      %mul3A_79 = arith.muli %mul3A_78, %add3A_77 : i32
      %add3A_80 = arith.addi %mul3A_79, %arg0 : i32
      %lt3A_81 = arith.constant 500 : i32
      %lt3A_82 = arith.cmpi slt, %add3A_80, %lt3A_81 : i32
      %convert_element_type3A_83 = arith.extui %lt3A_82 : i1 to i32
      %cond3A_84 = arith.constant 0 : i32
      %cond3A_85 = arith.cmpi ne, %convert_element_type3A_83, %cond3A_84 : i32
      scf.if %cond3A_85 {
        %dma_wait3A = arith.constant 0 : i32
        %dma_wait3A_86 = arith.constant 0 : i32
        %dma_wait3A_87 = tpu.memref_slice %arg3[%dma_wait3A, %dma_wait3A_86] : memref<2500x128xi32, #tpu.memory_space<hbm>> -> memref<1x128xi32, #tpu.memory_space<hbm>>
        %dma_wait3A_88 = arith.constant 0 : i32
        %dma_wait3A_89 = arith.constant 0 : i32
        %dma_wait3A_90 = tpu.memref_slice %arg3[%dma_wait3A_88, %dma_wait3A_89] : memref<2500x128xi32, #tpu.memory_space<hbm>> -> memref<1x128xi32, #tpu.memory_space<hbm>>
        tpu.wait_dma2 semaphore(%arg10 : memref<!tpu.dma_semaphore, #tpu.memory_space<semaphore_mem>>) src(%dma_wait3A_90 : memref<1x128xi32, #tpu.memory_space<hbm>>) dst(%arg7 : memref<1x128xi32, #tpu.memory_space<vmem>>)
        %dma_wait3A_91 = arith.constant 0 : i32
        %dma_wait3A_92 = arith.constant 0 : i32
        %dma_wait3A_93 = tpu.memref_slice %arg2[%dma_wait3A_91, %dma_wait3A_92] : memref<64000x128xf32, #tpu.memory_space<hbm>> -> memref<128x128xf32, #tpu.memory_space<hbm>>
        %dma_wait3A_94 = arith.constant 0 : i32
        %dma_wait3A_95 = arith.constant 0 : i32
        %dma_wait3A_96 = tpu.memref_slice %arg2[%dma_wait3A_94, %dma_wait3A_95] : memref<64000x128xf32, #tpu.memory_space<hbm>> -> memref<128x128xf32, #tpu.memory_space<hbm>>
        tpu.wait_dma2 semaphore(%arg10 : memref<!tpu.dma_semaphore, #tpu.memory_space<semaphore_mem>>) src(%dma_wait3A_96 : memref<128x128xf32, #tpu.memory_space<hbm>>) dst(%arg8 : memref<128x128xf32, #tpu.memory_space<vmem>>)
        %run_scoped3A = arith.constant 0 : i32
        "tpu.region"() ({
          %run_scoped3A_97 = tpu.sem_alloc : memref<!tpu.dma_semaphore, #tpu.memory_space<semaphore_mem>>
          %dma_start3A = arith.constant 0 : i32
          %dma_start3A_98 = tpu.memref_slice %arg7[%run_scoped3A, %dma_start3A] : memref<1x128xi32, #tpu.memory_space<vmem>> -> memref<1x128xi32, #tpu.memory_space<vmem>>
          %dma_start3A_99 = tpu.memref_squeeze %dma_start3A_98 : memref<1x128xi32, #tpu.memory_space<vmem>> -> memref<128xi32, #tpu.memory_space<vmem>>
          %dma_start3A_100 = arith.constant 0 : i32
          %dma_start3A_101 = arith.constant 0 : i32
          %dma_start3A_102 = tpu.memref_slice %arg11[%dma_start3A_100, %dma_start3A_101] : memref<10000x128xf32, #tpu.memory_space<vmem_shared>> -> memref<10000x128xf32, #tpu.memory_space<vmem_shared>>
          tpu.enqueue_indirect_dma source(%arg8 : memref<128x128xf32, #tpu.memory_space<vmem>>) target(%dma_start3A_102 : memref<10000x128xf32, #tpu.memory_space<vmem_shared>>) offsets(%dma_start3A_99 : memref<128xi32, #tpu.memory_space<vmem>>) semaphore(%run_scoped3A_97 : memref<!tpu.dma_semaphore, #tpu.memory_space<semaphore_mem>>) {add = true}
          %dma_wait3A_103 = arith.constant 0 : i32
          %dma_wait3A_104 = tpu.memref_slice %arg7[%run_scoped3A, %dma_wait3A_103] : memref<1x128xi32, #tpu.memory_space<vmem>> -> memref<1x128xi32, #tpu.memory_space<vmem>>
          %dma_wait3A_105 = tpu.memref_squeeze %dma_wait3A_104 : memref<1x128xi32, #tpu.memory_space<vmem>> -> memref<128xi32, #tpu.memory_space<vmem>>
          %dma_wait3A_106 = arith.constant 0 : i32
          %dma_wait3A_107 = arith.constant 0 : i32
          %dma_wait3A_108 = tpu.memref_slice %arg11[%dma_wait3A_106, %dma_wait3A_107] : memref<10000x128xf32, #tpu.memory_space<vmem_shared>> -> memref<10000x128xf32, #tpu.memory_space<vmem_shared>>
          tpu.wait_indirect_dma semaphore(%run_scoped3A_97 : memref<!tpu.dma_semaphore, #tpu.memory_space<semaphore_mem>>) src(%arg8 : memref<128x128xf32, #tpu.memory_space<vmem>>) dst(%dma_wait3A_108 : memref<10000x128xf32, #tpu.memory_space<vmem_shared>>)
          tpu.yield
        }) : () -> ()
      } else {
      }
    }
    %scan3A_21 = arith.constant 8 : i32
    %barrier3A_22 = arith.constant 0 : index
    tpu.barrier barrier_id(%barrier3A_22)
    %scan3A_23 = arith.constant 0 : i32
    %scan3A_24 = arith.constant 0 : i32
    %scan3A_25 = arith.constant 8 : i32
    %scan3A_26 = arith.addi %scan3A_24, %scan3A_25 : i32
    %scan3A_27 = arith.constant 1 : i32
    scf.for %scan3A_29 = %scan3A_24 to %scan3A_26 step %scan3A_27  : i32 {
      %mul3A_30 = arith.constant 16 : i32
      %mul3A_31 = arith.muli %mul3A_30, %scan3A_29 : i32
      %add3A_32 = arith.addi %arg1, %mul3A_31 : i32
      %lt3A_33 = arith.constant 125 : i32
      %lt3A_34 = arith.cmpi slt, %add3A_32, %lt3A_33 : i32
      %convert_element_type3A_35 = arith.extui %lt3A_34 : i1 to i32
      %cond3A_36 = arith.constant 0 : i32
      %cond3A_37 = arith.cmpi ne, %convert_element_type3A_35, %cond3A_36 : i32
      scf.if %cond3A_37 {
        %mul3A_38 = arith.constant 80 : i32
        %mul3A_39 = arith.muli %add3A_32, %mul3A_38 : i32
        %mul3A_40 = arith.constant 80 : i32
        %mul3A_41 = arith.muli %add3A_32, %mul3A_40 : i32
        "tpu.region"() ({
          %run_scoped3A = tpu.sem_alloc : memref<!tpu.dma_semaphore, #tpu.memory_space<semaphore_mem>>
          %dma_start3A = arith.constant 0 : i32
          %dma_start3A_42 = arith.constant 0 : i32
          %dma_start3A_43 = tpu.memref_slice %arg4[%arg0, %dma_start3A, %dma_start3A_42] : memref<2x10000x128xf32, #tpu.memory_space<hbm>> -> memref<1x10000x128xf32, #tpu.memory_space<hbm>>
          %dma_start3A_44 = tpu.memref_squeeze %dma_start3A_43 : memref<1x10000x128xf32, #tpu.memory_space<hbm>> -> memref<10000x128xf32, #tpu.memory_space<hbm>>
          %dma_start3A_45 = arith.constant 0 : i32
          %dma_start3A_46 = tpu.memref_slice %dma_start3A_44[%mul3A_41, %dma_start3A_45] : memref<10000x128xf32, #tpu.memory_space<hbm>> -> memref<80x128xf32, #tpu.memory_space<hbm>>
          %dma_start3A_47 = arith.constant 0 : i32
          %dma_start3A_48 = tpu.memref_slice %arg11[%mul3A_39, %dma_start3A_47] : memref<10000x128xf32, #tpu.memory_space<vmem_shared>> -> memref<80x128xf32, #tpu.memory_space<vmem_shared>>
          tpu.enqueue_dma source(%dma_start3A_48 : memref<80x128xf32, #tpu.memory_space<vmem_shared>>) target(%dma_start3A_46 : memref<80x128xf32, #tpu.memory_space<hbm>>) target_semaphore(%run_scoped3A : memref<!tpu.dma_semaphore, #tpu.memory_space<semaphore_mem>>)
          %dma_wait3A = arith.constant 0 : i32
          %dma_wait3A_49 = arith.constant 0 : i32
          %dma_wait3A_50 = tpu.memref_slice %arg4[%arg0, %dma_wait3A, %dma_wait3A_49] : memref<2x10000x128xf32, #tpu.memory_space<hbm>> -> memref<1x10000x128xf32, #tpu.memory_space<hbm>>
          %dma_wait3A_51 = tpu.memref_squeeze %dma_wait3A_50 : memref<1x10000x128xf32, #tpu.memory_space<hbm>> -> memref<10000x128xf32, #tpu.memory_space<hbm>>
          %dma_wait3A_52 = arith.constant 0 : i32
          %dma_wait3A_53 = tpu.memref_slice %dma_wait3A_51[%mul3A_41, %dma_wait3A_52] : memref<10000x128xf32, #tpu.memory_space<hbm>> -> memref<80x128xf32, #tpu.memory_space<hbm>>
          %dma_wait3A_54 = arith.constant 0 : i32
          %dma_wait3A_55 = tpu.memref_slice %arg11[%mul3A_39, %dma_wait3A_54] : memref<10000x128xf32, #tpu.memory_space<vmem_shared>> -> memref<80x128xf32, #tpu.memory_space<vmem_shared>>
          tpu.wait_dma2 semaphore(%run_scoped3A : memref<!tpu.dma_semaphore, #tpu.memory_space<semaphore_mem>>) src(%dma_wait3A_55 : memref<80x128xf32, #tpu.memory_space<vmem_shared>>) dst(%dma_wait3A_53 : memref<80x128xf32, #tpu.memory_space<hbm>>)
          tpu.yield
        }) : () -> ()
      } else {
      }
    }
    %scan3A_28 = arith.constant 8 : i32
    return
  }
}

#map = affine_map<(d0, d1) -> (0, 0)>
#map1 = affine_map<(d0, d1) -> (0, 0, 0)>
module attributes {stable_mosaic.version = 14 : i64} {
  func.func @_sc_scatter_body(%arg0: i32, %arg1: i32, %arg2: memref<64000x128xf32, #tpu.memory_space<hbm>>, %arg3: memref<2500x128xi32, #tpu.memory_space<hbm>>, %arg4: memref<2x10000x128xf32, #tpu.memory_space<hbm>>, %arg5: memref<1x128xi32, #tpu.memory_space<vmem>>, %arg6: memref<128x128xf32, #tpu.memory_space<vmem>>, %arg7: memref<1x128xi32, #tpu.memory_space<vmem>>, %arg8: memref<128x128xf32, #tpu.memory_space<vmem>>, %arg9: memref<!tpu.dma_semaphore, #tpu.memory_space<semaphore_mem>>, %arg10: memref<!tpu.dma_semaphore, #tpu.memory_space<semaphore_mem>>, %arg11: memref<10000x128xf32, #tpu.memory_space<vmem_shared>>) attributes {dimension_semantics = [#tpu.dimension_semantics<core_parallel>, #tpu.dimension_semantics<subcore_parallel>], iteration_bounds = array<i64: 2, 16>, scalar_prefetch = 0 : i64, scratch_operands = 7 : i64, tpu.core_type = #tpu.core_type<sc_vector_subcore>, window_params = [{transform_indices = #map}, {transform_indices = #map}, {transform_indices = #map1}]} {
    %scan3A = arith.constant 0 : i32
    %scan3A_0 = arith.constant 0 : i32
    %scan3A_1 = arith.constant 80 : i32
    %scan3A_2 = arith.addi %scan3A_0, %scan3A_1 : i32
    %scan3A_3 = arith.constant 1 : i32
    scf.for %scan3A_29 = %scan3A_0 to %scan3A_2 step %scan3A_3  : i32 {
      %broadcast_in_dim3A = arith.constant 0.000000e+00 : f32
      %broadcast_in_dim3A_30 = vector.broadcast %broadcast_in_dim3A : f32 to vector<16xf32>
      %swap3A = arith.index_cast %scan3A_29 : i32 to index
      %swap3A_31 = arith.constant 0 : index
      %swap3A_32 = tpu.vector_load %arg6[%swap3A, %swap3A_31] {strides = array<i32>} : memref<128x128xf32, #tpu.memory_space<vmem>>, vector<1x16xf32>,
      %swap3A_33 = vector.shape_cast %swap3A_32 : vector<1x16xf32> to vector<16xf32>
      %swap3A_34 = vector.shape_cast %broadcast_in_dim3A_30 : vector<16xf32> to vector<1x16xf32>
      tpu.vector_store %arg6[%swap3A, %swap3A_31], %swap3A_34 {strides = array<i32>} : memref<128x128xf32, #tpu.memory_space<vmem>>, vector<1x16xf32>,
      %broadcast_in_dim3A_35 = arith.constant 0.000000e+00 : f32
      %broadcast_in_dim3A_36 = vector.broadcast %broadcast_in_dim3A_35 : f32 to vector<16xf32>
      %swap3A_37 = arith.index_cast %scan3A_29 : i32 to index
      %swap3A_38 = arith.constant 16 : index
      %swap3A_39 = tpu.vector_load %arg6[%swap3A_37, %swap3A_38] {strides = array<i32>} : memref<128x128xf32, #tpu.memory_space<vmem>>, vector<1x16xf32>,
      %swap3A_40 = vector.shape_cast %swap3A_39 : vector<1x16xf32> to vector<16xf32>
      %swap3A_41 = vector.shape_cast %broadcast_in_dim3A_36 : vector<16xf32> to vector<1x16xf32>
      tpu.vector_store %arg6[%swap3A_37, %swap3A_38], %swap3A_41 {strides = array<i32>} : memref<128x128xf32, #tpu.memory_space<vmem>>, vector<1x16xf32>,
      %broadcast_in_dim3A_42 = arith.constant 0.000000e+00 : f32
      %broadcast_in_dim3A_43 = vector.broadcast %broadcast_in_dim3A_42 : f32 to vector<16xf32>
      %swap3A_44 = arith.index_cast %scan3A_29 : i32 to index
      %swap3A_45 = arith.constant 32 : index
      %swap3A_46 = tpu.vector_load %arg6[%swap3A_44, %swap3A_45] {strides = array<i32>} : memref<128x128xf32, #tpu.memory_space<vmem>>, vector<1x16xf32>,
      %swap3A_47 = vector.shape_cast %swap3A_46 : vector<1x16xf32> to vector<16xf32>
      %swap3A_48 = vector.shape_cast %broadcast_in_dim3A_43 : vector<16xf32> to vector<1x16xf32>
      tpu.vector_store %arg6[%swap3A_44, %swap3A_45], %swap3A_48 {strides = array<i32>} : memref<128x128xf32, #tpu.memory_space<vmem>>, vector<1x16xf32>,
      %broadcast_in_dim3A_49 = arith.constant 0.000000e+00 : f32
      %broadcast_in_dim3A_50 = vector.broadcast %broadcast_in_dim3A_49 : f32 to vector<16xf32>
      %swap3A_51 = arith.index_cast %scan3A_29 : i32 to index
      %swap3A_52 = arith.constant 48 : index
      %swap3A_53 = tpu.vector_load %arg6[%swap3A_51, %swap3A_52] {strides = array<i32>} : memref<128x128xf32, #tpu.memory_space<vmem>>, vector<1x16xf32>,
      %swap3A_54 = vector.shape_cast %swap3A_53 : vector<1x16xf32> to vector<16xf32>
      %swap3A_55 = vector.shape_cast %broadcast_in_dim3A_50 : vector<16xf32> to vector<1x16xf32>
      tpu.vector_store %arg6[%swap3A_51, %swap3A_52], %swap3A_55 {strides = array<i32>} : memref<128x128xf32, #tpu.memory_space<vmem>>, vector<1x16xf32>,
      %broadcast_in_dim3A_56 = arith.constant 0.000000e+00 : f32
      %broadcast_in_dim3A_57 = vector.broadcast %broadcast_in_dim3A_56 : f32 to vector<16xf32>
      %swap3A_58 = arith.index_cast %scan3A_29 : i32 to index
      %swap3A_59 = arith.constant 64 : index
      %swap3A_60 = tpu.vector_load %arg6[%swap3A_58, %swap3A_59] {strides = array<i32>} : memref<128x128xf32, #tpu.memory_space<vmem>>, vector<1x16xf32>,
      %swap3A_61 = vector.shape_cast %swap3A_60 : vector<1x16xf32> to vector<16xf32>
      %swap3A_62 = vector.shape_cast %broadcast_in_dim3A_57 : vector<16xf32> to vector<1x16xf32>
      tpu.vector_store %arg6[%swap3A_58, %swap3A_59], %swap3A_62 {strides = array<i32>} : memref<128x128xf32, #tpu.memory_space<vmem>>, vector<1x16xf32>,
      %broadcast_in_dim3A_63 = arith.constant 0.000000e+00 : f32
      %broadcast_in_dim3A_64 = vector.broadcast %broadcast_in_dim3A_63 : f32 to vector<16xf32>
      %swap3A_65 = arith.index_cast %scan3A_29 : i32 to index
      %swap3A_66 = arith.constant 80 : index
      %swap3A_67 = tpu.vector_load %arg6[%swap3A_65, %swap3A_66] {strides = array<i32>} : memref<128x128xf32, #tpu.memory_space<vmem>>, vector<1x16xf32>,
      %swap3A_68 = vector.shape_cast %swap3A_67 : vector<1x16xf32> to vector<16xf32>
      %swap3A_69 = vector.shape_cast %broadcast_in_dim3A_64 : vector<16xf32> to vector<1x16xf32>
      tpu.vector_store %arg6[%swap3A_65, %swap3A_66], %swap3A_69 {strides = array<i32>} : memref<128x128xf32, #tpu.memory_space<vmem>>, vector<1x16xf32>,
      %broadcast_in_dim3A_70 = arith.constant 0.000000e+00 : f32
      %broadcast_in_dim3A_71 = vector.broadcast %broadcast_in_dim3A_70 : f32 to vector<16xf32>
      %swap3A_72 = arith.index_cast %scan3A_29 : i32 to index
      %swap3A_73 = arith.constant 96 : index
      %swap3A_74 = tpu.vector_load %arg6[%swap3A_72, %swap3A_73] {strides = array<i32>} : memref<128x128xf32, #tpu.memory_space<vmem>>, vector<1x16xf32>,
      %swap3A_75 = vector.shape_cast %swap3A_74 : vector<1x16xf32> to vector<16xf32>
      %swap3A_76 = vector.shape_cast %broadcast_in_dim3A_71 : vector<16xf32> to vector<1x16xf32>
      tpu.vector_store %arg6[%swap3A_72, %swap3A_73], %swap3A_76 {strides = array<i32>} : memref<128x128xf32, #tpu.memory_space<vmem>>, vector<1x16xf32>,
      %broadcast_in_dim3A_77 = arith.constant 0.000000e+00 : f32
      %broadcast_in_dim3A_78 = vector.broadcast %broadcast_in_dim3A_77 : f32 to vector<16xf32>
      %swap3A_79 = arith.index_cast %scan3A_29 : i32 to index
      %swap3A_80 = arith.constant 112 : index
      %swap3A_81 = tpu.vector_load %arg6[%swap3A_79, %swap3A_80] {strides = array<i32>} : memref<128x128xf32, #tpu.memory_space<vmem>>, vector<1x16xf32>,
      %swap3A_82 = vector.shape_cast %swap3A_81 : vector<1x16xf32> to vector<16xf32>
      %swap3A_83 = vector.shape_cast %broadcast_in_dim3A_78 : vector<16xf32> to vector<1x16xf32>
      tpu.vector_store %arg6[%swap3A_79, %swap3A_80], %swap3A_83 {strides = array<i32>} : memref<128x128xf32, #tpu.memory_space<vmem>>, vector<1x16xf32>,
    }
    %scan3A_4 = arith.constant 80 : i32
    %scan3A_5 = arith.constant 0 : i32
    %scan3A_6 = arith.constant 0 : i32
    %scan3A_7 = arith.constant 8 : i32
    %scan3A_8 = arith.addi %scan3A_6, %scan3A_7 : i32
    %scan3A_9 = arith.constant 1 : i32
    scf.for %scan3A_29 = %scan3A_6 to %scan3A_8 step %scan3A_9  : i32 {
      %mul3A_30 = arith.constant 16 : i32
      %mul3A_31 = arith.muli %mul3A_30, %scan3A_29 : i32
      %add3A_32 = arith.addi %arg1, %mul3A_31 : i32
      %lt3A_33 = arith.constant 125 : i32
      %lt3A_34 = arith.cmpi slt, %add3A_32, %lt3A_33 : i32
      %convert_element_type3A_35 = arith.extui %lt3A_34 : i1 to i32
      %cond3A_36 = arith.constant 0 : i32
      %cond3A_37 = arith.cmpi ne, %convert_element_type3A_35, %cond3A_36 : i32
      scf.if %cond3A_37 {
        %mul3A_38 = arith.constant 80 : i32
        %mul3A_39 = arith.muli %add3A_32, %mul3A_38 : i32
        "tpu.region"() ({
          %run_scoped3A = tpu.sem_alloc : memref<!tpu.dma_semaphore, #tpu.memory_space<semaphore_mem>>
          %dma_start3A = arith.constant 0 : i32
          %dma_start3A_40 = arith.constant 0 : i32
          %dma_start3A_41 = tpu.memref_slice %arg6[%dma_start3A, %dma_start3A_40] : memref<128x128xf32, #tpu.memory_space<vmem>> -> memref<80x128xf32, #tpu.memory_space<vmem>>
          %dma_start3A_42 = arith.constant 0 : i32
          %dma_start3A_43 = tpu.memref_slice %arg11[%mul3A_39, %dma_start3A_42] : memref<10000x128xf32, #tpu.memory_space<vmem_shared>> -> memref<80x128xf32, #tpu.memory_space<vmem_shared>>
          %dma_start3A_44 = arith.constant 0 : i32
          %dma_start3A_45 = tpu.memref_slice %arg11[%mul3A_39, %dma_start3A_44] : memref<10000x128xf32, #tpu.memory_space<vmem_shared>> -> memref<80x128xf32, #tpu.memory_space<vmem_shared>>
          %dma_start3A_46 = arith.constant 0 : i32
          %dma_start3A_47 = arith.constant 0 : i32
          %dma_start3A_48 = tpu.memref_slice %arg6[%dma_start3A_46, %dma_start3A_47] : memref<128x128xf32, #tpu.memory_space<vmem>> -> memref<80x128xf32, #tpu.memory_space<vmem>>
          tpu.enqueue_dma source(%dma_start3A_48 : memref<80x128xf32, #tpu.memory_space<vmem>>) target(%dma_start3A_45 : memref<80x128xf32, #tpu.memory_space<vmem_shared>>) target_semaphore(%run_scoped3A : memref<!tpu.dma_semaphore, #tpu.memory_space<semaphore_mem>>)
          %dma_wait3A = arith.constant 0 : i32
          %dma_wait3A_49 = arith.constant 0 : i32
          %dma_wait3A_50 = tpu.memref_slice %arg6[%dma_wait3A, %dma_wait3A_49] : memref<128x128xf32, #tpu.memory_space<vmem>> -> memref<80x128xf32, #tpu.memory_space<vmem>>
          %dma_wait3A_51 = arith.constant 0 : i32
          %dma_wait3A_52 = tpu.memref_slice %arg11[%mul3A_39, %dma_wait3A_51] : memref<10000x128xf32, #tpu.memory_space<vmem_shared>> -> memref<80x128xf32, #tpu.memory_space<vmem_shared>>
          %dma_wait3A_53 = arith.constant 0 : i32
          %dma_wait3A_54 = tpu.memref_slice %arg11[%mul3A_39, %dma_wait3A_53] : memref<10000x128xf32, #tpu.memory_space<vmem_shared>> -> memref<80x128xf32, #tpu.memory_space<vmem_shared>>
          %dma_wait3A_55 = arith.constant 0 : i32
          %dma_wait3A_56 = arith.constant 0 : i32
          %dma_wait3A_57 = tpu.memref_slice %arg6[%dma_wait3A_55, %dma_wait3A_56] : memref<128x128xf32, #tpu.memory_space<vmem>> -> memref<80x128xf32, #tpu.memory_space<vmem>>
          tpu.wait_dma2 semaphore(%run_scoped3A : memref<!tpu.dma_semaphore, #tpu.memory_space<semaphore_mem>>) src(%dma_wait3A_57 : memref<80x128xf32, #tpu.memory_space<vmem>>) dst(%dma_wait3A_54 : memref<80x128xf32, #tpu.memory_space<vmem_shared>>)
          tpu.yield
        }) : () -> ()
      } else {
      }
    }
    %scan3A_10 = arith.constant 8 : i32
    %barrier3A = arith.constant 0 : index
    tpu.barrier barrier_id(%barrier3A)
    %add3A = arith.constant 0 : i32
    %add3A_11 = arith.addi %arg1, %add3A : i32
    %mul3A = arith.constant 2 : i32
    %mul3A_12 = arith.muli %mul3A, %add3A_11 : i32
    %add3A_13 = arith.addi %mul3A_12, %arg0 : i32
    %lt3A = arith.constant 500 : i32
    %lt3A_14 = arith.cmpi slt, %add3A_13, %lt3A : i32
    %convert_element_type3A = arith.extui %lt3A_14 : i1 to i32
    %cond3A = arith.constant 0 : i32
    %cond3A_15 = arith.cmpi ne, %convert_element_type3A, %cond3A : i32
    scf.if %cond3A_15 {
      %add3A_29 = arith.constant 0 : i32
      %add3A_30 = arith.addi %arg1, %add3A_29 : i32
      %mul3A_31 = arith.constant 2 : i32
      %mul3A_32 = arith.muli %mul3A_31, %add3A_30 : i32
      %add3A_33 = arith.addi %mul3A_32, %arg0 : i32
      %add3A_34 = arith.constant 0 : i32
      %add3A_35 = arith.addi %add3A_34, %add3A_33 : i32
      %dma_start3A = arith.constant 0 : i32
      %dma_start3A_36 = tpu.memref_slice %arg3[%add3A_35, %dma_start3A] : memref<2500x128xi32, #tpu.memory_space<hbm>> -> memref<1x128xi32, #tpu.memory_space<hbm>>
      %dma_start3A_37 = arith.constant 0 : i32
      %dma_start3A_38 = tpu.memref_slice %arg3[%add3A_35, %dma_start3A_37] : memref<2500x128xi32, #tpu.memory_space<hbm>> -> memref<1x128xi32, #tpu.memory_space<hbm>>
      tpu.enqueue_dma source(%dma_start3A_38 : memref<1x128xi32, #tpu.memory_space<hbm>>) target(%arg5 : memref<1x128xi32, #tpu.memory_space<vmem>>) target_semaphore(%arg9 : memref<!tpu.dma_semaphore, #tpu.memory_space<semaphore_mem>>)
      %mul3A_39 = arith.constant 128 : i32
      %mul3A_40 = arith.muli %add3A_33, %mul3A_39 : i32
      %dma_start3A_41 = arith.constant 0 : i32
      %dma_start3A_42 = tpu.memref_slice %arg2[%mul3A_40, %dma_start3A_41] : memref<64000x128xf32, #tpu.memory_space<hbm>> -> memref<128x128xf32, #tpu.memory_space<hbm>>
      %dma_start3A_43 = arith.constant 0 : i32
      %dma_start3A_44 = tpu.memref_slice %arg2[%mul3A_40, %dma_start3A_43] : memref<64000x128xf32, #tpu.memory_space<hbm>> -> memref<128x128xf32, #tpu.memory_space<hbm>>
      tpu.enqueue_dma source(%dma_start3A_44 : memref<128x128xf32, #tpu.memory_space<hbm>>) target(%arg6 : memref<128x128xf32, #tpu.memory_space<vmem>>) target_semaphore(%arg9 : memref<!tpu.dma_semaphore, #tpu.memory_space<semaphore_mem>>)
    } else {
    }
    %scan3A_16 = arith.constant 0 : i32
    %scan3A_17 = arith.constant 0 : i32
    %scan3A_18 = arith.constant 8 : i32
    %scan3A_19 = arith.addi %scan3A_17, %scan3A_18 : i32
    %scan3A_20 = arith.constant 1 : i32
    scf.for %scan3A_29 = %scan3A_17 to %scan3A_19 step %scan3A_20  : i32 {
      %mul3A_30 = arith.constant 2 : i32
      %mul3A_31 = arith.muli %mul3A_30, %scan3A_29 : i32
      %add3A_32 = arith.constant 0 : i32
      %add3A_33 = arith.addi %mul3A_31, %add3A_32 : i32
      %add3A_34 = arith.constant 1 : i32
      %add3A_35 = arith.addi %add3A_33, %add3A_34 : i32
      %mul3A_36 = arith.constant 16 : i32
      %mul3A_37 = arith.muli %mul3A_36, %add3A_35 : i32
      %add3A_38 = arith.addi %arg1, %mul3A_37 : i32
      %mul3A_39 = arith.constant 2 : i32
      %mul3A_40 = arith.muli %mul3A_39, %add3A_38 : i32
      %add3A_41 = arith.addi %mul3A_40, %arg0 : i32
      %lt3A_42 = arith.constant 500 : i32
      %lt3A_43 = arith.cmpi slt, %add3A_41, %lt3A_42 : i32
      %convert_element_type3A_44 = arith.extui %lt3A_43 : i1 to i32
      %cond3A_45 = arith.constant 0 : i32
      %cond3A_46 = arith.cmpi ne, %convert_element_type3A_44, %cond3A_45 : i32
      scf.if %cond3A_46 {
        %add3A_86 = arith.constant 1 : i32
        %add3A_87 = arith.addi %add3A_33, %add3A_86 : i32
        %mul3A_88 = arith.constant 16 : i32
        %mul3A_89 = arith.muli %mul3A_88, %add3A_87 : i32
        %add3A_90 = arith.addi %arg1, %mul3A_89 : i32
        %mul3A_91 = arith.constant 2 : i32
        %mul3A_92 = arith.muli %mul3A_91, %add3A_90 : i32
        %add3A_93 = arith.addi %mul3A_92, %arg0 : i32
        %add3A_94 = arith.constant 0 : i32
        %add3A_95 = arith.addi %add3A_94, %add3A_93 : i32
        %dma_start3A = arith.constant 0 : i32
        %dma_start3A_96 = tpu.memref_slice %arg3[%add3A_95, %dma_start3A] : memref<2500x128xi32, #tpu.memory_space<hbm>> -> memref<1x128xi32, #tpu.memory_space<hbm>>
        %dma_start3A_97 = arith.constant 0 : i32
        %dma_start3A_98 = tpu.memref_slice %arg3[%add3A_95, %dma_start3A_97] : memref<2500x128xi32, #tpu.memory_space<hbm>> -> memref<1x128xi32, #tpu.memory_space<hbm>>
        tpu.enqueue_dma source(%dma_start3A_98 : memref<1x128xi32, #tpu.memory_space<hbm>>) target(%arg7 : memref<1x128xi32, #tpu.memory_space<vmem>>) target_semaphore(%arg10 : memref<!tpu.dma_semaphore, #tpu.memory_space<semaphore_mem>>)
        %mul3A_99 = arith.constant 128 : i32
        %mul3A_100 = arith.muli %add3A_93, %mul3A_99 : i32
        %dma_start3A_101 = arith.constant 0 : i32
        %dma_start3A_102 = tpu.memref_slice %arg2[%mul3A_100, %dma_start3A_101] : memref<64000x128xf32, #tpu.memory_space<hbm>> -> memref<128x128xf32, #tpu.memory_space<hbm>>
        %dma_start3A_103 = arith.constant 0 : i32
        %dma_start3A_104 = tpu.memref_slice %arg2[%mul3A_100, %dma_start3A_103] : memref<64000x128xf32, #tpu.memory_space<hbm>> -> memref<128x128xf32, #tpu.memory_space<hbm>>
        tpu.enqueue_dma source(%dma_start3A_104 : memref<128x128xf32, #tpu.memory_space<hbm>>) target(%arg8 : memref<128x128xf32, #tpu.memory_space<vmem>>) target_semaphore(%arg10 : memref<!tpu.dma_semaphore, #tpu.memory_space<semaphore_mem>>)
      } else {
      }
      %mul3A_47 = arith.constant 16 : i32
      %mul3A_48 = arith.muli %mul3A_47, %add3A_33 : i32
      %add3A_49 = arith.addi %arg1, %mul3A_48 : i32
      %mul3A_50 = arith.constant 2 : i32
      %mul3A_51 = arith.muli %mul3A_50, %add3A_49 : i32
      %add3A_52 = arith.addi %mul3A_51, %arg0 : i32
      %lt3A_53 = arith.constant 500 : i32
      %lt3A_54 = arith.cmpi slt, %add3A_52, %lt3A_53 : i32
      %convert_element_type3A_55 = arith.extui %lt3A_54 : i1 to i32
      %cond3A_56 = arith.constant 0 : i32
      %cond3A_57 = arith.cmpi ne, %convert_element_type3A_55, %cond3A_56 : i32
      scf.if %cond3A_57 {
        %dma_wait3A = arith.constant 0 : i32
        %dma_wait3A_86 = arith.constant 0 : i32
        %dma_wait3A_87 = tpu.memref_slice %arg3[%dma_wait3A, %dma_wait3A_86] : memref<2500x128xi32, #tpu.memory_space<hbm>> -> memref<1x128xi32, #tpu.memory_space<hbm>>
        %dma_wait3A_88 = arith.constant 0 : i32
        %dma_wait3A_89 = arith.constant 0 : i32
        %dma_wait3A_90 = tpu.memref_slice %arg3[%dma_wait3A_88, %dma_wait3A_89] : memref<2500x128xi32, #tpu.memory_space<hbm>> -> memref<1x128xi32, #tpu.memory_space<hbm>>
        tpu.wait_dma2 semaphore(%arg9 : memref<!tpu.dma_semaphore, #tpu.memory_space<semaphore_mem>>) src(%dma_wait3A_90 : memref<1x128xi32, #tpu.memory_space<hbm>>) dst(%arg5 : memref<1x128xi32, #tpu.memory_space<vmem>>)
        %dma_wait3A_91 = arith.constant 0 : i32
        %dma_wait3A_92 = arith.constant 0 : i32
        %dma_wait3A_93 = tpu.memref_slice %arg2[%dma_wait3A_91, %dma_wait3A_92] : memref<64000x128xf32, #tpu.memory_space<hbm>> -> memref<128x128xf32, #tpu.memory_space<hbm>>
        %dma_wait3A_94 = arith.constant 0 : i32
        %dma_wait3A_95 = arith.constant 0 : i32
        %dma_wait3A_96 = tpu.memref_slice %arg2[%dma_wait3A_94, %dma_wait3A_95] : memref<64000x128xf32, #tpu.memory_space<hbm>> -> memref<128x128xf32, #tpu.memory_space<hbm>>
        tpu.wait_dma2 semaphore(%arg9 : memref<!tpu.dma_semaphore, #tpu.memory_space<semaphore_mem>>) src(%dma_wait3A_96 : memref<128x128xf32, #tpu.memory_space<hbm>>) dst(%arg6 : memref<128x128xf32, #tpu.memory_space<vmem>>)
        %run_scoped3A = arith.constant 0 : i32
        "tpu.region"() ({
          %run_scoped3A_97 = tpu.sem_alloc : memref<!tpu.dma_semaphore, #tpu.memory_space<semaphore_mem>>
          %dma_start3A = arith.constant 0 : i32
          %dma_start3A_98 = tpu.memref_slice %arg5[%run_scoped3A, %dma_start3A] : memref<1x128xi32, #tpu.memory_space<vmem>> -> memref<1x128xi32, #tpu.memory_space<vmem>>
          %dma_start3A_99 = tpu.memref_squeeze %dma_start3A_98 : memref<1x128xi32, #tpu.memory_space<vmem>> -> memref<128xi32, #tpu.memory_space<vmem>>
          %dma_start3A_100 = arith.constant 0 : i32
          %dma_start3A_101 = arith.constant 0 : i32
          %dma_start3A_102 = tpu.memref_slice %arg11[%dma_start3A_100, %dma_start3A_101] : memref<10000x128xf32, #tpu.memory_space<vmem_shared>> -> memref<10000x128xf32, #tpu.memory_space<vmem_shared>>
          tpu.enqueue_indirect_dma source(%arg6 : memref<128x128xf32, #tpu.memory_space<vmem>>) target(%dma_start3A_102 : memref<10000x128xf32, #tpu.memory_space<vmem_shared>>) offsets(%dma_start3A_99 : memref<128xi32, #tpu.memory_space<vmem>>) semaphore(%run_scoped3A_97 : memref<!tpu.dma_semaphore, #tpu.memory_space<semaphore_mem>>) {add = true}
          %dma_wait3A_103 = arith.constant 0 : i32
          %dma_wait3A_104 = tpu.memref_slice %arg5[%run_scoped3A, %dma_wait3A_103] : memref<1x128xi32, #tpu.memory_space<vmem>> -> memref<1x128xi32, #tpu.memory_space<vmem>>
          %dma_wait3A_105 = tpu.memref_squeeze %dma_wait3A_104 : memref<1x128xi32, #tpu.memory_space<vmem>> -> memref<128xi32, #tpu.memory_space<vmem>>
          %dma_wait3A_106 = arith.constant 0 : i32
          %dma_wait3A_107 = arith.constant 0 : i32
          %dma_wait3A_108 = tpu.memref_slice %arg11[%dma_wait3A_106, %dma_wait3A_107] : memref<10000x128xf32, #tpu.memory_space<vmem_shared>> -> memref<10000x128xf32, #tpu.memory_space<vmem_shared>>
          tpu.wait_indirect_dma semaphore(%run_scoped3A_97 : memref<!tpu.dma_semaphore, #tpu.memory_space<semaphore_mem>>) src(%arg6 : memref<128x128xf32, #tpu.memory_space<vmem>>) dst(%dma_wait3A_108 : memref<10000x128xf32, #tpu.memory_space<vmem_shared>>)
          tpu.yield
        }) : () -> ()
      } else {
      }
      %mul3A_58 = arith.constant 2 : i32
      %mul3A_59 = arith.muli %mul3A_58, %scan3A_29 : i32
      %add3A_60 = arith.constant 1 : i32
      %add3A_61 = arith.addi %mul3A_59, %add3A_60 : i32
      %add3A_62 = arith.constant 1 : i32
      %add3A_63 = arith.addi %add3A_61, %add3A_62 : i32
      %mul3A_64 = arith.constant 16 : i32
      %mul3A_65 = arith.muli %mul3A_64, %add3A_63 : i32
      %add3A_66 = arith.addi %arg1, %mul3A_65 : i32
      %mul3A_67 = arith.constant 2 : i32
      %mul3A_68 = arith.muli %mul3A_67, %add3A_66 : i32
      %add3A_69 = arith.addi %mul3A_68, %arg0 : i32
      %lt3A_70 = arith.constant 500 : i32
      %lt3A_71 = arith.cmpi slt, %add3A_69, %lt3A_70 : i32
      %convert_element_type3A_72 = arith.extui %lt3A_71 : i1 to i32
      %cond3A_73 = arith.constant 0 : i32
      %cond3A_74 = arith.cmpi ne, %convert_element_type3A_72, %cond3A_73 : i32
      scf.if %cond3A_74 {
        %add3A_86 = arith.constant 1 : i32
        %add3A_87 = arith.addi %add3A_61, %add3A_86 : i32
        %mul3A_88 = arith.constant 16 : i32
        %mul3A_89 = arith.muli %mul3A_88, %add3A_87 : i32
        %add3A_90 = arith.addi %arg1, %mul3A_89 : i32
        %mul3A_91 = arith.constant 2 : i32
        %mul3A_92 = arith.muli %mul3A_91, %add3A_90 : i32
        %add3A_93 = arith.addi %mul3A_92, %arg0 : i32
        %add3A_94 = arith.constant 0 : i32
        %add3A_95 = arith.addi %add3A_94, %add3A_93 : i32
        %dma_start3A = arith.constant 0 : i32
        %dma_start3A_96 = tpu.memref_slice %arg3[%add3A_95, %dma_start3A] : memref<2500x128xi32, #tpu.memory_space<hbm>> -> memref<1x128xi32, #tpu.memory_space<hbm>>
        %dma_start3A_97 = arith.constant 0 : i32
        %dma_start3A_98 = tpu.memref_slice %arg3[%add3A_95, %dma_start3A_97] : memref<2500x128xi32, #tpu.memory_space<hbm>> -> memref<1x128xi32, #tpu.memory_space<hbm>>
        tpu.enqueue_dma source(%dma_start3A_98 : memref<1x128xi32, #tpu.memory_space<hbm>>) target(%arg5 : memref<1x128xi32, #tpu.memory_space<vmem>>) target_semaphore(%arg9 : memref<!tpu.dma_semaphore, #tpu.memory_space<semaphore_mem>>)
        %mul3A_99 = arith.constant 128 : i32
        %mul3A_100 = arith.muli %add3A_93, %mul3A_99 : i32
        %dma_start3A_101 = arith.constant 0 : i32
        %dma_start3A_102 = tpu.memref_slice %arg2[%mul3A_100, %dma_start3A_101] : memref<64000x128xf32, #tpu.memory_space<hbm>> -> memref<128x128xf32, #tpu.memory_space<hbm>>
        %dma_start3A_103 = arith.constant 0 : i32
        %dma_start3A_104 = tpu.memref_slice %arg2[%mul3A_100, %dma_start3A_103] : memref<64000x128xf32, #tpu.memory_space<hbm>> -> memref<128x128xf32, #tpu.memory_space<hbm>>
        tpu.enqueue_dma source(%dma_start3A_104 : memref<128x128xf32, #tpu.memory_space<hbm>>) target(%arg6 : memref<128x128xf32, #tpu.memory_space<vmem>>) target_semaphore(%arg9 : memref<!tpu.dma_semaphore, #tpu.memory_space<semaphore_mem>>)
      } else {
      }
      %mul3A_75 = arith.constant 16 : i32
      %mul3A_76 = arith.muli %mul3A_75, %add3A_61 : i32
      %add3A_77 = arith.addi %arg1, %mul3A_76 : i32
      %mul3A_78 = arith.constant 2 : i32
      %mul3A_79 = arith.muli %mul3A_78, %add3A_77 : i32
      %add3A_80 = arith.addi %mul3A_79, %arg0 : i32
      %lt3A_81 = arith.constant 500 : i32
      %lt3A_82 = arith.cmpi slt, %add3A_80, %lt3A_81 : i32
      %convert_element_type3A_83 = arith.extui %lt3A_82 : i1 to i32
      %cond3A_84 = arith.constant 0 : i32
      %cond3A_85 = arith.cmpi ne, %convert_element_type3A_83, %cond3A_84 : i32
      scf.if %cond3A_85 {
        %dma_wait3A = arith.constant 0 : i32
        %dma_wait3A_86 = arith.constant 0 : i32
        %dma_wait3A_87 = tpu.memref_slice %arg3[%dma_wait3A, %dma_wait3A_86] : memref<2500x128xi32, #tpu.memory_space<hbm>> -> memref<1x128xi32, #tpu.memory_space<hbm>>
        %dma_wait3A_88 = arith.constant 0 : i32
        %dma_wait3A_89 = arith.constant 0 : i32
        %dma_wait3A_90 = tpu.memref_slice %arg3[%dma_wait3A_88, %dma_wait3A_89] : memref<2500x128xi32, #tpu.memory_space<hbm>> -> memref<1x128xi32, #tpu.memory_space<hbm>>
        tpu.wait_dma2 semaphore(%arg10 : memref<!tpu.dma_semaphore, #tpu.memory_space<semaphore_mem>>) src(%dma_wait3A_90 : memref<1x128xi32, #tpu.memory_space<hbm>>) dst(%arg7 : memref<1x128xi32, #tpu.memory_space<vmem>>)
        %dma_wait3A_91 = arith.constant 0 : i32
        %dma_wait3A_92 = arith.constant 0 : i32
        %dma_wait3A_93 = tpu.memref_slice %arg2[%dma_wait3A_91, %dma_wait3A_92] : memref<64000x128xf32, #tpu.memory_space<hbm>> -> memref<128x128xf32, #tpu.memory_space<hbm>>
        %dma_wait3A_94 = arith.constant 0 : i32
        %dma_wait3A_95 = arith.constant 0 : i32
        %dma_wait3A_96 = tpu.memref_slice %arg2[%dma_wait3A_94, %dma_wait3A_95] : memref<64000x128xf32, #tpu.memory_space<hbm>> -> memref<128x128xf32, #tpu.memory_space<hbm>>
        tpu.wait_dma2 semaphore(%arg10 : memref<!tpu.dma_semaphore, #tpu.memory_space<semaphore_mem>>) src(%dma_wait3A_96 : memref<128x128xf32, #tpu.memory_space<hbm>>) dst(%arg8 : memref<128x128xf32, #tpu.memory_space<vmem>>)
        %run_scoped3A = arith.constant 0 : i32
        "tpu.region"() ({
          %run_scoped3A_97 = tpu.sem_alloc : memref<!tpu.dma_semaphore, #tpu.memory_space<semaphore_mem>>
          %dma_start3A = arith.constant 0 : i32
          %dma_start3A_98 = tpu.memref_slice %arg7[%run_scoped3A, %dma_start3A] : memref<1x128xi32, #tpu.memory_space<vmem>> -> memref<1x128xi32, #tpu.memory_space<vmem>>
          %dma_start3A_99 = tpu.memref_squeeze %dma_start3A_98 : memref<1x128xi32, #tpu.memory_space<vmem>> -> memref<128xi32, #tpu.memory_space<vmem>>
          %dma_start3A_100 = arith.constant 0 : i32
          %dma_start3A_101 = arith.constant 0 : i32
          %dma_start3A_102 = tpu.memref_slice %arg11[%dma_start3A_100, %dma_start3A_101] : memref<10000x128xf32, #tpu.memory_space<vmem_shared>> -> memref<10000x128xf32, #tpu.memory_space<vmem_shared>>
          tpu.enqueue_indirect_dma source(%arg8 : memref<128x128xf32, #tpu.memory_space<vmem>>) target(%dma_start3A_102 : memref<10000x128xf32, #tpu.memory_space<vmem_shared>>) offsets(%dma_start3A_99 : memref<128xi32, #tpu.memory_space<vmem>>) semaphore(%run_scoped3A_97 : memref<!tpu.dma_semaphore, #tpu.memory_space<semaphore_mem>>) {add = true}
          %dma_wait3A_103 = arith.constant 0 : i32
          %dma_wait3A_104 = tpu.memref_slice %arg7[%run_scoped3A, %dma_wait3A_103] : memref<1x128xi32, #tpu.memory_space<vmem>> -> memref<1x128xi32, #tpu.memory_space<vmem>>
          %dma_wait3A_105 = tpu.memref_squeeze %dma_wait3A_104 : memref<1x128xi32, #tpu.memory_space<vmem>> -> memref<128xi32, #tpu.memory_space<vmem>>
          %dma_wait3A_106 = arith.constant 0 : i32
          %dma_wait3A_107 = arith.constant 0 : i32
          %dma_wait3A_108 = tpu.memref_slice %arg11[%dma_wait3A_106, %dma_wait3A_107] : memref<10000x128xf32, #tpu.memory_space<vmem_shared>> -> memref<10000x128xf32, #tpu.memory_space<vmem_shared>>
          tpu.wait_indirect_dma semaphore(%run_scoped3A_97 : memref<!tpu.dma_semaphore, #tpu.memory_space<semaphore_mem>>) src(%arg8 : memref<128x128xf32, #tpu.memory_space<vmem>>) dst(%dma_wait3A_108 : memref<10000x128xf32, #tpu.memory_space<vmem_shared>>)
          tpu.yield
        }) : () -> ()
      } else {
      }
    }
    %scan3A_21 = arith.constant 8 : i32
    %barrier3A_22 = arith.constant 0 : index
    tpu.barrier barrier_id(%barrier3A_22)
    %scan3A_23 = arith.constant 0 : i32
    %scan3A_24 = arith.constant 0 : i32
    %scan3A_25 = arith.constant 8 : i32
    %scan3A_26 = arith.addi %scan3A_24, %scan3A_25 : i32
    %scan3A_27 = arith.constant 1 : i32
    scf.for %scan3A_29 = %scan3A_24 to %scan3A_26 step %scan3A_27  : i32 {
      %mul3A_30 = arith.constant 16 : i32
      %mul3A_31 = arith.muli %mul3A_30, %scan3A_29 : i32
      %add3A_32 = arith.addi %arg1, %mul3A_31 : i32
      %lt3A_33 = arith.constant 125 : i32
      %lt3A_34 = arith.cmpi slt, %add3A_32, %lt3A_33 : i32
      %convert_element_type3A_35 = arith.extui %lt3A_34 : i1 to i32
      %cond3A_36 = arith.constant 0 : i32
      %cond3A_37 = arith.cmpi ne, %convert_element_type3A_35, %cond3A_36 : i32
      scf.if %cond3A_37 {
        %mul3A_38 = arith.constant 80 : i32
        %mul3A_39 = arith.muli %add3A_32, %mul3A_38 : i32
        %mul3A_40 = arith.constant 80 : i32
        %mul3A_41 = arith.muli %add3A_32, %mul3A_40 : i32
        "tpu.region"() ({
          %run_scoped3A = tpu.sem_alloc : memref<!tpu.dma_semaphore, #tpu.memory_space<semaphore_mem>>
          %dma_start3A = arith.constant 0 : i32
          %dma_start3A_42 = arith.constant 0 : i32
          %dma_start3A_43 = tpu.memref_slice %arg4[%arg0, %dma_start3A, %dma_start3A_42] : memref<2x10000x128xf32, #tpu.memory_space<hbm>> -> memref<1x10000x128xf32, #tpu.memory_space<hbm>>
          %dma_start3A_44 = tpu.memref_squeeze %dma_start3A_43 : memref<1x10000x128xf32, #tpu.memory_space<hbm>> -> memref<10000x128xf32, #tpu.memory_space<hbm>>
          %dma_start3A_45 = arith.constant 0 : i32
          %dma_start3A_46 = tpu.memref_slice %dma_start3A_44[%mul3A_41, %dma_start3A_45] : memref<10000x128xf32, #tpu.memory_space<hbm>> -> memref<80x128xf32, #tpu.memory_space<hbm>>
          %dma_start3A_47 = arith.constant 0 : i32
          %dma_start3A_48 = tpu.memref_slice %arg11[%mul3A_39, %dma_start3A_47] : memref<10000x128xf32, #tpu.memory_space<vmem_shared>> -> memref<80x128xf32, #tpu.memory_space<vmem_shared>>
          tpu.enqueue_dma source(%dma_start3A_48 : memref<80x128xf32, #tpu.memory_space<vmem_shared>>) target(%dma_start3A_46 : memref<80x128xf32, #tpu.memory_space<hbm>>) target_semaphore(%run_scoped3A : memref<!tpu.dma_semaphore, #tpu.memory_space<semaphore_mem>>)
          %dma_wait3A = arith.constant 0 : i32
          %dma_wait3A_49 = arith.constant 0 : i32
          %dma_wait3A_50 = tpu.memref_slice %arg4[%arg0, %dma_wait3A, %dma_wait3A_49] : memref<2x10000x128xf32, #tpu.memory_space<hbm>> -> memref<1x10000x128xf32, #tpu.memory_space<hbm>>
          %dma_wait3A_51 = tpu.memref_squeeze %dma_wait3A_50 : memref<1x10000x128xf32, #tpu.memory_space<hbm>> -> memref<10000x128xf32, #tpu.memory_space<hbm>>
          %dma_wait3A_52 = arith.constant 0 : i32
          %dma_wait3A_53 = tpu.memref_slice %dma_wait3A_51[%mul3A_41, %dma_wait3A_52] : memref<10000x128xf32, #tpu.memory_space<hbm>> -> memref<80x128xf32, #tpu.memory_space<hbm>>
          %dma_wait3A_54 = arith.constant 0 : i32
          %dma_wait3A_55 = tpu.memref_slice %arg11[%mul3A_39, %dma_wait3A_54] : memref<10000x128xf32, #tpu.memory_space<vmem_shared>> -> memref<80x128xf32, #tpu.memory_space<vmem_shared>>
          tpu.wait_dma2 semaphore(%run_scoped3A : memref<!tpu.dma_semaphore, #tpu.memory_space<semaphore_mem>>) src(%dma_wait3A_55 : memref<80x128xf32, #tpu.memory_space<vmem_shared>>) dst(%dma_wait3A_53 : memref<80x128xf32, #tpu.memory_space<hbm>>)
          tpu.yield
        }) : () -> ()
      } else {
      }
    }
    %scan3A_28 = arith.constant 8 : i32
    return
  }
}

#map = affine_map<(d0, d1) -> (0, 0)>
#map1 = affine_map<(d0, d1) -> (0, 0, 0)>
module attributes {stable_mosaic.version = 14 : i64} {
  func.func @_sc_scatter_body(%arg0: i32, %arg1: i32, %arg2: memref<64000x128xf32, #tpu.memory_space<hbm>>, %arg3: memref<2500x128xi32, #tpu.memory_space<hbm>>, %arg4: memref<2x10000x128xf32, #tpu.memory_space<hbm>>, %arg5: memref<1x128xi32, #tpu.memory_space<vmem>>, %arg6: memref<128x128xf32, #tpu.memory_space<vmem>>, %arg7: memref<1x128xi32, #tpu.memory_space<vmem>>, %arg8: memref<128x128xf32, #tpu.memory_space<vmem>>, %arg9: memref<!tpu.dma_semaphore, #tpu.memory_space<semaphore_mem>>, %arg10: memref<!tpu.dma_semaphore, #tpu.memory_space<semaphore_mem>>, %arg11: memref<10000x128xf32, #tpu.memory_space<vmem_shared>>) attributes {dimension_semantics = [#tpu.dimension_semantics<core_parallel>, #tpu.dimension_semantics<subcore_parallel>], iteration_bounds = array<i64: 2, 16>, scalar_prefetch = 0 : i64, scratch_operands = 7 : i64, tpu.core_type = #tpu.core_type<sc_vector_subcore>, window_params = [{transform_indices = #map}, {transform_indices = #map}, {transform_indices = #map1}]} {
    %scan3A = arith.constant 0 : i32
    %scan3A_0 = arith.constant 0 : i32
    %scan3A_1 = arith.constant 80 : i32
    %scan3A_2 = arith.addi %scan3A_0, %scan3A_1 : i32
    %scan3A_3 = arith.constant 1 : i32
    scf.for %scan3A_29 = %scan3A_0 to %scan3A_2 step %scan3A_3  : i32 {
      %broadcast_in_dim3A = arith.constant 0.000000e+00 : f32
      %broadcast_in_dim3A_30 = vector.broadcast %broadcast_in_dim3A : f32 to vector<16xf32>
      %swap3A = arith.index_cast %scan3A_29 : i32 to index
      %swap3A_31 = arith.constant 0 : index
      %swap3A_32 = tpu.vector_load %arg6[%swap3A, %swap3A_31] {strides = array<i32>} : memref<128x128xf32, #tpu.memory_space<vmem>>, vector<1x16xf32>,
      %swap3A_33 = vector.shape_cast %swap3A_32 : vector<1x16xf32> to vector<16xf32>
      %swap3A_34 = vector.shape_cast %broadcast_in_dim3A_30 : vector<16xf32> to vector<1x16xf32>
      tpu.vector_store %arg6[%swap3A, %swap3A_31], %swap3A_34 {strides = array<i32>} : memref<128x128xf32, #tpu.memory_space<vmem>>, vector<1x16xf32>,
      %broadcast_in_dim3A_35 = arith.constant 0.000000e+00 : f32
      %broadcast_in_dim3A_36 = vector.broadcast %broadcast_in_dim3A_35 : f32 to vector<16xf32>
      %swap3A_37 = arith.index_cast %scan3A_29 : i32 to index
      %swap3A_38 = arith.constant 16 : index
      %swap3A_39 = tpu.vector_load %arg6[%swap3A_37, %swap3A_38] {strides = array<i32>} : memref<128x128xf32, #tpu.memory_space<vmem>>, vector<1x16xf32>,
      %swap3A_40 = vector.shape_cast %swap3A_39 : vector<1x16xf32> to vector<16xf32>
      %swap3A_41 = vector.shape_cast %broadcast_in_dim3A_36 : vector<16xf32> to vector<1x16xf32>
      tpu.vector_store %arg6[%swap3A_37, %swap3A_38], %swap3A_41 {strides = array<i32>} : memref<128x128xf32, #tpu.memory_space<vmem>>, vector<1x16xf32>,
      %broadcast_in_dim3A_42 = arith.constant 0.000000e+00 : f32
      %broadcast_in_dim3A_43 = vector.broadcast %broadcast_in_dim3A_42 : f32 to vector<16xf32>
      %swap3A_44 = arith.index_cast %scan3A_29 : i32 to index
      %swap3A_45 = arith.constant 32 : index
      %swap3A_46 = tpu.vector_load %arg6[%swap3A_44, %swap3A_45] {strides = array<i32>} : memref<128x128xf32, #tpu.memory_space<vmem>>, vector<1x16xf32>,
      %swap3A_47 = vector.shape_cast %swap3A_46 : vector<1x16xf32> to vector<16xf32>
      %swap3A_48 = vector.shape_cast %broadcast_in_dim3A_43 : vector<16xf32> to vector<1x16xf32>
      tpu.vector_store %arg6[%swap3A_44, %swap3A_45], %swap3A_48 {strides = array<i32>} : memref<128x128xf32, #tpu.memory_space<vmem>>, vector<1x16xf32>,
      %broadcast_in_dim3A_49 = arith.constant 0.000000e+00 : f32
      %broadcast_in_dim3A_50 = vector.broadcast %broadcast_in_dim3A_49 : f32 to vector<16xf32>
      %swap3A_51 = arith.index_cast %scan3A_29 : i32 to index
      %swap3A_52 = arith.constant 48 : index
      %swap3A_53 = tpu.vector_load %arg6[%swap3A_51, %swap3A_52] {strides = array<i32>} : memref<128x128xf32, #tpu.memory_space<vmem>>, vector<1x16xf32>,
      %swap3A_54 = vector.shape_cast %swap3A_53 : vector<1x16xf32> to vector<16xf32>
      %swap3A_55 = vector.shape_cast %broadcast_in_dim3A_50 : vector<16xf32> to vector<1x16xf32>
      tpu.vector_store %arg6[%swap3A_51, %swap3A_52], %swap3A_55 {strides = array<i32>} : memref<128x128xf32, #tpu.memory_space<vmem>>, vector<1x16xf32>,
      %broadcast_in_dim3A_56 = arith.constant 0.000000e+00 : f32
      %broadcast_in_dim3A_57 = vector.broadcast %broadcast_in_dim3A_56 : f32 to vector<16xf32>
      %swap3A_58 = arith.index_cast %scan3A_29 : i32 to index
      %swap3A_59 = arith.constant 64 : index
      %swap3A_60 = tpu.vector_load %arg6[%swap3A_58, %swap3A_59] {strides = array<i32>} : memref<128x128xf32, #tpu.memory_space<vmem>>, vector<1x16xf32>,
      %swap3A_61 = vector.shape_cast %swap3A_60 : vector<1x16xf32> to vector<16xf32>
      %swap3A_62 = vector.shape_cast %broadcast_in_dim3A_57 : vector<16xf32> to vector<1x16xf32>
      tpu.vector_store %arg6[%swap3A_58, %swap3A_59], %swap3A_62 {strides = array<i32>} : memref<128x128xf32, #tpu.memory_space<vmem>>, vector<1x16xf32>,
      %broadcast_in_dim3A_63 = arith.constant 0.000000e+00 : f32
      %broadcast_in_dim3A_64 = vector.broadcast %broadcast_in_dim3A_63 : f32 to vector<16xf32>
      %swap3A_65 = arith.index_cast %scan3A_29 : i32 to index
      %swap3A_66 = arith.constant 80 : index
      %swap3A_67 = tpu.vector_load %arg6[%swap3A_65, %swap3A_66] {strides = array<i32>} : memref<128x128xf32, #tpu.memory_space<vmem>>, vector<1x16xf32>,
      %swap3A_68 = vector.shape_cast %swap3A_67 : vector<1x16xf32> to vector<16xf32>
      %swap3A_69 = vector.shape_cast %broadcast_in_dim3A_64 : vector<16xf32> to vector<1x16xf32>
      tpu.vector_store %arg6[%swap3A_65, %swap3A_66], %swap3A_69 {strides = array<i32>} : memref<128x128xf32, #tpu.memory_space<vmem>>, vector<1x16xf32>,
      %broadcast_in_dim3A_70 = arith.constant 0.000000e+00 : f32
      %broadcast_in_dim3A_71 = vector.broadcast %broadcast_in_dim3A_70 : f32 to vector<16xf32>
      %swap3A_72 = arith.index_cast %scan3A_29 : i32 to index
      %swap3A_73 = arith.constant 96 : index
      %swap3A_74 = tpu.vector_load %arg6[%swap3A_72, %swap3A_73] {strides = array<i32>} : memref<128x128xf32, #tpu.memory_space<vmem>>, vector<1x16xf32>,
      %swap3A_75 = vector.shape_cast %swap3A_74 : vector<1x16xf32> to vector<16xf32>
      %swap3A_76 = vector.shape_cast %broadcast_in_dim3A_71 : vector<16xf32> to vector<1x16xf32>
      tpu.vector_store %arg6[%swap3A_72, %swap3A_73], %swap3A_76 {strides = array<i32>} : memref<128x128xf32, #tpu.memory_space<vmem>>, vector<1x16xf32>,
      %broadcast_in_dim3A_77 = arith.constant 0.000000e+00 : f32
      %broadcast_in_dim3A_78 = vector.broadcast %broadcast_in_dim3A_77 : f32 to vector<16xf32>
      %swap3A_79 = arith.index_cast %scan3A_29 : i32 to index
      %swap3A_80 = arith.constant 112 : index
      %swap3A_81 = tpu.vector_load %arg6[%swap3A_79, %swap3A_80] {strides = array<i32>} : memref<128x128xf32, #tpu.memory_space<vmem>>, vector<1x16xf32>,
      %swap3A_82 = vector.shape_cast %swap3A_81 : vector<1x16xf32> to vector<16xf32>
      %swap3A_83 = vector.shape_cast %broadcast_in_dim3A_78 : vector<16xf32> to vector<1x16xf32>
      tpu.vector_store %arg6[%swap3A_79, %swap3A_80], %swap3A_83 {strides = array<i32>} : memref<128x128xf32, #tpu.memory_space<vmem>>, vector<1x16xf32>,
    }
    %scan3A_4 = arith.constant 80 : i32
    %scan3A_5 = arith.constant 0 : i32
    %scan3A_6 = arith.constant 0 : i32
    %scan3A_7 = arith.constant 8 : i32
    %scan3A_8 = arith.addi %scan3A_6, %scan3A_7 : i32
    %scan3A_9 = arith.constant 1 : i32
    scf.for %scan3A_29 = %scan3A_6 to %scan3A_8 step %scan3A_9  : i32 {
      %mul3A_30 = arith.constant 16 : i32
      %mul3A_31 = arith.muli %mul3A_30, %scan3A_29 : i32
      %add3A_32 = arith.addi %arg1, %mul3A_31 : i32
      %lt3A_33 = arith.constant 125 : i32
      %lt3A_34 = arith.cmpi slt, %add3A_32, %lt3A_33 : i32
      %convert_element_type3A_35 = arith.extui %lt3A_34 : i1 to i32
      %cond3A_36 = arith.constant 0 : i32
      %cond3A_37 = arith.cmpi ne, %convert_element_type3A_35, %cond3A_36 : i32
      scf.if %cond3A_37 {
        %mul3A_38 = arith.constant 80 : i32
        %mul3A_39 = arith.muli %add3A_32, %mul3A_38 : i32
        "tpu.region"() ({
          %run_scoped3A = tpu.sem_alloc : memref<!tpu.dma_semaphore, #tpu.memory_space<semaphore_mem>>
          %dma_start3A = arith.constant 0 : i32
          %dma_start3A_40 = arith.constant 0 : i32
          %dma_start3A_41 = tpu.memref_slice %arg6[%dma_start3A, %dma_start3A_40] : memref<128x128xf32, #tpu.memory_space<vmem>> -> memref<80x128xf32, #tpu.memory_space<vmem>>
          %dma_start3A_42 = arith.constant 0 : i32
          %dma_start3A_43 = tpu.memref_slice %arg11[%mul3A_39, %dma_start3A_42] : memref<10000x128xf32, #tpu.memory_space<vmem_shared>> -> memref<80x128xf32, #tpu.memory_space<vmem_shared>>
          %dma_start3A_44 = arith.constant 0 : i32
          %dma_start3A_45 = tpu.memref_slice %arg11[%mul3A_39, %dma_start3A_44] : memref<10000x128xf32, #tpu.memory_space<vmem_shared>> -> memref<80x128xf32, #tpu.memory_space<vmem_shared>>
          %dma_start3A_46 = arith.constant 0 : i32
          %dma_start3A_47 = arith.constant 0 : i32
          %dma_start3A_48 = tpu.memref_slice %arg6[%dma_start3A_46, %dma_start3A_47] : memref<128x128xf32, #tpu.memory_space<vmem>> -> memref<80x128xf32, #tpu.memory_space<vmem>>
          tpu.enqueue_dma source(%dma_start3A_48 : memref<80x128xf32, #tpu.memory_space<vmem>>) target(%dma_start3A_45 : memref<80x128xf32, #tpu.memory_space<vmem_shared>>) target_semaphore(%run_scoped3A : memref<!tpu.dma_semaphore, #tpu.memory_space<semaphore_mem>>)
          %dma_wait3A = arith.constant 0 : i32
          %dma_wait3A_49 = arith.constant 0 : i32
          %dma_wait3A_50 = tpu.memref_slice %arg6[%dma_wait3A, %dma_wait3A_49] : memref<128x128xf32, #tpu.memory_space<vmem>> -> memref<80x128xf32, #tpu.memory_space<vmem>>
          %dma_wait3A_51 = arith.constant 0 : i32
          %dma_wait3A_52 = tpu.memref_slice %arg11[%mul3A_39, %dma_wait3A_51] : memref<10000x128xf32, #tpu.memory_space<vmem_shared>> -> memref<80x128xf32, #tpu.memory_space<vmem_shared>>
          %dma_wait3A_53 = arith.constant 0 : i32
          %dma_wait3A_54 = tpu.memref_slice %arg11[%mul3A_39, %dma_wait3A_53] : memref<10000x128xf32, #tpu.memory_space<vmem_shared>> -> memref<80x128xf32, #tpu.memory_space<vmem_shared>>
          %dma_wait3A_55 = arith.constant 0 : i32
          %dma_wait3A_56 = arith.constant 0 : i32
          %dma_wait3A_57 = tpu.memref_slice %arg6[%dma_wait3A_55, %dma_wait3A_56] : memref<128x128xf32, #tpu.memory_space<vmem>> -> memref<80x128xf32, #tpu.memory_space<vmem>>
          tpu.wait_dma2 semaphore(%run_scoped3A : memref<!tpu.dma_semaphore, #tpu.memory_space<semaphore_mem>>) src(%dma_wait3A_57 : memref<80x128xf32, #tpu.memory_space<vmem>>) dst(%dma_wait3A_54 : memref<80x128xf32, #tpu.memory_space<vmem_shared>>)
          tpu.yield
        }) : () -> ()
      } else {
      }
    }
    %scan3A_10 = arith.constant 8 : i32
    %barrier3A = arith.constant 0 : index
    tpu.barrier barrier_id(%barrier3A)
    %add3A = arith.constant 0 : i32
    %add3A_11 = arith.addi %arg1, %add3A : i32
    %mul3A = arith.constant 2 : i32
    %mul3A_12 = arith.muli %mul3A, %add3A_11 : i32
    %add3A_13 = arith.addi %mul3A_12, %arg0 : i32
    %lt3A = arith.constant 500 : i32
    %lt3A_14 = arith.cmpi slt, %add3A_13, %lt3A : i32
    %convert_element_type3A = arith.extui %lt3A_14 : i1 to i32
    %cond3A = arith.constant 0 : i32
    %cond3A_15 = arith.cmpi ne, %convert_element_type3A, %cond3A : i32
    scf.if %cond3A_15 {
      %add3A_29 = arith.constant 0 : i32
      %add3A_30 = arith.addi %arg1, %add3A_29 : i32
      %mul3A_31 = arith.constant 2 : i32
      %mul3A_32 = arith.muli %mul3A_31, %add3A_30 : i32
      %add3A_33 = arith.addi %mul3A_32, %arg0 : i32
      %add3A_34 = arith.constant 2000 : i32
      %add3A_35 = arith.addi %add3A_34, %add3A_33 : i32
      %dma_start3A = arith.constant 0 : i32
      %dma_start3A_36 = tpu.memref_slice %arg3[%add3A_35, %dma_start3A] : memref<2500x128xi32, #tpu.memory_space<hbm>> -> memref<1x128xi32, #tpu.memory_space<hbm>>
      %dma_start3A_37 = arith.constant 0 : i32
      %dma_start3A_38 = tpu.memref_slice %arg3[%add3A_35, %dma_start3A_37] : memref<2500x128xi32, #tpu.memory_space<hbm>> -> memref<1x128xi32, #tpu.memory_space<hbm>>
      tpu.enqueue_dma source(%dma_start3A_38 : memref<1x128xi32, #tpu.memory_space<hbm>>) target(%arg5 : memref<1x128xi32, #tpu.memory_space<vmem>>) target_semaphore(%arg9 : memref<!tpu.dma_semaphore, #tpu.memory_space<semaphore_mem>>)
      %mul3A_39 = arith.constant 128 : i32
      %mul3A_40 = arith.muli %add3A_33, %mul3A_39 : i32
      %dma_start3A_41 = arith.constant 0 : i32
      %dma_start3A_42 = tpu.memref_slice %arg2[%mul3A_40, %dma_start3A_41] : memref<64000x128xf32, #tpu.memory_space<hbm>> -> memref<128x128xf32, #tpu.memory_space<hbm>>
      %dma_start3A_43 = arith.constant 0 : i32
      %dma_start3A_44 = tpu.memref_slice %arg2[%mul3A_40, %dma_start3A_43] : memref<64000x128xf32, #tpu.memory_space<hbm>> -> memref<128x128xf32, #tpu.memory_space<hbm>>
      tpu.enqueue_dma source(%dma_start3A_44 : memref<128x128xf32, #tpu.memory_space<hbm>>) target(%arg6 : memref<128x128xf32, #tpu.memory_space<vmem>>) target_semaphore(%arg9 : memref<!tpu.dma_semaphore, #tpu.memory_space<semaphore_mem>>)
    } else {
    }
    %scan3A_16 = arith.constant 0 : i32
    %scan3A_17 = arith.constant 0 : i32
    %scan3A_18 = arith.constant 8 : i32
    %scan3A_19 = arith.addi %scan3A_17, %scan3A_18 : i32
    %scan3A_20 = arith.constant 1 : i32
    scf.for %scan3A_29 = %scan3A_17 to %scan3A_19 step %scan3A_20  : i32 {
      %mul3A_30 = arith.constant 2 : i32
      %mul3A_31 = arith.muli %mul3A_30, %scan3A_29 : i32
      %add3A_32 = arith.constant 0 : i32
      %add3A_33 = arith.addi %mul3A_31, %add3A_32 : i32
      %add3A_34 = arith.constant 1 : i32
      %add3A_35 = arith.addi %add3A_33, %add3A_34 : i32
      %mul3A_36 = arith.constant 16 : i32
      %mul3A_37 = arith.muli %mul3A_36, %add3A_35 : i32
      %add3A_38 = arith.addi %arg1, %mul3A_37 : i32
      %mul3A_39 = arith.constant 2 : i32
      %mul3A_40 = arith.muli %mul3A_39, %add3A_38 : i32
      %add3A_41 = arith.addi %mul3A_40, %arg0 : i32
      %lt3A_42 = arith.constant 500 : i32
      %lt3A_43 = arith.cmpi slt, %add3A_41, %lt3A_42 : i32
      %convert_element_type3A_44 = arith.extui %lt3A_43 : i1 to i32
      %cond3A_45 = arith.constant 0 : i32
      %cond3A_46 = arith.cmpi ne, %convert_element_type3A_44, %cond3A_45 : i32
      scf.if %cond3A_46 {
        %add3A_86 = arith.constant 1 : i32
        %add3A_87 = arith.addi %add3A_33, %add3A_86 : i32
        %mul3A_88 = arith.constant 16 : i32
        %mul3A_89 = arith.muli %mul3A_88, %add3A_87 : i32
        %add3A_90 = arith.addi %arg1, %mul3A_89 : i32
        %mul3A_91 = arith.constant 2 : i32
        %mul3A_92 = arith.muli %mul3A_91, %add3A_90 : i32
        %add3A_93 = arith.addi %mul3A_92, %arg0 : i32
        %add3A_94 = arith.constant 2000 : i32
        %add3A_95 = arith.addi %add3A_94, %add3A_93 : i32
        %dma_start3A = arith.constant 0 : i32
        %dma_start3A_96 = tpu.memref_slice %arg3[%add3A_95, %dma_start3A] : memref<2500x128xi32, #tpu.memory_space<hbm>> -> memref<1x128xi32, #tpu.memory_space<hbm>>
        %dma_start3A_97 = arith.constant 0 : i32
        %dma_start3A_98 = tpu.memref_slice %arg3[%add3A_95, %dma_start3A_97] : memref<2500x128xi32, #tpu.memory_space<hbm>> -> memref<1x128xi32, #tpu.memory_space<hbm>>
        tpu.enqueue_dma source(%dma_start3A_98 : memref<1x128xi32, #tpu.memory_space<hbm>>) target(%arg7 : memref<1x128xi32, #tpu.memory_space<vmem>>) target_semaphore(%arg10 : memref<!tpu.dma_semaphore, #tpu.memory_space<semaphore_mem>>)
        %mul3A_99 = arith.constant 128 : i32
        %mul3A_100 = arith.muli %add3A_93, %mul3A_99 : i32
        %dma_start3A_101 = arith.constant 0 : i32
        %dma_start3A_102 = tpu.memref_slice %arg2[%mul3A_100, %dma_start3A_101] : memref<64000x128xf32, #tpu.memory_space<hbm>> -> memref<128x128xf32, #tpu.memory_space<hbm>>
        %dma_start3A_103 = arith.constant 0 : i32
        %dma_start3A_104 = tpu.memref_slice %arg2[%mul3A_100, %dma_start3A_103] : memref<64000x128xf32, #tpu.memory_space<hbm>> -> memref<128x128xf32, #tpu.memory_space<hbm>>
        tpu.enqueue_dma source(%dma_start3A_104 : memref<128x128xf32, #tpu.memory_space<hbm>>) target(%arg8 : memref<128x128xf32, #tpu.memory_space<vmem>>) target_semaphore(%arg10 : memref<!tpu.dma_semaphore, #tpu.memory_space<semaphore_mem>>)
      } else {
      }
      %mul3A_47 = arith.constant 16 : i32
      %mul3A_48 = arith.muli %mul3A_47, %add3A_33 : i32
      %add3A_49 = arith.addi %arg1, %mul3A_48 : i32
      %mul3A_50 = arith.constant 2 : i32
      %mul3A_51 = arith.muli %mul3A_50, %add3A_49 : i32
      %add3A_52 = arith.addi %mul3A_51, %arg0 : i32
      %lt3A_53 = arith.constant 500 : i32
      %lt3A_54 = arith.cmpi slt, %add3A_52, %lt3A_53 : i32
      %convert_element_type3A_55 = arith.extui %lt3A_54 : i1 to i32
      %cond3A_56 = arith.constant 0 : i32
      %cond3A_57 = arith.cmpi ne, %convert_element_type3A_55, %cond3A_56 : i32
      scf.if %cond3A_57 {
        %dma_wait3A = arith.constant 0 : i32
        %dma_wait3A_86 = arith.constant 0 : i32
        %dma_wait3A_87 = tpu.memref_slice %arg3[%dma_wait3A, %dma_wait3A_86] : memref<2500x128xi32, #tpu.memory_space<hbm>> -> memref<1x128xi32, #tpu.memory_space<hbm>>
        %dma_wait3A_88 = arith.constant 0 : i32
        %dma_wait3A_89 = arith.constant 0 : i32
        %dma_wait3A_90 = tpu.memref_slice %arg3[%dma_wait3A_88, %dma_wait3A_89] : memref<2500x128xi32, #tpu.memory_space<hbm>> -> memref<1x128xi32, #tpu.memory_space<hbm>>
        tpu.wait_dma2 semaphore(%arg9 : memref<!tpu.dma_semaphore, #tpu.memory_space<semaphore_mem>>) src(%dma_wait3A_90 : memref<1x128xi32, #tpu.memory_space<hbm>>) dst(%arg5 : memref<1x128xi32, #tpu.memory_space<vmem>>)
        %dma_wait3A_91 = arith.constant 0 : i32
        %dma_wait3A_92 = arith.constant 0 : i32
        %dma_wait3A_93 = tpu.memref_slice %arg2[%dma_wait3A_91, %dma_wait3A_92] : memref<64000x128xf32, #tpu.memory_space<hbm>> -> memref<128x128xf32, #tpu.memory_space<hbm>>
        %dma_wait3A_94 = arith.constant 0 : i32
        %dma_wait3A_95 = arith.constant 0 : i32
        %dma_wait3A_96 = tpu.memref_slice %arg2[%dma_wait3A_94, %dma_wait3A_95] : memref<64000x128xf32, #tpu.memory_space<hbm>> -> memref<128x128xf32, #tpu.memory_space<hbm>>
        tpu.wait_dma2 semaphore(%arg9 : memref<!tpu.dma_semaphore, #tpu.memory_space<semaphore_mem>>) src(%dma_wait3A_96 : memref<128x128xf32, #tpu.memory_space<hbm>>) dst(%arg6 : memref<128x128xf32, #tpu.memory_space<vmem>>)
        %run_scoped3A = arith.constant 0 : i32
        "tpu.region"() ({
          %run_scoped3A_97 = tpu.sem_alloc : memref<!tpu.dma_semaphore, #tpu.memory_space<semaphore_mem>>
          %dma_start3A = arith.constant 0 : i32
          %dma_start3A_98 = tpu.memref_slice %arg5[%run_scoped3A, %dma_start3A] : memref<1x128xi32, #tpu.memory_space<vmem>> -> memref<1x128xi32, #tpu.memory_space<vmem>>
          %dma_start3A_99 = tpu.memref_squeeze %dma_start3A_98 : memref<1x128xi32, #tpu.memory_space<vmem>> -> memref<128xi32, #tpu.memory_space<vmem>>
          %dma_start3A_100 = arith.constant 0 : i32
          %dma_start3A_101 = arith.constant 0 : i32
          %dma_start3A_102 = tpu.memref_slice %arg11[%dma_start3A_100, %dma_start3A_101] : memref<10000x128xf32, #tpu.memory_space<vmem_shared>> -> memref<10000x128xf32, #tpu.memory_space<vmem_shared>>
          tpu.enqueue_indirect_dma source(%arg6 : memref<128x128xf32, #tpu.memory_space<vmem>>) target(%dma_start3A_102 : memref<10000x128xf32, #tpu.memory_space<vmem_shared>>) offsets(%dma_start3A_99 : memref<128xi32, #tpu.memory_space<vmem>>) semaphore(%run_scoped3A_97 : memref<!tpu.dma_semaphore, #tpu.memory_space<semaphore_mem>>) {add = true}
          %dma_wait3A_103 = arith.constant 0 : i32
          %dma_wait3A_104 = tpu.memref_slice %arg5[%run_scoped3A, %dma_wait3A_103] : memref<1x128xi32, #tpu.memory_space<vmem>> -> memref<1x128xi32, #tpu.memory_space<vmem>>
          %dma_wait3A_105 = tpu.memref_squeeze %dma_wait3A_104 : memref<1x128xi32, #tpu.memory_space<vmem>> -> memref<128xi32, #tpu.memory_space<vmem>>
          %dma_wait3A_106 = arith.constant 0 : i32
          %dma_wait3A_107 = arith.constant 0 : i32
          %dma_wait3A_108 = tpu.memref_slice %arg11[%dma_wait3A_106, %dma_wait3A_107] : memref<10000x128xf32, #tpu.memory_space<vmem_shared>> -> memref<10000x128xf32, #tpu.memory_space<vmem_shared>>
          tpu.wait_indirect_dma semaphore(%run_scoped3A_97 : memref<!tpu.dma_semaphore, #tpu.memory_space<semaphore_mem>>) src(%arg6 : memref<128x128xf32, #tpu.memory_space<vmem>>) dst(%dma_wait3A_108 : memref<10000x128xf32, #tpu.memory_space<vmem_shared>>)
          tpu.yield
        }) : () -> ()
      } else {
      }
      %mul3A_58 = arith.constant 2 : i32
      %mul3A_59 = arith.muli %mul3A_58, %scan3A_29 : i32
      %add3A_60 = arith.constant 1 : i32
      %add3A_61 = arith.addi %mul3A_59, %add3A_60 : i32
      %add3A_62 = arith.constant 1 : i32
      %add3A_63 = arith.addi %add3A_61, %add3A_62 : i32
      %mul3A_64 = arith.constant 16 : i32
      %mul3A_65 = arith.muli %mul3A_64, %add3A_63 : i32
      %add3A_66 = arith.addi %arg1, %mul3A_65 : i32
      %mul3A_67 = arith.constant 2 : i32
      %mul3A_68 = arith.muli %mul3A_67, %add3A_66 : i32
      %add3A_69 = arith.addi %mul3A_68, %arg0 : i32
      %lt3A_70 = arith.constant 500 : i32
      %lt3A_71 = arith.cmpi slt, %add3A_69, %lt3A_70 : i32
      %convert_element_type3A_72 = arith.extui %lt3A_71 : i1 to i32
      %cond3A_73 = arith.constant 0 : i32
      %cond3A_74 = arith.cmpi ne, %convert_element_type3A_72, %cond3A_73 : i32
      scf.if %cond3A_74 {
        %add3A_86 = arith.constant 1 : i32
        %add3A_87 = arith.addi %add3A_61, %add3A_86 : i32
        %mul3A_88 = arith.constant 16 : i32
        %mul3A_89 = arith.muli %mul3A_88, %add3A_87 : i32
        %add3A_90 = arith.addi %arg1, %mul3A_89 : i32
        %mul3A_91 = arith.constant 2 : i32
        %mul3A_92 = arith.muli %mul3A_91, %add3A_90 : i32
        %add3A_93 = arith.addi %mul3A_92, %arg0 : i32
        %add3A_94 = arith.constant 2000 : i32
        %add3A_95 = arith.addi %add3A_94, %add3A_93 : i32
        %dma_start3A = arith.constant 0 : i32
        %dma_start3A_96 = tpu.memref_slice %arg3[%add3A_95, %dma_start3A] : memref<2500x128xi32, #tpu.memory_space<hbm>> -> memref<1x128xi32, #tpu.memory_space<hbm>>
        %dma_start3A_97 = arith.constant 0 : i32
        %dma_start3A_98 = tpu.memref_slice %arg3[%add3A_95, %dma_start3A_97] : memref<2500x128xi32, #tpu.memory_space<hbm>> -> memref<1x128xi32, #tpu.memory_space<hbm>>
        tpu.enqueue_dma source(%dma_start3A_98 : memref<1x128xi32, #tpu.memory_space<hbm>>) target(%arg5 : memref<1x128xi32, #tpu.memory_space<vmem>>) target_semaphore(%arg9 : memref<!tpu.dma_semaphore, #tpu.memory_space<semaphore_mem>>)
        %mul3A_99 = arith.constant 128 : i32
        %mul3A_100 = arith.muli %add3A_93, %mul3A_99 : i32
        %dma_start3A_101 = arith.constant 0 : i32
        %dma_start3A_102 = tpu.memref_slice %arg2[%mul3A_100, %dma_start3A_101] : memref<64000x128xf32, #tpu.memory_space<hbm>> -> memref<128x128xf32, #tpu.memory_space<hbm>>
        %dma_start3A_103 = arith.constant 0 : i32
        %dma_start3A_104 = tpu.memref_slice %arg2[%mul3A_100, %dma_start3A_103] : memref<64000x128xf32, #tpu.memory_space<hbm>> -> memref<128x128xf32, #tpu.memory_space<hbm>>
        tpu.enqueue_dma source(%dma_start3A_104 : memref<128x128xf32, #tpu.memory_space<hbm>>) target(%arg6 : memref<128x128xf32, #tpu.memory_space<vmem>>) target_semaphore(%arg9 : memref<!tpu.dma_semaphore, #tpu.memory_space<semaphore_mem>>)
      } else {
      }
      %mul3A_75 = arith.constant 16 : i32
      %mul3A_76 = arith.muli %mul3A_75, %add3A_61 : i32
      %add3A_77 = arith.addi %arg1, %mul3A_76 : i32
      %mul3A_78 = arith.constant 2 : i32
      %mul3A_79 = arith.muli %mul3A_78, %add3A_77 : i32
      %add3A_80 = arith.addi %mul3A_79, %arg0 : i32
      %lt3A_81 = arith.constant 500 : i32
      %lt3A_82 = arith.cmpi slt, %add3A_80, %lt3A_81 : i32
      %convert_element_type3A_83 = arith.extui %lt3A_82 : i1 to i32
      %cond3A_84 = arith.constant 0 : i32
      %cond3A_85 = arith.cmpi ne, %convert_element_type3A_83, %cond3A_84 : i32
      scf.if %cond3A_85 {
        %dma_wait3A = arith.constant 0 : i32
        %dma_wait3A_86 = arith.constant 0 : i32
        %dma_wait3A_87 = tpu.memref_slice %arg3[%dma_wait3A, %dma_wait3A_86] : memref<2500x128xi32, #tpu.memory_space<hbm>> -> memref<1x128xi32, #tpu.memory_space<hbm>>
        %dma_wait3A_88 = arith.constant 0 : i32
        %dma_wait3A_89 = arith.constant 0 : i32
        %dma_wait3A_90 = tpu.memref_slice %arg3[%dma_wait3A_88, %dma_wait3A_89] : memref<2500x128xi32, #tpu.memory_space<hbm>> -> memref<1x128xi32, #tpu.memory_space<hbm>>
        tpu.wait_dma2 semaphore(%arg10 : memref<!tpu.dma_semaphore, #tpu.memory_space<semaphore_mem>>) src(%dma_wait3A_90 : memref<1x128xi32, #tpu.memory_space<hbm>>) dst(%arg7 : memref<1x128xi32, #tpu.memory_space<vmem>>)
        %dma_wait3A_91 = arith.constant 0 : i32
        %dma_wait3A_92 = arith.constant 0 : i32
        %dma_wait3A_93 = tpu.memref_slice %arg2[%dma_wait3A_91, %dma_wait3A_92] : memref<64000x128xf32, #tpu.memory_space<hbm>> -> memref<128x128xf32, #tpu.memory_space<hbm>>
        %dma_wait3A_94 = arith.constant 0 : i32
        %dma_wait3A_95 = arith.constant 0 : i32
        %dma_wait3A_96 = tpu.memref_slice %arg2[%dma_wait3A_94, %dma_wait3A_95] : memref<64000x128xf32, #tpu.memory_space<hbm>> -> memref<128x128xf32, #tpu.memory_space<hbm>>
        tpu.wait_dma2 semaphore(%arg10 : memref<!tpu.dma_semaphore, #tpu.memory_space<semaphore_mem>>) src(%dma_wait3A_96 : memref<128x128xf32, #tpu.memory_space<hbm>>) dst(%arg8 : memref<128x128xf32, #tpu.memory_space<vmem>>)
        %run_scoped3A = arith.constant 0 : i32
        "tpu.region"() ({
          %run_scoped3A_97 = tpu.sem_alloc : memref<!tpu.dma_semaphore, #tpu.memory_space<semaphore_mem>>
          %dma_start3A = arith.constant 0 : i32
          %dma_start3A_98 = tpu.memref_slice %arg7[%run_scoped3A, %dma_start3A] : memref<1x128xi32, #tpu.memory_space<vmem>> -> memref<1x128xi32, #tpu.memory_space<vmem>>
          %dma_start3A_99 = tpu.memref_squeeze %dma_start3A_98 : memref<1x128xi32, #tpu.memory_space<vmem>> -> memref<128xi32, #tpu.memory_space<vmem>>
          %dma_start3A_100 = arith.constant 0 : i32
          %dma_start3A_101 = arith.constant 0 : i32
          %dma_start3A_102 = tpu.memref_slice %arg11[%dma_start3A_100, %dma_start3A_101] : memref<10000x128xf32, #tpu.memory_space<vmem_shared>> -> memref<10000x128xf32, #tpu.memory_space<vmem_shared>>
          tpu.enqueue_indirect_dma source(%arg8 : memref<128x128xf32, #tpu.memory_space<vmem>>) target(%dma_start3A_102 : memref<10000x128xf32, #tpu.memory_space<vmem_shared>>) offsets(%dma_start3A_99 : memref<128xi32, #tpu.memory_space<vmem>>) semaphore(%run_scoped3A_97 : memref<!tpu.dma_semaphore, #tpu.memory_space<semaphore_mem>>) {add = true}
          %dma_wait3A_103 = arith.constant 0 : i32
          %dma_wait3A_104 = tpu.memref_slice %arg7[%run_scoped3A, %dma_wait3A_103] : memref<1x128xi32, #tpu.memory_space<vmem>> -> memref<1x128xi32, #tpu.memory_space<vmem>>
          %dma_wait3A_105 = tpu.memref_squeeze %dma_wait3A_104 : memref<1x128xi32, #tpu.memory_space<vmem>> -> memref<128xi32, #tpu.memory_space<vmem>>
          %dma_wait3A_106 = arith.constant 0 : i32
          %dma_wait3A_107 = arith.constant 0 : i32
          %dma_wait3A_108 = tpu.memref_slice %arg11[%dma_wait3A_106, %dma_wait3A_107] : memref<10000x128xf32, #tpu.memory_space<vmem_shared>> -> memref<10000x128xf32, #tpu.memory_space<vmem_shared>>
          tpu.wait_indirect_dma semaphore(%run_scoped3A_97 : memref<!tpu.dma_semaphore, #tpu.memory_space<semaphore_mem>>) src(%arg8 : memref<128x128xf32, #tpu.memory_space<vmem>>) dst(%dma_wait3A_108 : memref<10000x128xf32, #tpu.memory_space<vmem_shared>>)
          tpu.yield
        }) : () -> ()
      } else {
      }
    }
    %scan3A_21 = arith.constant 8 : i32
    %barrier3A_22 = arith.constant 0 : index
    tpu.barrier barrier_id(%barrier3A_22)
    %scan3A_23 = arith.constant 0 : i32
    %scan3A_24 = arith.constant 0 : i32
    %scan3A_25 = arith.constant 8 : i32
    %scan3A_26 = arith.addi %scan3A_24, %scan3A_25 : i32
    %scan3A_27 = arith.constant 1 : i32
    scf.for %scan3A_29 = %scan3A_24 to %scan3A_26 step %scan3A_27  : i32 {
      %mul3A_30 = arith.constant 16 : i32
      %mul3A_31 = arith.muli %mul3A_30, %scan3A_29 : i32
      %add3A_32 = arith.addi %arg1, %mul3A_31 : i32
      %lt3A_33 = arith.constant 125 : i32
      %lt3A_34 = arith.cmpi slt, %add3A_32, %lt3A_33 : i32
      %convert_element_type3A_35 = arith.extui %lt3A_34 : i1 to i32
      %cond3A_36 = arith.constant 0 : i32
      %cond3A_37 = arith.cmpi ne, %convert_element_type3A_35, %cond3A_36 : i32
      scf.if %cond3A_37 {
        %mul3A_38 = arith.constant 80 : i32
        %mul3A_39 = arith.muli %add3A_32, %mul3A_38 : i32
        %mul3A_40 = arith.constant 80 : i32
        %mul3A_41 = arith.muli %add3A_32, %mul3A_40 : i32
        "tpu.region"() ({
          %run_scoped3A = tpu.sem_alloc : memref<!tpu.dma_semaphore, #tpu.memory_space<semaphore_mem>>
          %dma_start3A = arith.constant 0 : i32
          %dma_start3A_42 = arith.constant 0 : i32
          %dma_start3A_43 = tpu.memref_slice %arg4[%arg0, %dma_start3A, %dma_start3A_42] : memref<2x10000x128xf32, #tpu.memory_space<hbm>> -> memref<1x10000x128xf32, #tpu.memory_space<hbm>>
          %dma_start3A_44 = tpu.memref_squeeze %dma_start3A_43 : memref<1x10000x128xf32, #tpu.memory_space<hbm>> -> memref<10000x128xf32, #tpu.memory_space<hbm>>
          %dma_start3A_45 = arith.constant 0 : i32
          %dma_start3A_46 = tpu.memref_slice %dma_start3A_44[%mul3A_41, %dma_start3A_45] : memref<10000x128xf32, #tpu.memory_space<hbm>> -> memref<80x128xf32, #tpu.memory_space<hbm>>
          %dma_start3A_47 = arith.constant 0 : i32
          %dma_start3A_48 = tpu.memref_slice %arg11[%mul3A_39, %dma_start3A_47] : memref<10000x128xf32, #tpu.memory_space<vmem_shared>> -> memref<80x128xf32, #tpu.memory_space<vmem_shared>>
          tpu.enqueue_dma source(%dma_start3A_48 : memref<80x128xf32, #tpu.memory_space<vmem_shared>>) target(%dma_start3A_46 : memref<80x128xf32, #tpu.memory_space<hbm>>) target_semaphore(%run_scoped3A : memref<!tpu.dma_semaphore, #tpu.memory_space<semaphore_mem>>)
          %dma_wait3A = arith.constant 0 : i32
          %dma_wait3A_49 = arith.constant 0 : i32
          %dma_wait3A_50 = tpu.memref_slice %arg4[%arg0, %dma_wait3A, %dma_wait3A_49] : memref<2x10000x128xf32, #tpu.memory_space<hbm>> -> memref<1x10000x128xf32, #tpu.memory_space<hbm>>
          %dma_wait3A_51 = tpu.memref_squeeze %dma_wait3A_50 : memref<1x10000x128xf32, #tpu.memory_space<hbm>> -> memref<10000x128xf32, #tpu.memory_space<hbm>>
          %dma_wait3A_52 = arith.constant 0 : i32
          %dma_wait3A_53 = tpu.memref_slice %dma_wait3A_51[%mul3A_41, %dma_wait3A_52] : memref<10000x128xf32, #tpu.memory_space<hbm>> -> memref<80x128xf32, #tpu.memory_space<hbm>>
          %dma_wait3A_54 = arith.constant 0 : i32
          %dma_wait3A_55 = tpu.memref_slice %arg11[%mul3A_39, %dma_wait3A_54] : memref<10000x128xf32, #tpu.memory_space<vmem_shared>> -> memref<80x128xf32, #tpu.memory_space<vmem_shared>>
          tpu.wait_dma2 semaphore(%run_scoped3A : memref<!tpu.dma_semaphore, #tpu.memory_space<semaphore_mem>>) src(%dma_wait3A_55 : memref<80x128xf32, #tpu.memory_space<vmem_shared>>) dst(%dma_wait3A_53 : memref<80x128xf32, #tpu.memory_space<hbm>>)
          tpu.yield
        }) : () -> ()
      } else {
      }
    }
    %scan3A_28 = arith.constant 8 : i32
    return
  }
}

#map = affine_map<(d0, d1) -> (0, 0)>
module attributes {stable_mosaic.version = 14 : i64} {
  func.func @_sc_gather_body(%arg0: i32, %arg1: i32, %arg2: memref<10000x128xf32, #tpu.memory_space<hbm>>, %arg3: memref<10000x128xf32, #tpu.memory_space<hbm>>, %arg4: memref<2500x128xi32, #tpu.memory_space<hbm>>, %arg5: memref<2500x128xi32, #tpu.memory_space<hbm>>, %arg6: memref<320000x128xf32, #tpu.memory_space<hbm>>, %arg7: memref<80x128xi32, #tpu.memory_space<vmem>>, %arg8: memref<80x128xi32, #tpu.memory_space<vmem>>, %arg9: memref<128x128xf32, #tpu.memory_space<vmem>>, %arg10: memref<128x128xf32, #tpu.memory_space<vmem>>, %arg11: memref<128x128xf32, #tpu.memory_space<vmem>>, %arg12: memref<128x128xf32, #tpu.memory_space<vmem>>, %arg13: memref<128x128xf32, #tpu.memory_space<vmem>>, %arg14: memref<128x128xf32, #tpu.memory_space<vmem>>, %arg15: memref<!tpu.dma_semaphore, #tpu.memory_space<semaphore_mem>>, %arg16: memref<!tpu.dma_semaphore, #tpu.memory_space<semaphore_mem>>, %arg17: memref<!tpu.dma_semaphore, #tpu.memory_space<semaphore_mem>>, %arg18: memref<!tpu.dma_semaphore, #tpu.memory_space<semaphore_mem>>, %arg19: memref<!tpu.dma_semaphore, #tpu.memory_space<semaphore_mem>>, %arg20: memref<!tpu.dma_semaphore, #tpu.memory_space<semaphore_mem>>, %arg21: memref<!tpu.dma_semaphore, #tpu.memory_space<semaphore_mem>>, %arg22: memref<!tpu.dma_semaphore, #tpu.memory_space<semaphore_mem>>, %arg23: memref<!tpu.dma_semaphore, #tpu.memory_space<semaphore_mem>>) attributes {dimension_semantics = [#tpu.dimension_semantics<core_parallel>, #tpu.dimension_semantics<subcore_parallel>], iteration_bounds = array<i64: 2, 16>, scalar_prefetch = 0 : i64, scratch_operands = 17 : i64, tpu.core_type = #tpu.core_type<sc_vector_subcore>, window_params = [{transform_indices = #map}, {transform_indices = #map}, {transform_indices = #map}, {transform_indices = #map}, {transform_indices = #map}]} {
    %mul3A = arith.constant 2 : i32
    %mul3A_0 = arith.muli %arg1, %mul3A : i32
    %add3A = arith.addi %mul3A_0, %arg0 : i32
    %lt3A = arith.constant 31 : i32
    %lt3A_1 = arith.cmpi slt, %add3A, %lt3A : i32
    %jit3A = arith.constant 80 : i32
    %jit3A_2 = arith.constant 20 : i32
    %select_n3A = arith.select %lt3A_1, %jit3A, %jit3A_2 : i32
    %lt3A_3 = arith.constant 31 : i32
    %lt3A_4 = arith.cmpi slt, %add3A, %lt3A_3 : i32
    %convert_element_type3A = arith.extui %lt3A_4 : i1 to i32
    %cond3A = arith.constant 0 : i32
    %cond3A_5 = arith.cmpi ne, %convert_element_type3A, %cond3A : i32
    scf.if %cond3A_5 {
      %mul3A_59 = arith.constant 80 : i32
      %mul3A_60 = arith.muli %add3A, %mul3A_59 : i32
      "tpu.region"() ({
        %run_scoped3A = tpu.sem_alloc : memref<!tpu.dma_semaphore, #tpu.memory_space<semaphore_mem>>
        %dma_start3A_63 = arith.constant 0 : i32
        %dma_start3A_64 = tpu.memref_slice %arg4[%mul3A_60, %dma_start3A_63] : memref<2500x128xi32, #tpu.memory_space<hbm>> -> memref<80x128xi32, #tpu.memory_space<hbm>>
        %dma_start3A_65 = arith.constant 0 : i32
        %dma_start3A_66 = tpu.memref_slice %arg4[%mul3A_60, %dma_start3A_65] : memref<2500x128xi32, #tpu.memory_space<hbm>> -> memref<80x128xi32, #tpu.memory_space<hbm>>
        tpu.enqueue_dma source(%dma_start3A_66 : memref<80x128xi32, #tpu.memory_space<hbm>>) target(%arg7 : memref<80x128xi32, #tpu.memory_space<vmem>>) target_semaphore(%run_scoped3A : memref<!tpu.dma_semaphore, #tpu.memory_space<semaphore_mem>>)
        %dma_wait3A_67 = arith.constant 0 : i32
        %dma_wait3A_68 = tpu.memref_slice %arg4[%mul3A_60, %dma_wait3A_67] : memref<2500x128xi32, #tpu.memory_space<hbm>> -> memref<80x128xi32, #tpu.memory_space<hbm>>
        %dma_wait3A_69 = arith.constant 0 : i32
        %dma_wait3A_70 = tpu.memref_slice %arg4[%mul3A_60, %dma_wait3A_69] : memref<2500x128xi32, #tpu.memory_space<hbm>> -> memref<80x128xi32, #tpu.memory_space<hbm>>
        tpu.wait_dma2 semaphore(%run_scoped3A : memref<!tpu.dma_semaphore, #tpu.memory_space<semaphore_mem>>) src(%dma_wait3A_70 : memref<80x128xi32, #tpu.memory_space<hbm>>) dst(%arg7 : memref<80x128xi32, #tpu.memory_space<vmem>>)
        tpu.yield
      }) : () -> ()
      %mul3A_61 = arith.constant 80 : i32
      %mul3A_62 = arith.muli %add3A, %mul3A_61 : i32
      "tpu.region"() ({
        %run_scoped3A = tpu.sem_alloc : memref<!tpu.dma_semaphore, #tpu.memory_space<semaphore_mem>>
        %dma_start3A_63 = arith.constant 0 : i32
        %dma_start3A_64 = tpu.memref_slice %arg5[%mul3A_62, %dma_start3A_63] : memref<2500x128xi32, #tpu.memory_space<hbm>> -> memref<80x128xi32, #tpu.memory_space<hbm>>
        %dma_start3A_65 = arith.constant 0 : i32
        %dma_start3A_66 = tpu.memref_slice %arg5[%mul3A_62, %dma_start3A_65] : memref<2500x128xi32, #tpu.memory_space<hbm>> -> memref<80x128xi32, #tpu.memory_space<hbm>>
        tpu.enqueue_dma source(%dma_start3A_66 : memref<80x128xi32, #tpu.memory_space<hbm>>) target(%arg8 : memref<80x128xi32, #tpu.memory_space<vmem>>) target_semaphore(%run_scoped3A : memref<!tpu.dma_semaphore, #tpu.memory_space<semaphore_mem>>)
        %dma_wait3A_67 = arith.constant 0 : i32
        %dma_wait3A_68 = tpu.memref_slice %arg5[%mul3A_62, %dma_wait3A_67] : memref<2500x128xi32, #tpu.memory_space<hbm>> -> memref<80x128xi32, #tpu.memory_space<hbm>>
        %dma_wait3A_69 = arith.constant 0 : i32
        %dma_wait3A_70 = tpu.memref_slice %arg5[%mul3A_62, %dma_wait3A_69] : memref<2500x128xi32, #tpu.memory_space<hbm>> -> memref<80x128xi32, #tpu.memory_space<hbm>>
        tpu.wait_dma2 semaphore(%run_scoped3A : memref<!tpu.dma_semaphore, #tpu.memory_space<semaphore_mem>>) src(%dma_wait3A_70 : memref<80x128xi32, #tpu.memory_space<hbm>>) dst(%arg8 : memref<80x128xi32, #tpu.memory_space<vmem>>)
        tpu.yield
      }) : () -> ()
    } else {
    }
    %eq3A = arith.constant 31 : i32
    %eq3A_6 = arith.cmpi eq, %add3A, %eq3A : i32
    %convert_element_type3A_7 = arith.extui %eq3A_6 : i1 to i32
    %cond3A_8 = arith.constant 0 : i32
    %cond3A_9 = arith.cmpi ne, %convert_element_type3A_7, %cond3A_8 : i32
    scf.if %cond3A_9 {
      "tpu.region"() ({
        %run_scoped3A = tpu.sem_alloc : memref<!tpu.dma_semaphore, #tpu.memory_space<semaphore_mem>>
        %dma_start3A_59 = arith.constant 0 : i32
        %dma_start3A_60 = arith.constant 0 : i32
        %dma_start3A_61 = tpu.memref_slice %arg7[%dma_start3A_59, %dma_start3A_60] : memref<80x128xi32, #tpu.memory_space<vmem>> -> memref<20x128xi32, #tpu.memory_space<vmem>>
        %dma_start3A_62 = arith.constant 2480 : i32
        %dma_start3A_63 = arith.constant 0 : i32
        %dma_start3A_64 = tpu.memref_slice %arg4[%dma_start3A_62, %dma_start3A_63] : memref<2500x128xi32, #tpu.memory_space<hbm>> -> memref<20x128xi32, #tpu.memory_space<hbm>>
        %dma_start3A_65 = arith.constant 0 : i32
        %dma_start3A_66 = arith.constant 0 : i32
        %dma_start3A_67 = tpu.memref_slice %arg7[%dma_start3A_65, %dma_start3A_66] : memref<80x128xi32, #tpu.memory_space<vmem>> -> memref<20x128xi32, #tpu.memory_space<vmem>>
        %dma_start3A_68 = arith.constant 2480 : i32
        %dma_start3A_69 = arith.constant 0 : i32
        %dma_start3A_70 = tpu.memref_slice %arg4[%dma_start3A_68, %dma_start3A_69] : memref<2500x128xi32, #tpu.memory_space<hbm>> -> memref<20x128xi32, #tpu.memory_space<hbm>>
        tpu.enqueue_dma source(%dma_start3A_70 : memref<20x128xi32, #tpu.memory_space<hbm>>) target(%dma_start3A_67 : memref<20x128xi32, #tpu.memory_space<vmem>>) target_semaphore(%run_scoped3A : memref<!tpu.dma_semaphore, #tpu.memory_space<semaphore_mem>>)
        %dma_wait3A_71 = arith.constant 0 : i32
        %dma_wait3A_72 = arith.constant 0 : i32
        %dma_wait3A_73 = tpu.memref_slice %arg7[%dma_wait3A_71, %dma_wait3A_72] : memref<80x128xi32, #tpu.memory_space<vmem>> -> memref<20x128xi32, #tpu.memory_space<vmem>>
        %dma_wait3A_74 = arith.constant 2480 : i32
        %dma_wait3A_75 = arith.constant 0 : i32
        %dma_wait3A_76 = tpu.memref_slice %arg4[%dma_wait3A_74, %dma_wait3A_75] : memref<2500x128xi32, #tpu.memory_space<hbm>> -> memref<20x128xi32, #tpu.memory_space<hbm>>
        %dma_wait3A_77 = arith.constant 0 : i32
        %dma_wait3A_78 = arith.constant 0 : i32
        %dma_wait3A_79 = tpu.memref_slice %arg7[%dma_wait3A_77, %dma_wait3A_78] : memref<80x128xi32, #tpu.memory_space<vmem>> -> memref<20x128xi32, #tpu.memory_space<vmem>>
        %dma_wait3A_80 = arith.constant 2480 : i32
        %dma_wait3A_81 = arith.constant 0 : i32
        %dma_wait3A_82 = tpu.memref_slice %arg4[%dma_wait3A_80, %dma_wait3A_81] : memref<2500x128xi32, #tpu.memory_space<hbm>> -> memref<20x128xi32, #tpu.memory_space<hbm>>
        tpu.wait_dma2 semaphore(%run_scoped3A : memref<!tpu.dma_semaphore, #tpu.memory_space<semaphore_mem>>) src(%dma_wait3A_82 : memref<20x128xi32, #tpu.memory_space<hbm>>) dst(%dma_wait3A_79 : memref<20x128xi32, #tpu.memory_space<vmem>>)
        tpu.yield
      }) : () -> ()
      "tpu.region"() ({
        %run_scoped3A = tpu.sem_alloc : memref<!tpu.dma_semaphore, #tpu.memory_space<semaphore_mem>>
        %dma_start3A_59 = arith.constant 0 : i32
        %dma_start3A_60 = arith.constant 0 : i32
        %dma_start3A_61 = tpu.memref_slice %arg8[%dma_start3A_59, %dma_start3A_60] : memref<80x128xi32, #tpu.memory_space<vmem>> -> memref<20x128xi32, #tpu.memory_space<vmem>>
        %dma_start3A_62 = arith.constant 2480 : i32
        %dma_start3A_63 = arith.constant 0 : i32
        %dma_start3A_64 = tpu.memref_slice %arg5[%dma_start3A_62, %dma_start3A_63] : memref<2500x128xi32, #tpu.memory_space<hbm>> -> memref<20x128xi32, #tpu.memory_space<hbm>>
        %dma_start3A_65 = arith.constant 0 : i32
        %dma_start3A_66 = arith.constant 0 : i32
        %dma_start3A_67 = tpu.memref_slice %arg8[%dma_start3A_65, %dma_start3A_66] : memref<80x128xi32, #tpu.memory_space<vmem>> -> memref<20x128xi32, #tpu.memory_space<vmem>>
        %dma_start3A_68 = arith.constant 2480 : i32
        %dma_start3A_69 = arith.constant 0 : i32
        %dma_start3A_70 = tpu.memref_slice %arg5[%dma_start3A_68, %dma_start3A_69] : memref<2500x128xi32, #tpu.memory_space<hbm>> -> memref<20x128xi32, #tpu.memory_space<hbm>>
        tpu.enqueue_dma source(%dma_start3A_70 : memref<20x128xi32, #tpu.memory_space<hbm>>) target(%dma_start3A_67 : memref<20x128xi32, #tpu.memory_space<vmem>>) target_semaphore(%run_scoped3A : memref<!tpu.dma_semaphore, #tpu.memory_space<semaphore_mem>>)
        %dma_wait3A_71 = arith.constant 0 : i32
        %dma_wait3A_72 = arith.constant 0 : i32
        %dma_wait3A_73 = tpu.memref_slice %arg8[%dma_wait3A_71, %dma_wait3A_72] : memref<80x128xi32, #tpu.memory_space<vmem>> -> memref<20x128xi32, #tpu.memory_space<vmem>>
        %dma_wait3A_74 = arith.constant 2480 : i32
        %dma_wait3A_75 = arith.constant 0 : i32
        %dma_wait3A_76 = tpu.memref_slice %arg5[%dma_wait3A_74, %dma_wait3A_75] : memref<2500x128xi32, #tpu.memory_space<hbm>> -> memref<20x128xi32, #tpu.memory_space<hbm>>
        %dma_wait3A_77 = arith.constant 0 : i32
        %dma_wait3A_78 = arith.constant 0 : i32
        %dma_wait3A_79 = tpu.memref_slice %arg8[%dma_wait3A_77, %dma_wait3A_78] : memref<80x128xi32, #tpu.memory_space<vmem>> -> memref<20x128xi32, #tpu.memory_space<vmem>>
        %dma_wait3A_80 = arith.constant 2480 : i32
        %dma_wait3A_81 = arith.constant 0 : i32
        %dma_wait3A_82 = tpu.memref_slice %arg5[%dma_wait3A_80, %dma_wait3A_81] : memref<2500x128xi32, #tpu.memory_space<hbm>> -> memref<20x128xi32, #tpu.memory_space<hbm>>
        tpu.wait_dma2 semaphore(%run_scoped3A : memref<!tpu.dma_semaphore, #tpu.memory_space<semaphore_mem>>) src(%dma_wait3A_82 : memref<20x128xi32, #tpu.memory_space<hbm>>) dst(%dma_wait3A_79 : memref<20x128xi32, #tpu.memory_space<vmem>>)
        tpu.yield
      }) : () -> ()
    } else {
    }
    %dma_start3A = arith.constant 0 : i32
    %dma_start3A_10 = arith.constant 0 : i32
    %dma_start3A_11 = tpu.memref_slice %arg7[%dma_start3A, %dma_start3A_10] : memref<80x128xi32, #tpu.memory_space<vmem>> -> memref<1x128xi32, #tpu.memory_space<vmem>>
    %dma_start3A_12 = tpu.memref_squeeze %dma_start3A_11 : memref<1x128xi32, #tpu.memory_space<vmem>> -> memref<128xi32, #tpu.memory_space<vmem>>
    %dma_start3A_13 = arith.constant 0 : i32
    %dma_start3A_14 = arith.constant 0 : i32
    %dma_start3A_15 = tpu.memref_slice %arg2[%dma_start3A_13, %dma_start3A_14] : memref<10000x128xf32, #tpu.memory_space<hbm>> -> memref<10000x128xf32, #tpu.memory_space<hbm>>
    tpu.enqueue_indirect_dma source(%dma_start3A_15 : memref<10000x128xf32, #tpu.memory_space<hbm>>) target(%arg9 : memref<128x128xf32, #tpu.memory_space<vmem>>) offsets(%dma_start3A_12 : memref<128xi32, #tpu.memory_space<vmem>>) semaphore(%arg15 : memref<!tpu.dma_semaphore, #tpu.memory_space<semaphore_mem>>)
    %dma_start3A_16 = arith.constant 0 : i32
    %dma_start3A_17 = arith.constant 0 : i32
    %dma_start3A_18 = tpu.memref_slice %arg8[%dma_start3A_16, %dma_start3A_17] : memref<80x128xi32, #tpu.memory_space<vmem>> -> memref<1x128xi32, #tpu.memory_space<vmem>>
    %dma_start3A_19 = tpu.memref_squeeze %dma_start3A_18 : memref<1x128xi32, #tpu.memory_space<vmem>> -> memref<128xi32, #tpu.memory_space<vmem>>
    %dma_start3A_20 = arith.constant 0 : i32
    %dma_start3A_21 = arith.constant 0 : i32
    %dma_start3A_22 = tpu.memref_slice %arg3[%dma_start3A_20, %dma_start3A_21] : memref<10000x128xf32, #tpu.memory_space<hbm>> -> memref<10000x128xf32, #tpu.memory_space<hbm>>
    tpu.enqueue_indirect_dma source(%dma_start3A_22 : memref<10000x128xf32, #tpu.memory_space<hbm>>) target(%arg10 : memref<128x128xf32, #tpu.memory_space<vmem>>) offsets(%dma_start3A_19 : memref<128xi32, #tpu.memory_space<vmem>>) semaphore(%arg16 : memref<!tpu.dma_semaphore, #tpu.memory_space<semaphore_mem>>)
    %dma_start3A_23 = arith.constant 1 : i32
    %dma_start3A_24 = arith.constant 0 : i32
    %dma_start3A_25 = tpu.memref_slice %arg7[%dma_start3A_23, %dma_start3A_24] : memref<80x128xi32, #tpu.memory_space<vmem>> -> memref<1x128xi32, #tpu.memory_space<vmem>>
    %dma_start3A_26 = tpu.memref_squeeze %dma_start3A_25 : memref<1x128xi32, #tpu.memory_space<vmem>> -> memref<128xi32, #tpu.memory_space<vmem>>
    %dma_start3A_27 = arith.constant 0 : i32
    %dma_start3A_28 = arith.constant 0 : i32
    %dma_start3A_29 = tpu.memref_slice %arg2[%dma_start3A_27, %dma_start3A_28] : memref<10000x128xf32, #tpu.memory_space<hbm>> -> memref<10000x128xf32, #tpu.memory_space<hbm>>
    tpu.enqueue_indirect_dma source(%dma_start3A_29 : memref<10000x128xf32, #tpu.memory_space<hbm>>) target(%arg11 : memref<128x128xf32, #tpu.memory_space<vmem>>) offsets(%dma_start3A_26 : memref<128xi32, #tpu.memory_space<vmem>>) semaphore(%arg17 : memref<!tpu.dma_semaphore, #tpu.memory_space<semaphore_mem>>)
    %dma_start3A_30 = arith.constant 1 : i32
    %dma_start3A_31 = arith.constant 0 : i32
    %dma_start3A_32 = tpu.memref_slice %arg8[%dma_start3A_30, %dma_start3A_31] : memref<80x128xi32, #tpu.memory_space<vmem>> -> memref<1x128xi32, #tpu.memory_space<vmem>>
    %dma_start3A_33 = tpu.memref_squeeze %dma_start3A_32 : memref<1x128xi32, #tpu.memory_space<vmem>> -> memref<128xi32, #tpu.memory_space<vmem>>
    %dma_start3A_34 = arith.constant 0 : i32
    %dma_start3A_35 = arith.constant 0 : i32
    %dma_start3A_36 = tpu.memref_slice %arg3[%dma_start3A_34, %dma_start3A_35] : memref<10000x128xf32, #tpu.memory_space<hbm>> -> memref<10000x128xf32, #tpu.memory_space<hbm>>
    tpu.enqueue_indirect_dma source(%dma_start3A_36 : memref<10000x128xf32, #tpu.memory_space<hbm>>) target(%arg12 : memref<128x128xf32, #tpu.memory_space<vmem>>) offsets(%dma_start3A_33 : memref<128xi32, #tpu.memory_space<vmem>>) semaphore(%arg18 : memref<!tpu.dma_semaphore, #tpu.memory_space<semaphore_mem>>)
    %scan3A = arith.constant 0 : i32
    %scan3A_37 = arith.constant 0 : i32
    %scan3A_38 = arith.constant 27 : i32
    %scan3A_39 = arith.addi %scan3A_37, %scan3A_38 : i32
    %scan3A_40 = arith.constant 1 : i32
    scf.for %scan3A_59 = %scan3A_37 to %scan3A_39 step %scan3A_40  : i32 {
      %mul3A_60 = arith.constant 3 : i32
      %mul3A_61 = arith.muli %mul3A_60, %scan3A_59 : i32
      %add3A_62 = arith.constant 0 : i32
      %add3A_63 = arith.addi %mul3A_61, %add3A_62 : i32
      %add3A_64 = arith.constant 2 : i32
      %add3A_65 = arith.addi %add3A_63, %add3A_64 : i32
      %lt3A_66 = arith.cmpi slt, %add3A_65, %select_n3A : i32
      %ge3A = arith.constant 1 : i32
      %ge3A_67 = arith.cmpi sge, %add3A_63, %ge3A : i32
      %and3A = arith.andi %lt3A_66, %ge3A_67 : i1
      %convert_element_type3A_68 = arith.extui %and3A : i1 to i32
      %cond3A_69 = arith.constant 0 : i32
      %cond3A_70 = arith.cmpi ne, %convert_element_type3A_68, %cond3A_69 : i32
      scf.if %cond3A_70 {
        %dma_wait3A_127 = arith.constant 0 : i32
        %dma_wait3A_128 = arith.constant 0 : i32
        %dma_wait3A_129 = tpu.memref_slice %arg6[%dma_wait3A_127, %dma_wait3A_128] : memref<320000x128xf32, #tpu.memory_space<hbm>> -> memref<128x128xf32, #tpu.memory_space<hbm>>
        %dma_wait3A_130 = arith.constant 0 : i32
        %dma_wait3A_131 = arith.constant 0 : i32
        %dma_wait3A_132 = tpu.memref_slice %arg6[%dma_wait3A_130, %dma_wait3A_131] : memref<320000x128xf32, #tpu.memory_space<hbm>> -> memref<128x128xf32, #tpu.memory_space<hbm>>
        tpu.wait_dma2 semaphore(%arg23 : memref<!tpu.dma_semaphore, #tpu.memory_space<semaphore_mem>>) src(%arg13 : memref<128x128xf32, #tpu.memory_space<vmem>>) dst(%dma_wait3A_132 : memref<128x128xf32, #tpu.memory_space<hbm>>)
      } else {
      }
      %add3A_71 = arith.constant 2 : i32
      %add3A_72 = arith.addi %add3A_63, %add3A_71 : i32
      %lt3A_73 = arith.cmpi slt, %add3A_72, %select_n3A : i32
      %convert_element_type3A_74 = arith.extui %lt3A_73 : i1 to i32
      %cond3A_75 = arith.constant 0 : i32
      %cond3A_76 = arith.cmpi ne, %convert_element_type3A_74, %cond3A_75 : i32
      scf.if %cond3A_76 {
        %add3A_127 = arith.constant 2 : i32
        %add3A_128 = arith.addi %add3A_63, %add3A_127 : i32
        %dma_start3A_129 = arith.constant 0 : i32
        %dma_start3A_130 = tpu.memref_slice %arg7[%add3A_128, %dma_start3A_129] : memref<80x128xi32, #tpu.memory_space<vmem>> -> memref<1x128xi32, #tpu.memory_space<vmem>>
        %dma_start3A_131 = tpu.memref_squeeze %dma_start3A_130 : memref<1x128xi32, #tpu.memory_space<vmem>> -> memref<128xi32, #tpu.memory_space<vmem>>
        %dma_start3A_132 = arith.constant 0 : i32
        %dma_start3A_133 = arith.constant 0 : i32
        %dma_start3A_134 = tpu.memref_slice %arg2[%dma_start3A_132, %dma_start3A_133] : memref<10000x128xf32, #tpu.memory_space<hbm>> -> memref<10000x128xf32, #tpu.memory_space<hbm>>
        tpu.enqueue_indirect_dma source(%dma_start3A_134 : memref<10000x128xf32, #tpu.memory_space<hbm>>) target(%arg13 : memref<128x128xf32, #tpu.memory_space<vmem>>) offsets(%dma_start3A_131 : memref<128xi32, #tpu.memory_space<vmem>>) semaphore(%arg19 : memref<!tpu.dma_semaphore, #tpu.memory_space<semaphore_mem>>)
        %dma_start3A_135 = arith.constant 0 : i32
        %dma_start3A_136 = tpu.memref_slice %arg8[%add3A_128, %dma_start3A_135] : memref<80x128xi32, #tpu.memory_space<vmem>> -> memref<1x128xi32, #tpu.memory_space<vmem>>
        %dma_start3A_137 = tpu.memref_squeeze %dma_start3A_136 : memref<1x128xi32, #tpu.memory_space<vmem>> -> memref<128xi32, #tpu.memory_space<vmem>>
        %dma_start3A_138 = arith.constant 0 : i32
        %dma_start3A_139 = arith.constant 0 : i32
        %dma_start3A_140 = tpu.memref_slice %arg3[%dma_start3A_138, %dma_start3A_139] : memref<10000x128xf32, #tpu.memory_space<hbm>> -> memref<10000x128xf32, #tpu.memory_space<hbm>>
        tpu.enqueue_indirect_dma source(%dma_start3A_140 : memref<10000x128xf32, #tpu.memory_space<hbm>>) target(%arg14 : memref<128x128xf32, #tpu.memory_space<vmem>>) offsets(%dma_start3A_137 : memref<128xi32, #tpu.memory_space<vmem>>) semaphore(%arg20 : memref<!tpu.dma_semaphore, #tpu.memory_space<semaphore_mem>>)
      } else {
      }
      %lt3A_77 = arith.cmpi slt, %add3A_63, %select_n3A : i32
      %convert_element_type3A_78 = arith.extui %lt3A_77 : i1 to i32
      %cond3A_79 = arith.constant 0 : i32
      %cond3A_80 = arith.cmpi ne, %convert_element_type3A_78, %cond3A_79 : i32
      scf.if %cond3A_80 {
        %dma_wait3A_127 = arith.constant 0 : i32
        %dma_wait3A_128 = arith.constant 0 : i32
        %dma_wait3A_129 = tpu.memref_slice %arg7[%dma_wait3A_127, %dma_wait3A_128] : memref<80x128xi32, #tpu.memory_space<vmem>> -> memref<1x128xi32, #tpu.memory_space<vmem>>
        %dma_wait3A_130 = tpu.memref_squeeze %dma_wait3A_129 : memref<1x128xi32, #tpu.memory_space<vmem>> -> memref<128xi32, #tpu.memory_space<vmem>>
        %dma_wait3A_131 = arith.constant 0 : i32
        %dma_wait3A_132 = arith.constant 0 : i32
        %dma_wait3A_133 = tpu.memref_slice %arg2[%dma_wait3A_131, %dma_wait3A_132] : memref<10000x128xf32, #tpu.memory_space<hbm>> -> memref<10000x128xf32, #tpu.memory_space<hbm>>
        tpu.wait_indirect_dma semaphore(%arg15 : memref<!tpu.dma_semaphore, #tpu.memory_space<semaphore_mem>>) src(%dma_wait3A_133 : memref<10000x128xf32, #tpu.memory_space<hbm>>) dst(%arg9 : memref<128x128xf32, #tpu.memory_space<vmem>>)
        %dma_wait3A_134 = arith.constant 0 : i32
        %dma_wait3A_135 = arith.constant 0 : i32
        %dma_wait3A_136 = tpu.memref_slice %arg8[%dma_wait3A_134, %dma_wait3A_135] : memref<80x128xi32, #tpu.memory_space<vmem>> -> memref<1x128xi32, #tpu.memory_space<vmem>>
        %dma_wait3A_137 = tpu.memref_squeeze %dma_wait3A_136 : memref<1x128xi32, #tpu.memory_space<vmem>> -> memref<128xi32, #tpu.memory_space<vmem>>
        %dma_wait3A_138 = arith.constant 0 : i32
        %dma_wait3A_139 = arith.constant 0 : i32
        %dma_wait3A_140 = tpu.memref_slice %arg3[%dma_wait3A_138, %dma_wait3A_139] : memref<10000x128xf32, #tpu.memory_space<hbm>> -> memref<10000x128xf32, #tpu.memory_space<hbm>>
        tpu.wait_indirect_dma semaphore(%arg16 : memref<!tpu.dma_semaphore, #tpu.memory_space<semaphore_mem>>) src(%dma_wait3A_140 : memref<10000x128xf32, #tpu.memory_space<hbm>>) dst(%arg10 : memref<128x128xf32, #tpu.memory_space<vmem>>)
        %scan3A_141 = arith.constant 0 : i32
        %scan3A_142 = arith.constant 0 : i32
        %scan3A_143 = arith.constant 128 : i32
        %scan3A_144 = arith.addi %scan3A_142, %scan3A_143 : i32
        %scan3A_145 = arith.constant 1 : i32
        scf.for %scan3A_156 = %scan3A_142 to %scan3A_144 step %scan3A_145  : i32 {
          %get3A = arith.index_cast %scan3A_156 : i32 to index
          %get3A_157 = arith.constant 0 : index
          %get3A_158 = tpu.vector_load %arg9[%get3A, %get3A_157] {strides = array<i32>} : memref<128x128xf32, #tpu.memory_space<vmem>>, vector<1x16xf32>,
          %get3A_159 = vector.shape_cast %get3A_158 : vector<1x16xf32> to vector<16xf32>
          %get3A_160 = arith.index_cast %scan3A_156 : i32 to index
          %get3A_161 = arith.constant 0 : index
          %get3A_162 = tpu.vector_load %arg10[%get3A_160, %get3A_161] {strides = array<i32>} : memref<128x128xf32, #tpu.memory_space<vmem>>, vector<1x16xf32>,
          %get3A_163 = vector.shape_cast %get3A_162 : vector<1x16xf32> to vector<16xf32>
          %add3A_164 = arith.addf %get3A_159, %get3A_163 : vector<16xf32>
          %swap3A = arith.index_cast %scan3A_156 : i32 to index
          %swap3A_165 = arith.constant 0 : index
          %swap3A_166 = tpu.vector_load %arg9[%swap3A, %swap3A_165] {strides = array<i32>} : memref<128x128xf32, #tpu.memory_space<vmem>>, vector<1x16xf32>,
          %swap3A_167 = vector.shape_cast %swap3A_166 : vector<1x16xf32> to vector<16xf32>
          %swap3A_168 = vector.shape_cast %add3A_164 : vector<16xf32> to vector<1x16xf32>
          tpu.vector_store %arg9[%swap3A, %swap3A_165], %swap3A_168 {strides = array<i32>} : memref<128x128xf32, #tpu.memory_space<vmem>>, vector<1x16xf32>,
          %get3A_169 = arith.index_cast %scan3A_156 : i32 to index
          %get3A_170 = arith.constant 16 : index
          %get3A_171 = tpu.vector_load %arg9[%get3A_169, %get3A_170] {strides = array<i32>} : memref<128x128xf32, #tpu.memory_space<vmem>>, vector<1x16xf32>,
          %get3A_172 = vector.shape_cast %get3A_171 : vector<1x16xf32> to vector<16xf32>
          %get3A_173 = arith.index_cast %scan3A_156 : i32 to index
          %get3A_174 = arith.constant 16 : index
          %get3A_175 = tpu.vector_load %arg10[%get3A_173, %get3A_174] {strides = array<i32>} : memref<128x128xf32, #tpu.memory_space<vmem>>, vector<1x16xf32>,
          %get3A_176 = vector.shape_cast %get3A_175 : vector<1x16xf32> to vector<16xf32>
          %add3A_177 = arith.addf %get3A_172, %get3A_176 : vector<16xf32>
          %swap3A_178 = arith.index_cast %scan3A_156 : i32 to index
          %swap3A_179 = arith.constant 16 : index
          %swap3A_180 = tpu.vector_load %arg9[%swap3A_178, %swap3A_179] {strides = array<i32>} : memref<128x128xf32, #tpu.memory_space<vmem>>, vector<1x16xf32>,
          %swap3A_181 = vector.shape_cast %swap3A_180 : vector<1x16xf32> to vector<16xf32>
          %swap3A_182 = vector.shape_cast %add3A_177 : vector<16xf32> to vector<1x16xf32>
          tpu.vector_store %arg9[%swap3A_178, %swap3A_179], %swap3A_182 {strides = array<i32>} : memref<128x128xf32, #tpu.memory_space<vmem>>, vector<1x16xf32>,
          %get3A_183 = arith.index_cast %scan3A_156 : i32 to index
          %get3A_184 = arith.constant 32 : index
          %get3A_185 = tpu.vector_load %arg9[%get3A_183, %get3A_184] {strides = array<i32>} : memref<128x128xf32, #tpu.memory_space<vmem>>, vector<1x16xf32>,
          %get3A_186 = vector.shape_cast %get3A_185 : vector<1x16xf32> to vector<16xf32>
          %get3A_187 = arith.index_cast %scan3A_156 : i32 to index
          %get3A_188 = arith.constant 32 : index
          %get3A_189 = tpu.vector_load %arg10[%get3A_187, %get3A_188] {strides = array<i32>} : memref<128x128xf32, #tpu.memory_space<vmem>>, vector<1x16xf32>,
          %get3A_190 = vector.shape_cast %get3A_189 : vector<1x16xf32> to vector<16xf32>
          %add3A_191 = arith.addf %get3A_186, %get3A_190 : vector<16xf32>
          %swap3A_192 = arith.index_cast %scan3A_156 : i32 to index
          %swap3A_193 = arith.constant 32 : index
          %swap3A_194 = tpu.vector_load %arg9[%swap3A_192, %swap3A_193] {strides = array<i32>} : memref<128x128xf32, #tpu.memory_space<vmem>>, vector<1x16xf32>,
          %swap3A_195 = vector.shape_cast %swap3A_194 : vector<1x16xf32> to vector<16xf32>
          %swap3A_196 = vector.shape_cast %add3A_191 : vector<16xf32> to vector<1x16xf32>
          tpu.vector_store %arg9[%swap3A_192, %swap3A_193], %swap3A_196 {strides = array<i32>} : memref<128x128xf32, #tpu.memory_space<vmem>>, vector<1x16xf32>,
          %get3A_197 = arith.index_cast %scan3A_156 : i32 to index
          %get3A_198 = arith.constant 48 : index
          %get3A_199 = tpu.vector_load %arg9[%get3A_197, %get3A_198] {strides = array<i32>} : memref<128x128xf32, #tpu.memory_space<vmem>>, vector<1x16xf32>,
          %get3A_200 = vector.shape_cast %get3A_199 : vector<1x16xf32> to vector<16xf32>
          %get3A_201 = arith.index_cast %scan3A_156 : i32 to index
          %get3A_202 = arith.constant 48 : index
          %get3A_203 = tpu.vector_load %arg10[%get3A_201, %get3A_202] {strides = array<i32>} : memref<128x128xf32, #tpu.memory_space<vmem>>, vector<1x16xf32>,
          %get3A_204 = vector.shape_cast %get3A_203 : vector<1x16xf32> to vector<16xf32>
          %add3A_205 = arith.addf %get3A_200, %get3A_204 : vector<16xf32>
          %swap3A_206 = arith.index_cast %scan3A_156 : i32 to index
          %swap3A_207 = arith.constant 48 : index
          %swap3A_208 = tpu.vector_load %arg9[%swap3A_206, %swap3A_207] {strides = array<i32>} : memref<128x128xf32, #tpu.memory_space<vmem>>, vector<1x16xf32>,
          %swap3A_209 = vector.shape_cast %swap3A_208 : vector<1x16xf32> to vector<16xf32>
          %swap3A_210 = vector.shape_cast %add3A_205 : vector<16xf32> to vector<1x16xf32>
          tpu.vector_store %arg9[%swap3A_206, %swap3A_207], %swap3A_210 {strides = array<i32>} : memref<128x128xf32, #tpu.memory_space<vmem>>, vector<1x16xf32>,
          %get3A_211 = arith.index_cast %scan3A_156 : i32 to index
          %get3A_212 = arith.constant 64 : index
          %get3A_213 = tpu.vector_load %arg9[%get3A_211, %get3A_212] {strides = array<i32>} : memref<128x128xf32, #tpu.memory_space<vmem>>, vector<1x16xf32>,
          %get3A_214 = vector.shape_cast %get3A_213 : vector<1x16xf32> to vector<16xf32>
          %get3A_215 = arith.index_cast %scan3A_156 : i32 to index
          %get3A_216 = arith.constant 64 : index
          %get3A_217 = tpu.vector_load %arg10[%get3A_215, %get3A_216] {strides = array<i32>} : memref<128x128xf32, #tpu.memory_space<vmem>>, vector<1x16xf32>,
          %get3A_218 = vector.shape_cast %get3A_217 : vector<1x16xf32> to vector<16xf32>
          %add3A_219 = arith.addf %get3A_214, %get3A_218 : vector<16xf32>
          %swap3A_220 = arith.index_cast %scan3A_156 : i32 to index
          %swap3A_221 = arith.constant 64 : index
          %swap3A_222 = tpu.vector_load %arg9[%swap3A_220, %swap3A_221] {strides = array<i32>} : memref<128x128xf32, #tpu.memory_space<vmem>>, vector<1x16xf32>,
          %swap3A_223 = vector.shape_cast %swap3A_222 : vector<1x16xf32> to vector<16xf32>
          %swap3A_224 = vector.shape_cast %add3A_219 : vector<16xf32> to vector<1x16xf32>
          tpu.vector_store %arg9[%swap3A_220, %swap3A_221], %swap3A_224 {strides = array<i32>} : memref<128x128xf32, #tpu.memory_space<vmem>>, vector<1x16xf32>,
          %get3A_225 = arith.index_cast %scan3A_156 : i32 to index
          %get3A_226 = arith.constant 80 : index
          %get3A_227 = tpu.vector_load %arg9[%get3A_225, %get3A_226] {strides = array<i32>} : memref<128x128xf32, #tpu.memory_space<vmem>>, vector<1x16xf32>,
          %get3A_228 = vector.shape_cast %get3A_227 : vector<1x16xf32> to vector<16xf32>
          %get3A_229 = arith.index_cast %scan3A_156 : i32 to index
          %get3A_230 = arith.constant 80 : index
          %get3A_231 = tpu.vector_load %arg10[%get3A_229, %get3A_230] {strides = array<i32>} : memref<128x128xf32, #tpu.memory_space<vmem>>, vector<1x16xf32>,
          %get3A_232 = vector.shape_cast %get3A_231 : vector<1x16xf32> to vector<16xf32>
          %add3A_233 = arith.addf %get3A_228, %get3A_232 : vector<16xf32>
          %swap3A_234 = arith.index_cast %scan3A_156 : i32 to index
          %swap3A_235 = arith.constant 80 : index
          %swap3A_236 = tpu.vector_load %arg9[%swap3A_234, %swap3A_235] {strides = array<i32>} : memref<128x128xf32, #tpu.memory_space<vmem>>, vector<1x16xf32>,
          %swap3A_237 = vector.shape_cast %swap3A_236 : vector<1x16xf32> to vector<16xf32>
          %swap3A_238 = vector.shape_cast %add3A_233 : vector<16xf32> to vector<1x16xf32>
          tpu.vector_store %arg9[%swap3A_234, %swap3A_235], %swap3A_238 {strides = array<i32>} : memref<128x128xf32, #tpu.memory_space<vmem>>, vector<1x16xf32>,
          %get3A_239 = arith.index_cast %scan3A_156 : i32 to index
          %get3A_240 = arith.constant 96 : index
          %get3A_241 = tpu.vector_load %arg9[%get3A_239, %get3A_240] {strides = array<i32>} : memref<128x128xf32, #tpu.memory_space<vmem>>, vector<1x16xf32>,
          %get3A_242 = vector.shape_cast %get3A_241 : vector<1x16xf32> to vector<16xf32>
          %get3A_243 = arith.index_cast %scan3A_156 : i32 to index
          %get3A_244 = arith.constant 96 : index
          %get3A_245 = tpu.vector_load %arg10[%get3A_243, %get3A_244] {strides = array<i32>} : memref<128x128xf32, #tpu.memory_space<vmem>>, vector<1x16xf32>,
          %get3A_246 = vector.shape_cast %get3A_245 : vector<1x16xf32> to vector<16xf32>
          %add3A_247 = arith.addf %get3A_242, %get3A_246 : vector<16xf32>
          %swap3A_248 = arith.index_cast %scan3A_156 : i32 to index
          %swap3A_249 = arith.constant 96 : index
          %swap3A_250 = tpu.vector_load %arg9[%swap3A_248, %swap3A_249] {strides = array<i32>} : memref<128x128xf32, #tpu.memory_space<vmem>>, vector<1x16xf32>,
          %swap3A_251 = vector.shape_cast %swap3A_250 : vector<1x16xf32> to vector<16xf32>
          %swap3A_252 = vector.shape_cast %add3A_247 : vector<16xf32> to vector<1x16xf32>
          tpu.vector_store %arg9[%swap3A_248, %swap3A_249], %swap3A_252 {strides = array<i32>} : memref<128x128xf32, #tpu.memory_space<vmem>>, vector<1x16xf32>,
          %get3A_253 = arith.index_cast %scan3A_156 : i32 to index
          %get3A_254 = arith.constant 112 : index
          %get3A_255 = tpu.vector_load %arg9[%get3A_253, %get3A_254] {strides = array<i32>} : memref<128x128xf32, #tpu.memory_space<vmem>>, vector<1x16xf32>,
          %get3A_256 = vector.shape_cast %get3A_255 : vector<1x16xf32> to vector<16xf32>
          %get3A_257 = arith.index_cast %scan3A_156 : i32 to index
          %get3A_258 = arith.constant 112 : index
          %get3A_259 = tpu.vector_load %arg10[%get3A_257, %get3A_258] {strides = array<i32>} : memref<128x128xf32, #tpu.memory_space<vmem>>, vector<1x16xf32>,
          %get3A_260 = vector.shape_cast %get3A_259 : vector<1x16xf32> to vector<16xf32>
          %add3A_261 = arith.addf %get3A_256, %get3A_260 : vector<16xf32>
          %swap3A_262 = arith.index_cast %scan3A_156 : i32 to index
          %swap3A_263 = arith.constant 112 : index
          %swap3A_264 = tpu.vector_load %arg9[%swap3A_262, %swap3A_263] {strides = array<i32>} : memref<128x128xf32, #tpu.memory_space<vmem>>, vector<1x16xf32>,
          %swap3A_265 = vector.shape_cast %swap3A_264 : vector<1x16xf32> to vector<16xf32>
          %swap3A_266 = vector.shape_cast %add3A_261 : vector<16xf32> to vector<1x16xf32>
          tpu.vector_store %arg9[%swap3A_262, %swap3A_263], %swap3A_266 {strides = array<i32>} : memref<128x128xf32, #tpu.memory_space<vmem>>, vector<1x16xf32>,
        }
        %scan3A_146 = arith.constant 128 : i32
        %mul3A_147 = arith.constant 80 : i32
        %mul3A_148 = arith.muli %add3A, %mul3A_147 : i32
        %add3A_149 = arith.addi %mul3A_148, %add3A_63 : i32
        %mul3A_150 = arith.constant 128 : i32
        %mul3A_151 = arith.muli %add3A_149, %mul3A_150 : i32
        %dma_start3A_152 = arith.constant 0 : i32
        %dma_start3A_153 = tpu.memref_slice %arg6[%mul3A_151, %dma_start3A_152] : memref<320000x128xf32, #tpu.memory_space<hbm>> -> memref<128x128xf32, #tpu.memory_space<hbm>>
        %dma_start3A_154 = arith.constant 0 : i32
        %dma_start3A_155 = tpu.memref_slice %arg6[%mul3A_151, %dma_start3A_154] : memref<320000x128xf32, #tpu.memory_space<hbm>> -> memref<128x128xf32, #tpu.memory_space<hbm>>
        tpu.enqueue_dma source(%arg9 : memref<128x128xf32, #tpu.memory_space<vmem>>) target(%dma_start3A_155 : memref<128x128xf32, #tpu.memory_space<hbm>>) target_semaphore(%arg21 : memref<!tpu.dma_semaphore, #tpu.memory_space<semaphore_mem>>)
      } else {
      }
      %mul3A_81 = arith.constant 3 : i32
      %mul3A_82 = arith.muli %mul3A_81, %scan3A_59 : i32
      %add3A_83 = arith.constant 1 : i32
      %add3A_84 = arith.addi %mul3A_82, %add3A_83 : i32
      %add3A_85 = arith.constant 2 : i32
      %add3A_86 = arith.addi %add3A_84, %add3A_85 : i32
      %lt3A_87 = arith.cmpi slt, %add3A_86, %select_n3A : i32
      %ge3A_88 = arith.constant 1 : i32
      %ge3A_89 = arith.cmpi sge, %add3A_84, %ge3A_88 : i32
      %and3A_90 = arith.andi %lt3A_87, %ge3A_89 : i1
      %convert_element_type3A_91 = arith.extui %and3A_90 : i1 to i32
      %cond3A_92 = arith.constant 0 : i32
      %cond3A_93 = arith.cmpi ne, %convert_element_type3A_91, %cond3A_92 : i32
      scf.if %cond3A_93 {
        %dma_wait3A_127 = arith.constant 0 : i32
        %dma_wait3A_128 = arith.constant 0 : i32
        %dma_wait3A_129 = tpu.memref_slice %arg6[%dma_wait3A_127, %dma_wait3A_128] : memref<320000x128xf32, #tpu.memory_space<hbm>> -> memref<128x128xf32, #tpu.memory_space<hbm>>
        %dma_wait3A_130 = arith.constant 0 : i32
        %dma_wait3A_131 = arith.constant 0 : i32
        %dma_wait3A_132 = tpu.memref_slice %arg6[%dma_wait3A_130, %dma_wait3A_131] : memref<320000x128xf32, #tpu.memory_space<hbm>> -> memref<128x128xf32, #tpu.memory_space<hbm>>
        tpu.wait_dma2 semaphore(%arg21 : memref<!tpu.dma_semaphore, #tpu.memory_space<semaphore_mem>>) src(%arg9 : memref<128x128xf32, #tpu.memory_space<vmem>>) dst(%dma_wait3A_132 : memref<128x128xf32, #tpu.memory_space<hbm>>)
      } else {
      }
      %add3A_94 = arith.constant 2 : i32
      %add3A_95 = arith.addi %add3A_84, %add3A_94 : i32
      %lt3A_96 = arith.cmpi slt, %add3A_95, %select_n3A : i32
      %convert_element_type3A_97 = arith.extui %lt3A_96 : i1 to i32
      %cond3A_98 = arith.constant 0 : i32
      %cond3A_99 = arith.cmpi ne, %convert_element_type3A_97, %cond3A_98 : i32
      scf.if %cond3A_99 {
        %add3A_127 = arith.constant 2 : i32
        %add3A_128 = arith.addi %add3A_84, %add3A_127 : i32
        %dma_start3A_129 = arith.constant 0 : i32
        %dma_start3A_130 = tpu.memref_slice %arg7[%add3A_128, %dma_start3A_129] : memref<80x128xi32, #tpu.memory_space<vmem>> -> memref<1x128xi32, #tpu.memory_space<vmem>>
        %dma_start3A_131 = tpu.memref_squeeze %dma_start3A_130 : memref<1x128xi32, #tpu.memory_space<vmem>> -> memref<128xi32, #tpu.memory_space<vmem>>
        %dma_start3A_132 = arith.constant 0 : i32
        %dma_start3A_133 = arith.constant 0 : i32
        %dma_start3A_134 = tpu.memref_slice %arg2[%dma_start3A_132, %dma_start3A_133] : memref<10000x128xf32, #tpu.memory_space<hbm>> -> memref<10000x128xf32, #tpu.memory_space<hbm>>
        tpu.enqueue_indirect_dma source(%dma_start3A_134 : memref<10000x128xf32, #tpu.memory_space<hbm>>) target(%arg9 : memref<128x128xf32, #tpu.memory_space<vmem>>) offsets(%dma_start3A_131 : memref<128xi32, #tpu.memory_space<vmem>>) semaphore(%arg15 : memref<!tpu.dma_semaphore, #tpu.memory_space<semaphore_mem>>)
        %dma_start3A_135 = arith.constant 0 : i32
        %dma_start3A_136 = tpu.memref_slice %arg8[%add3A_128, %dma_start3A_135] : memref<80x128xi32, #tpu.memory_space<vmem>> -> memref<1x128xi32, #tpu.memory_space<vmem>>
        %dma_start3A_137 = tpu.memref_squeeze %dma_start3A_136 : memref<1x128xi32, #tpu.memory_space<vmem>> -> memref<128xi32, #tpu.memory_space<vmem>>
        %dma_start3A_138 = arith.constant 0 : i32
        %dma_start3A_139 = arith.constant 0 : i32
        %dma_start3A_140 = tpu.memref_slice %arg3[%dma_start3A_138, %dma_start3A_139] : memref<10000x128xf32, #tpu.memory_space<hbm>> -> memref<10000x128xf32, #tpu.memory_space<hbm>>
        tpu.enqueue_indirect_dma source(%dma_start3A_140 : memref<10000x128xf32, #tpu.memory_space<hbm>>) target(%arg10 : memref<128x128xf32, #tpu.memory_space<vmem>>) offsets(%dma_start3A_137 : memref<128xi32, #tpu.memory_space<vmem>>) semaphore(%arg16 : memref<!tpu.dma_semaphore, #tpu.memory_space<semaphore_mem>>)
      } else {
      }
      %lt3A_100 = arith.cmpi slt, %add3A_84, %select_n3A : i32
      %convert_element_type3A_101 = arith.extui %lt3A_100 : i1 to i32
      %cond3A_102 = arith.constant 0 : i32
      %cond3A_103 = arith.cmpi ne, %convert_element_type3A_101, %cond3A_102 : i32
      scf.if %cond3A_103 {
        %dma_wait3A_127 = arith.constant 0 : i32
        %dma_wait3A_128 = arith.constant 0 : i32
        %dma_wait3A_129 = tpu.memref_slice %arg7[%dma_wait3A_127, %dma_wait3A_128] : memref<80x128xi32, #tpu.memory_space<vmem>> -> memref<1x128xi32, #tpu.memory_space<vmem>>
        %dma_wait3A_130 = tpu.memref_squeeze %dma_wait3A_129 : memref<1x128xi32, #tpu.memory_space<vmem>> -> memref<128xi32, #tpu.memory_space<vmem>>
        %dma_wait3A_131 = arith.constant 0 : i32
        %dma_wait3A_132 = arith.constant 0 : i32
        %dma_wait3A_133 = tpu.memref_slice %arg2[%dma_wait3A_131, %dma_wait3A_132] : memref<10000x128xf32, #tpu.memory_space<hbm>> -> memref<10000x128xf32, #tpu.memory_space<hbm>>
        tpu.wait_indirect_dma semaphore(%arg17 : memref<!tpu.dma_semaphore, #tpu.memory_space<semaphore_mem>>) src(%dma_wait3A_133 : memref<10000x128xf32, #tpu.memory_space<hbm>>) dst(%arg11 : memref<128x128xf32, #tpu.memory_space<vmem>>)
        %dma_wait3A_134 = arith.constant 0 : i32
        %dma_wait3A_135 = arith.constant 0 : i32
        %dma_wait3A_136 = tpu.memref_slice %arg8[%dma_wait3A_134, %dma_wait3A_135] : memref<80x128xi32, #tpu.memory_space<vmem>> -> memref<1x128xi32, #tpu.memory_space<vmem>>
        %dma_wait3A_137 = tpu.memref_squeeze %dma_wait3A_136 : memref<1x128xi32, #tpu.memory_space<vmem>> -> memref<128xi32, #tpu.memory_space<vmem>>
        %dma_wait3A_138 = arith.constant 0 : i32
        %dma_wait3A_139 = arith.constant 0 : i32
        %dma_wait3A_140 = tpu.memref_slice %arg3[%dma_wait3A_138, %dma_wait3A_139] : memref<10000x128xf32, #tpu.memory_space<hbm>> -> memref<10000x128xf32, #tpu.memory_space<hbm>>
        tpu.wait_indirect_dma semaphore(%arg18 : memref<!tpu.dma_semaphore, #tpu.memory_space<semaphore_mem>>) src(%dma_wait3A_140 : memref<10000x128xf32, #tpu.memory_space<hbm>>) dst(%arg12 : memref<128x128xf32, #tpu.memory_space<vmem>>)
        %scan3A_141 = arith.constant 0 : i32
        %scan3A_142 = arith.constant 0 : i32
        %scan3A_143 = arith.constant 128 : i32
        %scan3A_144 = arith.addi %scan3A_142, %scan3A_143 : i32
        %scan3A_145 = arith.constant 1 : i32
        scf.for %scan3A_156 = %scan3A_142 to %scan3A_144 step %scan3A_145  : i32 {
          %get3A = arith.index_cast %scan3A_156 : i32 to index
          %get3A_157 = arith.constant 0 : index
          %get3A_158 = tpu.vector_load %arg11[%get3A, %get3A_157] {strides = array<i32>} : memref<128x128xf32, #tpu.memory_space<vmem>>, vector<1x16xf32>,
          %get3A_159 = vector.shape_cast %get3A_158 : vector<1x16xf32> to vector<16xf32>
          %get3A_160 = arith.index_cast %scan3A_156 : i32 to index
          %get3A_161 = arith.constant 0 : index
          %get3A_162 = tpu.vector_load %arg12[%get3A_160, %get3A_161] {strides = array<i32>} : memref<128x128xf32, #tpu.memory_space<vmem>>, vector<1x16xf32>,
          %get3A_163 = vector.shape_cast %get3A_162 : vector<1x16xf32> to vector<16xf32>
          %add3A_164 = arith.addf %get3A_159, %get3A_163 : vector<16xf32>
          %swap3A = arith.index_cast %scan3A_156 : i32 to index
          %swap3A_165 = arith.constant 0 : index
          %swap3A_166 = tpu.vector_load %arg11[%swap3A, %swap3A_165] {strides = array<i32>} : memref<128x128xf32, #tpu.memory_space<vmem>>, vector<1x16xf32>,
          %swap3A_167 = vector.shape_cast %swap3A_166 : vector<1x16xf32> to vector<16xf32>
          %swap3A_168 = vector.shape_cast %add3A_164 : vector<16xf32> to vector<1x16xf32>
          tpu.vector_store %arg11[%swap3A, %swap3A_165], %swap3A_168 {strides = array<i32>} : memref<128x128xf32, #tpu.memory_space<vmem>>, vector<1x16xf32>,
          %get3A_169 = arith.index_cast %scan3A_156 : i32 to index
          %get3A_170 = arith.constant 16 : index
          %get3A_171 = tpu.vector_load %arg11[%get3A_169, %get3A_170] {strides = array<i32>} : memref<128x128xf32, #tpu.memory_space<vmem>>, vector<1x16xf32>,
          %get3A_172 = vector.shape_cast %get3A_171 : vector<1x16xf32> to vector<16xf32>
          %get3A_173 = arith.index_cast %scan3A_156 : i32 to index
          %get3A_174 = arith.constant 16 : index
          %get3A_175 = tpu.vector_load %arg12[%get3A_173, %get3A_174] {strides = array<i32>} : memref<128x128xf32, #tpu.memory_space<vmem>>, vector<1x16xf32>,
          %get3A_176 = vector.shape_cast %get3A_175 : vector<1x16xf32> to vector<16xf32>
          %add3A_177 = arith.addf %get3A_172, %get3A_176 : vector<16xf32>
          %swap3A_178 = arith.index_cast %scan3A_156 : i32 to index
          %swap3A_179 = arith.constant 16 : index
          %swap3A_180 = tpu.vector_load %arg11[%swap3A_178, %swap3A_179] {strides = array<i32>} : memref<128x128xf32, #tpu.memory_space<vmem>>, vector<1x16xf32>,
          %swap3A_181 = vector.shape_cast %swap3A_180 : vector<1x16xf32> to vector<16xf32>
          %swap3A_182 = vector.shape_cast %add3A_177 : vector<16xf32> to vector<1x16xf32>
          tpu.vector_store %arg11[%swap3A_178, %swap3A_179], %swap3A_182 {strides = array<i32>} : memref<128x128xf32, #tpu.memory_space<vmem>>, vector<1x16xf32>,
          %get3A_183 = arith.index_cast %scan3A_156 : i32 to index
          %get3A_184 = arith.constant 32 : index
          %get3A_185 = tpu.vector_load %arg11[%get3A_183, %get3A_184] {strides = array<i32>} : memref<128x128xf32, #tpu.memory_space<vmem>>, vector<1x16xf32>,
          %get3A_186 = vector.shape_cast %get3A_185 : vector<1x16xf32> to vector<16xf32>
          %get3A_187 = arith.index_cast %scan3A_156 : i32 to index
          %get3A_188 = arith.constant 32 : index
          %get3A_189 = tpu.vector_load %arg12[%get3A_187, %get3A_188] {strides = array<i32>} : memref<128x128xf32, #tpu.memory_space<vmem>>, vector<1x16xf32>,
          %get3A_190 = vector.shape_cast %get3A_189 : vector<1x16xf32> to vector<16xf32>
          %add3A_191 = arith.addf %get3A_186, %get3A_190 : vector<16xf32>
          %swap3A_192 = arith.index_cast %scan3A_156 : i32 to index
          %swap3A_193 = arith.constant 32 : index
          %swap3A_194 = tpu.vector_load %arg11[%swap3A_192, %swap3A_193] {strides = array<i32>} : memref<128x128xf32, #tpu.memory_space<vmem>>, vector<1x16xf32>,
          %swap3A_195 = vector.shape_cast %swap3A_194 : vector<1x16xf32> to vector<16xf32>
          %swap3A_196 = vector.shape_cast %add3A_191 : vector<16xf32> to vector<1x16xf32>
          tpu.vector_store %arg11[%swap3A_192, %swap3A_193], %swap3A_196 {strides = array<i32>} : memref<128x128xf32, #tpu.memory_space<vmem>>, vector<1x16xf32>,
          %get3A_197 = arith.index_cast %scan3A_156 : i32 to index
          %get3A_198 = arith.constant 48 : index
          %get3A_199 = tpu.vector_load %arg11[%get3A_197, %get3A_198] {strides = array<i32>} : memref<128x128xf32, #tpu.memory_space<vmem>>, vector<1x16xf32>,
          %get3A_200 = vector.shape_cast %get3A_199 : vector<1x16xf32> to vector<16xf32>
          %get3A_201 = arith.index_cast %scan3A_156 : i32 to index
          %get3A_202 = arith.constant 48 : index
          %get3A_203 = tpu.vector_load %arg12[%get3A_201, %get3A_202] {strides = array<i32>} : memref<128x128xf32, #tpu.memory_space<vmem>>, vector<1x16xf32>,
          %get3A_204 = vector.shape_cast %get3A_203 : vector<1x16xf32> to vector<16xf32>
          %add3A_205 = arith.addf %get3A_200, %get3A_204 : vector<16xf32>
          %swap3A_206 = arith.index_cast %scan3A_156 : i32 to index
          %swap3A_207 = arith.constant 48 : index
          %swap3A_208 = tpu.vector_load %arg11[%swap3A_206, %swap3A_207] {strides = array<i32>} : memref<128x128xf32, #tpu.memory_space<vmem>>, vector<1x16xf32>,
          %swap3A_209 = vector.shape_cast %swap3A_208 : vector<1x16xf32> to vector<16xf32>
          %swap3A_210 = vector.shape_cast %add3A_205 : vector<16xf32> to vector<1x16xf32>
          tpu.vector_store %arg11[%swap3A_206, %swap3A_207], %swap3A_210 {strides = array<i32>} : memref<128x128xf32, #tpu.memory_space<vmem>>, vector<1x16xf32>,
          %get3A_211 = arith.index_cast %scan3A_156 : i32 to index
          %get3A_212 = arith.constant 64 : index
          %get3A_213 = tpu.vector_load %arg11[%get3A_211, %get3A_212] {strides = array<i32>} : memref<128x128xf32, #tpu.memory_space<vmem>>, vector<1x16xf32>,
          %get3A_214 = vector.shape_cast %get3A_213 : vector<1x16xf32> to vector<16xf32>
          %get3A_215 = arith.index_cast %scan3A_156 : i32 to index
          %get3A_216 = arith.constant 64 : index
          %get3A_217 = tpu.vector_load %arg12[%get3A_215, %get3A_216] {strides = array<i32>} : memref<128x128xf32, #tpu.memory_space<vmem>>, vector<1x16xf32>,
          %get3A_218 = vector.shape_cast %get3A_217 : vector<1x16xf32> to vector<16xf32>
          %add3A_219 = arith.addf %get3A_214, %get3A_218 : vector<16xf32>
          %swap3A_220 = arith.index_cast %scan3A_156 : i32 to index
          %swap3A_221 = arith.constant 64 : index
          %swap3A_222 = tpu.vector_load %arg11[%swap3A_220, %swap3A_221] {strides = array<i32>} : memref<128x128xf32, #tpu.memory_space<vmem>>, vector<1x16xf32>,
          %swap3A_223 = vector.shape_cast %swap3A_222 : vector<1x16xf32> to vector<16xf32>
          %swap3A_224 = vector.shape_cast %add3A_219 : vector<16xf32> to vector<1x16xf32>
          tpu.vector_store %arg11[%swap3A_220, %swap3A_221], %swap3A_224 {strides = array<i32>} : memref<128x128xf32, #tpu.memory_space<vmem>>, vector<1x16xf32>,
          %get3A_225 = arith.index_cast %scan3A_156 : i32 to index
          %get3A_226 = arith.constant 80 : index
          %get3A_227 = tpu.vector_load %arg11[%get3A_225, %get3A_226] {strides = array<i32>} : memref<128x128xf32, #tpu.memory_space<vmem>>, vector<1x16xf32>,
          %get3A_228 = vector.shape_cast %get3A_227 : vector<1x16xf32> to vector<16xf32>
          %get3A_229 = arith.index_cast %scan3A_156 : i32 to index
          %get3A_230 = arith.constant 80 : index
          %get3A_231 = tpu.vector_load %arg12[%get3A_229, %get3A_230] {strides = array<i32>} : memref<128x128xf32, #tpu.memory_space<vmem>>, vector<1x16xf32>,
          %get3A_232 = vector.shape_cast %get3A_231 : vector<1x16xf32> to vector<16xf32>
          %add3A_233 = arith.addf %get3A_228, %get3A_232 : vector<16xf32>
          %swap3A_234 = arith.index_cast %scan3A_156 : i32 to index
          %swap3A_235 = arith.constant 80 : index
          %swap3A_236 = tpu.vector_load %arg11[%swap3A_234, %swap3A_235] {strides = array<i32>} : memref<128x128xf32, #tpu.memory_space<vmem>>, vector<1x16xf32>,
          %swap3A_237 = vector.shape_cast %swap3A_236 : vector<1x16xf32> to vector<16xf32>
          %swap3A_238 = vector.shape_cast %add3A_233 : vector<16xf32> to vector<1x16xf32>
          tpu.vector_store %arg11[%swap3A_234, %swap3A_235], %swap3A_238 {strides = array<i32>} : memref<128x128xf32, #tpu.memory_space<vmem>>, vector<1x16xf32>,
          %get3A_239 = arith.index_cast %scan3A_156 : i32 to index
          %get3A_240 = arith.constant 96 : index
          %get3A_241 = tpu.vector_load %arg11[%get3A_239, %get3A_240] {strides = array<i32>} : memref<128x128xf32, #tpu.memory_space<vmem>>, vector<1x16xf32>,
          %get3A_242 = vector.shape_cast %get3A_241 : vector<1x16xf32> to vector<16xf32>
          %get3A_243 = arith.index_cast %scan3A_156 : i32 to index
          %get3A_244 = arith.constant 96 : index
          %get3A_245 = tpu.vector_load %arg12[%get3A_243, %get3A_244] {strides = array<i32>} : memref<128x128xf32, #tpu.memory_space<vmem>>, vector<1x16xf32>,
          %get3A_246 = vector.shape_cast %get3A_245 : vector<1x16xf32> to vector<16xf32>
          %add3A_247 = arith.addf %get3A_242, %get3A_246 : vector<16xf32>
          %swap3A_248 = arith.index_cast %scan3A_156 : i32 to index
          %swap3A_249 = arith.constant 96 : index
          %swap3A_250 = tpu.vector_load %arg11[%swap3A_248, %swap3A_249] {strides = array<i32>} : memref<128x128xf32, #tpu.memory_space<vmem>>, vector<1x16xf32>,
          %swap3A_251 = vector.shape_cast %swap3A_250 : vector<1x16xf32> to vector<16xf32>
          %swap3A_252 = vector.shape_cast %add3A_247 : vector<16xf32> to vector<1x16xf32>
          tpu.vector_store %arg11[%swap3A_248, %swap3A_249], %swap3A_252 {strides = array<i32>} : memref<128x128xf32, #tpu.memory_space<vmem>>, vector<1x16xf32>,
          %get3A_253 = arith.index_cast %scan3A_156 : i32 to index
          %get3A_254 = arith.constant 112 : index
          %get3A_255 = tpu.vector_load %arg11[%get3A_253, %get3A_254] {strides = array<i32>} : memref<128x128xf32, #tpu.memory_space<vmem>>, vector<1x16xf32>,
          %get3A_256 = vector.shape_cast %get3A_255 : vector<1x16xf32> to vector<16xf32>
          %get3A_257 = arith.index_cast %scan3A_156 : i32 to index
          %get3A_258 = arith.constant 112 : index
          %get3A_259 = tpu.vector_load %arg12[%get3A_257, %get3A_258] {strides = array<i32>} : memref<128x128xf32, #tpu.memory_space<vmem>>, vector<1x16xf32>,
          %get3A_260 = vector.shape_cast %get3A_259 : vector<1x16xf32> to vector<16xf32>
          %add3A_261 = arith.addf %get3A_256, %get3A_260 : vector<16xf32>
          %swap3A_262 = arith.index_cast %scan3A_156 : i32 to index
          %swap3A_263 = arith.constant 112 : index
          %swap3A_264 = tpu.vector_load %arg11[%swap3A_262, %swap3A_263] {strides = array<i32>} : memref<128x128xf32, #tpu.memory_space<vmem>>, vector<1x16xf32>,
          %swap3A_265 = vector.shape_cast %swap3A_264 : vector<1x16xf32> to vector<16xf32>
          %swap3A_266 = vector.shape_cast %add3A_261 : vector<16xf32> to vector<1x16xf32>
          tpu.vector_store %arg11[%swap3A_262, %swap3A_263], %swap3A_266 {strides = array<i32>} : memref<128x128xf32, #tpu.memory_space<vmem>>, vector<1x16xf32>,
        }
        %scan3A_146 = arith.constant 128 : i32
        %mul3A_147 = arith.constant 80 : i32
        %mul3A_148 = arith.muli %add3A, %mul3A_147 : i32
        %add3A_149 = arith.addi %mul3A_148, %add3A_84 : i32
        %mul3A_150 = arith.constant 128 : i32
        %mul3A_151 = arith.muli %add3A_149, %mul3A_150 : i32
        %dma_start3A_152 = arith.constant 0 : i32
        %dma_start3A_153 = tpu.memref_slice %arg6[%mul3A_151, %dma_start3A_152] : memref<320000x128xf32, #tpu.memory_space<hbm>> -> memref<128x128xf32, #tpu.memory_space<hbm>>
        %dma_start3A_154 = arith.constant 0 : i32
        %dma_start3A_155 = tpu.memref_slice %arg6[%mul3A_151, %dma_start3A_154] : memref<320000x128xf32, #tpu.memory_space<hbm>> -> memref<128x128xf32, #tpu.memory_space<hbm>>
        tpu.enqueue_dma source(%arg11 : memref<128x128xf32, #tpu.memory_space<vmem>>) target(%dma_start3A_155 : memref<128x128xf32, #tpu.memory_space<hbm>>) target_semaphore(%arg22 : memref<!tpu.dma_semaphore, #tpu.memory_space<semaphore_mem>>)
      } else {
      }
      %mul3A_104 = arith.constant 3 : i32
      %mul3A_105 = arith.muli %mul3A_104, %scan3A_59 : i32
      %add3A_106 = arith.constant 2 : i32
      %add3A_107 = arith.addi %mul3A_105, %add3A_106 : i32
      %add3A_108 = arith.constant 2 : i32
      %add3A_109 = arith.addi %add3A_107, %add3A_108 : i32
      %lt3A_110 = arith.cmpi slt, %add3A_109, %select_n3A : i32
      %ge3A_111 = arith.constant 1 : i32
      %ge3A_112 = arith.cmpi sge, %add3A_107, %ge3A_111 : i32
      %and3A_113 = arith.andi %lt3A_110, %ge3A_112 : i1
      %convert_element_type3A_114 = arith.extui %and3A_113 : i1 to i32
      %cond3A_115 = arith.constant 0 : i32
      %cond3A_116 = arith.cmpi ne, %convert_element_type3A_114, %cond3A_115 : i32
      scf.if %cond3A_116 {
        %dma_wait3A_127 = arith.constant 0 : i32
        %dma_wait3A_128 = arith.constant 0 : i32
        %dma_wait3A_129 = tpu.memref_slice %arg6[%dma_wait3A_127, %dma_wait3A_128] : memref<320000x128xf32, #tpu.memory_space<hbm>> -> memref<128x128xf32, #tpu.memory_space<hbm>>
        %dma_wait3A_130 = arith.constant 0 : i32
        %dma_wait3A_131 = arith.constant 0 : i32
        %dma_wait3A_132 = tpu.memref_slice %arg6[%dma_wait3A_130, %dma_wait3A_131] : memref<320000x128xf32, #tpu.memory_space<hbm>> -> memref<128x128xf32, #tpu.memory_space<hbm>>
        tpu.wait_dma2 semaphore(%arg22 : memref<!tpu.dma_semaphore, #tpu.memory_space<semaphore_mem>>) src(%arg11 : memref<128x128xf32, #tpu.memory_space<vmem>>) dst(%dma_wait3A_132 : memref<128x128xf32, #tpu.memory_space<hbm>>)
      } else {
      }
      %add3A_117 = arith.constant 2 : i32
      %add3A_118 = arith.addi %add3A_107, %add3A_117 : i32
      %lt3A_119 = arith.cmpi slt, %add3A_118, %select_n3A : i32
      %convert_element_type3A_120 = arith.extui %lt3A_119 : i1 to i32
      %cond3A_121 = arith.constant 0 : i32
      %cond3A_122 = arith.cmpi ne, %convert_element_type3A_120, %cond3A_121 : i32
      scf.if %cond3A_122 {
        %add3A_127 = arith.constant 2 : i32
        %add3A_128 = arith.addi %add3A_107, %add3A_127 : i32
        %dma_start3A_129 = arith.constant 0 : i32
        %dma_start3A_130 = tpu.memref_slice %arg7[%add3A_128, %dma_start3A_129] : memref<80x128xi32, #tpu.memory_space<vmem>> -> memref<1x128xi32, #tpu.memory_space<vmem>>
        %dma_start3A_131 = tpu.memref_squeeze %dma_start3A_130 : memref<1x128xi32, #tpu.memory_space<vmem>> -> memref<128xi32, #tpu.memory_space<vmem>>
        %dma_start3A_132 = arith.constant 0 : i32
        %dma_start3A_133 = arith.constant 0 : i32
        %dma_start3A_134 = tpu.memref_slice %arg2[%dma_start3A_132, %dma_start3A_133] : memref<10000x128xf32, #tpu.memory_space<hbm>> -> memref<10000x128xf32, #tpu.memory_space<hbm>>
        tpu.enqueue_indirect_dma source(%dma_start3A_134 : memref<10000x128xf32, #tpu.memory_space<hbm>>) target(%arg11 : memref<128x128xf32, #tpu.memory_space<vmem>>) offsets(%dma_start3A_131 : memref<128xi32, #tpu.memory_space<vmem>>) semaphore(%arg17 : memref<!tpu.dma_semaphore, #tpu.memory_space<semaphore_mem>>)
        %dma_start3A_135 = arith.constant 0 : i32
        %dma_start3A_136 = tpu.memref_slice %arg8[%add3A_128, %dma_start3A_135] : memref<80x128xi32, #tpu.memory_space<vmem>> -> memref<1x128xi32, #tpu.memory_space<vmem>>
        %dma_start3A_137 = tpu.memref_squeeze %dma_start3A_136 : memref<1x128xi32, #tpu.memory_space<vmem>> -> memref<128xi32, #tpu.memory_space<vmem>>
        %dma_start3A_138 = arith.constant 0 : i32
        %dma_start3A_139 = arith.constant 0 : i32
        %dma_start3A_140 = tpu.memref_slice %arg3[%dma_start3A_138, %dma_start3A_139] : memref<10000x128xf32, #tpu.memory_space<hbm>> -> memref<10000x128xf32, #tpu.memory_space<hbm>>
        tpu.enqueue_indirect_dma source(%dma_start3A_140 : memref<10000x128xf32, #tpu.memory_space<hbm>>) target(%arg12 : memref<128x128xf32, #tpu.memory_space<vmem>>) offsets(%dma_start3A_137 : memref<128xi32, #tpu.memory_space<vmem>>) semaphore(%arg18 : memref<!tpu.dma_semaphore, #tpu.memory_space<semaphore_mem>>)
      } else {
      }
      %lt3A_123 = arith.cmpi slt, %add3A_107, %select_n3A : i32
      %convert_element_type3A_124 = arith.extui %lt3A_123 : i1 to i32
      %cond3A_125 = arith.constant 0 : i32
      %cond3A_126 = arith.cmpi ne, %convert_element_type3A_124, %cond3A_125 : i32
      scf.if %cond3A_126 {
        %dma_wait3A_127 = arith.constant 0 : i32
        %dma_wait3A_128 = arith.constant 0 : i32
        %dma_wait3A_129 = tpu.memref_slice %arg7[%dma_wait3A_127, %dma_wait3A_128] : memref<80x128xi32, #tpu.memory_space<vmem>> -> memref<1x128xi32, #tpu.memory_space<vmem>>
        %dma_wait3A_130 = tpu.memref_squeeze %dma_wait3A_129 : memref<1x128xi32, #tpu.memory_space<vmem>> -> memref<128xi32, #tpu.memory_space<vmem>>
        %dma_wait3A_131 = arith.constant 0 : i32
        %dma_wait3A_132 = arith.constant 0 : i32
        %dma_wait3A_133 = tpu.memref_slice %arg2[%dma_wait3A_131, %dma_wait3A_132] : memref<10000x128xf32, #tpu.memory_space<hbm>> -> memref<10000x128xf32, #tpu.memory_space<hbm>>
        tpu.wait_indirect_dma semaphore(%arg19 : memref<!tpu.dma_semaphore, #tpu.memory_space<semaphore_mem>>) src(%dma_wait3A_133 : memref<10000x128xf32, #tpu.memory_space<hbm>>) dst(%arg13 : memref<128x128xf32, #tpu.memory_space<vmem>>)
        %dma_wait3A_134 = arith.constant 0 : i32
        %dma_wait3A_135 = arith.constant 0 : i32
        %dma_wait3A_136 = tpu.memref_slice %arg8[%dma_wait3A_134, %dma_wait3A_135] : memref<80x128xi32, #tpu.memory_space<vmem>> -> memref<1x128xi32, #tpu.memory_space<vmem>>
        %dma_wait3A_137 = tpu.memref_squeeze %dma_wait3A_136 : memref<1x128xi32, #tpu.memory_space<vmem>> -> memref<128xi32, #tpu.memory_space<vmem>>
        %dma_wait3A_138 = arith.constant 0 : i32
        %dma_wait3A_139 = arith.constant 0 : i32
        %dma_wait3A_140 = tpu.memref_slice %arg3[%dma_wait3A_138, %dma_wait3A_139] : memref<10000x128xf32, #tpu.memory_space<hbm>> -> memref<10000x128xf32, #tpu.memory_space<hbm>>
        tpu.wait_indirect_dma semaphore(%arg20 : memref<!tpu.dma_semaphore, #tpu.memory_space<semaphore_mem>>) src(%dma_wait3A_140 : memref<10000x128xf32, #tpu.memory_space<hbm>>) dst(%arg14 : memref<128x128xf32, #tpu.memory_space<vmem>>)
        %scan3A_141 = arith.constant 0 : i32
        %scan3A_142 = arith.constant 0 : i32
        %scan3A_143 = arith.constant 128 : i32
        %scan3A_144 = arith.addi %scan3A_142, %scan3A_143 : i32
        %scan3A_145 = arith.constant 1 : i32
        scf.for %scan3A_156 = %scan3A_142 to %scan3A_144 step %scan3A_145  : i32 {
          %get3A = arith.index_cast %scan3A_156 : i32 to index
          %get3A_157 = arith.constant 0 : index
          %get3A_158 = tpu.vector_load %arg13[%get3A, %get3A_157] {strides = array<i32>} : memref<128x128xf32, #tpu.memory_space<vmem>>, vector<1x16xf32>,
          %get3A_159 = vector.shape_cast %get3A_158 : vector<1x16xf32> to vector<16xf32>
          %get3A_160 = arith.index_cast %scan3A_156 : i32 to index
          %get3A_161 = arith.constant 0 : index
          %get3A_162 = tpu.vector_load %arg14[%get3A_160, %get3A_161] {strides = array<i32>} : memref<128x128xf32, #tpu.memory_space<vmem>>, vector<1x16xf32>,
          %get3A_163 = vector.shape_cast %get3A_162 : vector<1x16xf32> to vector<16xf32>
          %add3A_164 = arith.addf %get3A_159, %get3A_163 : vector<16xf32>
          %swap3A = arith.index_cast %scan3A_156 : i32 to index
          %swap3A_165 = arith.constant 0 : index
          %swap3A_166 = tpu.vector_load %arg13[%swap3A, %swap3A_165] {strides = array<i32>} : memref<128x128xf32, #tpu.memory_space<vmem>>, vector<1x16xf32>,
          %swap3A_167 = vector.shape_cast %swap3A_166 : vector<1x16xf32> to vector<16xf32>
          %swap3A_168 = vector.shape_cast %add3A_164 : vector<16xf32> to vector<1x16xf32>
          tpu.vector_store %arg13[%swap3A, %swap3A_165], %swap3A_168 {strides = array<i32>} : memref<128x128xf32, #tpu.memory_space<vmem>>, vector<1x16xf32>,
          %get3A_169 = arith.index_cast %scan3A_156 : i32 to index
          %get3A_170 = arith.constant 16 : index
          %get3A_171 = tpu.vector_load %arg13[%get3A_169, %get3A_170] {strides = array<i32>} : memref<128x128xf32, #tpu.memory_space<vmem>>, vector<1x16xf32>,
          %get3A_172 = vector.shape_cast %get3A_171 : vector<1x16xf32> to vector<16xf32>
          %get3A_173 = arith.index_cast %scan3A_156 : i32 to index
          %get3A_174 = arith.constant 16 : index
          %get3A_175 = tpu.vector_load %arg14[%get3A_173, %get3A_174] {strides = array<i32>} : memref<128x128xf32, #tpu.memory_space<vmem>>, vector<1x16xf32>,
          %get3A_176 = vector.shape_cast %get3A_175 : vector<1x16xf32> to vector<16xf32>
          %add3A_177 = arith.addf %get3A_172, %get3A_176 : vector<16xf32>
          %swap3A_178 = arith.index_cast %scan3A_156 : i32 to index
          %swap3A_179 = arith.constant 16 : index
          %swap3A_180 = tpu.vector_load %arg13[%swap3A_178, %swap3A_179] {strides = array<i32>} : memref<128x128xf32, #tpu.memory_space<vmem>>, vector<1x16xf32>,
          %swap3A_181 = vector.shape_cast %swap3A_180 : vector<1x16xf32> to vector<16xf32>
          %swap3A_182 = vector.shape_cast %add3A_177 : vector<16xf32> to vector<1x16xf32>
          tpu.vector_store %arg13[%swap3A_178, %swap3A_179], %swap3A_182 {strides = array<i32>} : memref<128x128xf32, #tpu.memory_space<vmem>>, vector<1x16xf32>,
          %get3A_183 = arith.index_cast %scan3A_156 : i32 to index
          %get3A_184 = arith.constant 32 : index
          %get3A_185 = tpu.vector_load %arg13[%get3A_183, %get3A_184] {strides = array<i32>} : memref<128x128xf32, #tpu.memory_space<vmem>>, vector<1x16xf32>,
          %get3A_186 = vector.shape_cast %get3A_185 : vector<1x16xf32> to vector<16xf32>
          %get3A_187 = arith.index_cast %scan3A_156 : i32 to index
          %get3A_188 = arith.constant 32 : index
          %get3A_189 = tpu.vector_load %arg14[%get3A_187, %get3A_188] {strides = array<i32>} : memref<128x128xf32, #tpu.memory_space<vmem>>, vector<1x16xf32>,
          %get3A_190 = vector.shape_cast %get3A_189 : vector<1x16xf32> to vector<16xf32>
          %add3A_191 = arith.addf %get3A_186, %get3A_190 : vector<16xf32>
          %swap3A_192 = arith.index_cast %scan3A_156 : i32 to index
          %swap3A_193 = arith.constant 32 : index
          %swap3A_194 = tpu.vector_load %arg13[%swap3A_192, %swap3A_193] {strides = array<i32>} : memref<128x128xf32, #tpu.memory_space<vmem>>, vector<1x16xf32>,
          %swap3A_195 = vector.shape_cast %swap3A_194 : vector<1x16xf32> to vector<16xf32>
          %swap3A_196 = vector.shape_cast %add3A_191 : vector<16xf32> to vector<1x16xf32>
          tpu.vector_store %arg13[%swap3A_192, %swap3A_193], %swap3A_196 {strides = array<i32>} : memref<128x128xf32, #tpu.memory_space<vmem>>, vector<1x16xf32>,
          %get3A_197 = arith.index_cast %scan3A_156 : i32 to index
          %get3A_198 = arith.constant 48 : index
          %get3A_199 = tpu.vector_load %arg13[%get3A_197, %get3A_198] {strides = array<i32>} : memref<128x128xf32, #tpu.memory_space<vmem>>, vector<1x16xf32>,
          %get3A_200 = vector.shape_cast %get3A_199 : vector<1x16xf32> to vector<16xf32>
          %get3A_201 = arith.index_cast %scan3A_156 : i32 to index
          %get3A_202 = arith.constant 48 : index
          %get3A_203 = tpu.vector_load %arg14[%get3A_201, %get3A_202] {strides = array<i32>} : memref<128x128xf32, #tpu.memory_space<vmem>>, vector<1x16xf32>,
          %get3A_204 = vector.shape_cast %get3A_203 : vector<1x16xf32> to vector<16xf32>
          %add3A_205 = arith.addf %get3A_200, %get3A_204 : vector<16xf32>
          %swap3A_206 = arith.index_cast %scan3A_156 : i32 to index
          %swap3A_207 = arith.constant 48 : index
          %swap3A_208 = tpu.vector_load %arg13[%swap3A_206, %swap3A_207] {strides = array<i32>} : memref<128x128xf32, #tpu.memory_space<vmem>>, vector<1x16xf32>,
          %swap3A_209 = vector.shape_cast %swap3A_208 : vector<1x16xf32> to vector<16xf32>
          %swap3A_210 = vector.shape_cast %add3A_205 : vector<16xf32> to vector<1x16xf32>
          tpu.vector_store %arg13[%swap3A_206, %swap3A_207], %swap3A_210 {strides = array<i32>} : memref<128x128xf32, #tpu.memory_space<vmem>>, vector<1x16xf32>,
          %get3A_211 = arith.index_cast %scan3A_156 : i32 to index
          %get3A_212 = arith.constant 64 : index
          %get3A_213 = tpu.vector_load %arg13[%get3A_211, %get3A_212] {strides = array<i32>} : memref<128x128xf32, #tpu.memory_space<vmem>>, vector<1x16xf32>,
          %get3A_214 = vector.shape_cast %get3A_213 : vector<1x16xf32> to vector<16xf32>
          %get3A_215 = arith.index_cast %scan3A_156 : i32 to index
          %get3A_216 = arith.constant 64 : index
          %get3A_217 = tpu.vector_load %arg14[%get3A_215, %get3A_216] {strides = array<i32>} : memref<128x128xf32, #tpu.memory_space<vmem>>, vector<1x16xf32>,
          %get3A_218 = vector.shape_cast %get3A_217 : vector<1x16xf32> to vector<16xf32>
          %add3A_219 = arith.addf %get3A_214, %get3A_218 : vector<16xf32>
          %swap3A_220 = arith.index_cast %scan3A_156 : i32 to index
          %swap3A_221 = arith.constant 64 : index
          %swap3A_222 = tpu.vector_load %arg13[%swap3A_220, %swap3A_221] {strides = array<i32>} : memref<128x128xf32, #tpu.memory_space<vmem>>, vector<1x16xf32>,
          %swap3A_223 = vector.shape_cast %swap3A_222 : vector<1x16xf32> to vector<16xf32>
          %swap3A_224 = vector.shape_cast %add3A_219 : vector<16xf32> to vector<1x16xf32>
          tpu.vector_store %arg13[%swap3A_220, %swap3A_221], %swap3A_224 {strides = array<i32>} : memref<128x128xf32, #tpu.memory_space<vmem>>, vector<1x16xf32>,
          %get3A_225 = arith.index_cast %scan3A_156 : i32 to index
          %get3A_226 = arith.constant 80 : index
          %get3A_227 = tpu.vector_load %arg13[%get3A_225, %get3A_226] {strides = array<i32>} : memref<128x128xf32, #tpu.memory_space<vmem>>, vector<1x16xf32>,
          %get3A_228 = vector.shape_cast %get3A_227 : vector<1x16xf32> to vector<16xf32>
          %get3A_229 = arith.index_cast %scan3A_156 : i32 to index
          %get3A_230 = arith.constant 80 : index
          %get3A_231 = tpu.vector_load %arg14[%get3A_229, %get3A_230] {strides = array<i32>} : memref<128x128xf32, #tpu.memory_space<vmem>>, vector<1x16xf32>,
          %get3A_232 = vector.shape_cast %get3A_231 : vector<1x16xf32> to vector<16xf32>
          %add3A_233 = arith.addf %get3A_228, %get3A_232 : vector<16xf32>
          %swap3A_234 = arith.index_cast %scan3A_156 : i32 to index
          %swap3A_235 = arith.constant 80 : index
          %swap3A_236 = tpu.vector_load %arg13[%swap3A_234, %swap3A_235] {strides = array<i32>} : memref<128x128xf32, #tpu.memory_space<vmem>>, vector<1x16xf32>,
          %swap3A_237 = vector.shape_cast %swap3A_236 : vector<1x16xf32> to vector<16xf32>
          %swap3A_238 = vector.shape_cast %add3A_233 : vector<16xf32> to vector<1x16xf32>
          tpu.vector_store %arg13[%swap3A_234, %swap3A_235], %swap3A_238 {strides = array<i32>} : memref<128x128xf32, #tpu.memory_space<vmem>>, vector<1x16xf32>,
          %get3A_239 = arith.index_cast %scan3A_156 : i32 to index
          %get3A_240 = arith.constant 96 : index
          %get3A_241 = tpu.vector_load %arg13[%get3A_239, %get3A_240] {strides = array<i32>} : memref<128x128xf32, #tpu.memory_space<vmem>>, vector<1x16xf32>,
          %get3A_242 = vector.shape_cast %get3A_241 : vector<1x16xf32> to vector<16xf32>
          %get3A_243 = arith.index_cast %scan3A_156 : i32 to index
          %get3A_244 = arith.constant 96 : index
          %get3A_245 = tpu.vector_load %arg14[%get3A_243, %get3A_244] {strides = array<i32>} : memref<128x128xf32, #tpu.memory_space<vmem>>, vector<1x16xf32>,
          %get3A_246 = vector.shape_cast %get3A_245 : vector<1x16xf32> to vector<16xf32>
          %add3A_247 = arith.addf %get3A_242, %get3A_246 : vector<16xf32>
          %swap3A_248 = arith.index_cast %scan3A_156 : i32 to index
          %swap3A_249 = arith.constant 96 : index
          %swap3A_250 = tpu.vector_load %arg13[%swap3A_248, %swap3A_249] {strides = array<i32>} : memref<128x128xf32, #tpu.memory_space<vmem>>, vector<1x16xf32>,
          %swap3A_251 = vector.shape_cast %swap3A_250 : vector<1x16xf32> to vector<16xf32>
          %swap3A_252 = vector.shape_cast %add3A_247 : vector<16xf32> to vector<1x16xf32>
          tpu.vector_store %arg13[%swap3A_248, %swap3A_249], %swap3A_252 {strides = array<i32>} : memref<128x128xf32, #tpu.memory_space<vmem>>, vector<1x16xf32>,
          %get3A_253 = arith.index_cast %scan3A_156 : i32 to index
          %get3A_254 = arith.constant 112 : index
          %get3A_255 = tpu.vector_load %arg13[%get3A_253, %get3A_254] {strides = array<i32>} : memref<128x128xf32, #tpu.memory_space<vmem>>, vector<1x16xf32>,
          %get3A_256 = vector.shape_cast %get3A_255 : vector<1x16xf32> to vector<16xf32>
          %get3A_257 = arith.index_cast %scan3A_156 : i32 to index
          %get3A_258 = arith.constant 112 : index
          %get3A_259 = tpu.vector_load %arg14[%get3A_257, %get3A_258] {strides = array<i32>} : memref<128x128xf32, #tpu.memory_space<vmem>>, vector<1x16xf32>,
          %get3A_260 = vector.shape_cast %get3A_259 : vector<1x16xf32> to vector<16xf32>
          %add3A_261 = arith.addf %get3A_256, %get3A_260 : vector<16xf32>
          %swap3A_262 = arith.index_cast %scan3A_156 : i32 to index
          %swap3A_263 = arith.constant 112 : index
          %swap3A_264 = tpu.vector_load %arg13[%swap3A_262, %swap3A_263] {strides = array<i32>} : memref<128x128xf32, #tpu.memory_space<vmem>>, vector<1x16xf32>,
          %swap3A_265 = vector.shape_cast %swap3A_264 : vector<1x16xf32> to vector<16xf32>
          %swap3A_266 = vector.shape_cast %add3A_261 : vector<16xf32> to vector<1x16xf32>
          tpu.vector_store %arg13[%swap3A_262, %swap3A_263], %swap3A_266 {strides = array<i32>} : memref<128x128xf32, #tpu.memory_space<vmem>>, vector<1x16xf32>,
        }
        %scan3A_146 = arith.constant 128 : i32
        %mul3A_147 = arith.constant 80 : i32
        %mul3A_148 = arith.muli %add3A, %mul3A_147 : i32
        %add3A_149 = arith.addi %mul3A_148, %add3A_107 : i32
        %mul3A_150 = arith.constant 128 : i32
        %mul3A_151 = arith.muli %add3A_149, %mul3A_150 : i32
        %dma_start3A_152 = arith.constant 0 : i32
        %dma_start3A_153 = tpu.memref_slice %arg6[%mul3A_151, %dma_start3A_152] : memref<320000x128xf32, #tpu.memory_space<hbm>> -> memref<128x128xf32, #tpu.memory_space<hbm>>
        %dma_start3A_154 = arith.constant 0 : i32
        %dma_start3A_155 = tpu.memref_slice %arg6[%mul3A_151, %dma_start3A_154] : memref<320000x128xf32, #tpu.memory_space<hbm>> -> memref<128x128xf32, #tpu.memory_space<hbm>>
        tpu.enqueue_dma source(%arg13 : memref<128x128xf32, #tpu.memory_space<vmem>>) target(%dma_start3A_155 : memref<128x128xf32, #tpu.memory_space<hbm>>) target_semaphore(%arg23 : memref<!tpu.dma_semaphore, #tpu.memory_space<semaphore_mem>>)
      } else {
      }
    }
    %scan3A_41 = arith.constant 27 : i32
    %dma_wait3A = arith.constant 0 : i32
    %dma_wait3A_42 = arith.constant 0 : i32
    %dma_wait3A_43 = tpu.memref_slice %arg6[%dma_wait3A, %dma_wait3A_42] : memref<320000x128xf32, #tpu.memory_space<hbm>> -> memref<128x128xf32, #tpu.memory_space<hbm>>
    %dma_wait3A_44 = arith.constant 0 : i32
    %dma_wait3A_45 = arith.constant 0 : i32
    %dma_wait3A_46 = tpu.memref_slice %arg6[%dma_wait3A_44, %dma_wait3A_45] : memref<320000x128xf32, #tpu.memory_space<hbm>> -> memref<128x128xf32, #tpu.memory_space<hbm>>
    tpu.wait_dma2 semaphore(%arg21 : memref<!tpu.dma_semaphore, #tpu.memory_space<semaphore_mem>>) src(%arg9 : memref<128x128xf32, #tpu.memory_space<vmem>>) dst(%dma_wait3A_46 : memref<128x128xf32, #tpu.memory_space<hbm>>)
    %dma_wait3A_47 = arith.constant 0 : i32
    %dma_wait3A_48 = arith.constant 0 : i32
    %dma_wait3A_49 = tpu.memref_slice %arg6[%dma_wait3A_47, %dma_wait3A_48] : memref<320000x128xf32, #tpu.memory_space<hbm>> -> memref<128x128xf32, #tpu.memory_space<hbm>>
    %dma_wait3A_50 = arith.constant 0 : i32
    %dma_wait3A_51 = arith.constant 0 : i32
    %dma_wait3A_52 = tpu.memref_slice %arg6[%dma_wait3A_50, %dma_wait3A_51] : memref<320000x128xf32, #tpu.memory_space<hbm>> -> memref<128x128xf32, #tpu.memory_space<hbm>>
    tpu.wait_dma2 semaphore(%arg22 : memref<!tpu.dma_semaphore, #tpu.memory_space<semaphore_mem>>) src(%arg11 : memref<128x128xf32, #tpu.memory_space<vmem>>) dst(%dma_wait3A_52 : memref<128x128xf32, #tpu.memory_space<hbm>>)
    %dma_wait3A_53 = arith.constant 0 : i32
    %dma_wait3A_54 = arith.constant 0 : i32
    %dma_wait3A_55 = tpu.memref_slice %arg6[%dma_wait3A_53, %dma_wait3A_54] : memref<320000x128xf32, #tpu.memory_space<hbm>> -> memref<128x128xf32, #tpu.memory_space<hbm>>
    %dma_wait3A_56 = arith.constant 0 : i32
    %dma_wait3A_57 = arith.constant 0 : i32
    %dma_wait3A_58 = tpu.memref_slice %arg6[%dma_wait3A_56, %dma_wait3A_57] : memref<320000x128xf32, #tpu.memory_space<hbm>> -> memref<128x128xf32, #tpu.memory_space<hbm>>
    tpu.wait_dma2 semaphore(%arg23 : memref<!tpu.dma_semaphore, #tpu.memory_space<semaphore_mem>>) src(%arg13 : memref<128x128xf32, #tpu.memory_space<vmem>>) dst(%dma_wait3A_58 : memref<128x128xf32, #tpu.memory_space<hbm>>)
    return
  }
}

#map = affine_map<(d0, d1) -> (0, 0)>
#map1 = affine_map<(d0, d1) -> (0, 0, 0)>
module attributes {stable_mosaic.version = 14 : i64} {
  func.func @_sc_scatter_body(%arg0: i32, %arg1: i32, %arg2: memref<64000x128xf32, #tpu.memory_space<hbm>>, %arg3: memref<2500x128xi32, #tpu.memory_space<hbm>>, %arg4: memref<2x10000x128xf32, #tpu.memory_space<hbm>>, %arg5: memref<1x128xi32, #tpu.memory_space<vmem>>, %arg6: memref<128x128xf32, #tpu.memory_space<vmem>>, %arg7: memref<1x128xi32, #tpu.memory_space<vmem>>, %arg8: memref<128x128xf32, #tpu.memory_space<vmem>>, %arg9: memref<!tpu.dma_semaphore, #tpu.memory_space<semaphore_mem>>, %arg10: memref<!tpu.dma_semaphore, #tpu.memory_space<semaphore_mem>>, %arg11: memref<10000x128xf32, #tpu.memory_space<vmem_shared>>) attributes {dimension_semantics = [#tpu.dimension_semantics<core_parallel>, #tpu.dimension_semantics<subcore_parallel>], iteration_bounds = array<i64: 2, 16>, scalar_prefetch = 0 : i64, scratch_operands = 7 : i64, tpu.core_type = #tpu.core_type<sc_vector_subcore>, window_params = [{transform_indices = #map}, {transform_indices = #map}, {transform_indices = #map1}]} {
    %scan3A = arith.constant 0 : i32
    %scan3A_0 = arith.constant 0 : i32
    %scan3A_1 = arith.constant 80 : i32
    %scan3A_2 = arith.addi %scan3A_0, %scan3A_1 : i32
    %scan3A_3 = arith.constant 1 : i32
    scf.for %scan3A_29 = %scan3A_0 to %scan3A_2 step %scan3A_3  : i32 {
      %broadcast_in_dim3A = arith.constant 0.000000e+00 : f32
      %broadcast_in_dim3A_30 = vector.broadcast %broadcast_in_dim3A : f32 to vector<16xf32>
      %swap3A = arith.index_cast %scan3A_29 : i32 to index
      %swap3A_31 = arith.constant 0 : index
      %swap3A_32 = tpu.vector_load %arg6[%swap3A, %swap3A_31] {strides = array<i32>} : memref<128x128xf32, #tpu.memory_space<vmem>>, vector<1x16xf32>,
      %swap3A_33 = vector.shape_cast %swap3A_32 : vector<1x16xf32> to vector<16xf32>
      %swap3A_34 = vector.shape_cast %broadcast_in_dim3A_30 : vector<16xf32> to vector<1x16xf32>
      tpu.vector_store %arg6[%swap3A, %swap3A_31], %swap3A_34 {strides = array<i32>} : memref<128x128xf32, #tpu.memory_space<vmem>>, vector<1x16xf32>,
      %broadcast_in_dim3A_35 = arith.constant 0.000000e+00 : f32
      %broadcast_in_dim3A_36 = vector.broadcast %broadcast_in_dim3A_35 : f32 to vector<16xf32>
      %swap3A_37 = arith.index_cast %scan3A_29 : i32 to index
      %swap3A_38 = arith.constant 16 : index
      %swap3A_39 = tpu.vector_load %arg6[%swap3A_37, %swap3A_38] {strides = array<i32>} : memref<128x128xf32, #tpu.memory_space<vmem>>, vector<1x16xf32>,
      %swap3A_40 = vector.shape_cast %swap3A_39 : vector<1x16xf32> to vector<16xf32>
      %swap3A_41 = vector.shape_cast %broadcast_in_dim3A_36 : vector<16xf32> to vector<1x16xf32>
      tpu.vector_store %arg6[%swap3A_37, %swap3A_38], %swap3A_41 {strides = array<i32>} : memref<128x128xf32, #tpu.memory_space<vmem>>, vector<1x16xf32>,
      %broadcast_in_dim3A_42 = arith.constant 0.000000e+00 : f32
      %broadcast_in_dim3A_43 = vector.broadcast %broadcast_in_dim3A_42 : f32 to vector<16xf32>
      %swap3A_44 = arith.index_cast %scan3A_29 : i32 to index
      %swap3A_45 = arith.constant 32 : index
      %swap3A_46 = tpu.vector_load %arg6[%swap3A_44, %swap3A_45] {strides = array<i32>} : memref<128x128xf32, #tpu.memory_space<vmem>>, vector<1x16xf32>,
      %swap3A_47 = vector.shape_cast %swap3A_46 : vector<1x16xf32> to vector<16xf32>
      %swap3A_48 = vector.shape_cast %broadcast_in_dim3A_43 : vector<16xf32> to vector<1x16xf32>
      tpu.vector_store %arg6[%swap3A_44, %swap3A_45], %swap3A_48 {strides = array<i32>} : memref<128x128xf32, #tpu.memory_space<vmem>>, vector<1x16xf32>,
      %broadcast_in_dim3A_49 = arith.constant 0.000000e+00 : f32
      %broadcast_in_dim3A_50 = vector.broadcast %broadcast_in_dim3A_49 : f32 to vector<16xf32>
      %swap3A_51 = arith.index_cast %scan3A_29 : i32 to index
      %swap3A_52 = arith.constant 48 : index
      %swap3A_53 = tpu.vector_load %arg6[%swap3A_51, %swap3A_52] {strides = array<i32>} : memref<128x128xf32, #tpu.memory_space<vmem>>, vector<1x16xf32>,
      %swap3A_54 = vector.shape_cast %swap3A_53 : vector<1x16xf32> to vector<16xf32>
      %swap3A_55 = vector.shape_cast %broadcast_in_dim3A_50 : vector<16xf32> to vector<1x16xf32>
      tpu.vector_store %arg6[%swap3A_51, %swap3A_52], %swap3A_55 {strides = array<i32>} : memref<128x128xf32, #tpu.memory_space<vmem>>, vector<1x16xf32>,
      %broadcast_in_dim3A_56 = arith.constant 0.000000e+00 : f32
      %broadcast_in_dim3A_57 = vector.broadcast %broadcast_in_dim3A_56 : f32 to vector<16xf32>
      %swap3A_58 = arith.index_cast %scan3A_29 : i32 to index
      %swap3A_59 = arith.constant 64 : index
      %swap3A_60 = tpu.vector_load %arg6[%swap3A_58, %swap3A_59] {strides = array<i32>} : memref<128x128xf32, #tpu.memory_space<vmem>>, vector<1x16xf32>,
      %swap3A_61 = vector.shape_cast %swap3A_60 : vector<1x16xf32> to vector<16xf32>
      %swap3A_62 = vector.shape_cast %broadcast_in_dim3A_57 : vector<16xf32> to vector<1x16xf32>
      tpu.vector_store %arg6[%swap3A_58, %swap3A_59], %swap3A_62 {strides = array<i32>} : memref<128x128xf32, #tpu.memory_space<vmem>>, vector<1x16xf32>,
      %broadcast_in_dim3A_63 = arith.constant 0.000000e+00 : f32
      %broadcast_in_dim3A_64 = vector.broadcast %broadcast_in_dim3A_63 : f32 to vector<16xf32>
      %swap3A_65 = arith.index_cast %scan3A_29 : i32 to index
      %swap3A_66 = arith.constant 80 : index
      %swap3A_67 = tpu.vector_load %arg6[%swap3A_65, %swap3A_66] {strides = array<i32>} : memref<128x128xf32, #tpu.memory_space<vmem>>, vector<1x16xf32>,
      %swap3A_68 = vector.shape_cast %swap3A_67 : vector<1x16xf32> to vector<16xf32>
      %swap3A_69 = vector.shape_cast %broadcast_in_dim3A_64 : vector<16xf32> to vector<1x16xf32>
      tpu.vector_store %arg6[%swap3A_65, %swap3A_66], %swap3A_69 {strides = array<i32>} : memref<128x128xf32, #tpu.memory_space<vmem>>, vector<1x16xf32>,
      %broadcast_in_dim3A_70 = arith.constant 0.000000e+00 : f32
      %broadcast_in_dim3A_71 = vector.broadcast %broadcast_in_dim3A_70 : f32 to vector<16xf32>
      %swap3A_72 = arith.index_cast %scan3A_29 : i32 to index
      %swap3A_73 = arith.constant 96 : index
      %swap3A_74 = tpu.vector_load %arg6[%swap3A_72, %swap3A_73] {strides = array<i32>} : memref<128x128xf32, #tpu.memory_space<vmem>>, vector<1x16xf32>,
      %swap3A_75 = vector.shape_cast %swap3A_74 : vector<1x16xf32> to vector<16xf32>
      %swap3A_76 = vector.shape_cast %broadcast_in_dim3A_71 : vector<16xf32> to vector<1x16xf32>
      tpu.vector_store %arg6[%swap3A_72, %swap3A_73], %swap3A_76 {strides = array<i32>} : memref<128x128xf32, #tpu.memory_space<vmem>>, vector<1x16xf32>,
      %broadcast_in_dim3A_77 = arith.constant 0.000000e+00 : f32
      %broadcast_in_dim3A_78 = vector.broadcast %broadcast_in_dim3A_77 : f32 to vector<16xf32>
      %swap3A_79 = arith.index_cast %scan3A_29 : i32 to index
      %swap3A_80 = arith.constant 112 : index
      %swap3A_81 = tpu.vector_load %arg6[%swap3A_79, %swap3A_80] {strides = array<i32>} : memref<128x128xf32, #tpu.memory_space<vmem>>, vector<1x16xf32>,
      %swap3A_82 = vector.shape_cast %swap3A_81 : vector<1x16xf32> to vector<16xf32>
      %swap3A_83 = vector.shape_cast %broadcast_in_dim3A_78 : vector<16xf32> to vector<1x16xf32>
      tpu.vector_store %arg6[%swap3A_79, %swap3A_80], %swap3A_83 {strides = array<i32>} : memref<128x128xf32, #tpu.memory_space<vmem>>, vector<1x16xf32>,
    }
    %scan3A_4 = arith.constant 80 : i32
    %scan3A_5 = arith.constant 0 : i32
    %scan3A_6 = arith.constant 0 : i32
    %scan3A_7 = arith.constant 8 : i32
    %scan3A_8 = arith.addi %scan3A_6, %scan3A_7 : i32
    %scan3A_9 = arith.constant 1 : i32
    scf.for %scan3A_29 = %scan3A_6 to %scan3A_8 step %scan3A_9  : i32 {
      %mul3A_30 = arith.constant 16 : i32
      %mul3A_31 = arith.muli %mul3A_30, %scan3A_29 : i32
      %add3A_32 = arith.addi %arg1, %mul3A_31 : i32
      %lt3A_33 = arith.constant 125 : i32
      %lt3A_34 = arith.cmpi slt, %add3A_32, %lt3A_33 : i32
      %convert_element_type3A_35 = arith.extui %lt3A_34 : i1 to i32
      %cond3A_36 = arith.constant 0 : i32
      %cond3A_37 = arith.cmpi ne, %convert_element_type3A_35, %cond3A_36 : i32
      scf.if %cond3A_37 {
        %mul3A_38 = arith.constant 80 : i32
        %mul3A_39 = arith.muli %add3A_32, %mul3A_38 : i32
        "tpu.region"() ({
          %run_scoped3A = tpu.sem_alloc : memref<!tpu.dma_semaphore, #tpu.memory_space<semaphore_mem>>
          %dma_start3A = arith.constant 0 : i32
          %dma_start3A_40 = arith.constant 0 : i32
          %dma_start3A_41 = tpu.memref_slice %arg6[%dma_start3A, %dma_start3A_40] : memref<128x128xf32, #tpu.memory_space<vmem>> -> memref<80x128xf32, #tpu.memory_space<vmem>>
          %dma_start3A_42 = arith.constant 0 : i32
          %dma_start3A_43 = tpu.memref_slice %arg11[%mul3A_39, %dma_start3A_42] : memref<10000x128xf32, #tpu.memory_space<vmem_shared>> -> memref<80x128xf32, #tpu.memory_space<vmem_shared>>
          %dma_start3A_44 = arith.constant 0 : i32
          %dma_start3A_45 = tpu.memref_slice %arg11[%mul3A_39, %dma_start3A_44] : memref<10000x128xf32, #tpu.memory_space<vmem_shared>> -> memref<80x128xf32, #tpu.memory_space<vmem_shared>>
          %dma_start3A_46 = arith.constant 0 : i32
          %dma_start3A_47 = arith.constant 0 : i32
          %dma_start3A_48 = tpu.memref_slice %arg6[%dma_start3A_46, %dma_start3A_47] : memref<128x128xf32, #tpu.memory_space<vmem>> -> memref<80x128xf32, #tpu.memory_space<vmem>>
          tpu.enqueue_dma source(%dma_start3A_48 : memref<80x128xf32, #tpu.memory_space<vmem>>) target(%dma_start3A_45 : memref<80x128xf32, #tpu.memory_space<vmem_shared>>) target_semaphore(%run_scoped3A : memref<!tpu.dma_semaphore, #tpu.memory_space<semaphore_mem>>)
          %dma_wait3A = arith.constant 0 : i32
          %dma_wait3A_49 = arith.constant 0 : i32
          %dma_wait3A_50 = tpu.memref_slice %arg6[%dma_wait3A, %dma_wait3A_49] : memref<128x128xf32, #tpu.memory_space<vmem>> -> memref<80x128xf32, #tpu.memory_space<vmem>>
          %dma_wait3A_51 = arith.constant 0 : i32
          %dma_wait3A_52 = tpu.memref_slice %arg11[%mul3A_39, %dma_wait3A_51] : memref<10000x128xf32, #tpu.memory_space<vmem_shared>> -> memref<80x128xf32, #tpu.memory_space<vmem_shared>>
          %dma_wait3A_53 = arith.constant 0 : i32
          %dma_wait3A_54 = tpu.memref_slice %arg11[%mul3A_39, %dma_wait3A_53] : memref<10000x128xf32, #tpu.memory_space<vmem_shared>> -> memref<80x128xf32, #tpu.memory_space<vmem_shared>>
          %dma_wait3A_55 = arith.constant 0 : i32
          %dma_wait3A_56 = arith.constant 0 : i32
          %dma_wait3A_57 = tpu.memref_slice %arg6[%dma_wait3A_55, %dma_wait3A_56] : memref<128x128xf32, #tpu.memory_space<vmem>> -> memref<80x128xf32, #tpu.memory_space<vmem>>
          tpu.wait_dma2 semaphore(%run_scoped3A : memref<!tpu.dma_semaphore, #tpu.memory_space<semaphore_mem>>) src(%dma_wait3A_57 : memref<80x128xf32, #tpu.memory_space<vmem>>) dst(%dma_wait3A_54 : memref<80x128xf32, #tpu.memory_space<vmem_shared>>)
          tpu.yield
        }) : () -> ()
      } else {
      }
    }
    %scan3A_10 = arith.constant 8 : i32
    %barrier3A = arith.constant 0 : index
    tpu.barrier barrier_id(%barrier3A)
    %add3A = arith.constant 0 : i32
    %add3A_11 = arith.addi %arg1, %add3A : i32
    %mul3A = arith.constant 2 : i32
    %mul3A_12 = arith.muli %mul3A, %add3A_11 : i32
    %add3A_13 = arith.addi %mul3A_12, %arg0 : i32
    %lt3A = arith.constant 500 : i32
    %lt3A_14 = arith.cmpi slt, %add3A_13, %lt3A : i32
    %convert_element_type3A = arith.extui %lt3A_14 : i1 to i32
    %cond3A = arith.constant 0 : i32
    %cond3A_15 = arith.cmpi ne, %convert_element_type3A, %cond3A : i32
    scf.if %cond3A_15 {
      %add3A_29 = arith.constant 0 : i32
      %add3A_30 = arith.addi %arg1, %add3A_29 : i32
      %mul3A_31 = arith.constant 2 : i32
      %mul3A_32 = arith.muli %mul3A_31, %add3A_30 : i32
      %add3A_33 = arith.addi %mul3A_32, %arg0 : i32
      %add3A_34 = arith.constant 500 : i32
      %add3A_35 = arith.addi %add3A_34, %add3A_33 : i32
      %dma_start3A = arith.constant 0 : i32
      %dma_start3A_36 = tpu.memref_slice %arg3[%add3A_35, %dma_start3A] : memref<2500x128xi32, #tpu.memory_space<hbm>> -> memref<1x128xi32, #tpu.memory_space<hbm>>
      %dma_start3A_37 = arith.constant 0 : i32
      %dma_start3A_38 = tpu.memref_slice %arg3[%add3A_35, %dma_start3A_37] : memref<2500x128xi32, #tpu.memory_space<hbm>> -> memref<1x128xi32, #tpu.memory_space<hbm>>
      tpu.enqueue_dma source(%dma_start3A_38 : memref<1x128xi32, #tpu.memory_space<hbm>>) target(%arg5 : memref<1x128xi32, #tpu.memory_space<vmem>>) target_semaphore(%arg9 : memref<!tpu.dma_semaphore, #tpu.memory_space<semaphore_mem>>)
      %mul3A_39 = arith.constant 128 : i32
      %mul3A_40 = arith.muli %add3A_33, %mul3A_39 : i32
      %dma_start3A_41 = arith.constant 0 : i32
      %dma_start3A_42 = tpu.memref_slice %arg2[%mul3A_40, %dma_start3A_41] : memref<64000x128xf32, #tpu.memory_space<hbm>> -> memref<128x128xf32, #tpu.memory_space<hbm>>
      %dma_start3A_43 = arith.constant 0 : i32
      %dma_start3A_44 = tpu.memref_slice %arg2[%mul3A_40, %dma_start3A_43] : memref<64000x128xf32, #tpu.memory_space<hbm>> -> memref<128x128xf32, #tpu.memory_space<hbm>>
      tpu.enqueue_dma source(%dma_start3A_44 : memref<128x128xf32, #tpu.memory_space<hbm>>) target(%arg6 : memref<128x128xf32, #tpu.memory_space<vmem>>) target_semaphore(%arg9 : memref<!tpu.dma_semaphore, #tpu.memory_space<semaphore_mem>>)
    } else {
    }
    %scan3A_16 = arith.constant 0 : i32
    %scan3A_17 = arith.constant 0 : i32
    %scan3A_18 = arith.constant 8 : i32
    %scan3A_19 = arith.addi %scan3A_17, %scan3A_18 : i32
    %scan3A_20 = arith.constant 1 : i32
    scf.for %scan3A_29 = %scan3A_17 to %scan3A_19 step %scan3A_20  : i32 {
      %mul3A_30 = arith.constant 2 : i32
      %mul3A_31 = arith.muli %mul3A_30, %scan3A_29 : i32
      %add3A_32 = arith.constant 0 : i32
      %add3A_33 = arith.addi %mul3A_31, %add3A_32 : i32
      %add3A_34 = arith.constant 1 : i32
      %add3A_35 = arith.addi %add3A_33, %add3A_34 : i32
      %mul3A_36 = arith.constant 16 : i32
      %mul3A_37 = arith.muli %mul3A_36, %add3A_35 : i32
      %add3A_38 = arith.addi %arg1, %mul3A_37 : i32
      %mul3A_39 = arith.constant 2 : i32
      %mul3A_40 = arith.muli %mul3A_39, %add3A_38 : i32
      %add3A_41 = arith.addi %mul3A_40, %arg0 : i32
      %lt3A_42 = arith.constant 500 : i32
      %lt3A_43 = arith.cmpi slt, %add3A_41, %lt3A_42 : i32
      %convert_element_type3A_44 = arith.extui %lt3A_43 : i1 to i32
      %cond3A_45 = arith.constant 0 : i32
      %cond3A_46 = arith.cmpi ne, %convert_element_type3A_44, %cond3A_45 : i32
      scf.if %cond3A_46 {
        %add3A_86 = arith.constant 1 : i32
        %add3A_87 = arith.addi %add3A_33, %add3A_86 : i32
        %mul3A_88 = arith.constant 16 : i32
        %mul3A_89 = arith.muli %mul3A_88, %add3A_87 : i32
        %add3A_90 = arith.addi %arg1, %mul3A_89 : i32
        %mul3A_91 = arith.constant 2 : i32
        %mul3A_92 = arith.muli %mul3A_91, %add3A_90 : i32
        %add3A_93 = arith.addi %mul3A_92, %arg0 : i32
        %add3A_94 = arith.constant 500 : i32
        %add3A_95 = arith.addi %add3A_94, %add3A_93 : i32
        %dma_start3A = arith.constant 0 : i32
        %dma_start3A_96 = tpu.memref_slice %arg3[%add3A_95, %dma_start3A] : memref<2500x128xi32, #tpu.memory_space<hbm>> -> memref<1x128xi32, #tpu.memory_space<hbm>>
        %dma_start3A_97 = arith.constant 0 : i32
        %dma_start3A_98 = tpu.memref_slice %arg3[%add3A_95, %dma_start3A_97] : memref<2500x128xi32, #tpu.memory_space<hbm>> -> memref<1x128xi32, #tpu.memory_space<hbm>>
        tpu.enqueue_dma source(%dma_start3A_98 : memref<1x128xi32, #tpu.memory_space<hbm>>) target(%arg7 : memref<1x128xi32, #tpu.memory_space<vmem>>) target_semaphore(%arg10 : memref<!tpu.dma_semaphore, #tpu.memory_space<semaphore_mem>>)
        %mul3A_99 = arith.constant 128 : i32
        %mul3A_100 = arith.muli %add3A_93, %mul3A_99 : i32
        %dma_start3A_101 = arith.constant 0 : i32
        %dma_start3A_102 = tpu.memref_slice %arg2[%mul3A_100, %dma_start3A_101] : memref<64000x128xf32, #tpu.memory_space<hbm>> -> memref<128x128xf32, #tpu.memory_space<hbm>>
        %dma_start3A_103 = arith.constant 0 : i32
        %dma_start3A_104 = tpu.memref_slice %arg2[%mul3A_100, %dma_start3A_103] : memref<64000x128xf32, #tpu.memory_space<hbm>> -> memref<128x128xf32, #tpu.memory_space<hbm>>
        tpu.enqueue_dma source(%dma_start3A_104 : memref<128x128xf32, #tpu.memory_space<hbm>>) target(%arg8 : memref<128x128xf32, #tpu.memory_space<vmem>>) target_semaphore(%arg10 : memref<!tpu.dma_semaphore, #tpu.memory_space<semaphore_mem>>)
      } else {
      }
      %mul3A_47 = arith.constant 16 : i32
      %mul3A_48 = arith.muli %mul3A_47, %add3A_33 : i32
      %add3A_49 = arith.addi %arg1, %mul3A_48 : i32
      %mul3A_50 = arith.constant 2 : i32
      %mul3A_51 = arith.muli %mul3A_50, %add3A_49 : i32
      %add3A_52 = arith.addi %mul3A_51, %arg0 : i32
      %lt3A_53 = arith.constant 500 : i32
      %lt3A_54 = arith.cmpi slt, %add3A_52, %lt3A_53 : i32
      %convert_element_type3A_55 = arith.extui %lt3A_54 : i1 to i32
      %cond3A_56 = arith.constant 0 : i32
      %cond3A_57 = arith.cmpi ne, %convert_element_type3A_55, %cond3A_56 : i32
      scf.if %cond3A_57 {
        %dma_wait3A = arith.constant 0 : i32
        %dma_wait3A_86 = arith.constant 0 : i32
        %dma_wait3A_87 = tpu.memref_slice %arg3[%dma_wait3A, %dma_wait3A_86] : memref<2500x128xi32, #tpu.memory_space<hbm>> -> memref<1x128xi32, #tpu.memory_space<hbm>>
        %dma_wait3A_88 = arith.constant 0 : i32
        %dma_wait3A_89 = arith.constant 0 : i32
        %dma_wait3A_90 = tpu.memref_slice %arg3[%dma_wait3A_88, %dma_wait3A_89] : memref<2500x128xi32, #tpu.memory_space<hbm>> -> memref<1x128xi32, #tpu.memory_space<hbm>>
        tpu.wait_dma2 semaphore(%arg9 : memref<!tpu.dma_semaphore, #tpu.memory_space<semaphore_mem>>) src(%dma_wait3A_90 : memref<1x128xi32, #tpu.memory_space<hbm>>) dst(%arg5 : memref<1x128xi32, #tpu.memory_space<vmem>>)
        %dma_wait3A_91 = arith.constant 0 : i32
        %dma_wait3A_92 = arith.constant 0 : i32
        %dma_wait3A_93 = tpu.memref_slice %arg2[%dma_wait3A_91, %dma_wait3A_92] : memref<64000x128xf32, #tpu.memory_space<hbm>> -> memref<128x128xf32, #tpu.memory_space<hbm>>
        %dma_wait3A_94 = arith.constant 0 : i32
        %dma_wait3A_95 = arith.constant 0 : i32
        %dma_wait3A_96 = tpu.memref_slice %arg2[%dma_wait3A_94, %dma_wait3A_95] : memref<64000x128xf32, #tpu.memory_space<hbm>> -> memref<128x128xf32, #tpu.memory_space<hbm>>
        tpu.wait_dma2 semaphore(%arg9 : memref<!tpu.dma_semaphore, #tpu.memory_space<semaphore_mem>>) src(%dma_wait3A_96 : memref<128x128xf32, #tpu.memory_space<hbm>>) dst(%arg6 : memref<128x128xf32, #tpu.memory_space<vmem>>)
        %run_scoped3A = arith.constant 0 : i32
        "tpu.region"() ({
          %run_scoped3A_97 = tpu.sem_alloc : memref<!tpu.dma_semaphore, #tpu.memory_space<semaphore_mem>>
          %dma_start3A = arith.constant 0 : i32
          %dma_start3A_98 = tpu.memref_slice %arg5[%run_scoped3A, %dma_start3A] : memref<1x128xi32, #tpu.memory_space<vmem>> -> memref<1x128xi32, #tpu.memory_space<vmem>>
          %dma_start3A_99 = tpu.memref_squeeze %dma_start3A_98 : memref<1x128xi32, #tpu.memory_space<vmem>> -> memref<128xi32, #tpu.memory_space<vmem>>
          %dma_start3A_100 = arith.constant 0 : i32
          %dma_start3A_101 = arith.constant 0 : i32
          %dma_start3A_102 = tpu.memref_slice %arg11[%dma_start3A_100, %dma_start3A_101] : memref<10000x128xf32, #tpu.memory_space<vmem_shared>> -> memref<10000x128xf32, #tpu.memory_space<vmem_shared>>
          tpu.enqueue_indirect_dma source(%arg6 : memref<128x128xf32, #tpu.memory_space<vmem>>) target(%dma_start3A_102 : memref<10000x128xf32, #tpu.memory_space<vmem_shared>>) offsets(%dma_start3A_99 : memref<128xi32, #tpu.memory_space<vmem>>) semaphore(%run_scoped3A_97 : memref<!tpu.dma_semaphore, #tpu.memory_space<semaphore_mem>>) {add = true}
          %dma_wait3A_103 = arith.constant 0 : i32
          %dma_wait3A_104 = tpu.memref_slice %arg5[%run_scoped3A, %dma_wait3A_103] : memref<1x128xi32, #tpu.memory_space<vmem>> -> memref<1x128xi32, #tpu.memory_space<vmem>>
          %dma_wait3A_105 = tpu.memref_squeeze %dma_wait3A_104 : memref<1x128xi32, #tpu.memory_space<vmem>> -> memref<128xi32, #tpu.memory_space<vmem>>
          %dma_wait3A_106 = arith.constant 0 : i32
          %dma_wait3A_107 = arith.constant 0 : i32
          %dma_wait3A_108 = tpu.memref_slice %arg11[%dma_wait3A_106, %dma_wait3A_107] : memref<10000x128xf32, #tpu.memory_space<vmem_shared>> -> memref<10000x128xf32, #tpu.memory_space<vmem_shared>>
          tpu.wait_indirect_dma semaphore(%run_scoped3A_97 : memref<!tpu.dma_semaphore, #tpu.memory_space<semaphore_mem>>) src(%arg6 : memref<128x128xf32, #tpu.memory_space<vmem>>) dst(%dma_wait3A_108 : memref<10000x128xf32, #tpu.memory_space<vmem_shared>>)
          tpu.yield
        }) : () -> ()
      } else {
      }
      %mul3A_58 = arith.constant 2 : i32
      %mul3A_59 = arith.muli %mul3A_58, %scan3A_29 : i32
      %add3A_60 = arith.constant 1 : i32
      %add3A_61 = arith.addi %mul3A_59, %add3A_60 : i32
      %add3A_62 = arith.constant 1 : i32
      %add3A_63 = arith.addi %add3A_61, %add3A_62 : i32
      %mul3A_64 = arith.constant 16 : i32
      %mul3A_65 = arith.muli %mul3A_64, %add3A_63 : i32
      %add3A_66 = arith.addi %arg1, %mul3A_65 : i32
      %mul3A_67 = arith.constant 2 : i32
      %mul3A_68 = arith.muli %mul3A_67, %add3A_66 : i32
      %add3A_69 = arith.addi %mul3A_68, %arg0 : i32
      %lt3A_70 = arith.constant 500 : i32
      %lt3A_71 = arith.cmpi slt, %add3A_69, %lt3A_70 : i32
      %convert_element_type3A_72 = arith.extui %lt3A_71 : i1 to i32
      %cond3A_73 = arith.constant 0 : i32
      %cond3A_74 = arith.cmpi ne, %convert_element_type3A_72, %cond3A_73 : i32
      scf.if %cond3A_74 {
        %add3A_86 = arith.constant 1 : i32
        %add3A_87 = arith.addi %add3A_61, %add3A_86 : i32
        %mul3A_88 = arith.constant 16 : i32
        %mul3A_89 = arith.muli %mul3A_88, %add3A_87 : i32
        %add3A_90 = arith.addi %arg1, %mul3A_89 : i32
        %mul3A_91 = arith.constant 2 : i32
        %mul3A_92 = arith.muli %mul3A_91, %add3A_90 : i32
        %add3A_93 = arith.addi %mul3A_92, %arg0 : i32
        %add3A_94 = arith.constant 500 : i32
        %add3A_95 = arith.addi %add3A_94, %add3A_93 : i32
        %dma_start3A = arith.constant 0 : i32
        %dma_start3A_96 = tpu.memref_slice %arg3[%add3A_95, %dma_start3A] : memref<2500x128xi32, #tpu.memory_space<hbm>> -> memref<1x128xi32, #tpu.memory_space<hbm>>
        %dma_start3A_97 = arith.constant 0 : i32
        %dma_start3A_98 = tpu.memref_slice %arg3[%add3A_95, %dma_start3A_97] : memref<2500x128xi32, #tpu.memory_space<hbm>> -> memref<1x128xi32, #tpu.memory_space<hbm>>
        tpu.enqueue_dma source(%dma_start3A_98 : memref<1x128xi32, #tpu.memory_space<hbm>>) target(%arg5 : memref<1x128xi32, #tpu.memory_space<vmem>>) target_semaphore(%arg9 : memref<!tpu.dma_semaphore, #tpu.memory_space<semaphore_mem>>)
        %mul3A_99 = arith.constant 128 : i32
        %mul3A_100 = arith.muli %add3A_93, %mul3A_99 : i32
        %dma_start3A_101 = arith.constant 0 : i32
        %dma_start3A_102 = tpu.memref_slice %arg2[%mul3A_100, %dma_start3A_101] : memref<64000x128xf32, #tpu.memory_space<hbm>> -> memref<128x128xf32, #tpu.memory_space<hbm>>
        %dma_start3A_103 = arith.constant 0 : i32
        %dma_start3A_104 = tpu.memref_slice %arg2[%mul3A_100, %dma_start3A_103] : memref<64000x128xf32, #tpu.memory_space<hbm>> -> memref<128x128xf32, #tpu.memory_space<hbm>>
        tpu.enqueue_dma source(%dma_start3A_104 : memref<128x128xf32, #tpu.memory_space<hbm>>) target(%arg6 : memref<128x128xf32, #tpu.memory_space<vmem>>) target_semaphore(%arg9 : memref<!tpu.dma_semaphore, #tpu.memory_space<semaphore_mem>>)
      } else {
      }
      %mul3A_75 = arith.constant 16 : i32
      %mul3A_76 = arith.muli %mul3A_75, %add3A_61 : i32
      %add3A_77 = arith.addi %arg1, %mul3A_76 : i32
      %mul3A_78 = arith.constant 2 : i32
      %mul3A_79 = arith.muli %mul3A_78, %add3A_77 : i32
      %add3A_80 = arith.addi %mul3A_79, %arg0 : i32
      %lt3A_81 = arith.constant 500 : i32
      %lt3A_82 = arith.cmpi slt, %add3A_80, %lt3A_81 : i32
      %convert_element_type3A_83 = arith.extui %lt3A_82 : i1 to i32
      %cond3A_84 = arith.constant 0 : i32
      %cond3A_85 = arith.cmpi ne, %convert_element_type3A_83, %cond3A_84 : i32
      scf.if %cond3A_85 {
        %dma_wait3A = arith.constant 0 : i32
        %dma_wait3A_86 = arith.constant 0 : i32
        %dma_wait3A_87 = tpu.memref_slice %arg3[%dma_wait3A, %dma_wait3A_86] : memref<2500x128xi32, #tpu.memory_space<hbm>> -> memref<1x128xi32, #tpu.memory_space<hbm>>
        %dma_wait3A_88 = arith.constant 0 : i32
        %dma_wait3A_89 = arith.constant 0 : i32
        %dma_wait3A_90 = tpu.memref_slice %arg3[%dma_wait3A_88, %dma_wait3A_89] : memref<2500x128xi32, #tpu.memory_space<hbm>> -> memref<1x128xi32, #tpu.memory_space<hbm>>
        tpu.wait_dma2 semaphore(%arg10 : memref<!tpu.dma_semaphore, #tpu.memory_space<semaphore_mem>>) src(%dma_wait3A_90 : memref<1x128xi32, #tpu.memory_space<hbm>>) dst(%arg7 : memref<1x128xi32, #tpu.memory_space<vmem>>)
        %dma_wait3A_91 = arith.constant 0 : i32
        %dma_wait3A_92 = arith.constant 0 : i32
        %dma_wait3A_93 = tpu.memref_slice %arg2[%dma_wait3A_91, %dma_wait3A_92] : memref<64000x128xf32, #tpu.memory_space<hbm>> -> memref<128x128xf32, #tpu.memory_space<hbm>>
        %dma_wait3A_94 = arith.constant 0 : i32
        %dma_wait3A_95 = arith.constant 0 : i32
        %dma_wait3A_96 = tpu.memref_slice %arg2[%dma_wait3A_94, %dma_wait3A_95] : memref<64000x128xf32, #tpu.memory_space<hbm>> -> memref<128x128xf32, #tpu.memory_space<hbm>>
        tpu.wait_dma2 semaphore(%arg10 : memref<!tpu.dma_semaphore, #tpu.memory_space<semaphore_mem>>) src(%dma_wait3A_96 : memref<128x128xf32, #tpu.memory_space<hbm>>) dst(%arg8 : memref<128x128xf32, #tpu.memory_space<vmem>>)
        %run_scoped3A = arith.constant 0 : i32
        "tpu.region"() ({
          %run_scoped3A_97 = tpu.sem_alloc : memref<!tpu.dma_semaphore, #tpu.memory_space<semaphore_mem>>
          %dma_start3A = arith.constant 0 : i32
          %dma_start3A_98 = tpu.memref_slice %arg7[%run_scoped3A, %dma_start3A] : memref<1x128xi32, #tpu.memory_space<vmem>> -> memref<1x128xi32, #tpu.memory_space<vmem>>
          %dma_start3A_99 = tpu.memref_squeeze %dma_start3A_98 : memref<1x128xi32, #tpu.memory_space<vmem>> -> memref<128xi32, #tpu.memory_space<vmem>>
          %dma_start3A_100 = arith.constant 0 : i32
          %dma_start3A_101 = arith.constant 0 : i32
          %dma_start3A_102 = tpu.memref_slice %arg11[%dma_start3A_100, %dma_start3A_101] : memref<10000x128xf32, #tpu.memory_space<vmem_shared>> -> memref<10000x128xf32, #tpu.memory_space<vmem_shared>>
          tpu.enqueue_indirect_dma source(%arg8 : memref<128x128xf32, #tpu.memory_space<vmem>>) target(%dma_start3A_102 : memref<10000x128xf32, #tpu.memory_space<vmem_shared>>) offsets(%dma_start3A_99 : memref<128xi32, #tpu.memory_space<vmem>>) semaphore(%run_scoped3A_97 : memref<!tpu.dma_semaphore, #tpu.memory_space<semaphore_mem>>) {add = true}
          %dma_wait3A_103 = arith.constant 0 : i32
          %dma_wait3A_104 = tpu.memref_slice %arg7[%run_scoped3A, %dma_wait3A_103] : memref<1x128xi32, #tpu.memory_space<vmem>> -> memref<1x128xi32, #tpu.memory_space<vmem>>
          %dma_wait3A_105 = tpu.memref_squeeze %dma_wait3A_104 : memref<1x128xi32, #tpu.memory_space<vmem>> -> memref<128xi32, #tpu.memory_space<vmem>>
          %dma_wait3A_106 = arith.constant 0 : i32
          %dma_wait3A_107 = arith.constant 0 : i32
          %dma_wait3A_108 = tpu.memref_slice %arg11[%dma_wait3A_106, %dma_wait3A_107] : memref<10000x128xf32, #tpu.memory_space<vmem_shared>> -> memref<10000x128xf32, #tpu.memory_space<vmem_shared>>
          tpu.wait_indirect_dma semaphore(%run_scoped3A_97 : memref<!tpu.dma_semaphore, #tpu.memory_space<semaphore_mem>>) src(%arg8 : memref<128x128xf32, #tpu.memory_space<vmem>>) dst(%dma_wait3A_108 : memref<10000x128xf32, #tpu.memory_space<vmem_shared>>)
          tpu.yield
        }) : () -> ()
      } else {
      }
    }
    %scan3A_21 = arith.constant 8 : i32
    %barrier3A_22 = arith.constant 0 : index
    tpu.barrier barrier_id(%barrier3A_22)
    %scan3A_23 = arith.constant 0 : i32
    %scan3A_24 = arith.constant 0 : i32
    %scan3A_25 = arith.constant 8 : i32
    %scan3A_26 = arith.addi %scan3A_24, %scan3A_25 : i32
    %scan3A_27 = arith.constant 1 : i32
    scf.for %scan3A_29 = %scan3A_24 to %scan3A_26 step %scan3A_27  : i32 {
      %mul3A_30 = arith.constant 16 : i32
      %mul3A_31 = arith.muli %mul3A_30, %scan3A_29 : i32
      %add3A_32 = arith.addi %arg1, %mul3A_31 : i32
      %lt3A_33 = arith.constant 125 : i32
      %lt3A_34 = arith.cmpi slt, %add3A_32, %lt3A_33 : i32
      %convert_element_type3A_35 = arith.extui %lt3A_34 : i1 to i32
      %cond3A_36 = arith.constant 0 : i32
      %cond3A_37 = arith.cmpi ne, %convert_element_type3A_35, %cond3A_36 : i32
      scf.if %cond3A_37 {
        %mul3A_38 = arith.constant 80 : i32
        %mul3A_39 = arith.muli %add3A_32, %mul3A_38 : i32
        %mul3A_40 = arith.constant 80 : i32
        %mul3A_41 = arith.muli %add3A_32, %mul3A_40 : i32
        "tpu.region"() ({
          %run_scoped3A = tpu.sem_alloc : memref<!tpu.dma_semaphore, #tpu.memory_space<semaphore_mem>>
          %dma_start3A = arith.constant 0 : i32
          %dma_start3A_42 = arith.constant 0 : i32
          %dma_start3A_43 = tpu.memref_slice %arg4[%arg0, %dma_start3A, %dma_start3A_42] : memref<2x10000x128xf32, #tpu.memory_space<hbm>> -> memref<1x10000x128xf32, #tpu.memory_space<hbm>>
          %dma_start3A_44 = tpu.memref_squeeze %dma_start3A_43 : memref<1x10000x128xf32, #tpu.memory_space<hbm>> -> memref<10000x128xf32, #tpu.memory_space<hbm>>
          %dma_start3A_45 = arith.constant 0 : i32
          %dma_start3A_46 = tpu.memref_slice %dma_start3A_44[%mul3A_41, %dma_start3A_45] : memref<10000x128xf32, #tpu.memory_space<hbm>> -> memref<80x128xf32, #tpu.memory_space<hbm>>
          %dma_start3A_47 = arith.constant 0 : i32
          %dma_start3A_48 = tpu.memref_slice %arg11[%mul3A_39, %dma_start3A_47] : memref<10000x128xf32, #tpu.memory_space<vmem_shared>> -> memref<80x128xf32, #tpu.memory_space<vmem_shared>>
          tpu.enqueue_dma source(%dma_start3A_48 : memref<80x128xf32, #tpu.memory_space<vmem_shared>>) target(%dma_start3A_46 : memref<80x128xf32, #tpu.memory_space<hbm>>) target_semaphore(%run_scoped3A : memref<!tpu.dma_semaphore, #tpu.memory_space<semaphore_mem>>)
          %dma_wait3A = arith.constant 0 : i32
          %dma_wait3A_49 = arith.constant 0 : i32
          %dma_wait3A_50 = tpu.memref_slice %arg4[%arg0, %dma_wait3A, %dma_wait3A_49] : memref<2x10000x128xf32, #tpu.memory_space<hbm>> -> memref<1x10000x128xf32, #tpu.memory_space<hbm>>
          %dma_wait3A_51 = tpu.memref_squeeze %dma_wait3A_50 : memref<1x10000x128xf32, #tpu.memory_space<hbm>> -> memref<10000x128xf32, #tpu.memory_space<hbm>>
          %dma_wait3A_52 = arith.constant 0 : i32
          %dma_wait3A_53 = tpu.memref_slice %dma_wait3A_51[%mul3A_41, %dma_wait3A_52] : memref<10000x128xf32, #tpu.memory_space<hbm>> -> memref<80x128xf32, #tpu.memory_space<hbm>>
          %dma_wait3A_54 = arith.constant 0 : i32
          %dma_wait3A_55 = tpu.memref_slice %arg11[%mul3A_39, %dma_wait3A_54] : memref<10000x128xf32, #tpu.memory_space<vmem_shared>> -> memref<80x128xf32, #tpu.memory_space<vmem_shared>>
          tpu.wait_dma2 semaphore(%run_scoped3A : memref<!tpu.dma_semaphore, #tpu.memory_space<semaphore_mem>>) src(%dma_wait3A_55 : memref<80x128xf32, #tpu.memory_space<vmem_shared>>) dst(%dma_wait3A_53 : memref<80x128xf32, #tpu.memory_space<hbm>>)
          tpu.yield
        }) : () -> ()
      } else {
      }
    }
    %scan3A_28 = arith.constant 8 : i32
    return
  }
}

#map = affine_map<(d0, d1) -> (0, 0)>
#map1 = affine_map<(d0, d1) -> (0, 0, 0)>
module attributes {stable_mosaic.version = 14 : i64} {
  func.func @_sc_scatter_body(%arg0: i32, %arg1: i32, %arg2: memref<64000x128xf32, #tpu.memory_space<hbm>>, %arg3: memref<2500x128xi32, #tpu.memory_space<hbm>>, %arg4: memref<2x10000x128xf32, #tpu.memory_space<hbm>>, %arg5: memref<1x128xi32, #tpu.memory_space<vmem>>, %arg6: memref<128x128xf32, #tpu.memory_space<vmem>>, %arg7: memref<1x128xi32, #tpu.memory_space<vmem>>, %arg8: memref<128x128xf32, #tpu.memory_space<vmem>>, %arg9: memref<!tpu.dma_semaphore, #tpu.memory_space<semaphore_mem>>, %arg10: memref<!tpu.dma_semaphore, #tpu.memory_space<semaphore_mem>>, %arg11: memref<10000x128xf32, #tpu.memory_space<vmem_shared>>) attributes {dimension_semantics = [#tpu.dimension_semantics<core_parallel>, #tpu.dimension_semantics<subcore_parallel>], iteration_bounds = array<i64: 2, 16>, scalar_prefetch = 0 : i64, scratch_operands = 7 : i64, tpu.core_type = #tpu.core_type<sc_vector_subcore>, window_params = [{transform_indices = #map}, {transform_indices = #map}, {transform_indices = #map1}]} {
    %scan3A = arith.constant 0 : i32
    %scan3A_0 = arith.constant 0 : i32
    %scan3A_1 = arith.constant 80 : i32
    %scan3A_2 = arith.addi %scan3A_0, %scan3A_1 : i32
    %scan3A_3 = arith.constant 1 : i32
    scf.for %scan3A_29 = %scan3A_0 to %scan3A_2 step %scan3A_3  : i32 {
      %broadcast_in_dim3A = arith.constant 0.000000e+00 : f32
      %broadcast_in_dim3A_30 = vector.broadcast %broadcast_in_dim3A : f32 to vector<16xf32>
      %swap3A = arith.index_cast %scan3A_29 : i32 to index
      %swap3A_31 = arith.constant 0 : index
      %swap3A_32 = tpu.vector_load %arg6[%swap3A, %swap3A_31] {strides = array<i32>} : memref<128x128xf32, #tpu.memory_space<vmem>>, vector<1x16xf32>,
      %swap3A_33 = vector.shape_cast %swap3A_32 : vector<1x16xf32> to vector<16xf32>
      %swap3A_34 = vector.shape_cast %broadcast_in_dim3A_30 : vector<16xf32> to vector<1x16xf32>
      tpu.vector_store %arg6[%swap3A, %swap3A_31], %swap3A_34 {strides = array<i32>} : memref<128x128xf32, #tpu.memory_space<vmem>>, vector<1x16xf32>,
      %broadcast_in_dim3A_35 = arith.constant 0.000000e+00 : f32
      %broadcast_in_dim3A_36 = vector.broadcast %broadcast_in_dim3A_35 : f32 to vector<16xf32>
      %swap3A_37 = arith.index_cast %scan3A_29 : i32 to index
      %swap3A_38 = arith.constant 16 : index
      %swap3A_39 = tpu.vector_load %arg6[%swap3A_37, %swap3A_38] {strides = array<i32>} : memref<128x128xf32, #tpu.memory_space<vmem>>, vector<1x16xf32>,
      %swap3A_40 = vector.shape_cast %swap3A_39 : vector<1x16xf32> to vector<16xf32>
      %swap3A_41 = vector.shape_cast %broadcast_in_dim3A_36 : vector<16xf32> to vector<1x16xf32>
      tpu.vector_store %arg6[%swap3A_37, %swap3A_38], %swap3A_41 {strides = array<i32>} : memref<128x128xf32, #tpu.memory_space<vmem>>, vector<1x16xf32>,
      %broadcast_in_dim3A_42 = arith.constant 0.000000e+00 : f32
      %broadcast_in_dim3A_43 = vector.broadcast %broadcast_in_dim3A_42 : f32 to vector<16xf32>
      %swap3A_44 = arith.index_cast %scan3A_29 : i32 to index
      %swap3A_45 = arith.constant 32 : index
      %swap3A_46 = tpu.vector_load %arg6[%swap3A_44, %swap3A_45] {strides = array<i32>} : memref<128x128xf32, #tpu.memory_space<vmem>>, vector<1x16xf32>,
      %swap3A_47 = vector.shape_cast %swap3A_46 : vector<1x16xf32> to vector<16xf32>
      %swap3A_48 = vector.shape_cast %broadcast_in_dim3A_43 : vector<16xf32> to vector<1x16xf32>
      tpu.vector_store %arg6[%swap3A_44, %swap3A_45], %swap3A_48 {strides = array<i32>} : memref<128x128xf32, #tpu.memory_space<vmem>>, vector<1x16xf32>,
      %broadcast_in_dim3A_49 = arith.constant 0.000000e+00 : f32
      %broadcast_in_dim3A_50 = vector.broadcast %broadcast_in_dim3A_49 : f32 to vector<16xf32>
      %swap3A_51 = arith.index_cast %scan3A_29 : i32 to index
      %swap3A_52 = arith.constant 48 : index
      %swap3A_53 = tpu.vector_load %arg6[%swap3A_51, %swap3A_52] {strides = array<i32>} : memref<128x128xf32, #tpu.memory_space<vmem>>, vector<1x16xf32>,
      %swap3A_54 = vector.shape_cast %swap3A_53 : vector<1x16xf32> to vector<16xf32>
      %swap3A_55 = vector.shape_cast %broadcast_in_dim3A_50 : vector<16xf32> to vector<1x16xf32>
      tpu.vector_store %arg6[%swap3A_51, %swap3A_52], %swap3A_55 {strides = array<i32>} : memref<128x128xf32, #tpu.memory_space<vmem>>, vector<1x16xf32>,
      %broadcast_in_dim3A_56 = arith.constant 0.000000e+00 : f32
      %broadcast_in_dim3A_57 = vector.broadcast %broadcast_in_dim3A_56 : f32 to vector<16xf32>
      %swap3A_58 = arith.index_cast %scan3A_29 : i32 to index
      %swap3A_59 = arith.constant 64 : index
      %swap3A_60 = tpu.vector_load %arg6[%swap3A_58, %swap3A_59] {strides = array<i32>} : memref<128x128xf32, #tpu.memory_space<vmem>>, vector<1x16xf32>,
      %swap3A_61 = vector.shape_cast %swap3A_60 : vector<1x16xf32> to vector<16xf32>
      %swap3A_62 = vector.shape_cast %broadcast_in_dim3A_57 : vector<16xf32> to vector<1x16xf32>
      tpu.vector_store %arg6[%swap3A_58, %swap3A_59], %swap3A_62 {strides = array<i32>} : memref<128x128xf32, #tpu.memory_space<vmem>>, vector<1x16xf32>,
      %broadcast_in_dim3A_63 = arith.constant 0.000000e+00 : f32
      %broadcast_in_dim3A_64 = vector.broadcast %broadcast_in_dim3A_63 : f32 to vector<16xf32>
      %swap3A_65 = arith.index_cast %scan3A_29 : i32 to index
      %swap3A_66 = arith.constant 80 : index
      %swap3A_67 = tpu.vector_load %arg6[%swap3A_65, %swap3A_66] {strides = array<i32>} : memref<128x128xf32, #tpu.memory_space<vmem>>, vector<1x16xf32>,
      %swap3A_68 = vector.shape_cast %swap3A_67 : vector<1x16xf32> to vector<16xf32>
      %swap3A_69 = vector.shape_cast %broadcast_in_dim3A_64 : vector<16xf32> to vector<1x16xf32>
      tpu.vector_store %arg6[%swap3A_65, %swap3A_66], %swap3A_69 {strides = array<i32>} : memref<128x128xf32, #tpu.memory_space<vmem>>, vector<1x16xf32>,
      %broadcast_in_dim3A_70 = arith.constant 0.000000e+00 : f32
      %broadcast_in_dim3A_71 = vector.broadcast %broadcast_in_dim3A_70 : f32 to vector<16xf32>
      %swap3A_72 = arith.index_cast %scan3A_29 : i32 to index
      %swap3A_73 = arith.constant 96 : index
      %swap3A_74 = tpu.vector_load %arg6[%swap3A_72, %swap3A_73] {strides = array<i32>} : memref<128x128xf32, #tpu.memory_space<vmem>>, vector<1x16xf32>,
      %swap3A_75 = vector.shape_cast %swap3A_74 : vector<1x16xf32> to vector<16xf32>
      %swap3A_76 = vector.shape_cast %broadcast_in_dim3A_71 : vector<16xf32> to vector<1x16xf32>
      tpu.vector_store %arg6[%swap3A_72, %swap3A_73], %swap3A_76 {strides = array<i32>} : memref<128x128xf32, #tpu.memory_space<vmem>>, vector<1x16xf32>,
      %broadcast_in_dim3A_77 = arith.constant 0.000000e+00 : f32
      %broadcast_in_dim3A_78 = vector.broadcast %broadcast_in_dim3A_77 : f32 to vector<16xf32>
      %swap3A_79 = arith.index_cast %scan3A_29 : i32 to index
      %swap3A_80 = arith.constant 112 : index
      %swap3A_81 = tpu.vector_load %arg6[%swap3A_79, %swap3A_80] {strides = array<i32>} : memref<128x128xf32, #tpu.memory_space<vmem>>, vector<1x16xf32>,
      %swap3A_82 = vector.shape_cast %swap3A_81 : vector<1x16xf32> to vector<16xf32>
      %swap3A_83 = vector.shape_cast %broadcast_in_dim3A_78 : vector<16xf32> to vector<1x16xf32>
      tpu.vector_store %arg6[%swap3A_79, %swap3A_80], %swap3A_83 {strides = array<i32>} : memref<128x128xf32, #tpu.memory_space<vmem>>, vector<1x16xf32>,
    }
    %scan3A_4 = arith.constant 80 : i32
    %scan3A_5 = arith.constant 0 : i32
    %scan3A_6 = arith.constant 0 : i32
    %scan3A_7 = arith.constant 8 : i32
    %scan3A_8 = arith.addi %scan3A_6, %scan3A_7 : i32
    %scan3A_9 = arith.constant 1 : i32
    scf.for %scan3A_29 = %scan3A_6 to %scan3A_8 step %scan3A_9  : i32 {
      %mul3A_30 = arith.constant 16 : i32
      %mul3A_31 = arith.muli %mul3A_30, %scan3A_29 : i32
      %add3A_32 = arith.addi %arg1, %mul3A_31 : i32
      %lt3A_33 = arith.constant 125 : i32
      %lt3A_34 = arith.cmpi slt, %add3A_32, %lt3A_33 : i32
      %convert_element_type3A_35 = arith.extui %lt3A_34 : i1 to i32
      %cond3A_36 = arith.constant 0 : i32
      %cond3A_37 = arith.cmpi ne, %convert_element_type3A_35, %cond3A_36 : i32
      scf.if %cond3A_37 {
        %mul3A_38 = arith.constant 80 : i32
        %mul3A_39 = arith.muli %add3A_32, %mul3A_38 : i32
        "tpu.region"() ({
          %run_scoped3A = tpu.sem_alloc : memref<!tpu.dma_semaphore, #tpu.memory_space<semaphore_mem>>
          %dma_start3A = arith.constant 0 : i32
          %dma_start3A_40 = arith.constant 0 : i32
          %dma_start3A_41 = tpu.memref_slice %arg6[%dma_start3A, %dma_start3A_40] : memref<128x128xf32, #tpu.memory_space<vmem>> -> memref<80x128xf32, #tpu.memory_space<vmem>>
          %dma_start3A_42 = arith.constant 0 : i32
          %dma_start3A_43 = tpu.memref_slice %arg11[%mul3A_39, %dma_start3A_42] : memref<10000x128xf32, #tpu.memory_space<vmem_shared>> -> memref<80x128xf32, #tpu.memory_space<vmem_shared>>
          %dma_start3A_44 = arith.constant 0 : i32
          %dma_start3A_45 = tpu.memref_slice %arg11[%mul3A_39, %dma_start3A_44] : memref<10000x128xf32, #tpu.memory_space<vmem_shared>> -> memref<80x128xf32, #tpu.memory_space<vmem_shared>>
          %dma_start3A_46 = arith.constant 0 : i32
          %dma_start3A_47 = arith.constant 0 : i32
          %dma_start3A_48 = tpu.memref_slice %arg6[%dma_start3A_46, %dma_start3A_47] : memref<128x128xf32, #tpu.memory_space<vmem>> -> memref<80x128xf32, #tpu.memory_space<vmem>>
          tpu.enqueue_dma source(%dma_start3A_48 : memref<80x128xf32, #tpu.memory_space<vmem>>) target(%dma_start3A_45 : memref<80x128xf32, #tpu.memory_space<vmem_shared>>) target_semaphore(%run_scoped3A : memref<!tpu.dma_semaphore, #tpu.memory_space<semaphore_mem>>)
          %dma_wait3A = arith.constant 0 : i32
          %dma_wait3A_49 = arith.constant 0 : i32
          %dma_wait3A_50 = tpu.memref_slice %arg6[%dma_wait3A, %dma_wait3A_49] : memref<128x128xf32, #tpu.memory_space<vmem>> -> memref<80x128xf32, #tpu.memory_space<vmem>>
          %dma_wait3A_51 = arith.constant 0 : i32
          %dma_wait3A_52 = tpu.memref_slice %arg11[%mul3A_39, %dma_wait3A_51] : memref<10000x128xf32, #tpu.memory_space<vmem_shared>> -> memref<80x128xf32, #tpu.memory_space<vmem_shared>>
          %dma_wait3A_53 = arith.constant 0 : i32
          %dma_wait3A_54 = tpu.memref_slice %arg11[%mul3A_39, %dma_wait3A_53] : memref<10000x128xf32, #tpu.memory_space<vmem_shared>> -> memref<80x128xf32, #tpu.memory_space<vmem_shared>>
          %dma_wait3A_55 = arith.constant 0 : i32
          %dma_wait3A_56 = arith.constant 0 : i32
          %dma_wait3A_57 = tpu.memref_slice %arg6[%dma_wait3A_55, %dma_wait3A_56] : memref<128x128xf32, #tpu.memory_space<vmem>> -> memref<80x128xf32, #tpu.memory_space<vmem>>
          tpu.wait_dma2 semaphore(%run_scoped3A : memref<!tpu.dma_semaphore, #tpu.memory_space<semaphore_mem>>) src(%dma_wait3A_57 : memref<80x128xf32, #tpu.memory_space<vmem>>) dst(%dma_wait3A_54 : memref<80x128xf32, #tpu.memory_space<vmem_shared>>)
          tpu.yield
        }) : () -> ()
      } else {
      }
    }
    %scan3A_10 = arith.constant 8 : i32
    %barrier3A = arith.constant 0 : index
    tpu.barrier barrier_id(%barrier3A)
    %add3A = arith.constant 0 : i32
    %add3A_11 = arith.addi %arg1, %add3A : i32
    %mul3A = arith.constant 2 : i32
    %mul3A_12 = arith.muli %mul3A, %add3A_11 : i32
    %add3A_13 = arith.addi %mul3A_12, %arg0 : i32
    %lt3A = arith.constant 500 : i32
    %lt3A_14 = arith.cmpi slt, %add3A_13, %lt3A : i32
    %convert_element_type3A = arith.extui %lt3A_14 : i1 to i32
    %cond3A = arith.constant 0 : i32
    %cond3A_15 = arith.cmpi ne, %convert_element_type3A, %cond3A : i32
    scf.if %cond3A_15 {
      %add3A_29 = arith.constant 0 : i32
      %add3A_30 = arith.addi %arg1, %add3A_29 : i32
      %mul3A_31 = arith.constant 2 : i32
      %mul3A_32 = arith.muli %mul3A_31, %add3A_30 : i32
      %add3A_33 = arith.addi %mul3A_32, %arg0 : i32
      %add3A_34 = arith.constant 1000 : i32
      %add3A_35 = arith.addi %add3A_34, %add3A_33 : i32
      %dma_start3A = arith.constant 0 : i32
      %dma_start3A_36 = tpu.memref_slice %arg3[%add3A_35, %dma_start3A] : memref<2500x128xi32, #tpu.memory_space<hbm>> -> memref<1x128xi32, #tpu.memory_space<hbm>>
      %dma_start3A_37 = arith.constant 0 : i32
      %dma_start3A_38 = tpu.memref_slice %arg3[%add3A_35, %dma_start3A_37] : memref<2500x128xi32, #tpu.memory_space<hbm>> -> memref<1x128xi32, #tpu.memory_space<hbm>>
      tpu.enqueue_dma source(%dma_start3A_38 : memref<1x128xi32, #tpu.memory_space<hbm>>) target(%arg5 : memref<1x128xi32, #tpu.memory_space<vmem>>) target_semaphore(%arg9 : memref<!tpu.dma_semaphore, #tpu.memory_space<semaphore_mem>>)
      %mul3A_39 = arith.constant 128 : i32
      %mul3A_40 = arith.muli %add3A_33, %mul3A_39 : i32
      %dma_start3A_41 = arith.constant 0 : i32
      %dma_start3A_42 = tpu.memref_slice %arg2[%mul3A_40, %dma_start3A_41] : memref<64000x128xf32, #tpu.memory_space<hbm>> -> memref<128x128xf32, #tpu.memory_space<hbm>>
      %dma_start3A_43 = arith.constant 0 : i32
      %dma_start3A_44 = tpu.memref_slice %arg2[%mul3A_40, %dma_start3A_43] : memref<64000x128xf32, #tpu.memory_space<hbm>> -> memref<128x128xf32, #tpu.memory_space<hbm>>
      tpu.enqueue_dma source(%dma_start3A_44 : memref<128x128xf32, #tpu.memory_space<hbm>>) target(%arg6 : memref<128x128xf32, #tpu.memory_space<vmem>>) target_semaphore(%arg9 : memref<!tpu.dma_semaphore, #tpu.memory_space<semaphore_mem>>)
    } else {
    }
    %scan3A_16 = arith.constant 0 : i32
    %scan3A_17 = arith.constant 0 : i32
    %scan3A_18 = arith.constant 8 : i32
    %scan3A_19 = arith.addi %scan3A_17, %scan3A_18 : i32
    %scan3A_20 = arith.constant 1 : i32
    scf.for %scan3A_29 = %scan3A_17 to %scan3A_19 step %scan3A_20  : i32 {
      %mul3A_30 = arith.constant 2 : i32
      %mul3A_31 = arith.muli %mul3A_30, %scan3A_29 : i32
      %add3A_32 = arith.constant 0 : i32
      %add3A_33 = arith.addi %mul3A_31, %add3A_32 : i32
      %add3A_34 = arith.constant 1 : i32
      %add3A_35 = arith.addi %add3A_33, %add3A_34 : i32
      %mul3A_36 = arith.constant 16 : i32
      %mul3A_37 = arith.muli %mul3A_36, %add3A_35 : i32
      %add3A_38 = arith.addi %arg1, %mul3A_37 : i32
      %mul3A_39 = arith.constant 2 : i32
      %mul3A_40 = arith.muli %mul3A_39, %add3A_38 : i32
      %add3A_41 = arith.addi %mul3A_40, %arg0 : i32
      %lt3A_42 = arith.constant 500 : i32
      %lt3A_43 = arith.cmpi slt, %add3A_41, %lt3A_42 : i32
      %convert_element_type3A_44 = arith.extui %lt3A_43 : i1 to i32
      %cond3A_45 = arith.constant 0 : i32
      %cond3A_46 = arith.cmpi ne, %convert_element_type3A_44, %cond3A_45 : i32
      scf.if %cond3A_46 {
        %add3A_86 = arith.constant 1 : i32
        %add3A_87 = arith.addi %add3A_33, %add3A_86 : i32
        %mul3A_88 = arith.constant 16 : i32
        %mul3A_89 = arith.muli %mul3A_88, %add3A_87 : i32
        %add3A_90 = arith.addi %arg1, %mul3A_89 : i32
        %mul3A_91 = arith.constant 2 : i32
        %mul3A_92 = arith.muli %mul3A_91, %add3A_90 : i32
        %add3A_93 = arith.addi %mul3A_92, %arg0 : i32
        %add3A_94 = arith.constant 1000 : i32
        %add3A_95 = arith.addi %add3A_94, %add3A_93 : i32
        %dma_start3A = arith.constant 0 : i32
        %dma_start3A_96 = tpu.memref_slice %arg3[%add3A_95, %dma_start3A] : memref<2500x128xi32, #tpu.memory_space<hbm>> -> memref<1x128xi32, #tpu.memory_space<hbm>>
        %dma_start3A_97 = arith.constant 0 : i32
        %dma_start3A_98 = tpu.memref_slice %arg3[%add3A_95, %dma_start3A_97] : memref<2500x128xi32, #tpu.memory_space<hbm>> -> memref<1x128xi32, #tpu.memory_space<hbm>>
        tpu.enqueue_dma source(%dma_start3A_98 : memref<1x128xi32, #tpu.memory_space<hbm>>) target(%arg7 : memref<1x128xi32, #tpu.memory_space<vmem>>) target_semaphore(%arg10 : memref<!tpu.dma_semaphore, #tpu.memory_space<semaphore_mem>>)
        %mul3A_99 = arith.constant 128 : i32
        %mul3A_100 = arith.muli %add3A_93, %mul3A_99 : i32
        %dma_start3A_101 = arith.constant 0 : i32
        %dma_start3A_102 = tpu.memref_slice %arg2[%mul3A_100, %dma_start3A_101] : memref<64000x128xf32, #tpu.memory_space<hbm>> -> memref<128x128xf32, #tpu.memory_space<hbm>>
        %dma_start3A_103 = arith.constant 0 : i32
        %dma_start3A_104 = tpu.memref_slice %arg2[%mul3A_100, %dma_start3A_103] : memref<64000x128xf32, #tpu.memory_space<hbm>> -> memref<128x128xf32, #tpu.memory_space<hbm>>
        tpu.enqueue_dma source(%dma_start3A_104 : memref<128x128xf32, #tpu.memory_space<hbm>>) target(%arg8 : memref<128x128xf32, #tpu.memory_space<vmem>>) target_semaphore(%arg10 : memref<!tpu.dma_semaphore, #tpu.memory_space<semaphore_mem>>)
      } else {
      }
      %mul3A_47 = arith.constant 16 : i32
      %mul3A_48 = arith.muli %mul3A_47, %add3A_33 : i32
      %add3A_49 = arith.addi %arg1, %mul3A_48 : i32
      %mul3A_50 = arith.constant 2 : i32
      %mul3A_51 = arith.muli %mul3A_50, %add3A_49 : i32
      %add3A_52 = arith.addi %mul3A_51, %arg0 : i32
      %lt3A_53 = arith.constant 500 : i32
      %lt3A_54 = arith.cmpi slt, %add3A_52, %lt3A_53 : i32
      %convert_element_type3A_55 = arith.extui %lt3A_54 : i1 to i32
      %cond3A_56 = arith.constant 0 : i32
      %cond3A_57 = arith.cmpi ne, %convert_element_type3A_55, %cond3A_56 : i32
      scf.if %cond3A_57 {
        %dma_wait3A = arith.constant 0 : i32
        %dma_wait3A_86 = arith.constant 0 : i32
        %dma_wait3A_87 = tpu.memref_slice %arg3[%dma_wait3A, %dma_wait3A_86] : memref<2500x128xi32, #tpu.memory_space<hbm>> -> memref<1x128xi32, #tpu.memory_space<hbm>>
        %dma_wait3A_88 = arith.constant 0 : i32
        %dma_wait3A_89 = arith.constant 0 : i32
        %dma_wait3A_90 = tpu.memref_slice %arg3[%dma_wait3A_88, %dma_wait3A_89] : memref<2500x128xi32, #tpu.memory_space<hbm>> -> memref<1x128xi32, #tpu.memory_space<hbm>>
        tpu.wait_dma2 semaphore(%arg9 : memref<!tpu.dma_semaphore, #tpu.memory_space<semaphore_mem>>) src(%dma_wait3A_90 : memref<1x128xi32, #tpu.memory_space<hbm>>) dst(%arg5 : memref<1x128xi32, #tpu.memory_space<vmem>>)
        %dma_wait3A_91 = arith.constant 0 : i32
        %dma_wait3A_92 = arith.constant 0 : i32
        %dma_wait3A_93 = tpu.memref_slice %arg2[%dma_wait3A_91, %dma_wait3A_92] : memref<64000x128xf32, #tpu.memory_space<hbm>> -> memref<128x128xf32, #tpu.memory_space<hbm>>
        %dma_wait3A_94 = arith.constant 0 : i32
        %dma_wait3A_95 = arith.constant 0 : i32
        %dma_wait3A_96 = tpu.memref_slice %arg2[%dma_wait3A_94, %dma_wait3A_95] : memref<64000x128xf32, #tpu.memory_space<hbm>> -> memref<128x128xf32, #tpu.memory_space<hbm>>
        tpu.wait_dma2 semaphore(%arg9 : memref<!tpu.dma_semaphore, #tpu.memory_space<semaphore_mem>>) src(%dma_wait3A_96 : memref<128x128xf32, #tpu.memory_space<hbm>>) dst(%arg6 : memref<128x128xf32, #tpu.memory_space<vmem>>)
        %run_scoped3A = arith.constant 0 : i32
        "tpu.region"() ({
          %run_scoped3A_97 = tpu.sem_alloc : memref<!tpu.dma_semaphore, #tpu.memory_space<semaphore_mem>>
          %dma_start3A = arith.constant 0 : i32
          %dma_start3A_98 = tpu.memref_slice %arg5[%run_scoped3A, %dma_start3A] : memref<1x128xi32, #tpu.memory_space<vmem>> -> memref<1x128xi32, #tpu.memory_space<vmem>>
          %dma_start3A_99 = tpu.memref_squeeze %dma_start3A_98 : memref<1x128xi32, #tpu.memory_space<vmem>> -> memref<128xi32, #tpu.memory_space<vmem>>
          %dma_start3A_100 = arith.constant 0 : i32
          %dma_start3A_101 = arith.constant 0 : i32
          %dma_start3A_102 = tpu.memref_slice %arg11[%dma_start3A_100, %dma_start3A_101] : memref<10000x128xf32, #tpu.memory_space<vmem_shared>> -> memref<10000x128xf32, #tpu.memory_space<vmem_shared>>
          tpu.enqueue_indirect_dma source(%arg6 : memref<128x128xf32, #tpu.memory_space<vmem>>) target(%dma_start3A_102 : memref<10000x128xf32, #tpu.memory_space<vmem_shared>>) offsets(%dma_start3A_99 : memref<128xi32, #tpu.memory_space<vmem>>) semaphore(%run_scoped3A_97 : memref<!tpu.dma_semaphore, #tpu.memory_space<semaphore_mem>>) {add = true}
          %dma_wait3A_103 = arith.constant 0 : i32
          %dma_wait3A_104 = tpu.memref_slice %arg5[%run_scoped3A, %dma_wait3A_103] : memref<1x128xi32, #tpu.memory_space<vmem>> -> memref<1x128xi32, #tpu.memory_space<vmem>>
          %dma_wait3A_105 = tpu.memref_squeeze %dma_wait3A_104 : memref<1x128xi32, #tpu.memory_space<vmem>> -> memref<128xi32, #tpu.memory_space<vmem>>
          %dma_wait3A_106 = arith.constant 0 : i32
          %dma_wait3A_107 = arith.constant 0 : i32
          %dma_wait3A_108 = tpu.memref_slice %arg11[%dma_wait3A_106, %dma_wait3A_107] : memref<10000x128xf32, #tpu.memory_space<vmem_shared>> -> memref<10000x128xf32, #tpu.memory_space<vmem_shared>>
          tpu.wait_indirect_dma semaphore(%run_scoped3A_97 : memref<!tpu.dma_semaphore, #tpu.memory_space<semaphore_mem>>) src(%arg6 : memref<128x128xf32, #tpu.memory_space<vmem>>) dst(%dma_wait3A_108 : memref<10000x128xf32, #tpu.memory_space<vmem_shared>>)
          tpu.yield
        }) : () -> ()
      } else {
      }
      %mul3A_58 = arith.constant 2 : i32
      %mul3A_59 = arith.muli %mul3A_58, %scan3A_29 : i32
      %add3A_60 = arith.constant 1 : i32
      %add3A_61 = arith.addi %mul3A_59, %add3A_60 : i32
      %add3A_62 = arith.constant 1 : i32
      %add3A_63 = arith.addi %add3A_61, %add3A_62 : i32
      %mul3A_64 = arith.constant 16 : i32
      %mul3A_65 = arith.muli %mul3A_64, %add3A_63 : i32
      %add3A_66 = arith.addi %arg1, %mul3A_65 : i32
      %mul3A_67 = arith.constant 2 : i32
      %mul3A_68 = arith.muli %mul3A_67, %add3A_66 : i32
      %add3A_69 = arith.addi %mul3A_68, %arg0 : i32
      %lt3A_70 = arith.constant 500 : i32
      %lt3A_71 = arith.cmpi slt, %add3A_69, %lt3A_70 : i32
      %convert_element_type3A_72 = arith.extui %lt3A_71 : i1 to i32
      %cond3A_73 = arith.constant 0 : i32
      %cond3A_74 = arith.cmpi ne, %convert_element_type3A_72, %cond3A_73 : i32
      scf.if %cond3A_74 {
        %add3A_86 = arith.constant 1 : i32
        %add3A_87 = arith.addi %add3A_61, %add3A_86 : i32
        %mul3A_88 = arith.constant 16 : i32
        %mul3A_89 = arith.muli %mul3A_88, %add3A_87 : i32
        %add3A_90 = arith.addi %arg1, %mul3A_89 : i32
        %mul3A_91 = arith.constant 2 : i32
        %mul3A_92 = arith.muli %mul3A_91, %add3A_90 : i32
        %add3A_93 = arith.addi %mul3A_92, %arg0 : i32
        %add3A_94 = arith.constant 1000 : i32
        %add3A_95 = arith.addi %add3A_94, %add3A_93 : i32
        %dma_start3A = arith.constant 0 : i32
        %dma_start3A_96 = tpu.memref_slice %arg3[%add3A_95, %dma_start3A] : memref<2500x128xi32, #tpu.memory_space<hbm>> -> memref<1x128xi32, #tpu.memory_space<hbm>>
        %dma_start3A_97 = arith.constant 0 : i32
        %dma_start3A_98 = tpu.memref_slice %arg3[%add3A_95, %dma_start3A_97] : memref<2500x128xi32, #tpu.memory_space<hbm>> -> memref<1x128xi32, #tpu.memory_space<hbm>>
        tpu.enqueue_dma source(%dma_start3A_98 : memref<1x128xi32, #tpu.memory_space<hbm>>) target(%arg5 : memref<1x128xi32, #tpu.memory_space<vmem>>) target_semaphore(%arg9 : memref<!tpu.dma_semaphore, #tpu.memory_space<semaphore_mem>>)
        %mul3A_99 = arith.constant 128 : i32
        %mul3A_100 = arith.muli %add3A_93, %mul3A_99 : i32
        %dma_start3A_101 = arith.constant 0 : i32
        %dma_start3A_102 = tpu.memref_slice %arg2[%mul3A_100, %dma_start3A_101] : memref<64000x128xf32, #tpu.memory_space<hbm>> -> memref<128x128xf32, #tpu.memory_space<hbm>>
        %dma_start3A_103 = arith.constant 0 : i32
        %dma_start3A_104 = tpu.memref_slice %arg2[%mul3A_100, %dma_start3A_103] : memref<64000x128xf32, #tpu.memory_space<hbm>> -> memref<128x128xf32, #tpu.memory_space<hbm>>
        tpu.enqueue_dma source(%dma_start3A_104 : memref<128x128xf32, #tpu.memory_space<hbm>>) target(%arg6 : memref<128x128xf32, #tpu.memory_space<vmem>>) target_semaphore(%arg9 : memref<!tpu.dma_semaphore, #tpu.memory_space<semaphore_mem>>)
      } else {
      }
      %mul3A_75 = arith.constant 16 : i32
      %mul3A_76 = arith.muli %mul3A_75, %add3A_61 : i32
      %add3A_77 = arith.addi %arg1, %mul3A_76 : i32
      %mul3A_78 = arith.constant 2 : i32
      %mul3A_79 = arith.muli %mul3A_78, %add3A_77 : i32
      %add3A_80 = arith.addi %mul3A_79, %arg0 : i32
      %lt3A_81 = arith.constant 500 : i32
      %lt3A_82 = arith.cmpi slt, %add3A_80, %lt3A_81 : i32
      %convert_element_type3A_83 = arith.extui %lt3A_82 : i1 to i32
      %cond3A_84 = arith.constant 0 : i32
      %cond3A_85 = arith.cmpi ne, %convert_element_type3A_83, %cond3A_84 : i32
      scf.if %cond3A_85 {
        %dma_wait3A = arith.constant 0 : i32
        %dma_wait3A_86 = arith.constant 0 : i32
        %dma_wait3A_87 = tpu.memref_slice %arg3[%dma_wait3A, %dma_wait3A_86] : memref<2500x128xi32, #tpu.memory_space<hbm>> -> memref<1x128xi32, #tpu.memory_space<hbm>>
        %dma_wait3A_88 = arith.constant 0 : i32
        %dma_wait3A_89 = arith.constant 0 : i32
        %dma_wait3A_90 = tpu.memref_slice %arg3[%dma_wait3A_88, %dma_wait3A_89] : memref<2500x128xi32, #tpu.memory_space<hbm>> -> memref<1x128xi32, #tpu.memory_space<hbm>>
        tpu.wait_dma2 semaphore(%arg10 : memref<!tpu.dma_semaphore, #tpu.memory_space<semaphore_mem>>) src(%dma_wait3A_90 : memref<1x128xi32, #tpu.memory_space<hbm>>) dst(%arg7 : memref<1x128xi32, #tpu.memory_space<vmem>>)
        %dma_wait3A_91 = arith.constant 0 : i32
        %dma_wait3A_92 = arith.constant 0 : i32
        %dma_wait3A_93 = tpu.memref_slice %arg2[%dma_wait3A_91, %dma_wait3A_92] : memref<64000x128xf32, #tpu.memory_space<hbm>> -> memref<128x128xf32, #tpu.memory_space<hbm>>
        %dma_wait3A_94 = arith.constant 0 : i32
        %dma_wait3A_95 = arith.constant 0 : i32
        %dma_wait3A_96 = tpu.memref_slice %arg2[%dma_wait3A_94, %dma_wait3A_95] : memref<64000x128xf32, #tpu.memory_space<hbm>> -> memref<128x128xf32, #tpu.memory_space<hbm>>
        tpu.wait_dma2 semaphore(%arg10 : memref<!tpu.dma_semaphore, #tpu.memory_space<semaphore_mem>>) src(%dma_wait3A_96 : memref<128x128xf32, #tpu.memory_space<hbm>>) dst(%arg8 : memref<128x128xf32, #tpu.memory_space<vmem>>)
        %run_scoped3A = arith.constant 0 : i32
        "tpu.region"() ({
          %run_scoped3A_97 = tpu.sem_alloc : memref<!tpu.dma_semaphore, #tpu.memory_space<semaphore_mem>>
          %dma_start3A = arith.constant 0 : i32
          %dma_start3A_98 = tpu.memref_slice %arg7[%run_scoped3A, %dma_start3A] : memref<1x128xi32, #tpu.memory_space<vmem>> -> memref<1x128xi32, #tpu.memory_space<vmem>>
          %dma_start3A_99 = tpu.memref_squeeze %dma_start3A_98 : memref<1x128xi32, #tpu.memory_space<vmem>> -> memref<128xi32, #tpu.memory_space<vmem>>
          %dma_start3A_100 = arith.constant 0 : i32
          %dma_start3A_101 = arith.constant 0 : i32
          %dma_start3A_102 = tpu.memref_slice %arg11[%dma_start3A_100, %dma_start3A_101] : memref<10000x128xf32, #tpu.memory_space<vmem_shared>> -> memref<10000x128xf32, #tpu.memory_space<vmem_shared>>
          tpu.enqueue_indirect_dma source(%arg8 : memref<128x128xf32, #tpu.memory_space<vmem>>) target(%dma_start3A_102 : memref<10000x128xf32, #tpu.memory_space<vmem_shared>>) offsets(%dma_start3A_99 : memref<128xi32, #tpu.memory_space<vmem>>) semaphore(%run_scoped3A_97 : memref<!tpu.dma_semaphore, #tpu.memory_space<semaphore_mem>>) {add = true}
          %dma_wait3A_103 = arith.constant 0 : i32
          %dma_wait3A_104 = tpu.memref_slice %arg7[%run_scoped3A, %dma_wait3A_103] : memref<1x128xi32, #tpu.memory_space<vmem>> -> memref<1x128xi32, #tpu.memory_space<vmem>>
          %dma_wait3A_105 = tpu.memref_squeeze %dma_wait3A_104 : memref<1x128xi32, #tpu.memory_space<vmem>> -> memref<128xi32, #tpu.memory_space<vmem>>
          %dma_wait3A_106 = arith.constant 0 : i32
          %dma_wait3A_107 = arith.constant 0 : i32
          %dma_wait3A_108 = tpu.memref_slice %arg11[%dma_wait3A_106, %dma_wait3A_107] : memref<10000x128xf32, #tpu.memory_space<vmem_shared>> -> memref<10000x128xf32, #tpu.memory_space<vmem_shared>>
          tpu.wait_indirect_dma semaphore(%run_scoped3A_97 : memref<!tpu.dma_semaphore, #tpu.memory_space<semaphore_mem>>) src(%arg8 : memref<128x128xf32, #tpu.memory_space<vmem>>) dst(%dma_wait3A_108 : memref<10000x128xf32, #tpu.memory_space<vmem_shared>>)
          tpu.yield
        }) : () -> ()
      } else {
      }
    }
    %scan3A_21 = arith.constant 8 : i32
    %barrier3A_22 = arith.constant 0 : index
    tpu.barrier barrier_id(%barrier3A_22)
    %scan3A_23 = arith.constant 0 : i32
    %scan3A_24 = arith.constant 0 : i32
    %scan3A_25 = arith.constant 8 : i32
    %scan3A_26 = arith.addi %scan3A_24, %scan3A_25 : i32
    %scan3A_27 = arith.constant 1 : i32
    scf.for %scan3A_29 = %scan3A_24 to %scan3A_26 step %scan3A_27  : i32 {
      %mul3A_30 = arith.constant 16 : i32
      %mul3A_31 = arith.muli %mul3A_30, %scan3A_29 : i32
      %add3A_32 = arith.addi %arg1, %mul3A_31 : i32
      %lt3A_33 = arith.constant 125 : i32
      %lt3A_34 = arith.cmpi slt, %add3A_32, %lt3A_33 : i32
      %convert_element_type3A_35 = arith.extui %lt3A_34 : i1 to i32
      %cond3A_36 = arith.constant 0 : i32
      %cond3A_37 = arith.cmpi ne, %convert_element_type3A_35, %cond3A_36 : i32
      scf.if %cond3A_37 {
        %mul3A_38 = arith.constant 80 : i32
        %mul3A_39 = arith.muli %add3A_32, %mul3A_38 : i32
        %mul3A_40 = arith.constant 80 : i32
        %mul3A_41 = arith.muli %add3A_32, %mul3A_40 : i32
        "tpu.region"() ({
          %run_scoped3A = tpu.sem_alloc : memref<!tpu.dma_semaphore, #tpu.memory_space<semaphore_mem>>
          %dma_start3A = arith.constant 0 : i32
          %dma_start3A_42 = arith.constant 0 : i32
          %dma_start3A_43 = tpu.memref_slice %arg4[%arg0, %dma_start3A, %dma_start3A_42] : memref<2x10000x128xf32, #tpu.memory_space<hbm>> -> memref<1x10000x128xf32, #tpu.memory_space<hbm>>
          %dma_start3A_44 = tpu.memref_squeeze %dma_start3A_43 : memref<1x10000x128xf32, #tpu.memory_space<hbm>> -> memref<10000x128xf32, #tpu.memory_space<hbm>>
          %dma_start3A_45 = arith.constant 0 : i32
          %dma_start3A_46 = tpu.memref_slice %dma_start3A_44[%mul3A_41, %dma_start3A_45] : memref<10000x128xf32, #tpu.memory_space<hbm>> -> memref<80x128xf32, #tpu.memory_space<hbm>>
          %dma_start3A_47 = arith.constant 0 : i32
          %dma_start3A_48 = tpu.memref_slice %arg11[%mul3A_39, %dma_start3A_47] : memref<10000x128xf32, #tpu.memory_space<vmem_shared>> -> memref<80x128xf32, #tpu.memory_space<vmem_shared>>
          tpu.enqueue_dma source(%dma_start3A_48 : memref<80x128xf32, #tpu.memory_space<vmem_shared>>) target(%dma_start3A_46 : memref<80x128xf32, #tpu.memory_space<hbm>>) target_semaphore(%run_scoped3A : memref<!tpu.dma_semaphore, #tpu.memory_space<semaphore_mem>>)
          %dma_wait3A = arith.constant 0 : i32
          %dma_wait3A_49 = arith.constant 0 : i32
          %dma_wait3A_50 = tpu.memref_slice %arg4[%arg0, %dma_wait3A, %dma_wait3A_49] : memref<2x10000x128xf32, #tpu.memory_space<hbm>> -> memref<1x10000x128xf32, #tpu.memory_space<hbm>>
          %dma_wait3A_51 = tpu.memref_squeeze %dma_wait3A_50 : memref<1x10000x128xf32, #tpu.memory_space<hbm>> -> memref<10000x128xf32, #tpu.memory_space<hbm>>
          %dma_wait3A_52 = arith.constant 0 : i32
          %dma_wait3A_53 = tpu.memref_slice %dma_wait3A_51[%mul3A_41, %dma_wait3A_52] : memref<10000x128xf32, #tpu.memory_space<hbm>> -> memref<80x128xf32, #tpu.memory_space<hbm>>
          %dma_wait3A_54 = arith.constant 0 : i32
          %dma_wait3A_55 = tpu.memref_slice %arg11[%mul3A_39, %dma_wait3A_54] : memref<10000x128xf32, #tpu.memory_space<vmem_shared>> -> memref<80x128xf32, #tpu.memory_space<vmem_shared>>
          tpu.wait_dma2 semaphore(%run_scoped3A : memref<!tpu.dma_semaphore, #tpu.memory_space<semaphore_mem>>) src(%dma_wait3A_55 : memref<80x128xf32, #tpu.memory_space<vmem_shared>>) dst(%dma_wait3A_53 : memref<80x128xf32, #tpu.memory_space<hbm>>)
          tpu.yield
        }) : () -> ()
      } else {
      }
    }
    %scan3A_28 = arith.constant 8 : i32
    return
  }
}

module attributes {stable_mosaic.version = 14 : i64} {
  func.func @_proj_body(%arg0: memref<10000x128xf32, #tpu.memory_space<vmem>>, %arg1: memref<128x128xf32, #tpu.memory_space<vmem>>, %arg2: memref<128x128xf32, #tpu.memory_space<vmem>>, %arg3: memref<128x128xf32, #tpu.memory_space<vmem>>, %arg4: memref<128x128xf32, #tpu.memory_space<vmem>>, %arg5: memref<128x128xf32, #tpu.memory_space<vmem>>, %arg6: memref<1x128xf32, #tpu.memory_space<vmem>>, %arg7: memref<1x128xf32, #tpu.memory_space<vmem>>, %arg8: memref<1x128xf32, #tpu.memory_space<vmem>>, %arg9: memref<10000x128xf32, #tpu.memory_space<vmem>>, %arg10: memref<10000x128xf32, #tpu.memory_space<vmem>>, %arg11: memref<128x128xf32, #tpu.memory_space<vmem>>, %arg12: memref<128x128xf32, #tpu.memory_space<vmem>>, %arg13: memref<1x128xf32, #tpu.memory_space<vmem>>, %arg14: memref<1x128xf32, #tpu.memory_space<vmem>>) attributes {dimension_semantics = [], scalar_prefetch = 0 : i64, scratch_operands = 0 : i64, tpu.core_type = #tpu.core_type<tc>} {
    %get3A = arith.constant 0 : index
    %get3A_0 = arith.constant 0 : index
    %get3A_1 = vector.load %arg0[%get3A, %get3A_0] : memref<10000x128xf32, #tpu.memory_space<vmem>>, vector<10000x128xf32>
    %get3A_2 = arith.constant 0 : index
    %get3A_3 = arith.constant 0 : index
    %get3A_4 = vector.load %arg1[%get3A_2, %get3A_3] : memref<128x128xf32, #tpu.memory_space<vmem>>, vector<128x128xf32>
    %dot_general3A = arith.constant dense<0.000000e+00> : vector<10000x128xf32>
    %dot_general3A_5 = tpu.matmul %get3A_1, %get3A_4, %dot_general3A {dimension_numbers = #tpu.dot_dimension_numbers<[1], [0], [0], [1], [0, 0, 1, 1], [], []>, transpose_lhs_hint = false} : vector<10000x128xf32>, vector<128x128xf32>, vector<10000x128xf32> -> vector<10000x128xf32>
    %swap3A = arith.constant 0 : index
    %swap3A_6 = arith.constant 0 : index
    %swap3A_7 = vector.load %arg9[%swap3A, %swap3A_6] : memref<10000x128xf32, #tpu.memory_space<vmem>>, vector<10000x128xf32>
    tpu.vector_store %arg9[%swap3A, %swap3A_6], %dot_general3A_5 {strides = array<i32>} : memref<10000x128xf32, #tpu.memory_space<vmem>>, vector<10000x128xf32>,
    %get3A_8 = arith.constant 0 : index
    %get3A_9 = arith.constant 0 : index
    %get3A_10 = vector.load %arg2[%get3A_8, %get3A_9] : memref<128x128xf32, #tpu.memory_space<vmem>>, vector<128x128xf32>
    %dot_general3A_11 = arith.constant dense<0.000000e+00> : vector<10000x128xf32>
    %dot_general3A_12 = tpu.matmul %get3A_1, %get3A_10, %dot_general3A_11 {dimension_numbers = #tpu.dot_dimension_numbers<[1], [0], [0], [1], [0, 0, 1, 1], [], []>, transpose_lhs_hint = false} : vector<10000x128xf32>, vector<128x128xf32>, vector<10000x128xf32> -> vector<10000x128xf32>
    %swap3A_13 = arith.constant 0 : index
    %swap3A_14 = arith.constant 0 : index
    %swap3A_15 = vector.load %arg10[%swap3A_13, %swap3A_14] : memref<10000x128xf32, #tpu.memory_space<vmem>>, vector<10000x128xf32>
    tpu.vector_store %arg10[%swap3A_13, %swap3A_14], %dot_general3A_12 {strides = array<i32>} : memref<10000x128xf32, #tpu.memory_space<vmem>>, vector<10000x128xf32>,
    %get3A_16 = arith.constant 0 : index
    %get3A_17 = arith.constant 0 : index
    %get3A_18 = vector.load %arg3[%get3A_16, %get3A_17] : memref<128x128xf32, #tpu.memory_space<vmem>>, vector<128x128xf32>
    %get3A_19 = arith.constant 0 : index
    %get3A_20 = arith.constant 0 : index
    %get3A_21 = vector.load %arg6[%get3A_19, %get3A_20] : memref<1x128xf32, #tpu.memory_space<vmem>>, vector<1x128xf32>
    %get3A_22 = arith.constant 0 : index
    %get3A_23 = arith.constant 0 : index
    %get3A_24 = vector.load %arg4[%get3A_22, %get3A_23] : memref<128x128xf32, #tpu.memory_space<vmem>>, vector<128x128xf32>
    %get3A_25 = arith.constant 0 : index
    %get3A_26 = arith.constant 0 : index
    %get3A_27 = vector.load %arg5[%get3A_25, %get3A_26] : memref<128x128xf32, #tpu.memory_space<vmem>>, vector<128x128xf32>
    %dot_general3A_28 = arith.constant dense<0.000000e+00> : vector<128x128xf32>
    %dot_general3A_29 = tpu.matmul %get3A_18, %get3A_24, %dot_general3A_28 {dimension_numbers = #tpu.dot_dimension_numbers<[1], [0], [0], [1], [0, 0, 1, 1], [], []>, transpose_lhs_hint = false} : vector<128x128xf32>, vector<128x128xf32>, vector<128x128xf32> -> vector<128x128xf32>
    %swap3A_30 = arith.constant 0 : index
    %swap3A_31 = arith.constant 0 : index
    %swap3A_32 = vector.load %arg11[%swap3A_30, %swap3A_31] : memref<128x128xf32, #tpu.memory_space<vmem>>, vector<128x128xf32>
    tpu.vector_store %arg11[%swap3A_30, %swap3A_31], %dot_general3A_29 {strides = array<i32>} : memref<128x128xf32, #tpu.memory_space<vmem>>, vector<128x128xf32>,
    %dot_general3A_33 = arith.constant dense<0.000000e+00> : vector<128x128xf32>
    %dot_general3A_34 = tpu.matmul %get3A_18, %get3A_27, %dot_general3A_33 {dimension_numbers = #tpu.dot_dimension_numbers<[1], [0], [0], [1], [0, 0, 1, 1], [], []>, transpose_lhs_hint = false} : vector<128x128xf32>, vector<128x128xf32>, vector<128x128xf32> -> vector<128x128xf32>
    %swap3A_35 = arith.constant 0 : index
    %swap3A_36 = arith.constant 0 : index
    %swap3A_37 = vector.load %arg12[%swap3A_35, %swap3A_36] : memref<128x128xf32, #tpu.memory_space<vmem>>, vector<128x128xf32>
    tpu.vector_store %arg12[%swap3A_35, %swap3A_36], %dot_general3A_34 {strides = array<i32>} : memref<128x128xf32, #tpu.memory_space<vmem>>, vector<128x128xf32>,
    %dot_general3A_38 = arith.constant dense<0.000000e+00> : vector<1x128xf32>
    %dot_general3A_39 = tpu.matmul %get3A_21, %get3A_24, %dot_general3A_38 {dimension_numbers = #tpu.dot_dimension_numbers<[1], [0], [0], [1], [0, 0, 1, 1], [], []>, transpose_lhs_hint = false} : vector<1x128xf32>, vector<128x128xf32>, vector<1x128xf32> -> vector<1x128xf32>
    %get3A_40 = arith.constant 0 : index
    %get3A_41 = arith.constant 0 : index
    %get3A_42 = vector.load %arg7[%get3A_40, %get3A_41] : memref<1x128xf32, #tpu.memory_space<vmem>>, vector<1x128xf32>
    %add3A = arith.addf %dot_general3A_39, %get3A_42 : vector<1x128xf32>
    %swap3A_43 = arith.constant 0 : index
    %swap3A_44 = arith.constant 0 : index
    %swap3A_45 = vector.load %arg13[%swap3A_43, %swap3A_44] : memref<1x128xf32, #tpu.memory_space<vmem>>, vector<1x128xf32>
    tpu.vector_store %arg13[%swap3A_43, %swap3A_44], %add3A {strides = array<i32>} : memref<1x128xf32, #tpu.memory_space<vmem>>, vector<1x128xf32>,
    %dot_general3A_46 = arith.constant dense<0.000000e+00> : vector<1x128xf32>
    %dot_general3A_47 = tpu.matmul %get3A_21, %get3A_27, %dot_general3A_46 {dimension_numbers = #tpu.dot_dimension_numbers<[1], [0], [0], [1], [0, 0, 1, 1], [], []>, transpose_lhs_hint = false} : vector<1x128xf32>, vector<128x128xf32>, vector<1x128xf32> -> vector<1x128xf32>
    %get3A_48 = arith.constant 0 : index
    %get3A_49 = arith.constant 0 : index
    %get3A_50 = vector.load %arg8[%get3A_48, %get3A_49] : memref<1x128xf32, #tpu.memory_space<vmem>>, vector<1x128xf32>
    %add3A_51 = arith.addf %dot_general3A_47, %get3A_50 : vector<1x128xf32>
    %swap3A_52 = arith.constant 0 : index
    %swap3A_53 = arith.constant 0 : index
    %swap3A_54 = vector.load %arg14[%swap3A_52, %swap3A_53] : memref<1x128xf32, #tpu.memory_space<vmem>>, vector<1x128xf32>
    tpu.vector_store %arg14[%swap3A_52, %swap3A_53], %add3A_51 {strides = array<i32>} : memref<1x128xf32, #tpu.memory_space<vmem>>, vector<1x128xf32>,
    return
  }
}

module attributes {stable_mosaic.version = 14 : i64} {
  func.func @_edge_body(%arg0: i32, %arg1: memref<2000x32xf32, #tpu.memory_space<vmem>>, %arg2: memref<2000x128xf32, #tpu.memory_space<vmem>>, %arg3: memref<32x128xf32, #tpu.memory_space<vmem>>, %arg4: memref<1x128xf32, #tpu.memory_space<vmem>>, %arg5: memref<128x128xf32, #tpu.memory_space<vmem>>, %arg6: memref<1x128xf32, #tpu.memory_space<vmem>>, %arg7: memref<128x128xf32, #tpu.memory_space<vmem>>, %arg8: memref<1x128xf32, #tpu.memory_space<vmem>>, %arg9: memref<128x128xf32, #tpu.memory_space<vmem>>, %arg10: memref<1x128xf32, #tpu.memory_space<vmem>>, %arg11: memref<2000x128xf32, #tpu.memory_space<vmem>>) attributes {dimension_semantics = [#tpu.dimension_semantics<arbitrary>], iteration_bounds = array<i64: 32>, scalar_prefetch = 0 : i64, scratch_operands = 0 : i64, tpu.core_type = #tpu.core_type<tc>, window_params = [{transform_indices = @transform_0, window_bounds = array<i64: 2000, 32>}, {transform_indices = @transform_1, window_bounds = array<i64: 2000, 128>}, {pipeline_mode = #tpu.pipeline_mode<synchronous>, transform_indices = @transform_2, window_bounds = array<i64: 32, 128>}, {pipeline_mode = #tpu.pipeline_mode<synchronous>, transform_indices = @transform_3, window_bounds = array<i64: 1, 128>}, {pipeline_mode = #tpu.pipeline_mode<synchronous>, transform_indices = @transform_4, window_bounds = array<i64: 128, 128>}, {pipeline_mode = #tpu.pipeline_mode<synchronous>, transform_indices = @transform_5, window_bounds = array<i64: 1, 128>}, {pipeline_mode = #tpu.pipeline_mode<synchronous>, transform_indices = @transform_6, window_bounds = array<i64: 128, 128>}, {pipeline_mode = #tpu.pipeline_mode<synchronous>, transform_indices = @transform_7, window_bounds = array<i64: 1, 128>}, {pipeline_mode = #tpu.pipeline_mode<synchronous>, transform_indices = @transform_8, window_bounds = array<i64: 128, 128>}, {pipeline_mode = #tpu.pipeline_mode<synchronous>, transform_indices = @transform_9, window_bounds = array<i64: 1, 128>}, {transform_indices = @transform_10, window_bounds = array<i64: 2000, 128>}]} {
    %get3A = arith.constant 0 : index
    %get3A_0 = arith.constant 0 : index
    %get3A_1 = vector.load %arg1[%get3A, %get3A_0] : memref<2000x32xf32, #tpu.memory_space<vmem>>, vector<2000x32xf32>
    %get3A_2 = arith.constant 0 : index
    %get3A_3 = arith.constant 0 : index
    %get3A_4 = vector.load %arg3[%get3A_2, %get3A_3] : memref<32x128xf32, #tpu.memory_space<vmem>>, vector<32x128xf32>
    %dot_general3A = arith.constant dense<0.000000e+00> : vector<2000x128xf32>
    %dot_general3A_5 = tpu.matmul %get3A_1, %get3A_4, %dot_general3A {dimension_numbers = #tpu.dot_dimension_numbers<[1], [0], [0], [1], [0, 0, 1, 1], [], []>, transpose_lhs_hint = false} : vector<2000x32xf32>, vector<32x128xf32>, vector<2000x128xf32> -> vector<2000x128xf32>
    %get3A_6 = arith.constant 0 : index
    %get3A_7 = arith.constant 0 : index
    %get3A_8 = vector.load %arg4[%get3A_6, %get3A_7] : memref<1x128xf32, #tpu.memory_space<vmem>>, vector<1x128xf32>
    %add3A = vector.broadcast %get3A_8 : vector<1x128xf32> to vector<2000x128xf32>
    %add3A_9 = arith.addf %dot_general3A_5, %add3A : vector<2000x128xf32>
    %logistic3A = arith.negf %add3A_9 : vector<2000x128xf32>
    %logistic3A_10 = math.exp %logistic3A : vector<2000x128xf32>
    %logistic3A_11 = arith.constant 1.000000e+00 : f32
    %logistic3A_12 = vector.broadcast %logistic3A_11 : f32 to vector<2000x128xf32>
    %logistic3A_13 = arith.addf %logistic3A_12, %logistic3A_10 : vector<2000x128xf32>
    %logistic3A_14 = arith.divf %logistic3A_12, %logistic3A_13 : vector<2000x128xf32>
    %mul3A = arith.mulf %add3A_9, %logistic3A_14 : vector<2000x128xf32>
    %get3A_15 = arith.constant 0 : index
    %get3A_16 = arith.constant 0 : index
    %get3A_17 = vector.load %arg2[%get3A_15, %get3A_16] : memref<2000x128xf32, #tpu.memory_space<vmem>>, vector<2000x128xf32>
    %get3A_18 = arith.constant 0 : index
    %get3A_19 = arith.constant 0 : index
    %get3A_20 = vector.load %arg5[%get3A_18, %get3A_19] : memref<128x128xf32, #tpu.memory_space<vmem>>, vector<128x128xf32>
    %dot_general3A_21 = arith.constant dense<0.000000e+00> : vector<2000x128xf32>
    %dot_general3A_22 = tpu.matmul %mul3A, %get3A_20, %dot_general3A_21 {dimension_numbers = #tpu.dot_dimension_numbers<[1], [0], [0], [1], [0, 0, 1, 1], [], []>, transpose_lhs_hint = false} : vector<2000x128xf32>, vector<128x128xf32>, vector<2000x128xf32> -> vector<2000x128xf32>
    %add3A_23 = arith.addf %get3A_17, %dot_general3A_22 : vector<2000x128xf32>
    %get3A_24 = arith.constant 0 : index
    %get3A_25 = arith.constant 0 : index
    %get3A_26 = vector.load %arg6[%get3A_24, %get3A_25] : memref<1x128xf32, #tpu.memory_space<vmem>>, vector<1x128xf32>
    %add3A_27 = vector.broadcast %get3A_26 : vector<1x128xf32> to vector<2000x128xf32>
    %add3A_28 = arith.addf %add3A_23, %add3A_27 : vector<2000x128xf32>
    %logistic3A_29 = arith.negf %add3A_28 : vector<2000x128xf32>
    %logistic3A_30 = math.exp %logistic3A_29 : vector<2000x128xf32>
    %logistic3A_31 = arith.constant 1.000000e+00 : f32
    %logistic3A_32 = vector.broadcast %logistic3A_31 : f32 to vector<2000x128xf32>
    %logistic3A_33 = arith.addf %logistic3A_32, %logistic3A_30 : vector<2000x128xf32>
    %logistic3A_34 = arith.divf %logistic3A_32, %logistic3A_33 : vector<2000x128xf32>
    %mul3A_35 = arith.mulf %add3A_28, %logistic3A_34 : vector<2000x128xf32>
    %get3A_36 = arith.constant 0 : index
    %get3A_37 = arith.constant 0 : index
    %get3A_38 = vector.load %arg7[%get3A_36, %get3A_37] : memref<128x128xf32, #tpu.memory_space<vmem>>, vector<128x128xf32>
    %dot_general3A_39 = arith.constant dense<0.000000e+00> : vector<2000x128xf32>
    %dot_general3A_40 = tpu.matmul %mul3A_35, %get3A_38, %dot_general3A_39 {dimension_numbers = #tpu.dot_dimension_numbers<[1], [0], [0], [1], [0, 0, 1, 1], [], []>, transpose_lhs_hint = false} : vector<2000x128xf32>, vector<128x128xf32>, vector<2000x128xf32> -> vector<2000x128xf32>
    %get3A_41 = arith.constant 0 : index
    %get3A_42 = arith.constant 0 : index
    %get3A_43 = vector.load %arg8[%get3A_41, %get3A_42] : memref<1x128xf32, #tpu.memory_space<vmem>>, vector<1x128xf32>
    %add3A_44 = vector.broadcast %get3A_43 : vector<1x128xf32> to vector<2000x128xf32>
    %add3A_45 = arith.addf %dot_general3A_40, %add3A_44 : vector<2000x128xf32>
    %get3A_46 = arith.constant 0 : index
    %get3A_47 = arith.constant 0 : index
    %get3A_48 = vector.load %arg9[%get3A_46, %get3A_47] : memref<128x128xf32, #tpu.memory_space<vmem>>, vector<128x128xf32>
    %dot_general3A_49 = arith.constant dense<0.000000e+00> : vector<2000x128xf32>
    %dot_general3A_50 = tpu.matmul %mul3A, %get3A_48, %dot_general3A_49 {dimension_numbers = #tpu.dot_dimension_numbers<[1], [0], [0], [1], [0, 0, 1, 1], [], []>, transpose_lhs_hint = false} : vector<2000x128xf32>, vector<128x128xf32>, vector<2000x128xf32> -> vector<2000x128xf32>
    %get3A_51 = arith.constant 0 : index
    %get3A_52 = arith.constant 0 : index
    %get3A_53 = vector.load %arg10[%get3A_51, %get3A_52] : memref<1x128xf32, #tpu.memory_space<vmem>>, vector<1x128xf32>
    %add3A_54 = vector.broadcast %get3A_53 : vector<1x128xf32> to vector<2000x128xf32>
    %add3A_55 = arith.addf %dot_general3A_50, %add3A_54 : vector<2000x128xf32>
    %logistic3A_56 = arith.negf %add3A_55 : vector<2000x128xf32>
    %logistic3A_57 = math.exp %logistic3A_56 : vector<2000x128xf32>
    %logistic3A_58 = arith.constant 1.000000e+00 : f32
    %logistic3A_59 = vector.broadcast %logistic3A_58 : f32 to vector<2000x128xf32>
    %logistic3A_60 = arith.addf %logistic3A_59, %logistic3A_57 : vector<2000x128xf32>
    %logistic3A_61 = arith.divf %logistic3A_59, %logistic3A_60 : vector<2000x128xf32>
    %mul3A_62 = arith.mulf %add3A_45, %logistic3A_61 : vector<2000x128xf32>
    %swap3A = arith.constant 0 : index
    %swap3A_63 = arith.constant 0 : index
    %swap3A_64 = vector.load %arg11[%swap3A, %swap3A_63] : memref<2000x128xf32, #tpu.memory_space<vmem>>, vector<2000x128xf32>
    tpu.vector_store %arg11[%swap3A, %swap3A_63], %mul3A_62 {strides = array<i32>} : memref<2000x128xf32, #tpu.memory_space<vmem>>, vector<2000x128xf32>,
    return
  }
  func.func @transform_0(%arg0: i32) -> (i32, i32) {
    %add3A = arith.constant 0 : i32
    %add3A_0 = arith.addi %arg0, %add3A : i32
    %c0_i32 = arith.constant 0 : i32
    %c0_i32_1 = arith.constant 0 : i32
    return %add3A_0, %c0_i32 : i32, i32
  }
  func.func @transform_1(%arg0: i32) -> (i32, i32) {
    %add3A = arith.constant 0 : i32
    %add3A_0 = arith.addi %arg0, %add3A : i32
    %c0_i32 = arith.constant 0 : i32
    %c0_i32_1 = arith.constant 0 : i32
    return %add3A_0, %c0_i32 : i32, i32
  }
  func.func @transform_2(%arg0: i32) -> (i32, i32) {
    %c0_i32 = arith.constant 0 : i32
    %c0_i32_0 = arith.constant 0 : i32
    %c0_i32_1 = arith.constant 0 : i32
    return %c0_i32, %c0_i32_0 : i32, i32
  }
  func.func @transform_3(%arg0: i32) -> (i32, i32) {
    %c0_i32 = arith.constant 0 : i32
    %c0_i32_0 = arith.constant 0 : i32
    %c0_i32_1 = arith.constant 0 : i32
    return %c0_i32, %c0_i32_0 : i32, i32
  }
  func.func @transform_4(%arg0: i32) -> (i32, i32) {
    %c0_i32 = arith.constant 0 : i32
    %c0_i32_0 = arith.constant 0 : i32
    %c0_i32_1 = arith.constant 0 : i32
    return %c0_i32, %c0_i32_0 : i32, i32
  }
  func.func @transform_5(%arg0: i32) -> (i32, i32) {
    %c0_i32 = arith.constant 0 : i32
    %c0_i32_0 = arith.constant 0 : i32
    %c0_i32_1 = arith.constant 0 : i32
    return %c0_i32, %c0_i32_0 : i32, i32
  }
  func.func @transform_6(%arg0: i32) -> (i32, i32) {
    %c0_i32 = arith.constant 0 : i32
    %c0_i32_0 = arith.constant 0 : i32
    %c0_i32_1 = arith.constant 0 : i32
    return %c0_i32, %c0_i32_0 : i32, i32
  }
  func.func @transform_7(%arg0: i32) -> (i32, i32) {
    %c0_i32 = arith.constant 0 : i32
    %c0_i32_0 = arith.constant 0 : i32
    %c0_i32_1 = arith.constant 0 : i32
    return %c0_i32, %c0_i32_0 : i32, i32
  }
  func.func @transform_8(%arg0: i32) -> (i32, i32) {
    %c0_i32 = arith.constant 0 : i32
    %c0_i32_0 = arith.constant 0 : i32
    %c0_i32_1 = arith.constant 0 : i32
    return %c0_i32, %c0_i32_0 : i32, i32
  }
  func.func @transform_9(%arg0: i32) -> (i32, i32) {
    %c0_i32 = arith.constant 0 : i32
    %c0_i32_0 = arith.constant 0 : i32
    %c0_i32_1 = arith.constant 0 : i32
    return %c0_i32, %c0_i32_0 : i32, i32
  }
  func.func @transform_10(%arg0: i32) -> (i32, i32) {
    %c0_i32 = arith.constant 0 : i32
    %c0_i32_0 = arith.constant 0 : i32
    return %arg0, %c0_i32 : i32, i32
  }
}

module attributes {stable_mosaic.version = 14 : i64} {
  func.func @_edge_body(%arg0: i32, %arg1: memref<2000x32xf32, #tpu.memory_space<vmem>>, %arg2: memref<2000x128xf32, #tpu.memory_space<vmem>>, %arg3: memref<32x128xf32, #tpu.memory_space<vmem>>, %arg4: memref<1x128xf32, #tpu.memory_space<vmem>>, %arg5: memref<128x128xf32, #tpu.memory_space<vmem>>, %arg6: memref<1x128xf32, #tpu.memory_space<vmem>>, %arg7: memref<128x128xf32, #tpu.memory_space<vmem>>, %arg8: memref<1x128xf32, #tpu.memory_space<vmem>>, %arg9: memref<128x128xf32, #tpu.memory_space<vmem>>, %arg10: memref<1x128xf32, #tpu.memory_space<vmem>>, %arg11: memref<2000x128xf32, #tpu.memory_space<vmem>>) attributes {dimension_semantics = [#tpu.dimension_semantics<arbitrary>], iteration_bounds = array<i64: 32>, scalar_prefetch = 0 : i64, scratch_operands = 0 : i64, tpu.core_type = #tpu.core_type<tc>, window_params = [{transform_indices = @transform_0, window_bounds = array<i64: 2000, 32>}, {transform_indices = @transform_1, window_bounds = array<i64: 2000, 128>}, {pipeline_mode = #tpu.pipeline_mode<synchronous>, transform_indices = @transform_2, window_bounds = array<i64: 32, 128>}, {pipeline_mode = #tpu.pipeline_mode<synchronous>, transform_indices = @transform_3, window_bounds = array<i64: 1, 128>}, {pipeline_mode = #tpu.pipeline_mode<synchronous>, transform_indices = @transform_4, window_bounds = array<i64: 128, 128>}, {pipeline_mode = #tpu.pipeline_mode<synchronous>, transform_indices = @transform_5, window_bounds = array<i64: 1, 128>}, {pipeline_mode = #tpu.pipeline_mode<synchronous>, transform_indices = @transform_6, window_bounds = array<i64: 128, 128>}, {pipeline_mode = #tpu.pipeline_mode<synchronous>, transform_indices = @transform_7, window_bounds = array<i64: 1, 128>}, {pipeline_mode = #tpu.pipeline_mode<synchronous>, transform_indices = @transform_8, window_bounds = array<i64: 128, 128>}, {pipeline_mode = #tpu.pipeline_mode<synchronous>, transform_indices = @transform_9, window_bounds = array<i64: 1, 128>}, {transform_indices = @transform_10, window_bounds = array<i64: 2000, 128>}]} {
    %get3A = arith.constant 0 : index
    %get3A_0 = arith.constant 0 : index
    %get3A_1 = vector.load %arg1[%get3A, %get3A_0] : memref<2000x32xf32, #tpu.memory_space<vmem>>, vector<2000x32xf32>
    %get3A_2 = arith.constant 0 : index
    %get3A_3 = arith.constant 0 : index
    %get3A_4 = vector.load %arg3[%get3A_2, %get3A_3] : memref<32x128xf32, #tpu.memory_space<vmem>>, vector<32x128xf32>
    %dot_general3A = arith.constant dense<0.000000e+00> : vector<2000x128xf32>
    %dot_general3A_5 = tpu.matmul %get3A_1, %get3A_4, %dot_general3A {dimension_numbers = #tpu.dot_dimension_numbers<[1], [0], [0], [1], [0, 0, 1, 1], [], []>, transpose_lhs_hint = false} : vector<2000x32xf32>, vector<32x128xf32>, vector<2000x128xf32> -> vector<2000x128xf32>
    %get3A_6 = arith.constant 0 : index
    %get3A_7 = arith.constant 0 : index
    %get3A_8 = vector.load %arg4[%get3A_6, %get3A_7] : memref<1x128xf32, #tpu.memory_space<vmem>>, vector<1x128xf32>
    %add3A = vector.broadcast %get3A_8 : vector<1x128xf32> to vector<2000x128xf32>
    %add3A_9 = arith.addf %dot_general3A_5, %add3A : vector<2000x128xf32>
    %logistic3A = arith.negf %add3A_9 : vector<2000x128xf32>
    %logistic3A_10 = math.exp %logistic3A : vector<2000x128xf32>
    %logistic3A_11 = arith.constant 1.000000e+00 : f32
    %logistic3A_12 = vector.broadcast %logistic3A_11 : f32 to vector<2000x128xf32>
    %logistic3A_13 = arith.addf %logistic3A_12, %logistic3A_10 : vector<2000x128xf32>
    %logistic3A_14 = arith.divf %logistic3A_12, %logistic3A_13 : vector<2000x128xf32>
    %mul3A = arith.mulf %add3A_9, %logistic3A_14 : vector<2000x128xf32>
    %get3A_15 = arith.constant 0 : index
    %get3A_16 = arith.constant 0 : index
    %get3A_17 = vector.load %arg2[%get3A_15, %get3A_16] : memref<2000x128xf32, #tpu.memory_space<vmem>>, vector<2000x128xf32>
    %get3A_18 = arith.constant 0 : index
    %get3A_19 = arith.constant 0 : index
    %get3A_20 = vector.load %arg5[%get3A_18, %get3A_19] : memref<128x128xf32, #tpu.memory_space<vmem>>, vector<128x128xf32>
    %dot_general3A_21 = arith.constant dense<0.000000e+00> : vector<2000x128xf32>
    %dot_general3A_22 = tpu.matmul %mul3A, %get3A_20, %dot_general3A_21 {dimension_numbers = #tpu.dot_dimension_numbers<[1], [0], [0], [1], [0, 0, 1, 1], [], []>, transpose_lhs_hint = false} : vector<2000x128xf32>, vector<128x128xf32>, vector<2000x128xf32> -> vector<2000x128xf32>
    %add3A_23 = arith.addf %get3A_17, %dot_general3A_22 : vector<2000x128xf32>
    %get3A_24 = arith.constant 0 : index
    %get3A_25 = arith.constant 0 : index
    %get3A_26 = vector.load %arg6[%get3A_24, %get3A_25] : memref<1x128xf32, #tpu.memory_space<vmem>>, vector<1x128xf32>
    %add3A_27 = vector.broadcast %get3A_26 : vector<1x128xf32> to vector<2000x128xf32>
    %add3A_28 = arith.addf %add3A_23, %add3A_27 : vector<2000x128xf32>
    %logistic3A_29 = arith.negf %add3A_28 : vector<2000x128xf32>
    %logistic3A_30 = math.exp %logistic3A_29 : vector<2000x128xf32>
    %logistic3A_31 = arith.constant 1.000000e+00 : f32
    %logistic3A_32 = vector.broadcast %logistic3A_31 : f32 to vector<2000x128xf32>
    %logistic3A_33 = arith.addf %logistic3A_32, %logistic3A_30 : vector<2000x128xf32>
    %logistic3A_34 = arith.divf %logistic3A_32, %logistic3A_33 : vector<2000x128xf32>
    %mul3A_35 = arith.mulf %add3A_28, %logistic3A_34 : vector<2000x128xf32>
    %get3A_36 = arith.constant 0 : index
    %get3A_37 = arith.constant 0 : index
    %get3A_38 = vector.load %arg7[%get3A_36, %get3A_37] : memref<128x128xf32, #tpu.memory_space<vmem>>, vector<128x128xf32>
    %dot_general3A_39 = arith.constant dense<0.000000e+00> : vector<2000x128xf32>
    %dot_general3A_40 = tpu.matmul %mul3A_35, %get3A_38, %dot_general3A_39 {dimension_numbers = #tpu.dot_dimension_numbers<[1], [0], [0], [1], [0, 0, 1, 1], [], []>, transpose_lhs_hint = false} : vector<2000x128xf32>, vector<128x128xf32>, vector<2000x128xf32> -> vector<2000x128xf32>
    %get3A_41 = arith.constant 0 : index
    %get3A_42 = arith.constant 0 : index
    %get3A_43 = vector.load %arg8[%get3A_41, %get3A_42] : memref<1x128xf32, #tpu.memory_space<vmem>>, vector<1x128xf32>
    %add3A_44 = vector.broadcast %get3A_43 : vector<1x128xf32> to vector<2000x128xf32>
    %add3A_45 = arith.addf %dot_general3A_40, %add3A_44 : vector<2000x128xf32>
    %get3A_46 = arith.constant 0 : index
    %get3A_47 = arith.constant 0 : index
    %get3A_48 = vector.load %arg9[%get3A_46, %get3A_47] : memref<128x128xf32, #tpu.memory_space<vmem>>, vector<128x128xf32>
    %dot_general3A_49 = arith.constant dense<0.000000e+00> : vector<2000x128xf32>
    %dot_general3A_50 = tpu.matmul %mul3A, %get3A_48, %dot_general3A_49 {dimension_numbers = #tpu.dot_dimension_numbers<[1], [0], [0], [1], [0, 0, 1, 1], [], []>, transpose_lhs_hint = false} : vector<2000x128xf32>, vector<128x128xf32>, vector<2000x128xf32> -> vector<2000x128xf32>
    %get3A_51 = arith.constant 0 : index
    %get3A_52 = arith.constant 0 : index
    %get3A_53 = vector.load %arg10[%get3A_51, %get3A_52] : memref<1x128xf32, #tpu.memory_space<vmem>>, vector<1x128xf32>
    %add3A_54 = vector.broadcast %get3A_53 : vector<1x128xf32> to vector<2000x128xf32>
    %add3A_55 = arith.addf %dot_general3A_50, %add3A_54 : vector<2000x128xf32>
    %logistic3A_56 = arith.negf %add3A_55 : vector<2000x128xf32>
    %logistic3A_57 = math.exp %logistic3A_56 : vector<2000x128xf32>
    %logistic3A_58 = arith.constant 1.000000e+00 : f32
    %logistic3A_59 = vector.broadcast %logistic3A_58 : f32 to vector<2000x128xf32>
    %logistic3A_60 = arith.addf %logistic3A_59, %logistic3A_57 : vector<2000x128xf32>
    %logistic3A_61 = arith.divf %logistic3A_59, %logistic3A_60 : vector<2000x128xf32>
    %mul3A_62 = arith.mulf %add3A_45, %logistic3A_61 : vector<2000x128xf32>
    %swap3A = arith.constant 0 : index
    %swap3A_63 = arith.constant 0 : index
    %swap3A_64 = vector.load %arg11[%swap3A, %swap3A_63] : memref<2000x128xf32, #tpu.memory_space<vmem>>, vector<2000x128xf32>
    tpu.vector_store %arg11[%swap3A, %swap3A_63], %mul3A_62 {strides = array<i32>} : memref<2000x128xf32, #tpu.memory_space<vmem>>, vector<2000x128xf32>,
    return
  }
  func.func @transform_0(%arg0: i32) -> (i32, i32) {
    %add3A = arith.constant 96 : i32
    %add3A_0 = arith.addi %arg0, %add3A : i32
    %c0_i32 = arith.constant 0 : i32
    %c0_i32_1 = arith.constant 0 : i32
    return %add3A_0, %c0_i32 : i32, i32
  }
  func.func @transform_1(%arg0: i32) -> (i32, i32) {
    %add3A = arith.constant 96 : i32
    %add3A_0 = arith.addi %arg0, %add3A : i32
    %c0_i32 = arith.constant 0 : i32
    %c0_i32_1 = arith.constant 0 : i32
    return %add3A_0, %c0_i32 : i32, i32
  }
  func.func @transform_2(%arg0: i32) -> (i32, i32) {
    %c0_i32 = arith.constant 0 : i32
    %c0_i32_0 = arith.constant 0 : i32
    %c0_i32_1 = arith.constant 0 : i32
    return %c0_i32, %c0_i32_0 : i32, i32
  }
  func.func @transform_3(%arg0: i32) -> (i32, i32) {
    %c0_i32 = arith.constant 0 : i32
    %c0_i32_0 = arith.constant 0 : i32
    %c0_i32_1 = arith.constant 0 : i32
    return %c0_i32, %c0_i32_0 : i32, i32
  }
  func.func @transform_4(%arg0: i32) -> (i32, i32) {
    %c0_i32 = arith.constant 0 : i32
    %c0_i32_0 = arith.constant 0 : i32
    %c0_i32_1 = arith.constant 0 : i32
    return %c0_i32, %c0_i32_0 : i32, i32
  }
  func.func @transform_5(%arg0: i32) -> (i32, i32) {
    %c0_i32 = arith.constant 0 : i32
    %c0_i32_0 = arith.constant 0 : i32
    %c0_i32_1 = arith.constant 0 : i32
    return %c0_i32, %c0_i32_0 : i32, i32
  }
  func.func @transform_6(%arg0: i32) -> (i32, i32) {
    %c0_i32 = arith.constant 0 : i32
    %c0_i32_0 = arith.constant 0 : i32
    %c0_i32_1 = arith.constant 0 : i32
    return %c0_i32, %c0_i32_0 : i32, i32
  }
  func.func @transform_7(%arg0: i32) -> (i32, i32) {
    %c0_i32 = arith.constant 0 : i32
    %c0_i32_0 = arith.constant 0 : i32
    %c0_i32_1 = arith.constant 0 : i32
    return %c0_i32, %c0_i32_0 : i32, i32
  }
  func.func @transform_8(%arg0: i32) -> (i32, i32) {
    %c0_i32 = arith.constant 0 : i32
    %c0_i32_0 = arith.constant 0 : i32
    %c0_i32_1 = arith.constant 0 : i32
    return %c0_i32, %c0_i32_0 : i32, i32
  }
  func.func @transform_9(%arg0: i32) -> (i32, i32) {
    %c0_i32 = arith.constant 0 : i32
    %c0_i32_0 = arith.constant 0 : i32
    %c0_i32_1 = arith.constant 0 : i32
    return %c0_i32, %c0_i32_0 : i32, i32
  }
  func.func @transform_10(%arg0: i32) -> (i32, i32) {
    %c0_i32 = arith.constant 0 : i32
    %c0_i32_0 = arith.constant 0 : i32
    return %arg0, %c0_i32 : i32, i32
  }
}

module attributes {stable_mosaic.version = 14 : i64} {
  func.func @_edge_body(%arg0: i32, %arg1: memref<2000x32xf32, #tpu.memory_space<vmem>>, %arg2: memref<2000x128xf32, #tpu.memory_space<vmem>>, %arg3: memref<32x128xf32, #tpu.memory_space<vmem>>, %arg4: memref<1x128xf32, #tpu.memory_space<vmem>>, %arg5: memref<128x128xf32, #tpu.memory_space<vmem>>, %arg6: memref<1x128xf32, #tpu.memory_space<vmem>>, %arg7: memref<128x128xf32, #tpu.memory_space<vmem>>, %arg8: memref<1x128xf32, #tpu.memory_space<vmem>>, %arg9: memref<128x128xf32, #tpu.memory_space<vmem>>, %arg10: memref<1x128xf32, #tpu.memory_space<vmem>>, %arg11: memref<2000x128xf32, #tpu.memory_space<vmem>>) attributes {dimension_semantics = [#tpu.dimension_semantics<arbitrary>], iteration_bounds = array<i64: 32>, scalar_prefetch = 0 : i64, scratch_operands = 0 : i64, tpu.core_type = #tpu.core_type<tc>, window_params = [{transform_indices = @transform_0, window_bounds = array<i64: 2000, 32>}, {transform_indices = @transform_1, window_bounds = array<i64: 2000, 128>}, {pipeline_mode = #tpu.pipeline_mode<synchronous>, transform_indices = @transform_2, window_bounds = array<i64: 32, 128>}, {pipeline_mode = #tpu.pipeline_mode<synchronous>, transform_indices = @transform_3, window_bounds = array<i64: 1, 128>}, {pipeline_mode = #tpu.pipeline_mode<synchronous>, transform_indices = @transform_4, window_bounds = array<i64: 128, 128>}, {pipeline_mode = #tpu.pipeline_mode<synchronous>, transform_indices = @transform_5, window_bounds = array<i64: 1, 128>}, {pipeline_mode = #tpu.pipeline_mode<synchronous>, transform_indices = @transform_6, window_bounds = array<i64: 128, 128>}, {pipeline_mode = #tpu.pipeline_mode<synchronous>, transform_indices = @transform_7, window_bounds = array<i64: 1, 128>}, {pipeline_mode = #tpu.pipeline_mode<synchronous>, transform_indices = @transform_8, window_bounds = array<i64: 128, 128>}, {pipeline_mode = #tpu.pipeline_mode<synchronous>, transform_indices = @transform_9, window_bounds = array<i64: 1, 128>}, {transform_indices = @transform_10, window_bounds = array<i64: 2000, 128>}]} {
    %get3A = arith.constant 0 : index
    %get3A_0 = arith.constant 0 : index
    %get3A_1 = vector.load %arg1[%get3A, %get3A_0] : memref<2000x32xf32, #tpu.memory_space<vmem>>, vector<2000x32xf32>
    %get3A_2 = arith.constant 0 : index
    %get3A_3 = arith.constant 0 : index
    %get3A_4 = vector.load %arg3[%get3A_2, %get3A_3] : memref<32x128xf32, #tpu.memory_space<vmem>>, vector<32x128xf32>
    %dot_general3A = arith.constant dense<0.000000e+00> : vector<2000x128xf32>
    %dot_general3A_5 = tpu.matmul %get3A_1, %get3A_4, %dot_general3A {dimension_numbers = #tpu.dot_dimension_numbers<[1], [0], [0], [1], [0, 0, 1, 1], [], []>, transpose_lhs_hint = false} : vector<2000x32xf32>, vector<32x128xf32>, vector<2000x128xf32> -> vector<2000x128xf32>
    %get3A_6 = arith.constant 0 : index
    %get3A_7 = arith.constant 0 : index
    %get3A_8 = vector.load %arg4[%get3A_6, %get3A_7] : memref<1x128xf32, #tpu.memory_space<vmem>>, vector<1x128xf32>
    %add3A = vector.broadcast %get3A_8 : vector<1x128xf32> to vector<2000x128xf32>
    %add3A_9 = arith.addf %dot_general3A_5, %add3A : vector<2000x128xf32>
    %logistic3A = arith.negf %add3A_9 : vector<2000x128xf32>
    %logistic3A_10 = math.exp %logistic3A : vector<2000x128xf32>
    %logistic3A_11 = arith.constant 1.000000e+00 : f32
    %logistic3A_12 = vector.broadcast %logistic3A_11 : f32 to vector<2000x128xf32>
    %logistic3A_13 = arith.addf %logistic3A_12, %logistic3A_10 : vector<2000x128xf32>
    %logistic3A_14 = arith.divf %logistic3A_12, %logistic3A_13 : vector<2000x128xf32>
    %mul3A = arith.mulf %add3A_9, %logistic3A_14 : vector<2000x128xf32>
    %get3A_15 = arith.constant 0 : index
    %get3A_16 = arith.constant 0 : index
    %get3A_17 = vector.load %arg2[%get3A_15, %get3A_16] : memref<2000x128xf32, #tpu.memory_space<vmem>>, vector<2000x128xf32>
    %get3A_18 = arith.constant 0 : index
    %get3A_19 = arith.constant 0 : index
    %get3A_20 = vector.load %arg5[%get3A_18, %get3A_19] : memref<128x128xf32, #tpu.memory_space<vmem>>, vector<128x128xf32>
    %dot_general3A_21 = arith.constant dense<0.000000e+00> : vector<2000x128xf32>
    %dot_general3A_22 = tpu.matmul %mul3A, %get3A_20, %dot_general3A_21 {dimension_numbers = #tpu.dot_dimension_numbers<[1], [0], [0], [1], [0, 0, 1, 1], [], []>, transpose_lhs_hint = false} : vector<2000x128xf32>, vector<128x128xf32>, vector<2000x128xf32> -> vector<2000x128xf32>
    %add3A_23 = arith.addf %get3A_17, %dot_general3A_22 : vector<2000x128xf32>
    %get3A_24 = arith.constant 0 : index
    %get3A_25 = arith.constant 0 : index
    %get3A_26 = vector.load %arg6[%get3A_24, %get3A_25] : memref<1x128xf32, #tpu.memory_space<vmem>>, vector<1x128xf32>
    %add3A_27 = vector.broadcast %get3A_26 : vector<1x128xf32> to vector<2000x128xf32>
    %add3A_28 = arith.addf %add3A_23, %add3A_27 : vector<2000x128xf32>
    %logistic3A_29 = arith.negf %add3A_28 : vector<2000x128xf32>
    %logistic3A_30 = math.exp %logistic3A_29 : vector<2000x128xf32>
    %logistic3A_31 = arith.constant 1.000000e+00 : f32
    %logistic3A_32 = vector.broadcast %logistic3A_31 : f32 to vector<2000x128xf32>
    %logistic3A_33 = arith.addf %logistic3A_32, %logistic3A_30 : vector<2000x128xf32>
    %logistic3A_34 = arith.divf %logistic3A_32, %logistic3A_33 : vector<2000x128xf32>
    %mul3A_35 = arith.mulf %add3A_28, %logistic3A_34 : vector<2000x128xf32>
    %get3A_36 = arith.constant 0 : index
    %get3A_37 = arith.constant 0 : index
    %get3A_38 = vector.load %arg7[%get3A_36, %get3A_37] : memref<128x128xf32, #tpu.memory_space<vmem>>, vector<128x128xf32>
    %dot_general3A_39 = arith.constant dense<0.000000e+00> : vector<2000x128xf32>
    %dot_general3A_40 = tpu.matmul %mul3A_35, %get3A_38, %dot_general3A_39 {dimension_numbers = #tpu.dot_dimension_numbers<[1], [0], [0], [1], [0, 0, 1, 1], [], []>, transpose_lhs_hint = false} : vector<2000x128xf32>, vector<128x128xf32>, vector<2000x128xf32> -> vector<2000x128xf32>
    %get3A_41 = arith.constant 0 : index
    %get3A_42 = arith.constant 0 : index
    %get3A_43 = vector.load %arg8[%get3A_41, %get3A_42] : memref<1x128xf32, #tpu.memory_space<vmem>>, vector<1x128xf32>
    %add3A_44 = vector.broadcast %get3A_43 : vector<1x128xf32> to vector<2000x128xf32>
    %add3A_45 = arith.addf %dot_general3A_40, %add3A_44 : vector<2000x128xf32>
    %get3A_46 = arith.constant 0 : index
    %get3A_47 = arith.constant 0 : index
    %get3A_48 = vector.load %arg9[%get3A_46, %get3A_47] : memref<128x128xf32, #tpu.memory_space<vmem>>, vector<128x128xf32>
    %dot_general3A_49 = arith.constant dense<0.000000e+00> : vector<2000x128xf32>
    %dot_general3A_50 = tpu.matmul %mul3A, %get3A_48, %dot_general3A_49 {dimension_numbers = #tpu.dot_dimension_numbers<[1], [0], [0], [1], [0, 0, 1, 1], [], []>, transpose_lhs_hint = false} : vector<2000x128xf32>, vector<128x128xf32>, vector<2000x128xf32> -> vector<2000x128xf32>
    %get3A_51 = arith.constant 0 : index
    %get3A_52 = arith.constant 0 : index
    %get3A_53 = vector.load %arg10[%get3A_51, %get3A_52] : memref<1x128xf32, #tpu.memory_space<vmem>>, vector<1x128xf32>
    %add3A_54 = vector.broadcast %get3A_53 : vector<1x128xf32> to vector<2000x128xf32>
    %add3A_55 = arith.addf %dot_general3A_50, %add3A_54 : vector<2000x128xf32>
    %logistic3A_56 = arith.negf %add3A_55 : vector<2000x128xf32>
    %logistic3A_57 = math.exp %logistic3A_56 : vector<2000x128xf32>
    %logistic3A_58 = arith.constant 1.000000e+00 : f32
    %logistic3A_59 = vector.broadcast %logistic3A_58 : f32 to vector<2000x128xf32>
    %logistic3A_60 = arith.addf %logistic3A_59, %logistic3A_57 : vector<2000x128xf32>
    %logistic3A_61 = arith.divf %logistic3A_59, %logistic3A_60 : vector<2000x128xf32>
    %mul3A_62 = arith.mulf %add3A_45, %logistic3A_61 : vector<2000x128xf32>
    %swap3A = arith.constant 0 : index
    %swap3A_63 = arith.constant 0 : index
    %swap3A_64 = vector.load %arg11[%swap3A, %swap3A_63] : memref<2000x128xf32, #tpu.memory_space<vmem>>, vector<2000x128xf32>
    tpu.vector_store %arg11[%swap3A, %swap3A_63], %mul3A_62 {strides = array<i32>} : memref<2000x128xf32, #tpu.memory_space<vmem>>, vector<2000x128xf32>,
    return
  }
  func.func @transform_0(%arg0: i32) -> (i32, i32) {
    %add3A = arith.constant 128 : i32
    %add3A_0 = arith.addi %arg0, %add3A : i32
    %c0_i32 = arith.constant 0 : i32
    %c0_i32_1 = arith.constant 0 : i32
    return %add3A_0, %c0_i32 : i32, i32
  }
  func.func @transform_1(%arg0: i32) -> (i32, i32) {
    %add3A = arith.constant 128 : i32
    %add3A_0 = arith.addi %arg0, %add3A : i32
    %c0_i32 = arith.constant 0 : i32
    %c0_i32_1 = arith.constant 0 : i32
    return %add3A_0, %c0_i32 : i32, i32
  }
  func.func @transform_2(%arg0: i32) -> (i32, i32) {
    %c0_i32 = arith.constant 0 : i32
    %c0_i32_0 = arith.constant 0 : i32
    %c0_i32_1 = arith.constant 0 : i32
    return %c0_i32, %c0_i32_0 : i32, i32
  }
  func.func @transform_3(%arg0: i32) -> (i32, i32) {
    %c0_i32 = arith.constant 0 : i32
    %c0_i32_0 = arith.constant 0 : i32
    %c0_i32_1 = arith.constant 0 : i32
    return %c0_i32, %c0_i32_0 : i32, i32
  }
  func.func @transform_4(%arg0: i32) -> (i32, i32) {
    %c0_i32 = arith.constant 0 : i32
    %c0_i32_0 = arith.constant 0 : i32
    %c0_i32_1 = arith.constant 0 : i32
    return %c0_i32, %c0_i32_0 : i32, i32
  }
  func.func @transform_5(%arg0: i32) -> (i32, i32) {
    %c0_i32 = arith.constant 0 : i32
    %c0_i32_0 = arith.constant 0 : i32
    %c0_i32_1 = arith.constant 0 : i32
    return %c0_i32, %c0_i32_0 : i32, i32
  }
  func.func @transform_6(%arg0: i32) -> (i32, i32) {
    %c0_i32 = arith.constant 0 : i32
    %c0_i32_0 = arith.constant 0 : i32
    %c0_i32_1 = arith.constant 0 : i32
    return %c0_i32, %c0_i32_0 : i32, i32
  }
  func.func @transform_7(%arg0: i32) -> (i32, i32) {
    %c0_i32 = arith.constant 0 : i32
    %c0_i32_0 = arith.constant 0 : i32
    %c0_i32_1 = arith.constant 0 : i32
    return %c0_i32, %c0_i32_0 : i32, i32
  }
  func.func @transform_8(%arg0: i32) -> (i32, i32) {
    %c0_i32 = arith.constant 0 : i32
    %c0_i32_0 = arith.constant 0 : i32
    %c0_i32_1 = arith.constant 0 : i32
    return %c0_i32, %c0_i32_0 : i32, i32
  }
  func.func @transform_9(%arg0: i32) -> (i32, i32) {
    %c0_i32 = arith.constant 0 : i32
    %c0_i32_0 = arith.constant 0 : i32
    %c0_i32_1 = arith.constant 0 : i32
    return %c0_i32, %c0_i32_0 : i32, i32
  }
  func.func @transform_10(%arg0: i32) -> (i32, i32) {
    %c0_i32 = arith.constant 0 : i32
    %c0_i32_0 = arith.constant 0 : i32
    return %arg0, %c0_i32 : i32, i32
  }
}

module attributes {stable_mosaic.version = 14 : i64} {
  func.func @_edge_body(%arg0: i32, %arg1: memref<2000x32xf32, #tpu.memory_space<vmem>>, %arg2: memref<2000x128xf32, #tpu.memory_space<vmem>>, %arg3: memref<32x128xf32, #tpu.memory_space<vmem>>, %arg4: memref<1x128xf32, #tpu.memory_space<vmem>>, %arg5: memref<128x128xf32, #tpu.memory_space<vmem>>, %arg6: memref<1x128xf32, #tpu.memory_space<vmem>>, %arg7: memref<128x128xf32, #tpu.memory_space<vmem>>, %arg8: memref<1x128xf32, #tpu.memory_space<vmem>>, %arg9: memref<128x128xf32, #tpu.memory_space<vmem>>, %arg10: memref<1x128xf32, #tpu.memory_space<vmem>>, %arg11: memref<2000x128xf32, #tpu.memory_space<vmem>>) attributes {dimension_semantics = [#tpu.dimension_semantics<arbitrary>], iteration_bounds = array<i64: 32>, scalar_prefetch = 0 : i64, scratch_operands = 0 : i64, tpu.core_type = #tpu.core_type<tc>, window_params = [{transform_indices = @transform_0, window_bounds = array<i64: 2000, 32>}, {transform_indices = @transform_1, window_bounds = array<i64: 2000, 128>}, {pipeline_mode = #tpu.pipeline_mode<synchronous>, transform_indices = @transform_2, window_bounds = array<i64: 32, 128>}, {pipeline_mode = #tpu.pipeline_mode<synchronous>, transform_indices = @transform_3, window_bounds = array<i64: 1, 128>}, {pipeline_mode = #tpu.pipeline_mode<synchronous>, transform_indices = @transform_4, window_bounds = array<i64: 128, 128>}, {pipeline_mode = #tpu.pipeline_mode<synchronous>, transform_indices = @transform_5, window_bounds = array<i64: 1, 128>}, {pipeline_mode = #tpu.pipeline_mode<synchronous>, transform_indices = @transform_6, window_bounds = array<i64: 128, 128>}, {pipeline_mode = #tpu.pipeline_mode<synchronous>, transform_indices = @transform_7, window_bounds = array<i64: 1, 128>}, {pipeline_mode = #tpu.pipeline_mode<synchronous>, transform_indices = @transform_8, window_bounds = array<i64: 128, 128>}, {pipeline_mode = #tpu.pipeline_mode<synchronous>, transform_indices = @transform_9, window_bounds = array<i64: 1, 128>}, {transform_indices = @transform_10, window_bounds = array<i64: 2000, 128>}]} {
    %get3A = arith.constant 0 : index
    %get3A_0 = arith.constant 0 : index
    %get3A_1 = vector.load %arg1[%get3A, %get3A_0] : memref<2000x32xf32, #tpu.memory_space<vmem>>, vector<2000x32xf32>
    %get3A_2 = arith.constant 0 : index
    %get3A_3 = arith.constant 0 : index
    %get3A_4 = vector.load %arg3[%get3A_2, %get3A_3] : memref<32x128xf32, #tpu.memory_space<vmem>>, vector<32x128xf32>
    %dot_general3A = arith.constant dense<0.000000e+00> : vector<2000x128xf32>
    %dot_general3A_5 = tpu.matmul %get3A_1, %get3A_4, %dot_general3A {dimension_numbers = #tpu.dot_dimension_numbers<[1], [0], [0], [1], [0, 0, 1, 1], [], []>, transpose_lhs_hint = false} : vector<2000x32xf32>, vector<32x128xf32>, vector<2000x128xf32> -> vector<2000x128xf32>
    %get3A_6 = arith.constant 0 : index
    %get3A_7 = arith.constant 0 : index
    %get3A_8 = vector.load %arg4[%get3A_6, %get3A_7] : memref<1x128xf32, #tpu.memory_space<vmem>>, vector<1x128xf32>
    %add3A = vector.broadcast %get3A_8 : vector<1x128xf32> to vector<2000x128xf32>
    %add3A_9 = arith.addf %dot_general3A_5, %add3A : vector<2000x128xf32>
    %logistic3A = arith.negf %add3A_9 : vector<2000x128xf32>
    %logistic3A_10 = math.exp %logistic3A : vector<2000x128xf32>
    %logistic3A_11 = arith.constant 1.000000e+00 : f32
    %logistic3A_12 = vector.broadcast %logistic3A_11 : f32 to vector<2000x128xf32>
    %logistic3A_13 = arith.addf %logistic3A_12, %logistic3A_10 : vector<2000x128xf32>
    %logistic3A_14 = arith.divf %logistic3A_12, %logistic3A_13 : vector<2000x128xf32>
    %mul3A = arith.mulf %add3A_9, %logistic3A_14 : vector<2000x128xf32>
    %get3A_15 = arith.constant 0 : index
    %get3A_16 = arith.constant 0 : index
    %get3A_17 = vector.load %arg2[%get3A_15, %get3A_16] : memref<2000x128xf32, #tpu.memory_space<vmem>>, vector<2000x128xf32>
    %get3A_18 = arith.constant 0 : index
    %get3A_19 = arith.constant 0 : index
    %get3A_20 = vector.load %arg5[%get3A_18, %get3A_19] : memref<128x128xf32, #tpu.memory_space<vmem>>, vector<128x128xf32>
    %dot_general3A_21 = arith.constant dense<0.000000e+00> : vector<2000x128xf32>
    %dot_general3A_22 = tpu.matmul %mul3A, %get3A_20, %dot_general3A_21 {dimension_numbers = #tpu.dot_dimension_numbers<[1], [0], [0], [1], [0, 0, 1, 1], [], []>, transpose_lhs_hint = false} : vector<2000x128xf32>, vector<128x128xf32>, vector<2000x128xf32> -> vector<2000x128xf32>
    %add3A_23 = arith.addf %get3A_17, %dot_general3A_22 : vector<2000x128xf32>
    %get3A_24 = arith.constant 0 : index
    %get3A_25 = arith.constant 0 : index
    %get3A_26 = vector.load %arg6[%get3A_24, %get3A_25] : memref<1x128xf32, #tpu.memory_space<vmem>>, vector<1x128xf32>
    %add3A_27 = vector.broadcast %get3A_26 : vector<1x128xf32> to vector<2000x128xf32>
    %add3A_28 = arith.addf %add3A_23, %add3A_27 : vector<2000x128xf32>
    %logistic3A_29 = arith.negf %add3A_28 : vector<2000x128xf32>
    %logistic3A_30 = math.exp %logistic3A_29 : vector<2000x128xf32>
    %logistic3A_31 = arith.constant 1.000000e+00 : f32
    %logistic3A_32 = vector.broadcast %logistic3A_31 : f32 to vector<2000x128xf32>
    %logistic3A_33 = arith.addf %logistic3A_32, %logistic3A_30 : vector<2000x128xf32>
    %logistic3A_34 = arith.divf %logistic3A_32, %logistic3A_33 : vector<2000x128xf32>
    %mul3A_35 = arith.mulf %add3A_28, %logistic3A_34 : vector<2000x128xf32>
    %get3A_36 = arith.constant 0 : index
    %get3A_37 = arith.constant 0 : index
    %get3A_38 = vector.load %arg7[%get3A_36, %get3A_37] : memref<128x128xf32, #tpu.memory_space<vmem>>, vector<128x128xf32>
    %dot_general3A_39 = arith.constant dense<0.000000e+00> : vector<2000x128xf32>
    %dot_general3A_40 = tpu.matmul %mul3A_35, %get3A_38, %dot_general3A_39 {dimension_numbers = #tpu.dot_dimension_numbers<[1], [0], [0], [1], [0, 0, 1, 1], [], []>, transpose_lhs_hint = false} : vector<2000x128xf32>, vector<128x128xf32>, vector<2000x128xf32> -> vector<2000x128xf32>
    %get3A_41 = arith.constant 0 : index
    %get3A_42 = arith.constant 0 : index
    %get3A_43 = vector.load %arg8[%get3A_41, %get3A_42] : memref<1x128xf32, #tpu.memory_space<vmem>>, vector<1x128xf32>
    %add3A_44 = vector.broadcast %get3A_43 : vector<1x128xf32> to vector<2000x128xf32>
    %add3A_45 = arith.addf %dot_general3A_40, %add3A_44 : vector<2000x128xf32>
    %get3A_46 = arith.constant 0 : index
    %get3A_47 = arith.constant 0 : index
    %get3A_48 = vector.load %arg9[%get3A_46, %get3A_47] : memref<128x128xf32, #tpu.memory_space<vmem>>, vector<128x128xf32>
    %dot_general3A_49 = arith.constant dense<0.000000e+00> : vector<2000x128xf32>
    %dot_general3A_50 = tpu.matmul %mul3A, %get3A_48, %dot_general3A_49 {dimension_numbers = #tpu.dot_dimension_numbers<[1], [0], [0], [1], [0, 0, 1, 1], [], []>, transpose_lhs_hint = false} : vector<2000x128xf32>, vector<128x128xf32>, vector<2000x128xf32> -> vector<2000x128xf32>
    %get3A_51 = arith.constant 0 : index
    %get3A_52 = arith.constant 0 : index
    %get3A_53 = vector.load %arg10[%get3A_51, %get3A_52] : memref<1x128xf32, #tpu.memory_space<vmem>>, vector<1x128xf32>
    %add3A_54 = vector.broadcast %get3A_53 : vector<1x128xf32> to vector<2000x128xf32>
    %add3A_55 = arith.addf %dot_general3A_50, %add3A_54 : vector<2000x128xf32>
    %logistic3A_56 = arith.negf %add3A_55 : vector<2000x128xf32>
    %logistic3A_57 = math.exp %logistic3A_56 : vector<2000x128xf32>
    %logistic3A_58 = arith.constant 1.000000e+00 : f32
    %logistic3A_59 = vector.broadcast %logistic3A_58 : f32 to vector<2000x128xf32>
    %logistic3A_60 = arith.addf %logistic3A_59, %logistic3A_57 : vector<2000x128xf32>
    %logistic3A_61 = arith.divf %logistic3A_59, %logistic3A_60 : vector<2000x128xf32>
    %mul3A_62 = arith.mulf %add3A_45, %logistic3A_61 : vector<2000x128xf32>
    %swap3A = arith.constant 0 : index
    %swap3A_63 = arith.constant 0 : index
    %swap3A_64 = vector.load %arg11[%swap3A, %swap3A_63] : memref<2000x128xf32, #tpu.memory_space<vmem>>, vector<2000x128xf32>
    tpu.vector_store %arg11[%swap3A, %swap3A_63], %mul3A_62 {strides = array<i32>} : memref<2000x128xf32, #tpu.memory_space<vmem>>, vector<2000x128xf32>,
    return
  }
  func.func @transform_0(%arg0: i32) -> (i32, i32) {
    %add3A = arith.constant 32 : i32
    %add3A_0 = arith.addi %arg0, %add3A : i32
    %c0_i32 = arith.constant 0 : i32
    %c0_i32_1 = arith.constant 0 : i32
    return %add3A_0, %c0_i32 : i32, i32
  }
  func.func @transform_1(%arg0: i32) -> (i32, i32) {
    %add3A = arith.constant 32 : i32
    %add3A_0 = arith.addi %arg0, %add3A : i32
    %c0_i32 = arith.constant 0 : i32
    %c0_i32_1 = arith.constant 0 : i32
    return %add3A_0, %c0_i32 : i32, i32
  }
  func.func @transform_2(%arg0: i32) -> (i32, i32) {
    %c0_i32 = arith.constant 0 : i32
    %c0_i32_0 = arith.constant 0 : i32
    %c0_i32_1 = arith.constant 0 : i32
    return %c0_i32, %c0_i32_0 : i32, i32
  }
  func.func @transform_3(%arg0: i32) -> (i32, i32) {
    %c0_i32 = arith.constant 0 : i32
    %c0_i32_0 = arith.constant 0 : i32
    %c0_i32_1 = arith.constant 0 : i32
    return %c0_i32, %c0_i32_0 : i32, i32
  }
  func.func @transform_4(%arg0: i32) -> (i32, i32) {
    %c0_i32 = arith.constant 0 : i32
    %c0_i32_0 = arith.constant 0 : i32
    %c0_i32_1 = arith.constant 0 : i32
    return %c0_i32, %c0_i32_0 : i32, i32
  }
  func.func @transform_5(%arg0: i32) -> (i32, i32) {
    %c0_i32 = arith.constant 0 : i32
    %c0_i32_0 = arith.constant 0 : i32
    %c0_i32_1 = arith.constant 0 : i32
    return %c0_i32, %c0_i32_0 : i32, i32
  }
  func.func @transform_6(%arg0: i32) -> (i32, i32) {
    %c0_i32 = arith.constant 0 : i32
    %c0_i32_0 = arith.constant 0 : i32
    %c0_i32_1 = arith.constant 0 : i32
    return %c0_i32, %c0_i32_0 : i32, i32
  }
  func.func @transform_7(%arg0: i32) -> (i32, i32) {
    %c0_i32 = arith.constant 0 : i32
    %c0_i32_0 = arith.constant 0 : i32
    %c0_i32_1 = arith.constant 0 : i32
    return %c0_i32, %c0_i32_0 : i32, i32
  }
  func.func @transform_8(%arg0: i32) -> (i32, i32) {
    %c0_i32 = arith.constant 0 : i32
    %c0_i32_0 = arith.constant 0 : i32
    %c0_i32_1 = arith.constant 0 : i32
    return %c0_i32, %c0_i32_0 : i32, i32
  }
  func.func @transform_9(%arg0: i32) -> (i32, i32) {
    %c0_i32 = arith.constant 0 : i32
    %c0_i32_0 = arith.constant 0 : i32
    %c0_i32_1 = arith.constant 0 : i32
    return %c0_i32, %c0_i32_0 : i32, i32
  }
  func.func @transform_10(%arg0: i32) -> (i32, i32) {
    %c0_i32 = arith.constant 0 : i32
    %c0_i32_0 = arith.constant 0 : i32
    return %arg0, %c0_i32 : i32, i32
  }
}

module attributes {stable_mosaic.version = 14 : i64} {
  func.func @_edge_body(%arg0: i32, %arg1: memref<2000x32xf32, #tpu.memory_space<vmem>>, %arg2: memref<2000x128xf32, #tpu.memory_space<vmem>>, %arg3: memref<32x128xf32, #tpu.memory_space<vmem>>, %arg4: memref<1x128xf32, #tpu.memory_space<vmem>>, %arg5: memref<128x128xf32, #tpu.memory_space<vmem>>, %arg6: memref<1x128xf32, #tpu.memory_space<vmem>>, %arg7: memref<128x128xf32, #tpu.memory_space<vmem>>, %arg8: memref<1x128xf32, #tpu.memory_space<vmem>>, %arg9: memref<128x128xf32, #tpu.memory_space<vmem>>, %arg10: memref<1x128xf32, #tpu.memory_space<vmem>>, %arg11: memref<2000x128xf32, #tpu.memory_space<vmem>>) attributes {dimension_semantics = [#tpu.dimension_semantics<arbitrary>], iteration_bounds = array<i64: 32>, scalar_prefetch = 0 : i64, scratch_operands = 0 : i64, tpu.core_type = #tpu.core_type<tc>, window_params = [{transform_indices = @transform_0, window_bounds = array<i64: 2000, 32>}, {transform_indices = @transform_1, window_bounds = array<i64: 2000, 128>}, {pipeline_mode = #tpu.pipeline_mode<synchronous>, transform_indices = @transform_2, window_bounds = array<i64: 32, 128>}, {pipeline_mode = #tpu.pipeline_mode<synchronous>, transform_indices = @transform_3, window_bounds = array<i64: 1, 128>}, {pipeline_mode = #tpu.pipeline_mode<synchronous>, transform_indices = @transform_4, window_bounds = array<i64: 128, 128>}, {pipeline_mode = #tpu.pipeline_mode<synchronous>, transform_indices = @transform_5, window_bounds = array<i64: 1, 128>}, {pipeline_mode = #tpu.pipeline_mode<synchronous>, transform_indices = @transform_6, window_bounds = array<i64: 128, 128>}, {pipeline_mode = #tpu.pipeline_mode<synchronous>, transform_indices = @transform_7, window_bounds = array<i64: 1, 128>}, {pipeline_mode = #tpu.pipeline_mode<synchronous>, transform_indices = @transform_8, window_bounds = array<i64: 128, 128>}, {pipeline_mode = #tpu.pipeline_mode<synchronous>, transform_indices = @transform_9, window_bounds = array<i64: 1, 128>}, {transform_indices = @transform_10, window_bounds = array<i64: 2000, 128>}]} {
    %get3A = arith.constant 0 : index
    %get3A_0 = arith.constant 0 : index
    %get3A_1 = vector.load %arg1[%get3A, %get3A_0] : memref<2000x32xf32, #tpu.memory_space<vmem>>, vector<2000x32xf32>
    %get3A_2 = arith.constant 0 : index
    %get3A_3 = arith.constant 0 : index
    %get3A_4 = vector.load %arg3[%get3A_2, %get3A_3] : memref<32x128xf32, #tpu.memory_space<vmem>>, vector<32x128xf32>
    %dot_general3A = arith.constant dense<0.000000e+00> : vector<2000x128xf32>
    %dot_general3A_5 = tpu.matmul %get3A_1, %get3A_4, %dot_general3A {dimension_numbers = #tpu.dot_dimension_numbers<[1], [0], [0], [1], [0, 0, 1, 1], [], []>, transpose_lhs_hint = false} : vector<2000x32xf32>, vector<32x128xf32>, vector<2000x128xf32> -> vector<2000x128xf32>
    %get3A_6 = arith.constant 0 : index
    %get3A_7 = arith.constant 0 : index
    %get3A_8 = vector.load %arg4[%get3A_6, %get3A_7] : memref<1x128xf32, #tpu.memory_space<vmem>>, vector<1x128xf32>
    %add3A = vector.broadcast %get3A_8 : vector<1x128xf32> to vector<2000x128xf32>
    %add3A_9 = arith.addf %dot_general3A_5, %add3A : vector<2000x128xf32>
    %logistic3A = arith.negf %add3A_9 : vector<2000x128xf32>
    %logistic3A_10 = math.exp %logistic3A : vector<2000x128xf32>
    %logistic3A_11 = arith.constant 1.000000e+00 : f32
    %logistic3A_12 = vector.broadcast %logistic3A_11 : f32 to vector<2000x128xf32>
    %logistic3A_13 = arith.addf %logistic3A_12, %logistic3A_10 : vector<2000x128xf32>
    %logistic3A_14 = arith.divf %logistic3A_12, %logistic3A_13 : vector<2000x128xf32>
    %mul3A = arith.mulf %add3A_9, %logistic3A_14 : vector<2000x128xf32>
    %get3A_15 = arith.constant 0 : index
    %get3A_16 = arith.constant 0 : index
    %get3A_17 = vector.load %arg2[%get3A_15, %get3A_16] : memref<2000x128xf32, #tpu.memory_space<vmem>>, vector<2000x128xf32>
    %get3A_18 = arith.constant 0 : index
    %get3A_19 = arith.constant 0 : index
    %get3A_20 = vector.load %arg5[%get3A_18, %get3A_19] : memref<128x128xf32, #tpu.memory_space<vmem>>, vector<128x128xf32>
    %dot_general3A_21 = arith.constant dense<0.000000e+00> : vector<2000x128xf32>
    %dot_general3A_22 = tpu.matmul %mul3A, %get3A_20, %dot_general3A_21 {dimension_numbers = #tpu.dot_dimension_numbers<[1], [0], [0], [1], [0, 0, 1, 1], [], []>, transpose_lhs_hint = false} : vector<2000x128xf32>, vector<128x128xf32>, vector<2000x128xf32> -> vector<2000x128xf32>
    %add3A_23 = arith.addf %get3A_17, %dot_general3A_22 : vector<2000x128xf32>
    %get3A_24 = arith.constant 0 : index
    %get3A_25 = arith.constant 0 : index
    %get3A_26 = vector.load %arg6[%get3A_24, %get3A_25] : memref<1x128xf32, #tpu.memory_space<vmem>>, vector<1x128xf32>
    %add3A_27 = vector.broadcast %get3A_26 : vector<1x128xf32> to vector<2000x128xf32>
    %add3A_28 = arith.addf %add3A_23, %add3A_27 : vector<2000x128xf32>
    %logistic3A_29 = arith.negf %add3A_28 : vector<2000x128xf32>
    %logistic3A_30 = math.exp %logistic3A_29 : vector<2000x128xf32>
    %logistic3A_31 = arith.constant 1.000000e+00 : f32
    %logistic3A_32 = vector.broadcast %logistic3A_31 : f32 to vector<2000x128xf32>
    %logistic3A_33 = arith.addf %logistic3A_32, %logistic3A_30 : vector<2000x128xf32>
    %logistic3A_34 = arith.divf %logistic3A_32, %logistic3A_33 : vector<2000x128xf32>
    %mul3A_35 = arith.mulf %add3A_28, %logistic3A_34 : vector<2000x128xf32>
    %get3A_36 = arith.constant 0 : index
    %get3A_37 = arith.constant 0 : index
    %get3A_38 = vector.load %arg7[%get3A_36, %get3A_37] : memref<128x128xf32, #tpu.memory_space<vmem>>, vector<128x128xf32>
    %dot_general3A_39 = arith.constant dense<0.000000e+00> : vector<2000x128xf32>
    %dot_general3A_40 = tpu.matmul %mul3A_35, %get3A_38, %dot_general3A_39 {dimension_numbers = #tpu.dot_dimension_numbers<[1], [0], [0], [1], [0, 0, 1, 1], [], []>, transpose_lhs_hint = false} : vector<2000x128xf32>, vector<128x128xf32>, vector<2000x128xf32> -> vector<2000x128xf32>
    %get3A_41 = arith.constant 0 : index
    %get3A_42 = arith.constant 0 : index
    %get3A_43 = vector.load %arg8[%get3A_41, %get3A_42] : memref<1x128xf32, #tpu.memory_space<vmem>>, vector<1x128xf32>
    %add3A_44 = vector.broadcast %get3A_43 : vector<1x128xf32> to vector<2000x128xf32>
    %add3A_45 = arith.addf %dot_general3A_40, %add3A_44 : vector<2000x128xf32>
    %get3A_46 = arith.constant 0 : index
    %get3A_47 = arith.constant 0 : index
    %get3A_48 = vector.load %arg9[%get3A_46, %get3A_47] : memref<128x128xf32, #tpu.memory_space<vmem>>, vector<128x128xf32>
    %dot_general3A_49 = arith.constant dense<0.000000e+00> : vector<2000x128xf32>
    %dot_general3A_50 = tpu.matmul %mul3A, %get3A_48, %dot_general3A_49 {dimension_numbers = #tpu.dot_dimension_numbers<[1], [0], [0], [1], [0, 0, 1, 1], [], []>, transpose_lhs_hint = false} : vector<2000x128xf32>, vector<128x128xf32>, vector<2000x128xf32> -> vector<2000x128xf32>
    %get3A_51 = arith.constant 0 : index
    %get3A_52 = arith.constant 0 : index
    %get3A_53 = vector.load %arg10[%get3A_51, %get3A_52] : memref<1x128xf32, #tpu.memory_space<vmem>>, vector<1x128xf32>
    %add3A_54 = vector.broadcast %get3A_53 : vector<1x128xf32> to vector<2000x128xf32>
    %add3A_55 = arith.addf %dot_general3A_50, %add3A_54 : vector<2000x128xf32>
    %logistic3A_56 = arith.negf %add3A_55 : vector<2000x128xf32>
    %logistic3A_57 = math.exp %logistic3A_56 : vector<2000x128xf32>
    %logistic3A_58 = arith.constant 1.000000e+00 : f32
    %logistic3A_59 = vector.broadcast %logistic3A_58 : f32 to vector<2000x128xf32>
    %logistic3A_60 = arith.addf %logistic3A_59, %logistic3A_57 : vector<2000x128xf32>
    %logistic3A_61 = arith.divf %logistic3A_59, %logistic3A_60 : vector<2000x128xf32>
    %mul3A_62 = arith.mulf %add3A_45, %logistic3A_61 : vector<2000x128xf32>
    %swap3A = arith.constant 0 : index
    %swap3A_63 = arith.constant 0 : index
    %swap3A_64 = vector.load %arg11[%swap3A, %swap3A_63] : memref<2000x128xf32, #tpu.memory_space<vmem>>, vector<2000x128xf32>
    tpu.vector_store %arg11[%swap3A, %swap3A_63], %mul3A_62 {strides = array<i32>} : memref<2000x128xf32, #tpu.memory_space<vmem>>, vector<2000x128xf32>,
    return
  }
  func.func @transform_0(%arg0: i32) -> (i32, i32) {
    %add3A = arith.constant 64 : i32
    %add3A_0 = arith.addi %arg0, %add3A : i32
    %c0_i32 = arith.constant 0 : i32
    %c0_i32_1 = arith.constant 0 : i32
    return %add3A_0, %c0_i32 : i32, i32
  }
  func.func @transform_1(%arg0: i32) -> (i32, i32) {
    %add3A = arith.constant 64 : i32
    %add3A_0 = arith.addi %arg0, %add3A : i32
    %c0_i32 = arith.constant 0 : i32
    %c0_i32_1 = arith.constant 0 : i32
    return %add3A_0, %c0_i32 : i32, i32
  }
  func.func @transform_2(%arg0: i32) -> (i32, i32) {
    %c0_i32 = arith.constant 0 : i32
    %c0_i32_0 = arith.constant 0 : i32
    %c0_i32_1 = arith.constant 0 : i32
    return %c0_i32, %c0_i32_0 : i32, i32
  }
  func.func @transform_3(%arg0: i32) -> (i32, i32) {
    %c0_i32 = arith.constant 0 : i32
    %c0_i32_0 = arith.constant 0 : i32
    %c0_i32_1 = arith.constant 0 : i32
    return %c0_i32, %c0_i32_0 : i32, i32
  }
  func.func @transform_4(%arg0: i32) -> (i32, i32) {
    %c0_i32 = arith.constant 0 : i32
    %c0_i32_0 = arith.constant 0 : i32
    %c0_i32_1 = arith.constant 0 : i32
    return %c0_i32, %c0_i32_0 : i32, i32
  }
  func.func @transform_5(%arg0: i32) -> (i32, i32) {
    %c0_i32 = arith.constant 0 : i32
    %c0_i32_0 = arith.constant 0 : i32
    %c0_i32_1 = arith.constant 0 : i32
    return %c0_i32, %c0_i32_0 : i32, i32
  }
  func.func @transform_6(%arg0: i32) -> (i32, i32) {
    %c0_i32 = arith.constant 0 : i32
    %c0_i32_0 = arith.constant 0 : i32
    %c0_i32_1 = arith.constant 0 : i32
    return %c0_i32, %c0_i32_0 : i32, i32
  }
  func.func @transform_7(%arg0: i32) -> (i32, i32) {
    %c0_i32 = arith.constant 0 : i32
    %c0_i32_0 = arith.constant 0 : i32
    %c0_i32_1 = arith.constant 0 : i32
    return %c0_i32, %c0_i32_0 : i32, i32
  }
  func.func @transform_8(%arg0: i32) -> (i32, i32) {
    %c0_i32 = arith.constant 0 : i32
    %c0_i32_0 = arith.constant 0 : i32
    %c0_i32_1 = arith.constant 0 : i32
    return %c0_i32, %c0_i32_0 : i32, i32
  }
  func.func @transform_9(%arg0: i32) -> (i32, i32) {
    %c0_i32 = arith.constant 0 : i32
    %c0_i32_0 = arith.constant 0 : i32
    %c0_i32_1 = arith.constant 0 : i32
    return %c0_i32, %c0_i32_0 : i32, i32
  }
  func.func @transform_10(%arg0: i32) -> (i32, i32) {
    %c0_i32 = arith.constant 0 : i32
    %c0_i32_0 = arith.constant 0 : i32
    return %arg0, %c0_i32 : i32, i32
  }
}

module attributes {stable_mosaic.version = 14 : i64} {
  func.func @_update_body(%arg0: i32, %arg1: memref<2000x128xf32, #tpu.memory_space<vmem>>, %arg2: memref<2000x128xf32, #tpu.memory_space<vmem>>, %arg3: memref<2000x128xf32, #tpu.memory_space<vmem>>, %arg4: memref<2000x128xf32, #tpu.memory_space<vmem>>, %arg5: memref<2000x128xf32, #tpu.memory_space<vmem>>, %arg6: memref<2000x128xf32, #tpu.memory_space<vmem>>, %arg7: memref<2000x128xf32, #tpu.memory_space<vmem>>, %arg8: memref<2000x128xf32, #tpu.memory_space<vmem>>, %arg9: memref<2000x128xf32, #tpu.memory_space<vmem>>, %arg10: memref<2000x128xf32, #tpu.memory_space<vmem>>, %arg11: memref<2000x128xf32, #tpu.memory_space<vmem>>, %arg12: memref<128x128xf32, #tpu.memory_space<vmem>>, %arg13: memref<128x128xf32, #tpu.memory_space<vmem>>, %arg14: memref<1x128xf32, #tpu.memory_space<vmem>>, %arg15: memref<128x128xf32, #tpu.memory_space<vmem>>, %arg16: memref<1x128xf32, #tpu.memory_space<vmem>>, %arg17: memref<1x128xf32, #tpu.memory_space<vmem>>, %arg18: memref<1x128xf32, #tpu.memory_space<vmem>>, %arg19: memref<2000x128xf32, #tpu.memory_space<vmem>>) attributes {dimension_semantics = [#tpu.dimension_semantics<arbitrary>], iteration_bounds = array<i64: 5>, scalar_prefetch = 0 : i64, scratch_operands = 0 : i64, tpu.core_type = #tpu.core_type<tc>, window_params = [{transform_indices = @transform_0, window_bounds = array<i64: 2000, 128>}, {transform_indices = @transform_1, window_bounds = array<i64: 2000, 128>}, {transform_indices = @transform_2, window_bounds = array<i64: 2000, 128>}, {transform_indices = @transform_3, window_bounds = array<i64: 2000, 128>}, {transform_indices = @transform_4, window_bounds = array<i64: 2000, 128>}, {transform_indices = @transform_5, window_bounds = array<i64: 2000, 128>}, {transform_indices = @transform_6, window_bounds = array<i64: 2000, 128>}, {transform_indices = @transform_7, window_bounds = array<i64: 2000, 128>}, {transform_indices = @transform_8, window_bounds = array<i64: 2000, 128>}, {transform_indices = @transform_9, window_bounds = array<i64: 2000, 128>}, {transform_indices = @transform_10, window_bounds = array<i64: 2000, 128>}, {pipeline_mode = #tpu.pipeline_mode<synchronous>, transform_indices = @transform_11, window_bounds = array<i64: 128, 128>}, {pipeline_mode = #tpu.pipeline_mode<synchronous>, transform_indices = @transform_12, window_bounds = array<i64: 128, 128>}, {pipeline_mode = #tpu.pipeline_mode<synchronous>, transform_indices = @transform_13, window_bounds = array<i64: 1, 128>}, {pipeline_mode = #tpu.pipeline_mode<synchronous>, transform_indices = @transform_14, window_bounds = array<i64: 128, 128>}, {pipeline_mode = #tpu.pipeline_mode<synchronous>, transform_indices = @transform_15, window_bounds = array<i64: 1, 128>}, {pipeline_mode = #tpu.pipeline_mode<synchronous>, transform_indices = @transform_16, window_bounds = array<i64: 1, 128>}, {pipeline_mode = #tpu.pipeline_mode<synchronous>, transform_indices = @transform_17, window_bounds = array<i64: 1, 128>}, {transform_indices = @transform_18, window_bounds = array<i64: 2000, 128>}]} {
    %get3A = arith.constant 0 : index
    %get3A_0 = arith.constant 0 : index
    %get3A_1 = vector.load %arg11[%get3A, %get3A_0] : memref<2000x128xf32, #tpu.memory_space<vmem>>, vector<2000x128xf32>
    %get3A_2 = arith.constant 0 : index
    %get3A_3 = arith.constant 0 : index
    %get3A_4 = vector.load %arg1[%get3A_2, %get3A_3] : memref<2000x128xf32, #tpu.memory_space<vmem>>, vector<2000x128xf32>
    %get3A_5 = arith.constant 0 : index
    %get3A_6 = arith.constant 0 : index
    %get3A_7 = vector.load %arg2[%get3A_5, %get3A_6] : memref<2000x128xf32, #tpu.memory_space<vmem>>, vector<2000x128xf32>
    %add3A = arith.addf %get3A_4, %get3A_7 : vector<2000x128xf32>
    %get3A_8 = arith.constant 0 : index
    %get3A_9 = arith.constant 0 : index
    %get3A_10 = vector.load %arg3[%get3A_8, %get3A_9] : memref<2000x128xf32, #tpu.memory_space<vmem>>, vector<2000x128xf32>
    %add3A_11 = arith.addf %add3A, %get3A_10 : vector<2000x128xf32>
    %get3A_12 = arith.constant 0 : index
    %get3A_13 = arith.constant 0 : index
    %get3A_14 = vector.load %arg4[%get3A_12, %get3A_13] : memref<2000x128xf32, #tpu.memory_space<vmem>>, vector<2000x128xf32>
    %add3A_15 = arith.addf %add3A_11, %get3A_14 : vector<2000x128xf32>
    %get3A_16 = arith.constant 0 : index
    %get3A_17 = arith.constant 0 : index
    %get3A_18 = vector.load %arg5[%get3A_16, %get3A_17] : memref<2000x128xf32, #tpu.memory_space<vmem>>, vector<2000x128xf32>
    %add3A_19 = arith.addf %add3A_15, %get3A_18 : vector<2000x128xf32>
    %get3A_20 = arith.constant 0 : index
    %get3A_21 = arith.constant 0 : index
    %get3A_22 = vector.load %arg6[%get3A_20, %get3A_21] : memref<2000x128xf32, #tpu.memory_space<vmem>>, vector<2000x128xf32>
    %add3A_23 = arith.addf %add3A_19, %get3A_22 : vector<2000x128xf32>
    %get3A_24 = arith.constant 0 : index
    %get3A_25 = arith.constant 0 : index
    %get3A_26 = vector.load %arg7[%get3A_24, %get3A_25] : memref<2000x128xf32, #tpu.memory_space<vmem>>, vector<2000x128xf32>
    %add3A_27 = arith.addf %add3A_23, %get3A_26 : vector<2000x128xf32>
    %get3A_28 = arith.constant 0 : index
    %get3A_29 = arith.constant 0 : index
    %get3A_30 = vector.load %arg8[%get3A_28, %get3A_29] : memref<2000x128xf32, #tpu.memory_space<vmem>>, vector<2000x128xf32>
    %add3A_31 = arith.addf %add3A_27, %get3A_30 : vector<2000x128xf32>
    %get3A_32 = arith.constant 0 : index
    %get3A_33 = arith.constant 0 : index
    %get3A_34 = vector.load %arg9[%get3A_32, %get3A_33] : memref<2000x128xf32, #tpu.memory_space<vmem>>, vector<2000x128xf32>
    %add3A_35 = arith.addf %add3A_31, %get3A_34 : vector<2000x128xf32>
    %get3A_36 = arith.constant 0 : index
    %get3A_37 = arith.constant 0 : index
    %get3A_38 = vector.load %arg10[%get3A_36, %get3A_37] : memref<2000x128xf32, #tpu.memory_space<vmem>>, vector<2000x128xf32>
    %add3A_39 = arith.addf %add3A_35, %get3A_38 : vector<2000x128xf32>
    %get3A_40 = arith.constant 0 : index
    %get3A_41 = arith.constant 0 : index
    %get3A_42 = vector.load %arg12[%get3A_40, %get3A_41] : memref<128x128xf32, #tpu.memory_space<vmem>>, vector<128x128xf32>
    %dot_general3A = arith.constant dense<0.000000e+00> : vector<2000x128xf32>
    %dot_general3A_43 = tpu.matmul %add3A_39, %get3A_42, %dot_general3A {dimension_numbers = #tpu.dot_dimension_numbers<[1], [0], [0], [1], [0, 0, 1, 1], [], []>, transpose_lhs_hint = false} : vector<2000x128xf32>, vector<128x128xf32>, vector<2000x128xf32> -> vector<2000x128xf32>
    %get3A_44 = arith.constant 0 : index
    %get3A_45 = arith.constant 0 : index
    %get3A_46 = vector.load %arg13[%get3A_44, %get3A_45] : memref<128x128xf32, #tpu.memory_space<vmem>>, vector<128x128xf32>
    %dot_general3A_47 = arith.constant dense<0.000000e+00> : vector<2000x128xf32>
    %dot_general3A_48 = tpu.matmul %get3A_1, %get3A_46, %dot_general3A_47 {dimension_numbers = #tpu.dot_dimension_numbers<[1], [0], [0], [1], [0, 0, 1, 1], [], []>, transpose_lhs_hint = false} : vector<2000x128xf32>, vector<128x128xf32>, vector<2000x128xf32> -> vector<2000x128xf32>
    %add3A_49 = arith.addf %dot_general3A_43, %dot_general3A_48 : vector<2000x128xf32>
    %get3A_50 = arith.constant 0 : index
    %get3A_51 = arith.constant 0 : index
    %get3A_52 = vector.load %arg14[%get3A_50, %get3A_51] : memref<1x128xf32, #tpu.memory_space<vmem>>, vector<1x128xf32>
    %add3A_53 = vector.broadcast %get3A_52 : vector<1x128xf32> to vector<2000x128xf32>
    %add3A_54 = arith.addf %add3A_49, %add3A_53 : vector<2000x128xf32>
    %logistic3A = arith.negf %add3A_54 : vector<2000x128xf32>
    %logistic3A_55 = math.exp %logistic3A : vector<2000x128xf32>
    %logistic3A_56 = arith.constant 1.000000e+00 : f32
    %logistic3A_57 = vector.broadcast %logistic3A_56 : f32 to vector<2000x128xf32>
    %logistic3A_58 = arith.addf %logistic3A_57, %logistic3A_55 : vector<2000x128xf32>
    %logistic3A_59 = arith.divf %logistic3A_57, %logistic3A_58 : vector<2000x128xf32>
    %mul3A = arith.mulf %add3A_54, %logistic3A_59 : vector<2000x128xf32>
    %get3A_60 = arith.constant 0 : index
    %get3A_61 = arith.constant 0 : index
    %get3A_62 = vector.load %arg15[%get3A_60, %get3A_61] : memref<128x128xf32, #tpu.memory_space<vmem>>, vector<128x128xf32>
    %dot_general3A_63 = arith.constant dense<0.000000e+00> : vector<2000x128xf32>
    %dot_general3A_64 = tpu.matmul %mul3A, %get3A_62, %dot_general3A_63 {dimension_numbers = #tpu.dot_dimension_numbers<[1], [0], [0], [1], [0, 0, 1, 1], [], []>, transpose_lhs_hint = false} : vector<2000x128xf32>, vector<128x128xf32>, vector<2000x128xf32> -> vector<2000x128xf32>
    %add3A_65 = arith.addf %get3A_1, %dot_general3A_64 : vector<2000x128xf32>
    %get3A_66 = arith.constant 0 : index
    %get3A_67 = arith.constant 0 : index
    %get3A_68 = vector.load %arg16[%get3A_66, %get3A_67] : memref<1x128xf32, #tpu.memory_space<vmem>>, vector<1x128xf32>
    %add3A_69 = vector.broadcast %get3A_68 : vector<1x128xf32> to vector<2000x128xf32>
    %add3A_70 = arith.addf %add3A_65, %add3A_69 : vector<2000x128xf32>
    %reduce_sum3A = arith.constant dense<0.000000e+00> : vector<2000xf32>
    %reduce_sum3A_71 = vector.multi_reduction <add>, %add3A_70, %reduce_sum3A [1] : vector<2000x128xf32> to vector<2000xf32>
    %broadcast_in_dim3A = vector.shape_cast %reduce_sum3A_71 : vector<2000xf32> to vector<2000x1xf32>
    %div3A = arith.constant 1.280000e+02 : f32
    %div3A_72 = vector.broadcast %div3A : f32 to vector<2000x1xf32>
    %div3A_73 = arith.divf %broadcast_in_dim3A, %div3A_72 : vector<2000x1xf32>
    %sub3A = vector.broadcast %div3A_73 : vector<2000x1xf32> to vector<2000x128xf32>
    %sub3A_74 = arith.subf %add3A_70, %sub3A : vector<2000x128xf32>
    %mul3A_75 = arith.mulf %sub3A_74, %sub3A_74 : vector<2000x128xf32>
    %reduce_sum3A_76 = arith.constant dense<0.000000e+00> : vector<2000xf32>
    %reduce_sum3A_77 = vector.multi_reduction <add>, %mul3A_75, %reduce_sum3A_76 [1] : vector<2000x128xf32> to vector<2000xf32>
    %broadcast_in_dim3A_78 = vector.shape_cast %reduce_sum3A_77 : vector<2000xf32> to vector<2000x1xf32>
    %div3A_79 = arith.constant 1.280000e+02 : f32
    %div3A_80 = vector.broadcast %div3A_79 : f32 to vector<2000x1xf32>
    %div3A_81 = arith.divf %broadcast_in_dim3A_78, %div3A_80 : vector<2000x1xf32>
    %add3A_82 = arith.constant 9.99999974E-6 : f32
    %add3A_83 = vector.broadcast %add3A_82 : f32 to vector<2000x1xf32>
    %add3A_84 = arith.addf %div3A_81, %add3A_83 : vector<2000x1xf32>
    %rsqrt3A = math.rsqrt %add3A_84 : vector<2000x1xf32>
    %mul3A_85 = vector.broadcast %rsqrt3A : vector<2000x1xf32> to vector<2000x128xf32>
    %mul3A_86 = arith.mulf %sub3A_74, %mul3A_85 : vector<2000x128xf32>
    %get3A_87 = arith.constant 0 : index
    %get3A_88 = arith.constant 0 : index
    %get3A_89 = vector.load %arg17[%get3A_87, %get3A_88] : memref<1x128xf32, #tpu.memory_space<vmem>>, vector<1x128xf32>
    %mul3A_90 = vector.broadcast %get3A_89 : vector<1x128xf32> to vector<2000x128xf32>
    %mul3A_91 = arith.mulf %mul3A_86, %mul3A_90 : vector<2000x128xf32>
    %get3A_92 = arith.constant 0 : index
    %get3A_93 = arith.constant 0 : index
    %get3A_94 = vector.load %arg18[%get3A_92, %get3A_93] : memref<1x128xf32, #tpu.memory_space<vmem>>, vector<1x128xf32>
    %add3A_95 = vector.broadcast %get3A_94 : vector<1x128xf32> to vector<2000x128xf32>
    %add3A_96 = arith.addf %mul3A_91, %add3A_95 : vector<2000x128xf32>
    %swap3A = arith.constant 0 : index
    %swap3A_97 = arith.constant 0 : index
    %swap3A_98 = vector.load %arg19[%swap3A, %swap3A_97] : memref<2000x128xf32, #tpu.memory_space<vmem>>, vector<2000x128xf32>
    tpu.vector_store %arg19[%swap3A, %swap3A_97], %add3A_96 {strides = array<i32>} : memref<2000x128xf32, #tpu.memory_space<vmem>>, vector<2000x128xf32>,
    return
  }
  func.func @transform_0(%arg0: i32) -> (i32, i32) {
    %c0_i32 = arith.constant 0 : i32
    %c0_i32_0 = arith.constant 0 : i32
    return %arg0, %c0_i32 : i32, i32
  }
  func.func @transform_1(%arg0: i32) -> (i32, i32) {
    %c0_i32 = arith.constant 0 : i32
    %c0_i32_0 = arith.constant 0 : i32
    return %arg0, %c0_i32 : i32, i32
  }
  func.func @transform_2(%arg0: i32) -> (i32, i32) {
    %c0_i32 = arith.constant 0 : i32
    %c0_i32_0 = arith.constant 0 : i32
    return %arg0, %c0_i32 : i32, i32
  }
  func.func @transform_3(%arg0: i32) -> (i32, i32) {
    %c0_i32 = arith.constant 0 : i32
    %c0_i32_0 = arith.constant 0 : i32
    return %arg0, %c0_i32 : i32, i32
  }
  func.func @transform_4(%arg0: i32) -> (i32, i32) {
    %c0_i32 = arith.constant 0 : i32
    %c0_i32_0 = arith.constant 0 : i32
    return %arg0, %c0_i32 : i32, i32
  }
  func.func @transform_5(%arg0: i32) -> (i32, i32) {
    %c0_i32 = arith.constant 0 : i32
    %c0_i32_0 = arith.constant 0 : i32
    return %arg0, %c0_i32 : i32, i32
  }
  func.func @transform_6(%arg0: i32) -> (i32, i32) {
    %c0_i32 = arith.constant 0 : i32
    %c0_i32_0 = arith.constant 0 : i32
    return %arg0, %c0_i32 : i32, i32
  }
  func.func @transform_7(%arg0: i32) -> (i32, i32) {
    %c0_i32 = arith.constant 0 : i32
    %c0_i32_0 = arith.constant 0 : i32
    return %arg0, %c0_i32 : i32, i32
  }
  func.func @transform_8(%arg0: i32) -> (i32, i32) {
    %c0_i32 = arith.constant 0 : i32
    %c0_i32_0 = arith.constant 0 : i32
    return %arg0, %c0_i32 : i32, i32
  }
  func.func @transform_9(%arg0: i32) -> (i32, i32) {
    %c0_i32 = arith.constant 0 : i32
    %c0_i32_0 = arith.constant 0 : i32
    return %arg0, %c0_i32 : i32, i32
  }
  func.func @transform_10(%arg0: i32) -> (i32, i32) {
    %c0_i32 = arith.constant 0 : i32
    %c0_i32_0 = arith.constant 0 : i32
    return %arg0, %c0_i32 : i32, i32
  }
  func.func @transform_11(%arg0: i32) -> (i32, i32) {
    %c0_i32 = arith.constant 0 : i32
    %c0_i32_0 = arith.constant 0 : i32
    %c0_i32_1 = arith.constant 0 : i32
    return %c0_i32, %c0_i32_0 : i32, i32
  }
  func.func @transform_12(%arg0: i32) -> (i32, i32) {
    %c0_i32 = arith.constant 0 : i32
    %c0_i32_0 = arith.constant 0 : i32
    %c0_i32_1 = arith.constant 0 : i32
    return %c0_i32, %c0_i32_0 : i32, i32
  }
  func.func @transform_13(%arg0: i32) -> (i32, i32) {
    %c0_i32 = arith.constant 0 : i32
    %c0_i32_0 = arith.constant 0 : i32
    %c0_i32_1 = arith.constant 0 : i32
    return %c0_i32, %c0_i32_0 : i32, i32
  }
  func.func @transform_14(%arg0: i32) -> (i32, i32) {
    %c0_i32 = arith.constant 0 : i32
    %c0_i32_0 = arith.constant 0 : i32
    %c0_i32_1 = arith.constant 0 : i32
    return %c0_i32, %c0_i32_0 : i32, i32
  }
  func.func @transform_15(%arg0: i32) -> (i32, i32) {
    %c0_i32 = arith.constant 0 : i32
    %c0_i32_0 = arith.constant 0 : i32
    %c0_i32_1 = arith.constant 0 : i32
    return %c0_i32, %c0_i32_0 : i32, i32
  }
  func.func @transform_16(%arg0: i32) -> (i32, i32) {
    %c0_i32 = arith.constant 0 : i32
    %c0_i32_0 = arith.constant 0 : i32
    %c0_i32_1 = arith.constant 0 : i32
    return %c0_i32, %c0_i32_0 : i32, i32
  }
  func.func @transform_17(%arg0: i32) -> (i32, i32) {
    %c0_i32 = arith.constant 0 : i32
    %c0_i32_0 = arith.constant 0 : i32
    %c0_i32_1 = arith.constant 0 : i32
    return %c0_i32, %c0_i32_0 : i32, i32
  }
  func.func @transform_18(%arg0: i32) -> (i32, i32) {
    %c0_i32 = arith.constant 0 : i32
    %c0_i32_0 = arith.constant 0 : i32
    return %arg0, %c0_i32 : i32, i32
  }
}

</mosaic_0001>

<sc_bundles>
// kernel: kernel.15.cloned.1.call-start
scs
__scs_entry_jumppad:
0x0: {  	(pc) =	sbr.rel $0x88, $3  }
0x1: {  	(tag) =	ssettag $0x0;
	lr =	simm.s32 $0x1  }
0x2: {  	[smem:$0x3F8E] =	sst lr;
	_ =	strace $0xD0000000  }
0x3: {  	_ = 	snop  }
0x4: {  	_ = 	snop  }
0x5: {  	_ = 	snop  }
0x6: {  	_ = 	snop  }
0x7: {  	_ = 	snop  }
__scs_overlays_trampoline_lowered:
0x8: {  	[smem:$0x3F9D] =	sst s0  }
0x9: {  	[smem:$0x3F9E] =	sst s1  }
0xa: {  	[smem:$0x3F9F] =	sst s2  }
0xb: {  	[smem:$0x3FA0] =	sst s3  }
0xc: {  	[smem:$0x3FA1] =	sst s4  }
0xd: {  	[smem:$0x3FA2] =	sst s5  }
0xe: {  	[smem:$0x3FA3] =	sst s6  }
0xf: {  	[smem:$0x3FA4] =	sst s7  }
0x10: {  	[smem:$0x3FA5] =	sst s8  }
0x11: {  	[smem:$0x3FA6] =	sst s9;
	s0 =	simm.s32 @!p0 $0x0  }
0x12: {  	s1 =	sld [smem:$0x3F8C];
	s0 =	simm.s32 @p0 $0x1  }
0x13: {  	[smem:$0x3FA7] =	sst s0;
	s0 =	simm.s32 @!p1 $0x0  }
0x14: {  	s2 =	sld [smem:$0x3F8B];
	s0 =	simm.s32 @p1 $0x1  }
0x15: {  	[smem:$0x3FA8] =	sst s0;
	s0 =	simm.s32 @!p2 $0x0  }
0x16: {  	s3 =	sld [smem:$0x3FDB];
	s0 =	simm.s32 @p2 $0x1  }
0x17: {  	s4 =	simm.s32 $0x1BF5;
	[smem:$0x3FAA] =	sst s0  }
0x18: {  	s0 =	sld [smem:$0x3F8D];
	_ =	swait.ge [sflag:s4], $0x0  }
0x19: {  	s7 =	sld [smem:$0x3F8E]  }
0x1a: {  	s8 =	sadd.s32 $0xFFFFE003, lr  }
0x1b: {  	s9 =	sadd.s32 $0xFFFFFEF7, lr;
	s5 =	simm.s32 $0xFFFFFFFF;
	p2 =	slt.u32 s8, $0xFFFFF086  }
0x1c: {  	p1 =	slt.u32 s9, $0xF7A;
	s5 =	simm.s32 @!p2 $0x0  }
0x1d: {  	s5 =	simm.s32 @p1 $0x1;
	p0 =	seq.s32 s7, s2  }
0x1e: {  	s7 =	smul.u32 @!p0 $0xF7A, s2;
	p2 =	seq.s32 @!p0 s5, $0x0  }
0x1f: {  	s9 =	smul.u32 $0xF7A, s1;
	s8 =	simm.s32 @!p0 $0x1BF5;
	p2 =	por !p2, p0  }
0x20: {  	[sflag:s8] =	ssyncset.s32 @!p0 $0xFFFFF086;
	s6 =	sadd.s32 @!p0 s3, s7;
	s7 =	simm.s32 @!p0 $0x108  }
0x21: {  	s3 =	sadd.s32 s3, s9;
	s6 =	sadd.s32 @!p0 $0x88, s6;
	s7 =	simm.s32 @p2 $0x1082  }
0x22: {  	[simem:s7], [sflag:s8] =	dma.local @!p0 [hbm:s6], $0xF7A  }
0x23: {  	s9 =	sor.u32 $0xD0000000, s2;
	s6 =	simm.s32 $0x108;
	_ =	swait.ge @!p0 [sflag:s8], $0x0  }
0x24: {  	s3 =	sadd.s32 $0x88, s3;
	s6 =	simm.s32 @!p1 $0x1082;
	[sflag:s4] =	ssyncset.s32 $0xFFFFF086  }
0x25: {  	[simem:s6], [sflag:s4] =	dma.local [hbm:s3], $0xF7A  }
0x26: {  	[smem:$0x3F8E] =	sst s1;
	(tag) =	ssettag s2;
	_ =	strace s9  }
0x27: {  	s1 =	sld [smem:$0x3F9E]  }
0x28: {  	s2 =	sld [smem:$0x3F9F]  }
0x29: {  	s4 =	sld [smem:$0x3FA1]  }
0x2a: {  	p0 =	seq.s32 s5, $0x0;
	s5 =	sld [smem:$0x3FA2]  }
0x2b: {  	s6 =	sld [smem:$0x3FA3]  }
0x2c: {  	s7 =	sld [smem:$0x3FA4]  }
0x2d: {  	s3 =	simm.s32 $0x108;
	s8 =	sld [smem:$0x3FA5]  }
0x2e: {  	s3 =	simm.s32 @!p0 $0x1082;
	s9 =	sld [smem:$0x3FA6]  }
0x2f: {  	lr =	sadd.s32 s0, s3;
	s0 =	sld [smem:$0x3F9D]  }
0x30: {  	s3 =	sld [smem:$0x3FA0]  }
0x31: {  	[smem:$0x3FA9] =	sst s10  }
0x32: {  	s10 =	sld [smem:$0x3FA7];
	_ =	sdelay $0x3  }
0x33: {  	p0 =	seq.s32 s10, $0x1;
	s10 =	sld [smem:$0x3FA9];
	_ =	sdelay $0x3  }
0x34: {  	[smem:$0x3FA9] =	sst s10  }
0x35: {  	s10 =	sld [smem:$0x3FA8];
	_ =	sdelay $0x3  }
0x36: {  	p1 =	seq.s32 s10, $0x1;
	s10 =	sld [smem:$0x3FA9];
	_ =	sdelay $0x3  }
0x37: {  	[smem:$0x3FA9] =	sst s10  }
0x38: {  	s10 =	sld [smem:$0x3FAA]  }
0x39: {  	_ = 	snop;
	(pc) =	sbr.ind lr, $3  }
0x3a: {  	_ = 	snop  }
0x3b: {  	_ = 	snop  }
0x3c: {  	p2 =	seq.s32 s10, $0x1;
	s10 =	sld [smem:$0x3FA9]  }
0x3d: {  	_ =	shalt  }
0x3e: {  	_ =	shalt  }
0x3f: {  	_ =	shalt  }
0x40: {  	_ =	shalt  }
0x41: {  	_ =	shalt  }
0x42: {  	_ =	shalt  }
0x43: {  	_ =	shalt  }
0x44: {  	_ =	shalt  }
0x45: {  	_ =	shalt  }
0x46: {  	_ =	shalt  }
0x47: {  	_ =	shalt  }
0x48: {  	_ =	shalt  }
0x49: {  	_ =	shalt  }
0x4a: {  	_ =	shalt  }
0x4b: {  	_ =	shalt  }
0x4c: {  	_ =	shalt  }
0x4d: {  	_ =	shalt  }
0x4e: {  	_ =	shalt  }
0x4f: {  	_ =	shalt  }
0x50: {  	_ =	shalt  }
0x51: {  	_ =	shalt  }
0x52: {  	_ =	shalt  }
0x53: {  	_ =	shalt  }
0x54: {  	_ =	shalt  }
0x55: {  	_ =	shalt  }
0x56: {  	_ =	shalt  }
0x57: {  	_ =	shalt  }
0x58: {  	_ =	shalt  }
0x59: {  	_ =	shalt  }
0x5a: {  	_ =	shalt  }
0x5b: {  	_ =	shalt  }
0x5c: {  	_ =	shalt  }
0x5d: {  	_ =	shalt  }
0x5e: {  	_ =	shalt  }
0x5f: {  	_ =	shalt  }
0x60: {  	_ =	shalt  }
0x61: {  	_ =	shalt  }
0x62: {  	_ =	shalt  }
0x63: {  	_ =	shalt  }
0x64: {  	_ =	shalt  }
0x65: {  	_ =	shalt  }
0x66: {  	_ =	shalt  }
0x67: {  	_ =	shalt  }
0x68: {  	_ =	shalt  }
0x69: {  	_ =	shalt  }
0x6a: {  	_ =	shalt  }
0x6b: {  	_ =	shalt  }
0x6c: {  	_ =	shalt  }
0x6d: {  	_ =	shalt  }
0x6e: {  	_ =	shalt  }
0x6f: {  	_ =	shalt  }
0x70: {  	_ =	shalt  }
0x71: {  	_ =	shalt  }
0x72: {  	_ =	shalt  }
0x73: {  	_ =	shalt  }
0x74: {  	_ =	shalt  }
0x75: {  	_ =	shalt  }
0x76: {  	_ =	shalt  }
0x77: {  	_ =	shalt  }
0x78: {  	_ =	shalt  }
0x79: {  	_ =	shalt  }
0x7a: {  	_ =	shalt  }
0x7b: {  	_ =	shalt  }
0x7c: {  	_ =	shalt  }
0x7d: {  	_ =	shalt  }
0x7e: {  	_ =	shalt  }
0x7f: {  	_ =	shalt  }
0x80: {  	_ =	shalt  }
0x81: {  	_ =	shalt  }
0x82: {  	_ =	shalt  }
0x83: {  	_ =	shalt  }
0x84: {  	_ =	shalt  }
0x85: {  	_ =	shalt  }
0x86: {  	_ =	shalt  }
0x87: {  	_ =	shalt  }
.Lfunc_end0:
.L_simem_size_0:
called_computation_lowered:
.L_overlay_start_0:
0x88: {  	s2 =	sld [smem:$0x3FD9]  }
0x89: {  	s3 =	sld [smem:$0x3FFE];
	_ =	sdelay $0x1  }
0x8a: {  	s1 =	srdreg.scid  }
0x8b: {  	s0 =	sand.u32 $0x1, s1  }
0x8c: {  	s17 =	sshll.u32 s0, $0xA;
	s2 =	sadd.s32 s3, s2  }
0x8d: {  	s2 =	sadd.s32 s2, s17  }
0x8e: {  	[smem:$0x3FB5] =	sst s2  }
0x8f: {  	_ = 	snop  }
0x90: {  	s2 =	sld [smem:$0x3FD0];
	(tm) =	ssettm $0x1  }
0x91: {  	s18 =	sld [smem:$0x3FFB];
	_ =	sdelay $0x3  }
0x92: {  	_ =	strace s18  }
0x93: {  	s3 =	sld [smem:$0x3FFC];
	_ =	sdelay $0x3  }
0x94: {  	_ =	strace s3  }
0x95: {  	s3 =	sld [smem:$0x3FFD];
	_ =	sdelay $0x3  }
0x96: {  	_ =	strace s3  }
0x97: {  	_ =	strace $0x8FFFFFFF  }
0x98: {  	s19 =	sld [smem:$0x3FDB];
	_ =	sdelay $0x1  }
0x99: {  	s4 =	simm.s32 $_scs_section_size  }
0x9a: {  	s5 =	simm.s32 $_size__tile_overlayer_lowered;
	s6 =	simm.s32 $_tile_overlayer_lowered  }
0x9b: {  	s22 =	simm.s32 $0x1BFF;
	s21 =	sshll.u32 s6, $0x1;
	s3 =	sadd.s32 s4, s19  }
0x9c: {  	s7 =	simm.s32 $0x0;
	s20 =	sshll.u32 s5, $0x1;
	s5 =	sadd.s32 s21, s3  }
0x9d: {  	[timem:s7], [sflag:s22] =	dma.local [hbm:s5], s20  }
0x9e: {  	_ =	swait.ge [sflag:s22], s20  }
0x9f: {  	s4 =	ssub.s32 $0x0, s20;
	[sflag:s22] =	ssyncset.done $0x0  }
0xa0: {  	[sflag:s22] =	ssyncadd.s32 s4;
	_ =	sdelay $0x1  }
0xa1: {  	s23 =	simm.s32 $0x1B8B  }
0xa2: {  	_ =	swait.ge [sflag:s23], $0x1  }
0xa3: {  	[sflag:s23] =	ssyncset.done $0x0  }
0xa4: {  	s25 =	simm.s32 $0x1B8E;
	s24 =	sld [smem:$0x3FFE];
	[sflag:s23] =	ssyncadd.s32 $0xFFFFFFFF  }
0xa5: {  	s26 =	simm.s32 $execute0_lowered;
	[smem:$0x3FD2] =	sst s25  }
0xa6: {  	s5 =	sshll.u32 s26, $0x1;
	_ =	strace $0x80000046;
	[dreg:$0x1] =	wrdreg $0xFFFFFFFF  }
0xa7: {  	s28 =	simm.s32 $_size_execute0_lowered;
	s3 =	sadd.s32 s3, s5;
	[dreg:$0x0] =	wrdreg $0x0  }
0xa8: {  	s5 =	sshll.u32 s28, $0x1;
	[dreg:$0x2] =	wrdreg s3  }
0xa9: {  	[dreg:$0x3] =	wrdreg s5  }
0xaa: {  	[dreg:$0x4] =	wrdreg $0xC0  }
0xab: {  	_ =	task [dreg:s7], $0x5FFFF  }
0xac: {  	[dreg:$0x1] =	wrdreg $0xFFFFFFFF  }
0xad: {  	[dreg:$0x0] =	wrdreg $0x60  }
0xae: {  	[dreg:$0x2] =	wrdreg s2  }
0xaf: {  	[dreg:$0x3] =	wrdreg s24  }
0xb0: {  	[dreg:$0x4] =	wrdreg $0x9  }
0xb1: {  	_ =	task.clear_ibuf [dreg:s7], $0x5FFFF;
	_ =	strace $0x90000046  }
0xb2: {  	s29 =	simm.s32 $0x9;
	_ =	strace $0x80000048  }
0xb3: {  	_ =	swait.ge [sflag:s29], $0x1  }
0xb4: {  	[sflag:s29] =	ssyncadd.s32 $0xFFFFFFFF  }
0xb5: {  	_ =	strace $0x90000048  }
0xb6: {  	_ =	sfence  }
0xb7: {  	s30 =	sld [smem:$0x0];
	_ =	sdelay $0x2  }
0xb8: {  	s31 =	sshll.u32 s1, $0xD;
	s1 =	sshrl.u32 s1, $0x2  }
0xb9: {  	s3 =	sand.u32 $0x4000, s31;
	s1 =	sadd.s32 s1, s30  }
0xba: {  	s0 =	sor.u32 s3, s0;
	s1 =	sshll.u32 s1, $0x11  }
0xbb: {  	s0 =	sor.u32 s1, s0  }
0xbc: {  	s0 =	sadd.s32 $0x8F2B, s0  }
0xbd: {  	[sflag:s0] =	ssyncadd.remote.s32 $0x1  }
0xbe: {  	_ =	sfence.sel $0xFFFF  }
0xbf: {  	[dreg:$0x0] =	wrdreg $0xFFFFFFFF;
	(pc) =	sbr.abs _section_cstart, $3  }
0xc0: {  	[dreg:$0x1] =	wrdreg $0xFFFFFFFF  }
0xc1: {  	_ =	task.clear_ibuf [dreg:s7], $0x2FFFF;
	_ =	strace $0x9FFFFFFF  }
0xc2: {  	(tm) =	ssettm $0x7FFFFFFF  }
0xc3: {  	_ =	shalt  }
tec
execute0_lowered:
.L_overlay_start_1:
0x0: {  	(tag) =	ssettag $0x1  }
0x1: {  	s2 =	rddreg [dreg:$0x0]  }
0x2: {  	s0 =	srdreg.scid;
	s3 =	stileid.u32  }
0x3: {  	s1 =	rddreg [dreg:$0x1];
	s13 =	simm.s32 $0x80;
	s14 =	simm.s32 $0x5000  }
0x4: {  	s17 =	simm.s32 $0xD000;
	s20 =	simm.s32 $0x1;
	s21 =	simm.s32 $0x2  }
0x5: {  	s22 =	simm.s32 $0x3;
	s23 =	simm.s32 $0x4;
	s24 =	simm.s32 $0x5  }
0x6: {  	s25 =	simm.s32 $0x6;
	s28 =	simm.s32 $0x7;
	s29 =	simm.s32 $0x8  }
0x7: {  	s30 =	simm.s32 $0x9;
	s31 =	simm.s32 $0x0;
	s0 =	sand.u32 $0x1, s0  }
0x8: {  	s4 =	sshll.u32 s3, $0x1;
	s3 =	simm.s32 $0x0;
	s6 =	sadd.s32 $0x41200, s1  }
0x9: {  	s9 =	sadd.s32 $0x18900, s1;
	s10 =	sadd.s32 $0xEB00, s1;
	s11 =	sor.u32 s0, s4  }
0xa: {  	[smem:$0x7FF] =	sst s3;
	s4 =	sadd.s32 $0x18C00, s1;
	s5 =	smul.u32 $0x500, s11  }
.Ltmp0:
0xb: {  	s0 =	ssub.s32 $0x2, s0;
	_ =	strace $0x80000047;
	(pc) =	sbr.rel .LBB2_1-.Ltmp0, $4  }
0xc: {  	s7 =	sshrl.u32 s0, $0x1;
	p0 =	seq.s32 s11, $0x1F;
	s11 =	smul.u32 $0x50, s11  }
0xd: {  	s0 =	ssub.s32 s0, s7;
	s8 =	sadd.s32 s5, s1;
	s5 =	simm.s32 $0x14  }
0xe: {  	s12 =	smax.u32 s0, $0x1;
	s5 =	simm.s32 @!p0 $0x50;
	s26 =	sadd.s32 $0xEE00, s8  }
0xf: {  	s8 =	sadd.s32 $0x5000, s8;
	[dreg:$0x3] =	wrdreg s26;
	s26 =	simm.s32 $0x15000  }
.LBB2_15:
0x10: {  	_ =	swait.ge [sflag:s28], $0x4000  }
0x11: {  	[sflag:s28] =	ssyncset.done $0x0  }
0x12: {  	s31 =	sadd.s32 $0x1, s31;
	[sflag:s28] =	ssyncadd.s32 $0xFFFFC000  }
0x13: {  	p1 =	sne.s32 s31, s12;
	_ =	swait.ge [sflag:s29], $0x4000  }
.Ltmp1:
0x14: {  	[sflag:s29] =	ssyncset.done $0x0;
	(pc) =	sbr.rel @!p1 .LBB2_16-.Ltmp1, $4  }
0x15: {  	[sflag:s29] =	ssyncadd.s32 $0xFFFFC000  }
0x16: {  	_ =	swait.ge [sflag:s30], $0x4000  }
0x17: {  	[sflag:s30] =	ssyncset.done $0x0  }
0x18: {  	[sflag:s30] =	ssyncadd.s32 $0xFFFFC000  }
.LBB2_1:
0x19: {  	s0 =	simm.s32 @p0 $0x0;
	s1 =	simm.s32 @p0 $0xA  }
0x1a: {  	[tilespmem:s0], [sflag:$0xA] =	stream.linear.gather @p0 [hbm4b:s9+s0], $0xA00, $0x38;
	[tilespmem:$0x1D000] =	vst v63  }
0x1b: {  	_ =	swait.ge @p0 [sflag:s1], $0xA00  }
0x1c: {  	[sflag:s1] =	ssyncset.done @p0 $0x0  }
0x1d: {  	s15 =	simm.s32 @p0 $0x2800;
	[sflag:s1] =	ssyncadd.s32 @p0 $0xFFFFF600  }
0x1e: {  	[tilespmem:s15], [sflag:$0xA] =	stream.linear.gather @p0 [hbm4b:s10+s0], $0xA00, $0x38;
	[tilespmem:$0x1D000] =	vst v63  }
0x1f: {  	_ =	swait.ge @p0 [sflag:s1], $0xA00  }
0x20: {  	[sflag:s1] =	ssyncset.done @p0 $0x0  }
0x21: {  	s0 =	simm.s32 @!p0 $0x0;
	[sflag:s1] =	ssyncadd.s32 @p0 $0xFFFFF600;
	s1 =	rddreg [dreg:$0x3]  }
0x22: {  	[tilespmem:s0], [sflag:$0xA] =	stream.linear.gather @!p0 [hbm4b:s1+s0], $0x2800, $0x38;
	[tilespmem:$0x1D000] =	vst v63  }
0x23: {  	s1 =	simm.s32 @!p0 $0xA  }
0x24: {  	_ =	swait.ge @!p0 [sflag:s1], $0x2800  }
0x25: {  	[sflag:s1] =	ssyncset.done @!p0 $0x0  }
0x26: {  	s15 =	simm.s32 @!p0 $0x2800;
	[sflag:s1] =	ssyncadd.s32 @!p0 $0xFFFFD800  }
0x27: {  	[tilespmem:s15], [sflag:$0xA] =	stream.linear.gather @!p0 [hbm4b:s8+s0], $0x2800, $0x38;
	[tilespmem:$0x1D000] =	vst v63  }
0x28: {  	_ =	swait.ge @!p0 [sflag:s1], $0x2800  }
0x29: {  	[sflag:s1] =	ssyncset.done @!p0 $0x0  }
0x2a: {  	[sflag:s1] =	ssyncadd.s32 @!p0 $0xFFFFD800  }
0x2b: {  	[tilespmem:s14], [sflag:$0x1] =	stream.indirect.gather [hbm4b:s2+s13], $0x80, s3, s13, $0xb8;
	[tilespmem:$0x1D000] =	vst v63  }
0x2c: {  	s16 =	simm.s32 $0x9000;
	s15 =	simm.s32 $0x2800  }
0x2d: {  	[tilespmem:s16], [sflag:$0x2] =	stream.indirect.gather [hbm4b:s4+s13], $0x80, s15, s13, $0xb8;
	[tilespmem:$0x1D000] =	vst v63  }
.Ltmp2:
0x2e: {  	_ = 	snop;
	(pc) =	sbr.rel .LBB2_2-.Ltmp2, $4  }
0x2f: {  	_ = 	snop  }
0x30: {  	[tilespmem:s17], [sflag:$0x3] =	stream.indirect.gather [hbm4b:s2+s13], $0x80, s13, s13, $0xb8;
	[tilespmem:$0x1D000] =	vst v63  }
0x31: {  	s18 =	simm.s32 $0x2880;
	s19 =	simm.s32 $0x11000;
	s1 =	simm.s32 $0x0  }
0x32: {  	[tilespmem:s19], [sflag:$0x4] =	stream.indirect.gather [hbm4b:s4+s13], $0x80, s18, s13, $0xb8;
	[tilespmem:$0x1D000] =	vst v63  }
.LBB2_14:
0x33: {  	s1 =	sadd.s32 $0x1, s1  }
0x34: {  	p1 =	sne.s32 s1, $0x1B  }
.Ltmp3:
0x35: {  	_ = 	snop;
	(pc) =	sbr.rel @!p1 .LBB2_15-.Ltmp3, $1  }
0x36: {  	_ =	sdelay $0x3  }
.LBB2_2:
0x37: {  	s15 =	smul.u32 $0x3, s1;
	_ =	sdelay $0x1  }
0x38: {  	p1 =	seq.s32 s1, $0x0;
	s0 =	sadd.s32 $0x2, s15  }
0x39: {  	p2 =	sge.u32 @!p1 s0, s5  }
0x3a: {  	p1 =	por p2, p1  }
0x3b: {  	s16 =	simm.s32 @!p1 $0x9  }
0x3c: {  	_ =	swait.ge @!p1 [sflag:s16], $0x4000  }
0x3d: {  	p2 =	sge.u32 s15, s5;
	[sflag:s16] =	ssyncset.done @!p1 $0x0  }
.Ltmp4:
0x3e: {  	[sflag:s16] =	ssyncadd.s32 @!p1 $0xFFFFC000;
	p1 =	sge.u32 s0, s5;
	(pc) =	sbr.rel @p2 .LBB2_6-.Ltmp4, $4  }
0x3f: {  	s16 =	sshll.u32 @!p1 s0, $0x7;
	s18 =	simm.s32 @!p1 $0x80;
	s19 =	simm.s32 @!p1 $0x15000  }
0x40: {  	[tilespmem:s19], [sflag:$0x5] =	stream.indirect.gather @!p1 [hbm4b:s2+s18], $0x80, s16, s18, $0xb8;
	[tilespmem:$0x1D000] =	vst v63  }
0x41: {  	s16 =	sadd.s32 @!p1 $0x2800, s16;
	s19 =	simm.s32 @!p1 $0x19000  }
0x42: {  	[tilespmem:s19], [sflag:$0x6] =	stream.indirect.gather @!p1 [hbm4b:s4+s18], $0x80, s16, s18, $0xb8;
	[tilespmem:$0x1D000] =	vst v63  }
0x43: {  	_ =	swait.ge [sflag:s20], $0x4000  }
0x44: {  	[sflag:s20] =	ssyncset.done $0x0  }
0x45: {  	[sflag:s20] =	ssyncadd.s32 $0xFFFFC000  }
0x46: {  	_ =	swait.ge [sflag:s21], $0x4000  }
0x47: {  	[sflag:s21] =	ssyncset.done $0x0  }
0x48: {  	s16 =	simm.s32 $0x0;
	[sflag:s21] =	ssyncadd.s32 $0xFFFFC000  }
0x49: {  	v7 =	vld [tilespmem:s16+$0x9000]  }
0x4a: {  	v11 =	vld [tilespmem:s16+$0x9010]  }
0x4b: {  	v5 =	vld [tilespmem:s16+$0x9020]  }
0x4c: {  	v4 =	vld [tilespmem:s16+$0x9030]  }
0x4d: {  	v3 =	vld [tilespmem:s16+$0x9040]  }
0x4e: {  	v2 =	vld [tilespmem:s16+$0x9050]  }
0x4f: {  	v1 =	vld [tilespmem:s16+$0x9060]  }
0x50: {  	v0 =	vld [tilespmem:s16+$0x9070]  }
0x51: {  	v12 =	vld [tilespmem:s16+$0x5000]  }
0x52: {  	v13 =	vld [tilespmem:s16+$0x5010]  }
0x53: {  	v10 =	vld [tilespmem:s16+$0x5020]  }
0x54: {  	v9 =	vld [tilespmem:s16+$0x5030]  }
0x55: {  	v8 =	vld [tilespmem:s16+$0x5040]  }
0x56: {  	v6 =	vld [tilespmem:s16+$0x5050];
	v12 =	vadd.f32 v7, v12  }
0x57: {  	s18 =	simm.s32 $0x200;
	v11 =	vadd.f32 v11, v13;
	v7 =	vld [tilespmem:s16+$0x5060]  }
.LBB2_4:
0x58: {  	s19 =	sshra.s32 s18, $0x2;
	p2 =	sne.s32 s18, $0xFE00;
	[tilespmem:s16+$0x5000] =	vst v12;
	v5 =	vadd.f32 v5, v10;
	v10 =	vld [tilespmem:s16+$0x5070]  }
0x59: {  	v12 =	vld [tilespmem:s19+$0x9000];
	[tilespmem:s16+$0x5010] =	vst v11;
	v4 =	vadd.f32 v4, v9  }
0x5a: {  	v11 =	vld [tilespmem:s19+$0x9010];
	[tilespmem:s16+$0x5020] =	vst v5;
	v3 =	vadd.f32 v3, v8  }
0x5b: {  	v5 =	vld [tilespmem:s19+$0x9020];
	[tilespmem:s16+$0x5030] =	vst v4;
	v2 =	vadd.f32 v2, v6  }
0x5c: {  	v4 =	vld [tilespmem:s19+$0x9030];
	[tilespmem:s16+$0x5040] =	vst v3;
	v1 =	vadd.f32 v1, v7  }
0x5d: {  	v3 =	vld [tilespmem:s19+$0x9040];
	[tilespmem:s16+$0x5050] =	vst v2;
	v0 =	vadd.f32 v0, v10  }
0x5e: {  	v2 =	vld [tilespmem:s19+$0x9050];
	[tilespmem:s16+$0x5060] =	vst v1  }
0x5f: {  	v1 =	vld [tilespmem:s19+$0x9060];
	[tilespmem:s16+$0x5070] =	vst v0;
	s16 =	smov.u32 s19  }
0x60: {  	v0 =	vld [tilespmem:s16+$0x9070]  }
0x61: {  	v6 =	vld [tilespmem:s16+$0x5000]  }
0x62: {  	v7 =	vld [tilespmem:s16+$0x5010]  }
.Ltmp5:
0x63: {  	v10 =	vld [tilespmem:s16+$0x5020];
	(pc) =	sbr.rel @p2 .LBB2_4-.Ltmp5, $4  }
0x64: {  	v9 =	vld [tilespmem:s16+$0x5030]  }
0x65: {  	v8 =	vld [tilespmem:s16+$0x5040]  }
0x66: {  	v12 =	vadd.f32 v12, v6;
	v6 =	vld [tilespmem:s16+$0x5050]  }
0x67: {  	s18 =	sadd.s32 $0x200, s18;
	v11 =	vadd.f32 v11, v7;
	v7 =	vld [tilespmem:s16+$0x5060]  }
0x68: {  	[tilespmem:s16+$0x5000] =	vst v12;
	v5 =	vadd.f32 v5, v10;
	v63 =	vld [tilespmem:s16+$0x5070]  }
0x69: {  	[tilespmem:s16+$0x5010] =	vst v11;
	v4 =	vadd.f32 v4, v9  }
0x6a: {  	[tilespmem:s16+$0x5020] =	vst v5;
	v3 =	vadd.f32 v3, v8  }
0x6b: {  	[tilespmem:s16+$0x5030] =	vst v4;
	v2 =	vadd.f32 v2, v6  }
0x6c: {  	[tilespmem:s16+$0x5040] =	vst v3;
	v1 =	vadd.f32 v1, v7  }
0x6d: {  	s18 =	sadd.s32 s11, s15;
	[tilespmem:s16+$0x5050] =	vst v2;
	v0 =	vadd.f32 v0, v63  }
0x6e: {  	s18 =	sshll.u32 s18, $0xB;
	[tilespmem:s16+$0x5060] =	vst v1  }
0x6f: {  	s19 =	sadd.s32 s6, s18;
	[tilespmem:s16+$0x5070] =	vst v0  }
0x70: {  	[hbm4b:s19+s3] =	stream.linear.scatter [tilespmem:s14], [sflag:$0x7], $0x4000, $0x38;
	[tilespmem:$0x1D000] =	vst v63  }
.LBB2_6:
0x71: {  	s16 =	sadd.s32 $0x3, s15  }
0x72: {  	p2 =	sge.u32 s16, s5  }
0x73: {  	s18 =	simm.s32 @!p2 $0x7  }
0x74: {  	_ =	swait.ge @!p2 [sflag:s18], $0x4000  }
0x75: {  	s19 =	simm.s32 @!p2 $0x80;
	[sflag:s18] =	ssyncset.done @!p2 $0x0  }
0x76: {  	[sflag:s18] =	ssyncadd.s32 @!p2 $0xFFFFC000;
	s18 =	sshll.u32 @!p2 s16, $0x7;
	s16 =	simm.s32 @!p2 $0x5000  }
0x77: {  	[tilespmem:s16], [sflag:$0x1] =	stream.indirect.gather @!p2 [hbm4b:s2+s19], $0x80, s18, s19, $0xb8;
	[tilespmem:$0x1D000] =	vst v63  }
0x78: {  	s7 =	simm.s32 @!p2 $0x9000;
	s16 =	sadd.s32 $0x1, s15;
	s18 =	sadd.s32 @!p2 $0x2800, s18  }
0x79: {  	[tilespmem:s7], [sflag:$0x2] =	stream.indirect.gather @!p2 [hbm4b:s4+s19], $0x80, s18, s19, $0xb8;
	[tilespmem:$0x1D000] =	vst v63  }
0x7a: {  	p2 =	sge.u32 s16, s5  }
.Ltmp6:
0x7b: {  	_ = 	snop;
	(pc) =	sbr.rel @p2 .LBB2_10-.Ltmp6, $1  }
0x7c: {  	_ =	sdelay $0x3  }
0x7d: {  	_ =	swait.ge [sflag:s22], $0x4000  }
0x7e: {  	[sflag:s22] =	ssyncset.done $0x0  }
0x7f: {  	[sflag:s22] =	ssyncadd.s32 $0xFFFFC000  }
0x80: {  	_ =	swait.ge [sflag:s23], $0x4000  }
0x81: {  	[sflag:s23] =	ssyncset.done $0x0  }
0x82: {  	s18 =	simm.s32 $0x0;
	[sflag:s23] =	ssyncadd.s32 $0xFFFFC000  }
0x83: {  	v7 =	vld [tilespmem:s18+$0x11000]  }
0x84: {  	v11 =	vld [tilespmem:s18+$0x11010]  }
0x85: {  	v5 =	vld [tilespmem:s18+$0x11020]  }
0x86: {  	v4 =	vld [tilespmem:s18+$0x11030]  }
0x87: {  	v3 =	vld [tilespmem:s18+$0x11040]  }
0x88: {  	v2 =	vld [tilespmem:s18+$0x11050]  }
0x89: {  	v1 =	vld [tilespmem:s18+$0x11060]  }
0x8a: {  	v0 =	vld [tilespmem:s18+$0x11070]  }
0x8b: {  	v12 =	vld [tilespmem:s18+$0xD000]  }
0x8c: {  	v13 =	vld [tilespmem:s18+$0xD010]  }
0x8d: {  	v10 =	vld [tilespmem:s18+$0xD020]  }
0x8e: {  	v9 =	vld [tilespmem:s18+$0xD030]  }
0x8f: {  	v8 =	vld [tilespmem:s18+$0xD040]  }
0x90: {  	v6 =	vld [tilespmem:s18+$0xD050];
	v12 =	vadd.f32 v7, v12  }
0x91: {  	s19 =	simm.s32 $0x200;
	v11 =	vadd.f32 v11, v13;
	v7 =	vld [tilespmem:s18+$0xD060]  }
.LBB2_8:
0x92: {  	s7 =	sshra.s32 s19, $0x2;
	p2 =	sne.s32 s19, $0xFE00;
	[tilespmem:s18+$0xD000] =	vst v12;
	v5 =	vadd.f32 v5, v10;
	v10 =	vld [tilespmem:s18+$0xD070]  }
0x93: {  	v12 =	vld [tilespmem:s7+$0x11000];
	[tilespmem:s18+$0xD010] =	vst v11;
	v4 =	vadd.f32 v4, v9  }
0x94: {  	v11 =	vld [tilespmem:s7+$0x11010];
	[tilespmem:s18+$0xD020] =	vst v5;
	v3 =	vadd.f32 v3, v8  }
0x95: {  	v5 =	vld [tilespmem:s7+$0x11020];
	[tilespmem:s18+$0xD030] =	vst v4;
	v2 =	vadd.f32 v2, v6  }
0x96: {  	v4 =	vld [tilespmem:s7+$0x11030];
	[tilespmem:s18+$0xD040] =	vst v3;
	v1 =	vadd.f32 v1, v7  }
0x97: {  	v3 =	vld [tilespmem:s7+$0x11040];
	[tilespmem:s18+$0xD050] =	vst v2;
	v0 =	vadd.f32 v0, v10  }
0x98: {  	v2 =	vld [tilespmem:s7+$0x11050];
	[tilespmem:s18+$0xD060] =	vst v1  }
0x99: {  	v1 =	vld [tilespmem:s7+$0x11060];
	[tilespmem:s18+$0xD070] =	vst v0;
	s18 =	smov.u32 s7  }
0x9a: {  	v0 =	vld [tilespmem:s18+$0x11070]  }
0x9b: {  	v6 =	vld [tilespmem:s18+$0xD000]  }
0x9c: {  	v7 =	vld [tilespmem:s18+$0xD010]  }
.Ltmp7:
0x9d: {  	v10 =	vld [tilespmem:s18+$0xD020];
	(pc) =	sbr.rel @p2 .LBB2_8-.Ltmp7, $4  }
0x9e: {  	v9 =	vld [tilespmem:s18+$0xD030]  }
0x9f: {  	v8 =	vld [tilespmem:s18+$0xD040]  }
0xa0: {  	v12 =	vadd.f32 v12, v6;
	v6 =	vld [tilespmem:s18+$0xD050]  }
0xa1: {  	s19 =	sadd.s32 $0x200, s19;
	v11 =	vadd.f32 v11, v7;
	v7 =	vld [tilespmem:s18+$0xD060]  }
0xa2: {  	[tilespmem:s18+$0xD000] =	vst v12;
	v5 =	vadd.f32 v5, v10;
	v63 =	vld [tilespmem:s18+$0xD070]  }
0xa3: {  	[tilespmem:s18+$0xD010] =	vst v11;
	v4 =	vadd.f32 v4, v9  }
0xa4: {  	[tilespmem:s18+$0xD020] =	vst v5;
	v3 =	vadd.f32 v3, v8  }
0xa5: {  	[tilespmem:s18+$0xD030] =	vst v4;
	v2 =	vadd.f32 v2, v6  }
0xa6: {  	s7 =	sadd.s32 s11, s16;
	[tilespmem:s18+$0xD040] =	vst v3;
	v1 =	vadd.f32 v1, v7  }
0xa7: {  	s7 =	sshll.u32 s7, $0xB;
	[tilespmem:s18+$0xD050] =	vst v2;
	v0 =	vadd.f32 v0, v63  }
0xa8: {  	s7 =	sand.u32 $0x1FFFF800, s7;
	[tilespmem:s18+$0xD060] =	vst v1  }
0xa9: {  	s7 =	sadd.s32 s6, s7;
	[tilespmem:s18+$0xD070] =	vst v0  }
0xaa: {  	[hbm4b:s7+s3] =	stream.linear.scatter [tilespmem:s17], [sflag:$0x8], $0x4000, $0x38;
	[tilespmem:$0x1D000] =	vst v63  }
.LBB2_10:
0xab: {  	s7 =	sadd.s32 $0x4, s15  }
0xac: {  	p2 =	sge.u32 s7, s5  }
0xad: {  	s15 =	simm.s32 @!p2 $0x8  }
0xae: {  	_ =	swait.ge @!p2 [sflag:s15], $0x4000  }
.Ltmp8:
0xaf: {  	s7 =	sshll.u32 @!p2 s7, $0x7;
	[sflag:s15] =	ssyncset.done @!p2 $0x0;
	(pc) =	sbr.rel @p1 .LBB2_14-.Ltmp8, $4  }
0xb0: {  	s16 =	simm.s32 @!p2 $0xD000;
	[sflag:s15] =	ssyncadd.s32 @!p2 $0xFFFFC000;
	s15 =	simm.s32 @!p2 $0x80  }
0xb1: {  	[tilespmem:s16], [sflag:$0x3] =	stream.indirect.gather @!p2 [hbm4b:s2+s15], $0x80, s7, s15, $0xb8;
	[tilespmem:$0x1D000] =	vst v63  }
0xb2: {  	s7 =	sadd.s32 @!p2 $0x2800, s7;
	s16 =	simm.s32 @!p2 $0x11000  }
0xb3: {  	[tilespmem:s16], [sflag:$0x4] =	stream.indirect.gather @!p2 [hbm4b:s4+s15], $0x80, s7, s15, $0xb8;
	[tilespmem:$0x1D000] =	vst v63  }
0xb4: {  	_ =	swait.ge [sflag:s24], $0x4000  }
0xb5: {  	[sflag:s24] =	ssyncset.done $0x0  }
0xb6: {  	[sflag:s24] =	ssyncadd.s32 $0xFFFFC000  }
0xb7: {  	_ =	swait.ge [sflag:s25], $0x4000  }
0xb8: {  	[sflag:s25] =	ssyncset.done $0x0  }
0xb9: {  	s15 =	simm.s32 $0x0;
	[sflag:s25] =	ssyncadd.s32 $0xFFFFC000  }
0xba: {  	v7 =	vld [tilespmem:s15+$0x19000]  }
0xbb: {  	v11 =	vld [tilespmem:s15+$0x19010]  }
0xbc: {  	v5 =	vld [tilespmem:s15+$0x19020]  }
0xbd: {  	v4 =	vld [tilespmem:s15+$0x19030]  }
0xbe: {  	v3 =	vld [tilespmem:s15+$0x19040]  }
0xbf: {  	v2 =	vld [tilespmem:s15+$0x19050]  }
0xc0: {  	v1 =	vld [tilespmem:s15+$0x19060]  }
0xc1: {  	v0 =	vld [tilespmem:s15+$0x19070]  }
0xc2: {  	v12 =	vld [tilespmem:s15+$0x15000]  }
0xc3: {  	v13 =	vld [tilespmem:s15+$0x15010]  }
0xc4: {  	v10 =	vld [tilespmem:s15+$0x15020]  }
0xc5: {  	v9 =	vld [tilespmem:s15+$0x15030]  }
0xc6: {  	v8 =	vld [tilespmem:s15+$0x15040]  }
0xc7: {  	v6 =	vld [tilespmem:s15+$0x15050];
	v12 =	vadd.f32 v7, v12  }
0xc8: {  	s16 =	simm.s32 $0x200;
	v11 =	vadd.f32 v11, v13;
	v7 =	vld [tilespmem:s15+$0x15060]  }
.LBB2_12:
0xc9: {  	s7 =	sshra.s32 s16, $0x2;
	p1 =	sne.s32 s16, $0xFE00;
	[tilespmem:s15+$0x15000] =	vst v12;
	v5 =	vadd.f32 v5, v10;
	v10 =	vld [tilespmem:s15+$0x15070]  }
0xca: {  	v12 =	vld [tilespmem:s7+$0x19000];
	[tilespmem:s15+$0x15010] =	vst v11;
	v4 =	vadd.f32 v4, v9  }
0xcb: {  	v11 =	vld [tilespmem:s7+$0x19010];
	[tilespmem:s15+$0x15020] =	vst v5;
	v3 =	vadd.f32 v3, v8  }
0xcc: {  	v5 =	vld [tilespmem:s7+$0x19020];
	[tilespmem:s15+$0x15030] =	vst v4;
	v2 =	vadd.f32 v2, v6  }
0xcd: {  	v4 =	vld [tilespmem:s7+$0x19030];
	[tilespmem:s15+$0x15040] =	vst v3;
	v1 =	vadd.f32 v1, v7  }
0xce: {  	v3 =	vld [tilespmem:s7+$0x19040];
	[tilespmem:s15+$0x15050] =	vst v2;
	v0 =	vadd.f32 v0, v10  }
0xcf: {  	v2 =	vld [tilespmem:s7+$0x19050];
	[tilespmem:s15+$0x15060] =	vst v1  }
0xd0: {  	v1 =	vld [tilespmem:s7+$0x19060];
	[tilespmem:s15+$0x15070] =	vst v0;
	s15 =	smov.u32 s7  }
0xd1: {  	v0 =	vld [tilespmem:s15+$0x19070]  }
0xd2: {  	v6 =	vld [tilespmem:s15+$0x15000]  }
0xd3: {  	v7 =	vld [tilespmem:s15+$0x15010]  }
.Ltmp9:
0xd4: {  	v10 =	vld [tilespmem:s15+$0x15020];
	(pc) =	sbr.rel @p1 .LBB2_12-.Ltmp9, $4  }
0xd5: {  	v9 =	vld [tilespmem:s15+$0x15030]  }
0xd6: {  	v8 =	vld [tilespmem:s15+$0x15040]  }
0xd7: {  	v12 =	vadd.f32 v12, v6;
	v6 =	vld [tilespmem:s15+$0x15050]  }
0xd8: {  	s16 =	sadd.s32 $0x200, s16;
	v11 =	vadd.f32 v11, v7;
	v7 =	vld [tilespmem:s15+$0x15060]  }
0xd9: {  	[tilespmem:s15+$0x15000] =	vst v12;
	v5 =	vadd.f32 v5, v10;
	v63 =	vld [tilespmem:s15+$0x15070]  }
0xda: {  	[tilespmem:s15+$0x15010] =	vst v11;
	v4 =	vadd.f32 v4, v9  }
0xdb: {  	[tilespmem:s15+$0x15020] =	vst v5;
	v3 =	vadd.f32 v3, v8  }
0xdc: {  	[tilespmem:s15+$0x15030] =	vst v4;
	v2 =	vadd.f32 v2, v6  }
.Ltmp10:
0xdd: {  	s0 =	sadd.s32 s11, s0;
	[tilespmem:s15+$0x15040] =	vst v3;
	v1 =	vadd.f32 v1, v7;
	(pc) =	sbr.rel .LBB2_14-.Ltmp10, $4  }
0xde: {  	s0 =	sshll.u32 s0, $0xB;
	[tilespmem:s15+$0x15050] =	vst v2;
	v0 =	vadd.f32 v0, v63  }
0xdf: {  	s0 =	sand.u32 $0x1FFFF800, s0;
	[tilespmem:s15+$0x15060] =	vst v1  }
0xe0: {  	s0 =	sadd.s32 s6, s0;
	[tilespmem:s15+$0x15070] =	vst v0  }
0xe1: {  	[hbm4b:s0+s3] =	stream.linear.scatter [tilespmem:s26], [sflag:$0x9], $0x4000, $0x38;
	[tilespmem:$0x1D000] =	vst v63  }
.LBB2_16:
0xe2: {  	_ =	sfence.sel $0x180000  }
0xe3: {  	[bflag:$0x0] =	sbarrier.arrive $0xFFFF  }
0xe4: {  	_ =	strace $0x90000047  }
0xe5: {  	s0 =	stileid.u32;
	[bflag:$0x2] =	sbarrier.arrive $0xFFFF  }
0xe6: {  	p0 =	sne.s32 s0, $0x0;
	s0 =	rddreg [dreg:$0x2]  }
0xe7: {  	s0 =	sadd.s32 @!p0 $0x100000, s0  }
0xe8: {  	[sflag:s0] =	ssyncadd.tile.s32 @!p0 $0x1;
	_ =	shalt  }
.Lfunc_end2:
_tile_overlayer_lowered:
.L_overlay_start_2:
0xe9: {  	(tag) =	ssettag $0x2  }
0xea: {  	s0 =	rddreg [dreg:$0x0];
	s2 =	stileid.u32  }
0xeb: {  	s1 =	rddreg [dreg:$0x1];
	p0 =	sne.s32 s2, $0x0  }
0xec: {  	s3 =	rddreg [dreg:$0x2];
	[bflag:$0x3] =	sbarrier.arrive $0xFFFF;
	s2 =	simm.s32 @!p0 $0x1C0A  }
0xed: {  	[timem:s3], [sflag:s2] =	dma.local @!p0 [hbm:s0], s1  }
0xee: {  	s0 =	simm.s32 @!p0 $0xA  }
0xef: {  	_ =	swait.ge @!p0 [sflag:s0], s1  }
0xf0: {  	s1 =	ssub.s32 @!p0 $0x0, s1;
	[sflag:s0] =	ssyncset.done @!p0 $0x0  }
0xf1: {  	[sflag:s0] =	ssyncadd.s32 @!p0 s1  }
0xf2: {  	[bflag:$0x3] =	sbarrier.arrive $0xFFFF  }
0xf3: {  	_ =	shalt  }

// kernel: kernel.18.cloned.1.call-start
scs
__scs_entry_jumppad:
0x0: {  	(pc) =	sbr.rel $0x88, $3  }
0x1: {  	(tag) =	ssettag $0x0;
	lr =	simm.s32 $0x1  }
0x2: {  	[smem:$0x3F8E] =	sst lr;
	_ =	strace $0xD0000000  }
0x3: {  	_ = 	snop  }
0x4: {  	_ = 	snop  }
0x5: {  	_ = 	snop  }
0x6: {  	_ = 	snop  }
0x7: {  	_ = 	snop  }
__scs_overlays_trampoline_lowered:
0x8: {  	[smem:$0x3F9D] =	sst s0  }
0x9: {  	[smem:$0x3F9E] =	sst s1  }
0xa: {  	[smem:$0x3F9F] =	sst s2  }
0xb: {  	[smem:$0x3FA0] =	sst s3  }
0xc: {  	[smem:$0x3FA1] =	sst s4  }
0xd: {  	[smem:$0x3FA2] =	sst s5  }
0xe: {  	[smem:$0x3FA3] =	sst s6  }
0xf: {  	[smem:$0x3FA4] =	sst s7  }
0x10: {  	[smem:$0x3FA5] =	sst s8  }
0x11: {  	[smem:$0x3FA6] =	sst s9;
	s0 =	simm.s32 @!p0 $0x0  }
0x12: {  	s1 =	sld [smem:$0x3F8C];
	s0 =	simm.s32 @p0 $0x1  }
0x13: {  	[smem:$0x3FA7] =	sst s0;
	s0 =	simm.s32 @!p1 $0x0  }
0x14: {  	s2 =	sld [smem:$0x3F8B];
	s0 =	simm.s32 @p1 $0x1  }
0x15: {  	[smem:$0x3FA8] =	sst s0;
	s0 =	simm.s32 @!p2 $0x0  }
0x16: {  	s3 =	sld [smem:$0x3FDB];
	s0 =	simm.s32 @p2 $0x1  }
0x17: {  	s4 =	simm.s32 $0x1BF5;
	[smem:$0x3FAA] =	sst s0  }
0x18: {  	s0 =	sld [smem:$0x3F8D];
	_ =	swait.ge [sflag:s4], $0x0  }
0x19: {  	s7 =	sld [smem:$0x3F8E]  }
0x1a: {  	s8 =	sadd.s32 $0xFFFFE003, lr  }
0x1b: {  	s9 =	sadd.s32 $0xFFFFFEF7, lr;
	s5 =	simm.s32 $0xFFFFFFFF;
	p2 =	slt.u32 s8, $0xFFFFF086  }
0x1c: {  	p1 =	slt.u32 s9, $0xF7A;
	s5 =	simm.s32 @!p2 $0x0  }
0x1d: {  	s5 =	simm.s32 @p1 $0x1;
	p0 =	seq.s32 s7, s2  }
0x1e: {  	s7 =	smul.u32 @!p0 $0xF7A, s2;
	p2 =	seq.s32 @!p0 s5, $0x0  }
0x1f: {  	s9 =	smul.u32 $0xF7A, s1;
	s8 =	simm.s32 @!p0 $0x1BF5;
	p2 =	por !p2, p0  }
0x20: {  	[sflag:s8] =	ssyncset.s32 @!p0 $0xFFFFF086;
	s6 =	sadd.s32 @!p0 s3, s7;
	s7 =	simm.s32 @!p0 $0x108  }
0x21: {  	s3 =	sadd.s32 s3, s9;
	s6 =	sadd.s32 @!p0 $0x88, s6;
	s7 =	simm.s32 @p2 $0x1082  }
0x22: {  	[simem:s7], [sflag:s8] =	dma.local @!p0 [hbm:s6], $0xF7A  }
0x23: {  	s9 =	sor.u32 $0xD0000000, s2;
	s6 =	simm.s32 $0x108;
	_ =	swait.ge @!p0 [sflag:s8], $0x0  }
0x24: {  	s3 =	sadd.s32 $0x88, s3;
	s6 =	simm.s32 @!p1 $0x1082;
	[sflag:s4] =	ssyncset.s32 $0xFFFFF086  }
0x25: {  	[simem:s6], [sflag:s4] =	dma.local [hbm:s3], $0xF7A  }
0x26: {  	[smem:$0x3F8E] =	sst s1;
	(tag) =	ssettag s2;
	_ =	strace s9  }
0x27: {  	s1 =	sld [smem:$0x3F9E]  }
0x28: {  	s2 =	sld [smem:$0x3F9F]  }
0x29: {  	s4 =	sld [smem:$0x3FA1]  }
0x2a: {  	p0 =	seq.s32 s5, $0x0;
	s5 =	sld [smem:$0x3FA2]  }
0x2b: {  	s6 =	sld [smem:$0x3FA3]  }
0x2c: {  	s7 =	sld [smem:$0x3FA4]  }
0x2d: {  	s3 =	simm.s32 $0x108;
	s8 =	sld [smem:$0x3FA5]  }
0x2e: {  	s3 =	simm.s32 @!p0 $0x1082;
	s9 =	sld [smem:$0x3FA6]  }
0x2f: {  	lr =	sadd.s32 s0, s3;
	s0 =	sld [smem:$0x3F9D]  }
0x30: {  	s3 =	sld [smem:$0x3FA0]  }
0x31: {  	[smem:$0x3FA9] =	sst s10  }
0x32: {  	s10 =	sld [smem:$0x3FA7];
	_ =	sdelay $0x3  }
0x33: {  	p0 =	seq.s32 s10, $0x1;
	s10 =	sld [smem:$0x3FA9];
	_ =	sdelay $0x3  }
0x34: {  	[smem:$0x3FA9] =	sst s10  }
0x35: {  	s10 =	sld [smem:$0x3FA8];
	_ =	sdelay $0x3  }
0x36: {  	p1 =	seq.s32 s10, $0x1;
	s10 =	sld [smem:$0x3FA9];
	_ =	sdelay $0x3  }
0x37: {  	[smem:$0x3FA9] =	sst s10  }
0x38: {  	s10 =	sld [smem:$0x3FAA]  }
0x39: {  	_ = 	snop;
	(pc) =	sbr.ind lr, $3  }
0x3a: {  	_ = 	snop  }
0x3b: {  	_ = 	snop  }
0x3c: {  	p2 =	seq.s32 s10, $0x1;
	s10 =	sld [smem:$0x3FA9]  }
0x3d: {  	_ =	shalt  }
0x3e: {  	_ =	shalt  }
0x3f: {  	_ =	shalt  }
0x40: {  	_ =	shalt  }
0x41: {  	_ =	shalt  }
0x42: {  	_ =	shalt  }
0x43: {  	_ =	shalt  }
0x44: {  	_ =	shalt  }
0x45: {  	_ =	shalt  }
0x46: {  	_ =	shalt  }
0x47: {  	_ =	shalt  }
0x48: {  	_ =	shalt  }
0x49: {  	_ =	shalt  }
0x4a: {  	_ =	shalt  }
0x4b: {  	_ =	shalt  }
0x4c: {  	_ =	shalt  }
0x4d: {  	_ =	shalt  }
0x4e: {  	_ =	shalt  }
0x4f: {  	_ =	shalt  }
0x50: {  	_ =	shalt  }
0x51: {  	_ =	shalt  }
0x52: {  	_ =	shalt  }
0x53: {  	_ =	shalt  }
0x54: {  	_ =	shalt  }
0x55: {  	_ =	shalt  }
0x56: {  	_ =	shalt  }
0x57: {  	_ =	shalt  }
0x58: {  	_ =	shalt  }
0x59: {  	_ =	shalt  }
0x5a: {  	_ =	shalt  }
0x5b: {  	_ =	shalt  }
0x5c: {  	_ =	shalt  }
0x5d: {  	_ =	shalt  }
0x5e: {  	_ =	shalt  }
0x5f: {  	_ =	shalt  }
0x60: {  	_ =	shalt  }
0x61: {  	_ =	shalt  }
0x62: {  	_ =	shalt  }
0x63: {  	_ =	shalt  }
0x64: {  	_ =	shalt  }
0x65: {  	_ =	shalt  }
0x66: {  	_ =	shalt  }
0x67: {  	_ =	shalt  }
0x68: {  	_ =	shalt  }
0x69: {  	_ =	shalt  }
0x6a: {  	_ =	shalt  }
0x6b: {  	_ =	shalt  }
0x6c: {  	_ =	shalt  }
0x6d: {  	_ =	shalt  }
0x6e: {  	_ =	shalt  }
0x6f: {  	_ =	shalt  }
0x70: {  	_ =	shalt  }
0x71: {  	_ =	shalt  }
0x72: {  	_ =	shalt  }
0x73: {  	_ =	shalt  }
0x74: {  	_ =	shalt  }
0x75: {  	_ =	shalt  }
0x76: {  	_ =	shalt  }
0x77: {  	_ =	shalt  }
0x78: {  	_ =	shalt  }
0x79: {  	_ =	shalt  }
0x7a: {  	_ =	shalt  }
0x7b: {  	_ =	shalt  }
0x7c: {  	_ =	shalt  }
0x7d: {  	_ =	shalt  }
0x7e: {  	_ =	shalt  }
0x7f: {  	_ =	shalt  }
0x80: {  	_ =	shalt  }
0x81: {  	_ =	shalt  }
0x82: {  	_ =	shalt  }
0x83: {  	_ =	shalt  }
0x84: {  	_ =	shalt  }
0x85: {  	_ =	shalt  }
0x86: {  	_ =	shalt  }
0x87: {  	_ =	shalt  }
.Lfunc_end0:
.L_simem_size_0:
called_computation.1_lowered:
.L_overlay_start_0:
0x88: {  	s2 =	sld [smem:$0x3FD9]  }
0x89: {  	s3 =	sld [smem:$0x3FFE];
	_ =	sdelay $0x1  }
0x8a: {  	s1 =	srdreg.scid  }
0x8b: {  	s0 =	sand.u32 $0x1, s1  }
0x8c: {  	s16 =	sshll.u32 s0, $0xA;
	s2 =	sadd.s32 s3, s2  }
0x8d: {  	s2 =	sadd.s32 s2, s16  }
0x8e: {  	[smem:$0x3FB5] =	sst s2  }
0x8f: {  	_ = 	snop  }
0x90: {  	(tm) =	ssettm $0x1  }
0x91: {  	s17 =	sld [smem:$0x3FFB];
	_ =	sdelay $0x3  }
0x92: {  	_ =	strace s17  }
0x93: {  	s2 =	sld [smem:$0x3FFC];
	_ =	sdelay $0x3  }
0x94: {  	_ =	strace s2  }
0x95: {  	s2 =	sld [smem:$0x3FFD];
	_ =	sdelay $0x3  }
0x96: {  	_ =	strace s2  }
0x97: {  	_ =	strace $0x8FFFFFFF  }
0x98: {  	s18 =	sld [smem:$0x3FDB];
	_ =	sdelay $0x1  }
0x99: {  	s19 =	simm.s32 $_scs_section_size  }
0x9a: {  	s4 =	simm.s32 $_size__tile_overlayer_lowered;
	s5 =	simm.s32 $_tile_overlayer_lowered  }
0x9b: {  	s22 =	simm.s32 $0x1BFF;
	s21 =	sshll.u32 s5, $0x1;
	s2 =	sadd.s32 s19, s18  }
0x9c: {  	s6 =	simm.s32 $0x0;
	s20 =	sshll.u32 s4, $0x1;
	s4 =	sadd.s32 s21, s2  }
0x9d: {  	[timem:s6], [sflag:s22] =	dma.local [hbm:s4], s20  }
0x9e: {  	_ =	swait.ge [sflag:s22], s20  }
0x9f: {  	s3 =	ssub.s32 $0x0, s20;
	[sflag:s22] =	ssyncset.done $0x0  }
0xa0: {  	[sflag:s22] =	ssyncadd.s32 s3;
	_ =	sdelay $0x1  }
0xa1: {  	s23 =	simm.s32 $0x1B8B  }
0xa2: {  	_ =	swait.ge [sflag:s23], $0x1  }
0xa3: {  	[sflag:s23] =	ssyncset.done $0x0  }
0xa4: {  	s25 =	simm.s32 $0x1B8E;
	s24 =	sld [smem:$0x3FFE];
	[sflag:s23] =	ssyncadd.s32 $0xFFFFFFFF  }
0xa5: {  	s26 =	simm.s32 $execute0_lowered;
	[smem:$0x3FD2] =	sst s25  }
0xa6: {  	s4 =	sshll.u32 s26, $0x1;
	_ =	strace $0x80000049;
	[dreg:$0x1] =	wrdreg $0xFFFFFFFF  }
0xa7: {  	s28 =	simm.s32 $_size_execute0_lowered;
	s2 =	sadd.s32 s2, s4;
	[dreg:$0x0] =	wrdreg $0x0  }
0xa8: {  	s4 =	sshll.u32 s28, $0x1;
	[dreg:$0x2] =	wrdreg s2  }
0xa9: {  	[dreg:$0x3] =	wrdreg s4  }
0xaa: {  	[dreg:$0x4] =	wrdreg $0xC0  }
0xab: {  	_ =	task [dreg:s6], $0x5FFFF  }
0xac: {  	[dreg:$0x1] =	wrdreg $0xFFFFFFFF  }
0xad: {  	[dreg:$0x0] =	wrdreg $0x60  }
0xae: {  	[dreg:$0x2] =	wrdreg s24  }
0xaf: {  	[dreg:$0x3] =	wrdreg $0x81000  }
0xb0: {  	[dreg:$0x4] =	wrdreg $0x9  }
0xb1: {  	_ =	task.clear_ibuf [dreg:s6], $0x5FFFF;
	_ =	strace $0x90000049  }
0xb2: {  	s29 =	simm.s32 $0x9;
	_ =	strace $0x8000004B  }
0xb3: {  	_ =	swait.ge [sflag:s29], $0x1  }
0xb4: {  	[sflag:s29] =	ssyncadd.s32 $0xFFFFFFFF  }
0xb5: {  	_ =	strace $0x9000004B  }
0xb6: {  	_ =	sfence  }
0xb7: {  	s30 =	sld [smem:$0x0];
	_ =	sdelay $0x2  }
0xb8: {  	s31 =	sshll.u32 s1, $0xD;
	s1 =	sshrl.u32 s1, $0x2  }
0xb9: {  	s3 =	sand.u32 $0x4000, s31;
	s1 =	sadd.s32 s1, s30  }
0xba: {  	s0 =	sor.u32 s3, s0;
	s1 =	sshll.u32 s1, $0x11  }
0xbb: {  	s0 =	sor.u32 s1, s0  }
0xbc: {  	s0 =	sadd.s32 $0x8F2B, s0  }
0xbd: {  	[sflag:s0] =	ssyncadd.remote.s32 $0x1  }
0xbe: {  	_ =	sfence.sel $0xFFFF  }
0xbf: {  	[dreg:$0x0] =	wrdreg $0xFFFFFFFF;
	(pc) =	sbr.abs _section_cstart, $3  }
0xc0: {  	[dreg:$0x1] =	wrdreg $0xFFFFFFFF  }
0xc1: {  	_ =	task.clear_ibuf [dreg:s6], $0x2FFFF;
	_ =	strace $0x9FFFFFFF  }
0xc2: {  	(tm) =	ssettm $0x7FFFFFFF  }
0xc3: {  	_ =	shalt  }
tec
execute0_lowered:
.L_overlay_start_1:
0x0: {  	(tag) =	ssettag $0x1  }
0x1: {  	s2 =	rddreg [dreg:$0x0]  }
0x2: {  	s0 =	rddreg [dreg:$0x1]  }
0x3: {  	s1 =	simm.s32 $0x0;
	s3 =	srdreg.scid;
	s23 =	stileid.u32  }
0x4: {  	s29 =	simm.s32 $0x80;
	s30 =	simm.s32 $0x3;
	s31 =	simm.s32 $0x4080  }
0x5: {  	[smem:$0x7FF] =	sst s1;
	s3 =	sand.u32 $0x1, s3;
	s4 =	sadd.s32 $0xA05200, s2  }
0x6: {  	s6 =	sadd.s32 $0xEE00, s2;
	s8 =	sshll.u32 s23, $0x1;
	s17 =	sor.u32 $0x20, s23  }
0x7: {  	s18 =	sor.u32 $0x30, s23;
	s12 =	sor.u32 $0xF0, s23;
	s19 =	sor.u32 $0x40, s23  }
0x8: {  	s20 =	sor.u32 $0x50, s23;
	s21 =	sor.u32 $0x60, s23;
	s16 =	smul.u32 $0x500, s23  }
0x9: {  	s22 =	sor.u32 $0x70, s23;
	s5 =	smul.u32 $0x27100, s3;
	s7 =	ssub.s32 $0x2, s3  }
0xa: {  	s8 =	sor.u32 s3, s8;
	s11 =	smul.u32 $0xA000, s17;
	s13 =	sshll.u32 s12, $0x1  }
0xb: {  	s14 =	sshll.u32 s12, $0x5;
	p0 =	sgt.u32 s12, $0xF9;
	p1 =	sgt.u32 s22, $0x7C  }
0xc: {  	s24 =	sshrl.u32 s7, $0x1;
	s25 =	sshll.u32 s8, $0x4;
	s9 =	sshll.u32 s8, $0xB  }
0xd: {  	s13 =	sor.u32 s3, s13;
	s14 =	sand.u32 $0x1F80, s14;
	s3 =	sshll.u32 s3, $0xB  }
0xe: {  	s5 =	sadd.s32 s5, s2;
	s2 =	ssub.s32 s7, s24;
	s7 =	sadd.s32 s6, s25  }
0xf: {  	s26 =	sadd.s32 s4, s9;
	s9 =	sor.u32 $0x10, s23;
	s15 =	sshll.u32 s13, $0x4  }
0x10: {  	s14 =	sadd.s32 s6, s14;
	s13 =	sshll.u32 s13, $0xB;
	s25 =	sshll.u32 s23, $0xC  }
0x11: {  	s12 =	sshrl.u32 s11, $0x2;
	s11 =	simm.s32 $0x4100;
	[dreg:$0x3] =	wrdreg s7  }
0x12: {  	[dreg:$0x4] =	wrdreg s26;
	s5 =	sadd.s32 $0xAFF200, s5;
	s10 =	smul.u32 $0xA000, s9  }
0x13: {  	s15 =	sand.u32 $0x70, s15;
	s24 =	sadd.s32 s4, s13;
	s26 =	sshll.u32 s23, $0x5  }
0x14: {  	s4 =	sadd.s32 s25, s4;
	s14 =	sadd.s32 s15, s14;
	[dreg:$0x6] =	wrdreg s24  }
0x15: {  	s15 =	smul.u32 $0x500, s18;
	s3 =	sadd.s32 s3, s4;
	s24 =	sand.u32 $0x7, s8  }
0x16: {  	s25 =	sor.u32 $0x400, s26;
	[dreg:$0x5] =	wrdreg s14;
	s14 =	smul.u32 $0x500, s9  }
0x17: {  	s13 =	sadd.s32 s16, s5;
	s9 =	smul.u32 $0x500, s17;
	s17 =	sor.u32 $0x200, s26  }
0x18: {  	s26 =	sshll.u32 s24, $0x4;
	s24 =	sand.u32 $0x580, s25;
	s25 =	smul.u32 $0x500, s20  }
0x19: {  	[dreg:$0x7] =	wrdreg s13;
	s13 =	smul.u32 $0xA000, s21;
	s28 =	sadd.s32 $0x10000, s3  }
0x1a: {  	s4 =	sand.u32 $0x380, s17;
	s17 =	smul.u32 $0x500, s19;
	s16 =	sadd.s32 s15, s5  }
0x1b: {  	s4 =	sadd.s32 s4, s6;
	s6 =	sadd.s32 s24, s6;
	s14 =	sadd.s32 s14, s5  }
0x1c: {  	[dreg:$0xa] =	wrdreg s16;
	s15 =	sadd.s32 s25, s5;
	s25 =	smul.u32 $0xA000, s23  }
0x1d: {  	s7 =	sadd.s32 s26, s4;
	s8 =	sadd.s32 s26, s6;
	s26 =	smul.u32 $0x500, s21  }
0x1e: {  	s9 =	sadd.s32 s9, s5;
	[dreg:$0x8] =	wrdreg s14;
	s4 =	smul.u32 $0x500, s22  }
0x1f: {  	s3 =	simm.s32 $0x4;
	[dreg:$0x9] =	wrdreg s9;
	s6 =	smul.u32 $0xA000, s19  }
0x20: {  	s24 =	sadd.s32 s17, s5;
	s9 =	sshrl.u32 s10, $0x2;
	s10 =	smul.u32 $0xA000, s20  }
0x21: {  	s14 =	smul.u32 $0xA000, s22;
	s21 =	sadd.s32 s12, s0;
	[dreg:$0xb] =	wrdreg s24  }
0x22: {  	s20 =	sadd.s32 s9, s0;
	s16 =	sadd.s32 s26, s5;
	s17 =	sadd.s32 @!p1 s4, s5  }
0x23: {  	_ =	strace $0x8000004A;
	s26 =	smul.u32 $0xA000, s18;
	s18 =	smax.u32 s2, $0x1  }
0x24: {  	s5 =	sshrl.u32 s25, $0x2;
	s24 =	sshrl.u32 s10, $0x2;
	s25 =	sshrl.u32 s13, $0x2  }
0x25: {  	s2 =	simm.s32 $0x1;
	s19 =	sadd.s32 s5, s0;
	s5 =	sshrl.u32 s6, $0x2  }
0x26: {  	s24 =	sadd.s32 s24, s0;
	s25 =	sadd.s32 s25, s0;
	s4 =	sshrl.u32 s26, $0x2  }
0x27: {  	s23 =	sadd.s32 s5, s0;
	s26 =	sshrl.u32 s14, $0x2;
	s5 =	simm.s32 $0x0  }
0x28: {  	v0 =	vimm.f32 $0.0e+00;
	s22 =	sadd.s32 s4, s0;
	s26 =	sadd.s32 s26, s0;
	s4 =	simm.s32 $0x2  }
.LBB2_1:
0x29: {  	s6 =	simm.s32 $0x0;
	s9 =	simm.s32 $0x200  }
.LBB2_2:
0x2a: {  	p2 =	sne.s32 s9, $0x9E00;
	[tilespmem:s6+$0xF0] =	vst v0  }
0x2b: {  	[tilespmem:s6+$0x80] =	vst v0  }
0x2c: {  	[tilespmem:s6+$0x90] =	vst v0  }
.Ltmp0:
0x2d: {  	[tilespmem:s6+$0xA0] =	vst v0;
	(pc) =	sbr.rel @p2 .LBB2_2-.Ltmp0, $4  }
0x2e: {  	[tilespmem:s6+$0xB0] =	vst v0  }
0x2f: {  	[tilespmem:s6+$0xC0] =	vst v0  }
0x30: {  	[tilespmem:s6+$0xD0] =	vst v0  }
0x31: {  	[tilespmem:s6+$0xE0] =	vst v0;
	s6 =	sshra.s32 s9, $0x2;
	s9 =	sadd.s32 $0x200, s9  }
0x32: {  	[tilespmem:s6+$0xF0] =	vst v0  }
0x33: {  	[tilespmem:s6+$0x80] =	vst v0  }
0x34: {  	[tilespmem:s6+$0x90] =	vst v0  }
0x35: {  	[tilespmem:s6+$0xA0] =	vst v0  }
0x36: {  	[tilespmem:s6+$0xB0] =	vst v0  }
0x37: {  	[tilespmem:s6+$0xC0] =	vst v0  }
0x38: {  	[tilespmem:s6+$0xD0] =	vst v0  }
0x39: {  	[tilespmem:s6+$0xE0] =	vst v0  }
0x3a: {  	[spmem:s19] =	stream.linear.scatter [tilespmem:s29], [sflag:$0x3], $0x2800, $0x38;
	[tilespmem:$0x1B980] =	vst v63  }
0x3b: {  	_ =	swait.ge [sflag:s30], $0x2800  }
0x3c: {  	[sflag:s30] =	ssyncset.done $0x0  }
0x3d: {  	[sflag:s30] =	ssyncadd.s32 $0xFFFFD800  }
0x3e: {  	[spmem:s20] =	stream.linear.scatter [tilespmem:s29], [sflag:$0x3], $0x2800, $0x38;
	[tilespmem:$0x1B980] =	vst v63  }
0x3f: {  	_ =	swait.ge [sflag:s30], $0x2800  }
0x40: {  	[sflag:s30] =	ssyncset.done $0x0  }
0x41: {  	[sflag:s30] =	ssyncadd.s32 $0xFFFFD800  }
0x42: {  	[spmem:s21] =	stream.linear.scatter [tilespmem:s29], [sflag:$0x3], $0x2800, $0x38;
	[tilespmem:$0x1B980] =	vst v63  }
0x43: {  	_ =	swait.ge [sflag:s30], $0x2800  }
0x44: {  	[sflag:s30] =	ssyncset.done $0x0  }
0x45: {  	[sflag:s30] =	ssyncadd.s32 $0xFFFFD800  }
0x46: {  	[spmem:s22] =	stream.linear.scatter [tilespmem:s29], [sflag:$0x3], $0x2800, $0x38;
	[tilespmem:$0x1B980] =	vst v63  }
0x47: {  	_ =	swait.ge [sflag:s30], $0x2800  }
0x48: {  	[sflag:s30] =	ssyncset.done $0x0  }
0x49: {  	[sflag:s30] =	ssyncadd.s32 $0xFFFFD800  }
0x4a: {  	[spmem:s23] =	stream.linear.scatter [tilespmem:s29], [sflag:$0x3], $0x2800, $0x38;
	[tilespmem:$0x1B980] =	vst v63  }
0x4b: {  	_ =	swait.ge [sflag:s30], $0x2800  }
0x4c: {  	[sflag:s30] =	ssyncset.done $0x0  }
0x4d: {  	[sflag:s30] =	ssyncadd.s32 $0xFFFFD800  }
0x4e: {  	[spmem:s24] =	stream.linear.scatter [tilespmem:s29], [sflag:$0x3], $0x2800, $0x38;
	[tilespmem:$0x1B980] =	vst v63  }
0x4f: {  	_ =	swait.ge [sflag:s30], $0x2800  }
0x50: {  	[sflag:s30] =	ssyncset.done $0x0  }
0x51: {  	[sflag:s30] =	ssyncadd.s32 $0xFFFFD800  }
0x52: {  	[spmem:s25] =	stream.linear.scatter [tilespmem:s29], [sflag:$0x3], $0x2800, $0x38;
	[tilespmem:$0x1B980] =	vst v63  }
0x53: {  	_ =	swait.ge [sflag:s30], $0x2800  }
0x54: {  	[sflag:s30] =	ssyncset.done $0x0  }
0x55: {  	s6 =	simm.s32 @!p1 $0x80;
	[sflag:s30] =	ssyncadd.s32 $0xFFFFD800  }
0x56: {  	[spmem:s26] =	stream.linear.scatter @!p1 [tilespmem:s6], [sflag:$0x3], $0x2800, $0x38;
	[tilespmem:$0x1B980] =	vst v63  }
0x57: {  	s6 =	simm.s32 @!p1 $0x3  }
0x58: {  	_ =	swait.ge @!p1 [sflag:s6], $0x2800  }
0x59: {  	[sflag:s6] =	ssyncset.done @!p1 $0x0  }
0x5a: {  	[sflag:s6] =	ssyncadd.s32 @!p1 $0xFFFFD800  }
0x5b: {  	[bflag:$0x0] =	sbarrier.arrive $0xFFFF  }
0x5c: {  	s14 =	simm.s32 $0x0;
	s9 =	rddreg [dreg:$0x3]  }
0x5d: {  	[tilespmem:s14], [sflag:$0x1] =	stream.linear.gather [hbm4b:s9+s14], $0x80, $0x38;
	[tilespmem:$0x1B980] =	vst v63  }
0x5e: {  	s10 =	rddreg [dreg:$0x4]  }
0x5f: {  	[tilespmem:s29], [sflag:$0x1] =	stream.linear.gather [hbm4b:s10+s14], $0x4000, $0x38;
	[tilespmem:$0x1B980] =	vst v63  }
0x60: {  	s12 =	sadd.s32 $0x0, s7  }
0x61: {  	[tilespmem:s31], [sflag:$0x2] =	stream.linear.gather [hbm4b:s12+s1], $0x80, $0x38;
	[tilespmem:$0x1B980] =	vst v63  }
0x62: {  	_ = 	snop  }
0x63: {  	[tilespmem:s11], [sflag:$0x2] =	stream.linear.gather [hbm4b:s28+s1], $0x4000, $0x38;
	[tilespmem:$0x1B980] =	vst v63  }
0x64: {  	_ =	swait.ge [sflag:s2], $0x80  }
0x65: {  	[sflag:s2] =	ssyncset.done $0x0  }
0x66: {  	[sflag:s2] =	ssyncadd.s32 $0xFFFFFF80  }
0x67: {  	_ =	swait.ge [sflag:s2], $0x4000  }
0x68: {  	[sflag:s2] =	ssyncset.done $0x0  }
0x69: {  	[sflag:s2] =	ssyncadd.s32 $0xFFFFC000  }
0x6a: {  	[spmem:s0] =	stream.indirect.scatter.add.f32 [tilespmem:s29], [sflag:$0x4], $0x80, s1, s29, $0xb8;
	[tilespmem:$0x1B980] =	vst v63  }
0x6b: {  	_ =	swait.ge [sflag:s3], $0x4000  }
0x6c: {  	[sflag:s3] =	ssyncset.done $0x0  }
0x6d: {  	s13 =	sadd.s32 $0x0, s8;
	[sflag:s3] =	ssyncadd.s32 $0xFFFFC000  }
0x6e: {  	[tilespmem:s1], [sflag:$0x1] =	stream.linear.gather [hbm4b:s13+s1], $0x80, $0x38;
	[tilespmem:$0x1B980] =	vst v63  }
0x6f: {  	s14 =	sadd.s32 $0x10000, s28  }
0x70: {  	[tilespmem:s29], [sflag:$0x1] =	stream.linear.gather [hbm4b:s14+s1], $0x4000, $0x38;
	[tilespmem:$0x1B980] =	vst v63  }
0x71: {  	_ =	swait.ge [sflag:s4], $0x80  }
0x72: {  	[sflag:s4] =	ssyncset.done $0x0  }
0x73: {  	[sflag:s4] =	ssyncadd.s32 $0xFFFFFF80  }
0x74: {  	_ =	swait.ge [sflag:s4], $0x4000  }
0x75: {  	[sflag:s4] =	ssyncset.done $0x0  }
0x76: {  	[sflag:s4] =	ssyncadd.s32 $0xFFFFC000  }
0x77: {  	[spmem:s0] =	stream.indirect.scatter.add.f32 [tilespmem:s11], [sflag:$0x3], $0x80, s31, s29, $0xb8;
	[tilespmem:$0x1B980] =	vst v63  }
0x78: {  	s6 =	simm.s32 $0x400;
	_ =	swait.ge [sflag:s30], $0x4000  }
0x79: {  	s9 =	sadd.s32 $0x20000, s28;
	s10 =	simm.s32 $0x800;
	[sflag:s30] =	ssyncset.done $0x0  }
.LBB2_4:
0x7a: {  	s12 =	sadd.s32 s6, s7  }
0x7b: {  	[sflag:s30] =	ssyncadd.s32 $0xFFFFC000;
	s13 =	smov.u32 s10;
	s14 =	sadd.s32 $0x400, s10  }
0x7c: {  	[tilespmem:s31], [sflag:$0x2] =	stream.linear.gather [hbm4b:s12+s1], $0x80, $0x38;
	[tilespmem:$0x1B980] =	vst v63  }
0x7d: {  	p2 =	sne.s32 s10, $0x1800  }
0x7e: {  	[tilespmem:s11], [sflag:$0x2] =	stream.linear.gather [hbm4b:s9+s1], $0x4000, $0x38;
	[tilespmem:$0x1B980] =	vst v63  }
0x7f: {  	_ =	swait.ge [sflag:s2], $0x80  }
0x80: {  	[sflag:s2] =	ssyncset.done $0x0  }
0x81: {  	[sflag:s2] =	ssyncadd.s32 $0xFFFFFF80  }
0x82: {  	_ =	swait.ge [sflag:s2], $0x4000  }
0x83: {  	[sflag:s2] =	ssyncset.done $0x0  }
0x84: {  	[sflag:s2] =	ssyncadd.s32 $0xFFFFC000  }
0x85: {  	[spmem:s0] =	stream.indirect.scatter.add.f32 [tilespmem:s29], [sflag:$0x4], $0x80, s1, s29, $0xb8;
	[tilespmem:$0x1B980] =	vst v63  }
0x86: {  	_ =	swait.ge [sflag:s3], $0x4000  }
0x87: {  	[sflag:s3] =	ssyncset.done $0x0  }
0x88: {  	s10 =	sadd.s32 s6, s8;
	s6 =	smov.u32 s13;
	[sflag:s3] =	ssyncadd.s32 $0xFFFFC000  }
0x89: {  	[tilespmem:s1], [sflag:$0x1] =	stream.linear.gather [hbm4b:s10+s1], $0x80, $0x38;
	[tilespmem:$0x1B980] =	vst v63  }
0x8a: {  	s10 =	sadd.s32 $0x10000, s9  }
0x8b: {  	[tilespmem:s29], [sflag:$0x1] =	stream.linear.gather [hbm4b:s10+s1], $0x4000, $0x38;
	[tilespmem:$0x1B980] =	vst v63  }
0x8c: {  	_ =	swait.ge [sflag:s4], $0x80  }
0x8d: {  	[sflag:s4] =	ssyncset.done $0x0  }
0x8e: {  	[sflag:s4] =	ssyncadd.s32 $0xFFFFFF80  }
0x8f: {  	_ =	swait.ge [sflag:s4], $0x4000  }
.Ltmp1:
0x90: {  	[sflag:s4] =	ssyncset.done $0x0;
	(pc) =	sbr.rel @p2 .LBB2_4-.Ltmp1, $4  }
0x91: {  	[sflag:s4] =	ssyncadd.s32 $0xFFFFC000  }
0x92: {  	[spmem:s0] =	stream.indirect.scatter.add.f32 [tilespmem:s11], [sflag:$0x3], $0x80, s31, s29, $0xb8;
	[tilespmem:$0x1B980] =	vst v63  }
0x93: {  	_ =	swait.ge [sflag:s30], $0x4000  }
0x94: {  	s9 =	sadd.s32 $0x20000, s9;
	s10 =	smov.u32 s14;
	[sflag:s30] =	ssyncset.done $0x0  }
0x95: {  	s10 =	sadd.s32 s6, s7;
	[sflag:s30] =	ssyncadd.s32 $0xFFFFC000  }
0x96: {  	[tilespmem:s31], [sflag:$0x2] =	stream.linear.gather [hbm4b:s10+s1], $0x80, $0x38;
	[tilespmem:$0x1B980] =	vst v63  }
0x97: {  	_ = 	snop  }
0x98: {  	[tilespmem:s11], [sflag:$0x2] =	stream.linear.gather [hbm4b:s9+s1], $0x4000, $0x38;
	[tilespmem:$0x1B980] =	vst v63  }
0x99: {  	_ =	swait.ge [sflag:s2], $0x80  }
0x9a: {  	[sflag:s2] =	ssyncset.done $0x0  }
0x9b: {  	[sflag:s2] =	ssyncadd.s32 $0xFFFFFF80  }
0x9c: {  	_ =	swait.ge [sflag:s2], $0x4000  }
0x9d: {  	[sflag:s2] =	ssyncset.done $0x0  }
0x9e: {  	[sflag:s2] =	ssyncadd.s32 $0xFFFFC000  }
0x9f: {  	[spmem:s0] =	stream.indirect.scatter.add.f32 [tilespmem:s29], [sflag:$0x4], $0x80, s1, s29, $0xb8;
	[tilespmem:$0x1B980] =	vst v63  }
0xa0: {  	_ =	swait.ge [sflag:s3], $0x4000  }
0xa1: {  	[sflag:s3] =	ssyncset.done $0x0  }
0xa2: {  	s13 =	sadd.s32 s6, s8;
	[sflag:s3] =	ssyncadd.s32 $0xFFFFC000  }
0xa3: {  	[tilespmem:s1], [sflag:$0x1] =	stream.linear.gather [hbm4b:s13+s1], $0x80, $0x38;
	[tilespmem:$0x1B980] =	vst v63  }
0xa4: {  	s14 =	sadd.s32 $0x10000, s9  }
0xa5: {  	[tilespmem:s29], [sflag:$0x1] =	stream.linear.gather [hbm4b:s14+s1], $0x4000, $0x38;
	[tilespmem:$0x1B980] =	vst v63  }
0xa6: {  	_ =	swait.ge [sflag:s4], $0x80  }
0xa7: {  	[sflag:s4] =	ssyncset.done $0x0  }
0xa8: {  	[sflag:s4] =	ssyncadd.s32 $0xFFFFFF80  }
0xa9: {  	_ =	swait.ge [sflag:s4], $0x4000  }
0xaa: {  	[sflag:s4] =	ssyncset.done $0x0  }
0xab: {  	[sflag:s4] =	ssyncadd.s32 $0xFFFFC000  }
0xac: {  	[spmem:s0] =	stream.indirect.scatter.add.f32 [tilespmem:s11], [sflag:$0x3], $0x80, s31, s29, $0xb8;
	[tilespmem:$0x1B980] =	vst v63  }
0xad: {  	_ =	swait.ge [sflag:s30], $0x4000  }
0xae: {  	s6 =	simm.s32 @!p0 $0x0;
	[sflag:s30] =	ssyncset.done $0x0  }
0xaf: {  	s9 =	simm.s32 @!p0 $0x4080;
	s10 =	rddreg [dreg:$0x5];
	[sflag:s30] =	ssyncadd.s32 $0xFFFFC000  }
0xb0: {  	[tilespmem:s9], [sflag:$0x2] =	stream.linear.gather @!p0 [hbm4b:s10+s6], $0x80, $0x38;
	[tilespmem:$0x1B980] =	vst v63  }
0xb1: {  	s12 =	rddreg [dreg:$0x6];
	s10 =	simm.s32 @!p0 $0x4100  }
0xb2: {  	[tilespmem:s10], [sflag:$0x2] =	stream.linear.gather @!p0 [hbm4b:s12+s6], $0x4000, $0x38;
	[tilespmem:$0x1B980] =	vst v63  }
0xb3: {  	_ =	swait.ge [sflag:s2], $0x80  }
0xb4: {  	[sflag:s2] =	ssyncset.done $0x0  }
0xb5: {  	[sflag:s2] =	ssyncadd.s32 $0xFFFFFF80  }
0xb6: {  	_ =	swait.ge [sflag:s2], $0x4000  }
0xb7: {  	[sflag:s2] =	ssyncset.done $0x0  }
0xb8: {  	[sflag:s2] =	ssyncadd.s32 $0xFFFFC000  }
0xb9: {  	[spmem:s0] =	stream.indirect.scatter.add.f32 [tilespmem:s29], [sflag:$0x4], $0x80, s1, s29, $0xb8;
	[tilespmem:$0x1B980] =	vst v63  }
0xba: {  	_ =	swait.ge [sflag:s3], $0x4000  }
0xbb: {  	[sflag:s3] =	ssyncset.done $0x0  }
0xbc: {  	s6 =	simm.s32 @!p0 $0x2;
	[sflag:s3] =	ssyncadd.s32 $0xFFFFC000  }
0xbd: {  	_ =	swait.ge @!p0 [sflag:s6], $0x80  }
0xbe: {  	[sflag:s6] =	ssyncset.done @!p0 $0x0  }
0xbf: {  	[sflag:s6] =	ssyncadd.s32 @!p0 $0xFFFFFF80  }
0xc0: {  	_ =	swait.ge @!p0 [sflag:s6], $0x4000  }
0xc1: {  	[sflag:s6] =	ssyncset.done @!p0 $0x0  }
0xc2: {  	[sflag:s6] =	ssyncadd.s32 @!p0 $0xFFFFC000;
	s6 =	simm.s32 @!p0 $0x80  }
0xc3: {  	[spmem:s0] =	stream.indirect.scatter.add.f32 @!p0 [tilespmem:s10], [sflag:$0x3], $0x80, s9, s6, $0xb8;
	[tilespmem:$0x1B980] =	vst v63  }
0xc4: {  	s6 =	simm.s32 @!p0 $0x3  }
0xc5: {  	_ =	swait.ge @!p0 [sflag:s6], $0x4000  }
0xc6: {  	[sflag:s6] =	ssyncset.done @!p0 $0x0  }
0xc7: {  	s9 =	stileid.u32;
	[sflag:s6] =	ssyncadd.s32 @!p0 $0xFFFFC000  }
0xc8: {  	s6 =	sshll.u32 s9, $0x6;
	[bflag:$0x0] =	sbarrier.arrive $0xFFFF  }
0xc9: {  	s10 =	sshrl.u32 s19, $0x3;
	s6 =	sor.u32 $0x1C03, s6;
	s12 =	rddreg [dreg:$0x7]  }
0xca: {  	[hbm:s12], [sflag:s6] =	dma.local [spmem:s10], $0x500  }
0xcb: {  	_ =	swait.ge [sflag:s30], $0x500  }
0xcc: {  	[sflag:s30] =	ssyncset.done $0x0  }
0xcd: {  	s13 =	sshrl.u32 s20, $0x3;
	s14 =	rddreg [dreg:$0x8];
	[sflag:s30] =	ssyncadd.s32 $0xFFFFFB00  }
0xce: {  	[hbm:s14], [sflag:s6] =	dma.local [spmem:s13], $0x500  }
0xcf: {  	_ =	swait.ge [sflag:s30], $0x500  }
0xd0: {  	[sflag:s30] =	ssyncset.done $0x0  }
0xd1: {  	s10 =	sshrl.u32 s21, $0x3;
	s12 =	rddreg [dreg:$0x9];
	[sflag:s30] =	ssyncadd.s32 $0xFFFFFB00  }
0xd2: {  	[hbm:s12], [sflag:s6] =	dma.local [spmem:s10], $0x500  }
0xd3: {  	_ =	swait.ge [sflag:s30], $0x500  }
0xd4: {  	[sflag:s30] =	ssyncset.done $0x0  }
0xd5: {  	s13 =	sshrl.u32 s22, $0x3;
	s14 =	rddreg [dreg:$0xa];
	[sflag:s30] =	ssyncadd.s32 $0xFFFFFB00  }
0xd6: {  	[hbm:s14], [sflag:s6] =	dma.local [spmem:s13], $0x500  }
0xd7: {  	_ =	swait.ge [sflag:s30], $0x500  }
0xd8: {  	[sflag:s30] =	ssyncset.done $0x0  }
0xd9: {  	s10 =	sshrl.u32 s23, $0x3;
	s12 =	rddreg [dreg:$0xb];
	[sflag:s30] =	ssyncadd.s32 $0xFFFFFB00  }
0xda: {  	[hbm:s12], [sflag:s6] =	dma.local [spmem:s10], $0x500  }
0xdb: {  	_ =	swait.ge [sflag:s30], $0x500  }
0xdc: {  	[sflag:s30] =	ssyncset.done $0x0  }
0xdd: {  	s13 =	sshrl.u32 s24, $0x3;
	[sflag:s30] =	ssyncadd.s32 $0xFFFFFB00  }
0xde: {  	[hbm:s15], [sflag:s6] =	dma.local [spmem:s13], $0x500  }
0xdf: {  	_ =	swait.ge [sflag:s30], $0x500  }
0xe0: {  	[sflag:s30] =	ssyncset.done $0x0  }
0xe1: {  	s14 =	sshrl.u32 s25, $0x3;
	[sflag:s30] =	ssyncadd.s32 $0xFFFFFB00  }
0xe2: {  	[hbm:s16], [sflag:s6] =	dma.local [spmem:s14], $0x500  }
0xe3: {  	_ =	swait.ge [sflag:s30], $0x500  }
0xe4: {  	s5 =	sadd.s32 $0x1, s5;
	[sflag:s30] =	ssyncset.done $0x0  }
0xe5: {  	p2 =	sne.s32 s5, s18;
	s9 =	sshrl.u32 @!p1 s26, $0x3;
	[sflag:s30] =	ssyncadd.s32 $0xFFFFFB00  }
0xe6: {  	[hbm:s17], [sflag:s6] =	dma.local @!p1 [spmem:s9], $0x500  }
.Ltmp2:
0xe7: {  	_ = 	snop;
	(pc) =	sbr.rel @p2 .LBB2_1-.Ltmp2, $4  }
0xe8: {  	s6 =	simm.s32 @!p1 $0x3  }
0xe9: {  	_ =	swait.ge @!p1 [sflag:s6], $0x500  }
0xea: {  	[sflag:s6] =	ssyncset.done @!p1 $0x0  }
0xeb: {  	[sflag:s6] =	ssyncadd.s32 @!p1 $0xFFFFFB00  }
0xec: {  	_ =	sfence.sel $0x180000  }
0xed: {  	[bflag:$0x0] =	sbarrier.arrive $0xFFFF  }
0xee: {  	_ =	strace $0x9000004A  }
0xef: {  	s0 =	stileid.u32;
	[bflag:$0x2] =	sbarrier.arrive $0xFFFF  }
0xf0: {  	p0 =	sne.s32 s0, $0x0;
	s0 =	rddreg [dreg:$0x2]  }
0xf1: {  	s0 =	sadd.s32 @!p0 $0x100000, s0  }
0xf2: {  	[sflag:s0] =	ssyncadd.tile.s32 @!p0 $0x1;
	_ =	shalt  }
.Lfunc_end2:
_tile_overlayer_lowered:
.L_overlay_start_2:
0xf3: {  	(tag) =	ssettag $0x2  }
0xf4: {  	s0 =	rddreg [dreg:$0x0];
	s2 =	stileid.u32  }
0xf5: {  	s1 =	rddreg [dreg:$0x1];
	p0 =	sne.s32 s2, $0x0  }
0xf6: {  	s3 =	rddreg [dreg:$0x2];
	[bflag:$0x3] =	sbarrier.arrive $0xFFFF;
	s2 =	simm.s32 @!p0 $0x1C03  }
0xf7: {  	[timem:s3], [sflag:s2] =	dma.local @!p0 [hbm:s0], s1  }
0xf8: {  	s0 =	simm.s32 @!p0 $0x3  }
0xf9: {  	_ =	swait.ge @!p0 [sflag:s0], s1  }
0xfa: {  	s1 =	ssub.s32 @!p0 $0x0, s1;
	[sflag:s0] =	ssyncset.done @!p0 $0x0  }
0xfb: {  	[sflag:s0] =	ssyncadd.s32 @!p0 s1  }
0xfc: {  	[bflag:$0x3] =	sbarrier.arrive $0xFFFF  }
0xfd: {  	_ =	shalt  }

// kernel: kernel.21.cloned.1.call-start
scs
__scs_entry_jumppad:
0x0: {  	(pc) =	sbr.rel $0x88, $3  }
0x1: {  	(tag) =	ssettag $0x0;
	lr =	simm.s32 $0x1  }
0x2: {  	[smem:$0x3F8E] =	sst lr;
	_ =	strace $0xD0000000  }
0x3: {  	_ = 	snop  }
0x4: {  	_ = 	snop  }
0x5: {  	_ = 	snop  }
0x6: {  	_ = 	snop  }
0x7: {  	_ = 	snop  }
__scs_overlays_trampoline_lowered:
0x8: {  	[smem:$0x3F9D] =	sst s0  }
0x9: {  	[smem:$0x3F9E] =	sst s1  }
0xa: {  	[smem:$0x3F9F] =	sst s2  }
0xb: {  	[smem:$0x3FA0] =	sst s3  }
0xc: {  	[smem:$0x3FA1] =	sst s4  }
0xd: {  	[smem:$0x3FA2] =	sst s5  }
0xe: {  	[smem:$0x3FA3] =	sst s6  }
0xf: {  	[smem:$0x3FA4] =	sst s7  }
0x10: {  	[smem:$0x3FA5] =	sst s8  }
0x11: {  	[smem:$0x3FA6] =	sst s9;
	s0 =	simm.s32 @!p0 $0x0  }
0x12: {  	s1 =	sld [smem:$0x3F8C];
	s0 =	simm.s32 @p0 $0x1  }
0x13: {  	[smem:$0x3FA7] =	sst s0;
	s0 =	simm.s32 @!p1 $0x0  }
0x14: {  	s2 =	sld [smem:$0x3F8B];
	s0 =	simm.s32 @p1 $0x1  }
0x15: {  	[smem:$0x3FA8] =	sst s0;
	s0 =	simm.s32 @!p2 $0x0  }
0x16: {  	s3 =	sld [smem:$0x3FDB];
	s0 =	simm.s32 @p2 $0x1  }
0x17: {  	s4 =	simm.s32 $0x1BF5;
	[smem:$0x3FAA] =	sst s0  }
0x18: {  	s0 =	sld [smem:$0x3F8D];
	_ =	swait.ge [sflag:s4], $0x0  }
0x19: {  	s7 =	sld [smem:$0x3F8E]  }
0x1a: {  	s8 =	sadd.s32 $0xFFFFE003, lr  }
0x1b: {  	s9 =	sadd.s32 $0xFFFFFEF7, lr;
	s5 =	simm.s32 $0xFFFFFFFF;
	p2 =	slt.u32 s8, $0xFFFFF086  }
0x1c: {  	p1 =	slt.u32 s9, $0xF7A;
	s5 =	simm.s32 @!p2 $0x0  }
0x1d: {  	s5 =	simm.s32 @p1 $0x1;
	p0 =	seq.s32 s7, s2  }
0x1e: {  	s7 =	smul.u32 @!p0 $0xF7A, s2;
	p2 =	seq.s32 @!p0 s5, $0x0  }
0x1f: {  	s9 =	smul.u32 $0xF7A, s1;
	s8 =	simm.s32 @!p0 $0x1BF5;
	p2 =	por !p2, p0  }
0x20: {  	[sflag:s8] =	ssyncset.s32 @!p0 $0xFFFFF086;
	s6 =	sadd.s32 @!p0 s3, s7;
	s7 =	simm.s32 @!p0 $0x108  }
0x21: {  	s3 =	sadd.s32 s3, s9;
	s6 =	sadd.s32 @!p0 $0x88, s6;
	s7 =	simm.s32 @p2 $0x1082  }
0x22: {  	[simem:s7], [sflag:s8] =	dma.local @!p0 [hbm:s6], $0xF7A  }
0x23: {  	s9 =	sor.u32 $0xD0000000, s2;
	s6 =	simm.s32 $0x108;
	_ =	swait.ge @!p0 [sflag:s8], $0x0  }
0x24: {  	s3 =	sadd.s32 $0x88, s3;
	s6 =	simm.s32 @!p1 $0x1082;
	[sflag:s4] =	ssyncset.s32 $0xFFFFF086  }
0x25: {  	[simem:s6], [sflag:s4] =	dma.local [hbm:s3], $0xF7A  }
0x26: {  	[smem:$0x3F8E] =	sst s1;
	(tag) =	ssettag s2;
	_ =	strace s9  }
0x27: {  	s1 =	sld [smem:$0x3F9E]  }
0x28: {  	s2 =	sld [smem:$0x3F9F]  }
0x29: {  	s4 =	sld [smem:$0x3FA1]  }
0x2a: {  	p0 =	seq.s32 s5, $0x0;
	s5 =	sld [smem:$0x3FA2]  }
0x2b: {  	s6 =	sld [smem:$0x3FA3]  }
0x2c: {  	s7 =	sld [smem:$0x3FA4]  }
0x2d: {  	s3 =	simm.s32 $0x108;
	s8 =	sld [smem:$0x3FA5]  }
0x2e: {  	s3 =	simm.s32 @!p0 $0x1082;
	s9 =	sld [smem:$0x3FA6]  }
0x2f: {  	lr =	sadd.s32 s0, s3;
	s0 =	sld [smem:$0x3F9D]  }
0x30: {  	s3 =	sld [smem:$0x3FA0]  }
0x31: {  	[smem:$0x3FA9] =	sst s10  }
0x32: {  	s10 =	sld [smem:$0x3FA7];
	_ =	sdelay $0x3  }
0x33: {  	p0 =	seq.s32 s10, $0x1;
	s10 =	sld [smem:$0x3FA9];
	_ =	sdelay $0x3  }
0x34: {  	[smem:$0x3FA9] =	sst s10  }
0x35: {  	s10 =	sld [smem:$0x3FA8];
	_ =	sdelay $0x3  }
0x36: {  	p1 =	seq.s32 s10, $0x1;
	s10 =	sld [smem:$0x3FA9];
	_ =	sdelay $0x3  }
0x37: {  	[smem:$0x3FA9] =	sst s10  }
0x38: {  	s10 =	sld [smem:$0x3FAA]  }
0x39: {  	_ = 	snop;
	(pc) =	sbr.ind lr, $3  }
0x3a: {  	_ = 	snop  }
0x3b: {  	_ = 	snop  }
0x3c: {  	p2 =	seq.s32 s10, $0x1;
	s10 =	sld [smem:$0x3FA9]  }
0x3d: {  	_ =	shalt  }
0x3e: {  	_ =	shalt  }
0x3f: {  	_ =	shalt  }
0x40: {  	_ =	shalt  }
0x41: {  	_ =	shalt  }
0x42: {  	_ =	shalt  }
0x43: {  	_ =	shalt  }
0x44: {  	_ =	shalt  }
0x45: {  	_ =	shalt  }
0x46: {  	_ =	shalt  }
0x47: {  	_ =	shalt  }
0x48: {  	_ =	shalt  }
0x49: {  	_ =	shalt  }
0x4a: {  	_ =	shalt  }
0x4b: {  	_ =	shalt  }
0x4c: {  	_ =	shalt  }
0x4d: {  	_ =	shalt  }
0x4e: {  	_ =	shalt  }
0x4f: {  	_ =	shalt  }
0x50: {  	_ =	shalt  }
0x51: {  	_ =	shalt  }
0x52: {  	_ =	shalt  }
0x53: {  	_ =	shalt  }
0x54: {  	_ =	shalt  }
0x55: {  	_ =	shalt  }
0x56: {  	_ =	shalt  }
0x57: {  	_ =	shalt  }
0x58: {  	_ =	shalt  }
0x59: {  	_ =	shalt  }
0x5a: {  	_ =	shalt  }
0x5b: {  	_ =	shalt  }
0x5c: {  	_ =	shalt  }
0x5d: {  	_ =	shalt  }
0x5e: {  	_ =	shalt  }
0x5f: {  	_ =	shalt  }
0x60: {  	_ =	shalt  }
0x61: {  	_ =	shalt  }
0x62: {  	_ =	shalt  }
0x63: {  	_ =	shalt  }
0x64: {  	_ =	shalt  }
0x65: {  	_ =	shalt  }
0x66: {  	_ =	shalt  }
0x67: {  	_ =	shalt  }
0x68: {  	_ =	shalt  }
0x69: {  	_ =	shalt  }
0x6a: {  	_ =	shalt  }
0x6b: {  	_ =	shalt  }
0x6c: {  	_ =	shalt  }
0x6d: {  	_ =	shalt  }
0x6e: {  	_ =	shalt  }
0x6f: {  	_ =	shalt  }
0x70: {  	_ =	shalt  }
0x71: {  	_ =	shalt  }
0x72: {  	_ =	shalt  }
0x73: {  	_ =	shalt  }
0x74: {  	_ =	shalt  }
0x75: {  	_ =	shalt  }
0x76: {  	_ =	shalt  }
0x77: {  	_ =	shalt  }
0x78: {  	_ =	shalt  }
0x79: {  	_ =	shalt  }
0x7a: {  	_ =	shalt  }
0x7b: {  	_ =	shalt  }
0x7c: {  	_ =	shalt  }
0x7d: {  	_ =	shalt  }
0x7e: {  	_ =	shalt  }
0x7f: {  	_ =	shalt  }
0x80: {  	_ =	shalt  }
0x81: {  	_ =	shalt  }
0x82: {  	_ =	shalt  }
0x83: {  	_ =	shalt  }
0x84: {  	_ =	shalt  }
0x85: {  	_ =	shalt  }
0x86: {  	_ =	shalt  }
0x87: {  	_ =	shalt  }
.Lfunc_end0:
.L_simem_size_0:
called_computation.2_lowered:
.L_overlay_start_0:
0x88: {  	s2 =	sld [smem:$0x3FD9]  }
0x89: {  	s3 =	sld [smem:$0x3FFE];
	_ =	sdelay $0x1  }
0x8a: {  	s1 =	srdreg.scid  }
0x8b: {  	s0 =	sand.u32 $0x1, s1  }
0x8c: {  	s17 =	sshll.u32 s0, $0xA;
	s2 =	sadd.s32 s3, s2  }
0x8d: {  	s2 =	sadd.s32 s2, s17  }
0x8e: {  	[smem:$0x3FB5] =	sst s2  }
0x8f: {  	_ = 	snop  }
0x90: {  	(tm) =	ssettm $0x1  }
0x91: {  	s18 =	sld [smem:$0x3FFB];
	_ =	sdelay $0x3  }
0x92: {  	_ =	strace s18  }
0x93: {  	s2 =	sld [smem:$0x3FFC];
	_ =	sdelay $0x3  }
0x94: {  	_ =	strace s2  }
0x95: {  	s2 =	sld [smem:$0x3FFD];
	_ =	sdelay $0x3  }
0x96: {  	_ =	strace s2  }
0x97: {  	_ =	strace $0x8FFFFFFF  }
0x98: {  	s19 =	sld [smem:$0x3FDB];
	_ =	sdelay $0x1  }
0x99: {  	s20 =	simm.s32 $_scs_section_size  }
0x9a: {  	s4 =	simm.s32 $_size__tile_overlayer_lowered;
	s5 =	simm.s32 $_tile_overlayer_lowered  }
0x9b: {  	s6 =	simm.s32 $0x1BFF;
	s21 =	sshll.u32 s5, $0x1;
	s3 =	sadd.s32 s20, s19  }
0x9c: {  	s22 =	simm.s32 $0x0;
	s4 =	sshll.u32 s4, $0x1;
	s5 =	sadd.s32 s21, s3  }
0x9d: {  	[timem:s22], [sflag:s6] =	dma.local [hbm:s5], s4  }
0x9e: {  	_ =	swait.ge [sflag:s6], s4  }
0x9f: {  	s4 =	ssub.s32 $0x0, s4;
	[sflag:s6] =	ssyncset.done $0x0  }
0xa0: {  	[sflag:s6] =	ssyncadd.s32 s4;
	_ =	sdelay $0x1  }
0xa1: {  	s23 =	simm.s32 $0x1B8B  }
0xa2: {  	_ =	swait.ge [sflag:s23], $0x1  }
0xa3: {  	[sflag:s23] =	ssyncset.done $0x0  }
0xa4: {  	[sflag:s23] =	ssyncadd.s32 $0xFFFFFFFF  }
0xa5: {  	s4 =	sld [smem:$0x0]  }
0xa6: {  	s5 =	sand.u32 $0xFFFFFFFE, s1  }
0xa7: {  	p0 =	sne.s32 s1, s5  }
0xa8: {  	s5 =	sshll.u32 @p0 s5, $0xE  }
0xa9: {  	s5 =	sadd.s32 @p0 $0x11B8D, s5;
	s6 =	sshll.u32 @p0 s4, $0x11  }
0xaa: {  	s5 =	sor.u32 @p0 s6, s5  }
0xab: {  	[sflag:s5] =	ssyncadd.remote.s32 @p0 $0x1;
	_ =	sdelay $0x1  }
0xac: {  	s5 =	simm.s32 @p0 $0x1B8D  }
0xad: {  	_ =	swait.eq @p0 [sflag:s5], $0x1  }
0xae: {  	[sflag:s5] =	ssyncadd.s32 @p0 $0xFFFFFFFF  }
0xaf: {  	s6 =	sshll.u32 @!p0 s1, $0xE  }
0xb0: {  	s6 =	sor.u32 @!p0 $0x4000, s6;
	s5 =	simm.s32 @!p0 $0x1B8D  }
0xb1: {  	s4 =	sshll.u32 @!p0 s4, $0x11;
	s6 =	sadd.s32 @!p0 $0x11B8D, s6;
	_ =	swait.eq @!p0 [sflag:s5], $0x1  }
0xb2: {  	s4 =	sor.u32 @!p0 s4, s6;
	[sflag:s5] =	ssyncadd.s32 @!p0 $0xFFFFFFFF  }
0xb3: {  	s25 =	simm.s32 $0x1B8E;
	s24 =	sld [smem:$0x3FFE];
	[sflag:s4] =	ssyncadd.remote.s32 @!p0 $0x1  }
0xb4: {  	s26 =	simm.s32 $execute0_lowered;
	[smem:$0x3FD2] =	sst s25  }
0xb5: {  	s5 =	sshll.u32 s26, $0x1;
	_ =	strace $0x80000052;
	[dreg:$0x1] =	wrdreg $0xFFFFFFFF  }
0xb6: {  	s28 =	simm.s32 $_size_execute0_lowered;
	s3 =	sadd.s32 s3, s5;
	[dreg:$0x0] =	wrdreg $0x0  }
0xb7: {  	s5 =	sshll.u32 s28, $0x1;
	[dreg:$0x2] =	wrdreg s3  }
0xb8: {  	[dreg:$0x3] =	wrdreg s5  }
0xb9: {  	[dreg:$0x4] =	wrdreg $0xC0  }
0xba: {  	_ =	task [dreg:s22], $0x5FFFF  }
0xbb: {  	[dreg:$0x1] =	wrdreg $0xFFFFFFFF  }
0xbc: {  	[dreg:$0x0] =	wrdreg $0x60  }
0xbd: {  	[dreg:$0x2] =	wrdreg s24  }
0xbe: {  	[dreg:$0x3] =	wrdreg $0x81000  }
0xbf: {  	[dreg:$0x4] =	wrdreg $0xA  }
0xc0: {  	_ =	task.clear_ibuf [dreg:s22], $0x5FFFF;
	_ =	strace $0x90000052  }
0xc1: {  	s29 =	simm.s32 $0xA;
	_ =	strace $0x80000054  }
0xc2: {  	_ =	swait.ge [sflag:s29], $0x1  }
0xc3: {  	[sflag:s29] =	ssyncadd.s32 $0xFFFFFFFF  }
0xc4: {  	_ =	strace $0x90000054  }
0xc5: {  	_ =	sfence  }
0xc6: {  	s30 =	sld [smem:$0x0];
	_ =	sdelay $0x2  }
0xc7: {  	s31 =	sshll.u32 s1, $0xD;
	s1 =	sshrl.u32 s1, $0x2  }
0xc8: {  	s4 =	sand.u32 $0x4000, s31;
	s1 =	sadd.s32 s1, s30  }
0xc9: {  	s0 =	sor.u32 s4, s0;
	s1 =	sshll.u32 s1, $0x11  }
0xca: {  	s0 =	sor.u32 s1, s0  }
0xcb: {  	s0 =	sadd.s32 $0x8F2B, s0  }
0xcc: {  	[sflag:s0] =	ssyncadd.remote.s32 $0x1  }
0xcd: {  	_ =	sfence.sel $0xFFFF  }
0xce: {  	[dreg:$0x0] =	wrdreg $0xFFFFFFFF;
	(pc) =	sbr.abs _section_cstart, $3  }
0xcf: {  	[dreg:$0x1] =	wrdreg $0xFFFFFFFF  }
0xd0: {  	_ =	task.clear_ibuf [dreg:s22], $0x2FFFF;
	_ =	strace $0x9FFFFFFF  }
0xd1: {  	(tm) =	ssettm $0x7FFFFFFF  }
tec
execute0_lowered:
.L_overlay_start_1:
0x0: {  	(tag) =	ssettag $0x1  }
0x1: {  	s0 =	rddreg [dreg:$0x0]  }
0x2: {  	s1 =	rddreg [dreg:$0x1];
	s2 =	simm.s32 $0x0;
	s3 =	srdreg.scid  }
0x3: {  	s23 =	stileid.u32;
	s28 =	simm.s32 $0x80;
	s29 =	simm.s32 $0x3  }
0x4: {  	s30 =	simm.s32 $0x4080;
	s31 =	simm.s32 $0x4100;
	[smem:$0x7FF] =	sst s2  }
0x5: {  	s3 =	sand.u32 $0x1, s3;
	s4 =	sadd.s32 $0xDDD800, s0;
	s5 =	sshll.u32 s23, $0x5  }
0x6: {  	s8 =	sshll.u32 s23, $0x1;
	s16 =	sor.u32 $0x10, s23;
	s24 =	sor.u32 $0x20, s23  }
0x7: {  	s10 =	sor.u32 $0xF0, s23;
	s17 =	sor.u32 $0x30, s23;
	s12 =	smul.u32 $0x500, s23  }
0x8: {  	s18 =	sor.u32 $0x40, s23;
	s21 =	sor.u32 $0x50, s23;
	s6 =	smul.u32 $0x27100, s3  }
0x9: {  	s22 =	sor.u32 $0x60, s23;
	s5 =	sadd.s32 s5, s0;
	s19 =	smul.u32 $0xA000, s16  }
0xa: {  	s7 =	ssub.s32 $0x2, s3;
	s8 =	sor.u32 s3, s8;
	s20 =	smul.u32 $0xA000, s24  }
0xb: {  	s11 =	sshll.u32 s10, $0x1;
	s26 =	smul.u32 $0x500, s24;
	p0 =	sgt.u32 s10, $0xF9  }
0xc: {  	s9 =	sshrl.u32 s7, $0x1;
	s14 =	sshll.u32 s8, $0x4;
	s15 =	sshll.u32 s8, $0xB  }
0xd: {  	s11 =	sor.u32 s3, s11;
	s8 =	smul.u32 $0xA000, s17;
	s6 =	sadd.s32 s6, s0  }
0xe: {  	s9 =	ssub.s32 s7, s9;
	s0 =	sadd.s32 $0x10D40, s0;
	s13 =	sshll.u32 s11, $0x4  }
0xf: {  	s25 =	sshll.u32 s11, $0xB;
	s10 =	sshrl.u32 s19, $0x2;
	s11 =	smul.u32 $0xA000, s21  }
0x10: {  	s7 =	sadd.s32 s14, s0;
	s6 =	sadd.s32 $0xED7800, s6;
	s14 =	smul.u32 $0x500, s16  }
0x11: {  	s0 =	sadd.s32 s13, s0;
	s13 =	smul.u32 $0x500, s18;
	s16 =	sshll.u32 s3, $0xB  }
0x12: {  	s3 =	sshll.u32 s3, $0x4;
	s19 =	sadd.s32 s10, s1;
	[dreg:$0x3] =	wrdreg s7  }
0x13: {  	s7 =	sadd.s32 s4, s15;
	[dreg:$0x5] =	wrdreg s0;
	s0 =	sadd.s32 s4, s25  }
0x14: {  	s15 =	sshll.u32 s23, $0xC;
	s3 =	sadd.s32 s3, s5;
	s5 =	smul.u32 $0x500, s22  }
0x15: {  	s24 =	sadd.s32 s12, s6;
	s26 =	sadd.s32 s26, s6;
	[dreg:$0x4] =	wrdreg s7  }
0x16: {  	[dreg:$0x6] =	wrdreg s0;
	s0 =	smul.u32 $0x500, s17;
	s4 =	sadd.s32 s15, s4  }
0x17: {  	s15 =	smul.u32 $0x500, s21;
	[dreg:$0x7] =	wrdreg s24;
	s25 =	sadd.s32 s14, s6  }
0x18: {  	[dreg:$0x9] =	wrdreg s26;
	s17 =	smax.u32 s9, $0x1;
	s9 =	smul.u32 $0xA000, s18  }
0x19: {  	s13 =	sadd.s32 s13, s6;
	s24 =	smul.u32 $0xA000, s22;
	s7 =	sadd.s32 s16, s4  }
0x1a: {  	s4 =	sor.u32 $0x70, s23;
	[dreg:$0x8] =	wrdreg s25;
	s25 =	sshrl.u32 s11, $0x2  }
0x1b: {  	s16 =	smul.u32 $0x500, s4;
	p1 =	sgt.u32 s4, $0x7C;
	s12 =	sadd.s32 s0, s6  }
0x1c: {  	s14 =	sadd.s32 s15, s6;
	s15 =	sadd.s32 s5, s6;
	s5 =	smul.u32 $0xA000, s23  }
0x1d: {  	_ =	strace $0x80000053;
	s23 =	sshrl.u32 s20, $0x2;
	s4 =	smul.u32 $0xA000, s4  }
0x1e: {  	s26 =	sshrl.u32 s24, $0x2;
	s20 =	sadd.s32 s23, s1;
	s23 =	sadd.s32 s25, s1  }
0x1f: {  	s24 =	sadd.s32 s26, s1;
	s26 =	sadd.s32 $0x10F40, s3;
	s3 =	simm.s32 $0x2  }
0x20: {  	s16 =	sadd.s32 @!p1 s16, s6;
	s0 =	sshrl.u32 s5, $0x2;
	s5 =	sshrl.u32 s8, $0x2  }
0x21: {  	s6 =	sshrl.u32 s9, $0x2;
	s4 =	sshrl.u32 s4, $0x2;
	s9 =	simm.s32 $0x1  }
0x22: {  	s18 =	sadd.s32 s0, s1;
	s21 =	sadd.s32 s5, s1;
	s22 =	sadd.s32 s6, s1  }
0x23: {  	v0 =	vimm.f32 $0.0e+00;
	s25 =	sadd.s32 s4, s1;
	s0 =	simm.s32 $0x4;
	s4 =	simm.s32 $0x0  }
.LBB2_1:
0x24: {  	s5 =	simm.s32 $0x0;
	s6 =	simm.s32 $0x200  }
.LBB2_2:
0x25: {  	p2 =	sne.s32 s6, $0x9E00;
	[tilespmem:s5+$0xF0] =	vst v0  }
0x26: {  	[tilespmem:s5+$0x80] =	vst v0  }
0x27: {  	[tilespmem:s5+$0x90] =	vst v0  }
.Ltmp0:
0x28: {  	[tilespmem:s5+$0xA0] =	vst v0;
	(pc) =	sbr.rel @p2 .LBB2_2-.Ltmp0, $4  }
0x29: {  	[tilespmem:s5+$0xB0] =	vst v0  }
0x2a: {  	[tilespmem:s5+$0xC0] =	vst v0  }
0x2b: {  	[tilespmem:s5+$0xD0] =	vst v0  }
0x2c: {  	[tilespmem:s5+$0xE0] =	vst v0;
	s5 =	sshra.s32 s6, $0x2;
	s6 =	sadd.s32 $0x200, s6  }
0x2d: {  	[tilespmem:s5+$0xF0] =	vst v0  }
0x2e: {  	[tilespmem:s5+$0x80] =	vst v0  }
0x2f: {  	[tilespmem:s5+$0x90] =	vst v0  }
0x30: {  	[tilespmem:s5+$0xA0] =	vst v0  }
0x31: {  	[tilespmem:s5+$0xB0] =	vst v0  }
0x32: {  	[tilespmem:s5+$0xC0] =	vst v0  }
0x33: {  	[tilespmem:s5+$0xD0] =	vst v0  }
0x34: {  	[tilespmem:s5+$0xE0] =	vst v0  }
0x35: {  	[spmem:s18] =	stream.linear.scatter [tilespmem:s28], [sflag:$0x3], $0x2800, $0x38;
	[tilespmem:$0x1B980] =	vst v63  }
0x36: {  	_ =	swait.ge [sflag:s29], $0x2800  }
0x37: {  	[sflag:s29] =	ssyncset.done $0x0  }
0x38: {  	[sflag:s29] =	ssyncadd.s32 $0xFFFFD800  }
0x39: {  	[spmem:s19] =	stream.linear.scatter [tilespmem:s28], [sflag:$0x3], $0x2800, $0x38;
	[tilespmem:$0x1B980] =	vst v63  }
0x3a: {  	_ =	swait.ge [sflag:s29], $0x2800  }
0x3b: {  	[sflag:s29] =	ssyncset.done $0x0  }
0x3c: {  	[sflag:s29] =	ssyncadd.s32 $0xFFFFD800  }
0x3d: {  	[spmem:s20] =	stream.linear.scatter [tilespmem:s28], [sflag:$0x3], $0x2800, $0x38;
	[tilespmem:$0x1B980] =	vst v63  }
0x3e: {  	_ =	swait.ge [sflag:s29], $0x2800  }
0x3f: {  	[sflag:s29] =	ssyncset.done $0x0  }
0x40: {  	[sflag:s29] =	ssyncadd.s32 $0xFFFFD800  }
0x41: {  	[spmem:s21] =	stream.linear.scatter [tilespmem:s28], [sflag:$0x3], $0x2800, $0x38;
	[tilespmem:$0x1B980] =	vst v63  }
0x42: {  	_ =	swait.ge [sflag:s29], $0x2800  }
0x43: {  	[sflag:s29] =	ssyncset.done $0x0  }
0x44: {  	[sflag:s29] =	ssyncadd.s32 $0xFFFFD800  }
0x45: {  	[spmem:s22] =	stream.linear.scatter [tilespmem:s28], [sflag:$0x3], $0x2800, $0x38;
	[tilespmem:$0x1B980] =	vst v63  }
0x46: {  	_ =	swait.ge [sflag:s29], $0x2800  }
0x47: {  	[sflag:s29] =	ssyncset.done $0x0  }
0x48: {  	[sflag:s29] =	ssyncadd.s32 $0xFFFFD800  }
0x49: {  	[spmem:s23] =	stream.linear.scatter [tilespmem:s28], [sflag:$0x3], $0x2800, $0x38;
	[tilespmem:$0x1B980] =	vst v63  }
0x4a: {  	_ =	swait.ge [sflag:s29], $0x2800  }
0x4b: {  	[sflag:s29] =	ssyncset.done $0x0  }
0x4c: {  	[sflag:s29] =	ssyncadd.s32 $0xFFFFD800  }
0x4d: {  	[spmem:s24] =	stream.linear.scatter [tilespmem:s28], [sflag:$0x3], $0x2800, $0x38;
	[tilespmem:$0x1B980] =	vst v63  }
0x4e: {  	_ =	swait.ge [sflag:s29], $0x2800  }
0x4f: {  	[sflag:s29] =	ssyncset.done $0x0  }
0x50: {  	s5 =	simm.s32 @!p1 $0x80;
	[sflag:s29] =	ssyncadd.s32 $0xFFFFD800  }
0x51: {  	[spmem:s25] =	stream.linear.scatter @!p1 [tilespmem:s5], [sflag:$0x3], $0x2800, $0x38;
	[tilespmem:$0x1B980] =	vst v63  }
0x52: {  	s5 =	simm.s32 @!p1 $0x3  }
0x53: {  	_ =	swait.ge @!p1 [sflag:s5], $0x2800  }
0x54: {  	[sflag:s5] =	ssyncset.done @!p1 $0x0  }
0x55: {  	[sflag:s5] =	ssyncadd.s32 @!p1 $0xFFFFD800  }
0x56: {  	[bflag:$0x0] =	sbarrier.arrive $0xFFFF  }
0x57: {  	s10 =	simm.s32 $0x0;
	s6 =	rddreg [dreg:$0x3]  }
0x58: {  	[tilespmem:s10], [sflag:$0x1] =	stream.linear.gather [hbm4b:s6+s10], $0x80, $0x38;
	[tilespmem:$0x1B980] =	vst v63  }
0x59: {  	s11 =	rddreg [dreg:$0x4]  }
0x5a: {  	[tilespmem:s28], [sflag:$0x1] =	stream.linear.gather [hbm4b:s11+s10], $0x4000, $0x38;
	[tilespmem:$0x1B980] =	vst v63  }
0x5b: {  	s8 =	sadd.s32 $0x0, s7  }
0x5c: {  	[tilespmem:s30], [sflag:$0x2] =	stream.linear.gather [hbm4b:s26+s2], $0x80, $0x38;
	[tilespmem:$0x1B980] =	vst v63  }
0x5d: {  	s10 =	sadd.s32 $0x10000, s8  }
0x5e: {  	[tilespmem:s31], [sflag:$0x2] =	stream.linear.gather [hbm4b:s10+s2], $0x4000, $0x38;
	[tilespmem:$0x1B980] =	vst v63  }
0x5f: {  	_ =	swait.ge [sflag:s9], $0x80  }
0x60: {  	[sflag:s9] =	ssyncset.done $0x0  }
0x61: {  	[sflag:s9] =	ssyncadd.s32 $0xFFFFFF80  }
0x62: {  	_ =	swait.ge [sflag:s9], $0x4000  }
0x63: {  	[sflag:s9] =	ssyncset.done $0x0  }
0x64: {  	[sflag:s9] =	ssyncadd.s32 $0xFFFFC000  }
0x65: {  	[spmem:s1] =	stream.indirect.scatter.add.f32 [tilespmem:s28], [sflag:$0x4], $0x80, s2, s28, $0xb8;
	[tilespmem:$0x1B980] =	vst v63  }
0x66: {  	_ =	swait.ge [sflag:s0], $0x4000  }
0x67: {  	[sflag:s0] =	ssyncset.done $0x0  }
0x68: {  	s11 =	sadd.s32 $0x200, s26;
	[sflag:s0] =	ssyncadd.s32 $0xFFFFC000  }
0x69: {  	[tilespmem:s2], [sflag:$0x1] =	stream.linear.gather [hbm4b:s11+s2], $0x80, $0x38;
	[tilespmem:$0x1B980] =	vst v63  }
0x6a: {  	s5 =	sadd.s32 $0x20000, s8  }
0x6b: {  	[tilespmem:s28], [sflag:$0x1] =	stream.linear.gather [hbm4b:s5+s2], $0x4000, $0x38;
	[tilespmem:$0x1B980] =	vst v63  }
0x6c: {  	_ =	swait.ge [sflag:s3], $0x80  }
0x6d: {  	[sflag:s3] =	ssyncset.done $0x0  }
0x6e: {  	[sflag:s3] =	ssyncadd.s32 $0xFFFFFF80  }
0x6f: {  	_ =	swait.ge [sflag:s3], $0x4000  }
0x70: {  	[sflag:s3] =	ssyncset.done $0x0  }
0x71: {  	[sflag:s3] =	ssyncadd.s32 $0xFFFFC000  }
0x72: {  	[spmem:s1] =	stream.indirect.scatter.add.f32 [tilespmem:s31], [sflag:$0x3], $0x80, s30, s28, $0xb8;
	[tilespmem:$0x1B980] =	vst v63  }
0x73: {  	_ =	swait.ge [sflag:s29], $0x4000  }
0x74: {  	s6 =	simm.s32 $0x20000;
	s5 =	sadd.s32 $0x400, s26;
	[sflag:s29] =	ssyncset.done $0x0  }
.LBB2_4:
0x75: {  	s10 =	smov.u32 s6  }
0x76: {  	s8 =	sadd.s32 s6, s7;
	[sflag:s29] =	ssyncadd.s32 $0xFFFFC000;
	s10 =	sadd.s32 $0x20000, s6  }
0x77: {  	[tilespmem:s30], [sflag:$0x2] =	stream.linear.gather [hbm4b:s5+s2], $0x80, $0x38;
	[tilespmem:$0x1B980] =	vst v63  }
0x78: {  	p2 =	sne.s32 s6, $0xC0000;
	s11 =	sadd.s32 $0x10000, s8  }
0x79: {  	[tilespmem:s31], [sflag:$0x2] =	stream.linear.gather [hbm4b:s11+s2], $0x4000, $0x38;
	[tilespmem:$0x1B980] =	vst v63  }
0x7a: {  	_ =	swait.ge [sflag:s9], $0x80  }
0x7b: {  	[sflag:s9] =	ssyncset.done $0x0  }
0x7c: {  	[sflag:s9] =	ssyncadd.s32 $0xFFFFFF80  }
0x7d: {  	_ =	swait.ge [sflag:s9], $0x4000  }
0x7e: {  	[sflag:s9] =	ssyncset.done $0x0  }
0x7f: {  	[sflag:s9] =	ssyncadd.s32 $0xFFFFC000  }
0x80: {  	[spmem:s1] =	stream.indirect.scatter.add.f32 [tilespmem:s28], [sflag:$0x4], $0x80, s2, s28, $0xb8;
	[tilespmem:$0x1B980] =	vst v63  }
0x81: {  	_ =	swait.ge [sflag:s0], $0x4000  }
0x82: {  	[sflag:s0] =	ssyncset.done $0x0  }
0x83: {  	s6 =	sadd.s32 $0x200, s5;
	[sflag:s0] =	ssyncadd.s32 $0xFFFFC000  }
0x84: {  	[tilespmem:s2], [sflag:$0x1] =	stream.linear.gather [hbm4b:s6+s2], $0x80, $0x38;
	[tilespmem:$0x1B980] =	vst v63  }
0x85: {  	s6 =	sadd.s32 $0x20000, s8  }
0x86: {  	[tilespmem:s28], [sflag:$0x1] =	stream.linear.gather [hbm4b:s6+s2], $0x4000, $0x38;
	[tilespmem:$0x1B980] =	vst v63  }
0x87: {  	_ =	swait.ge [sflag:s3], $0x80  }
0x88: {  	[sflag:s3] =	ssyncset.done $0x0  }
0x89: {  	[sflag:s3] =	ssyncadd.s32 $0xFFFFFF80  }
0x8a: {  	_ =	swait.ge [sflag:s3], $0x4000  }
.Ltmp1:
0x8b: {  	[sflag:s3] =	ssyncset.done $0x0;
	(pc) =	sbr.rel @p2 .LBB2_4-.Ltmp1, $4  }
0x8c: {  	[sflag:s3] =	ssyncadd.s32 $0xFFFFC000  }
0x8d: {  	[spmem:s1] =	stream.indirect.scatter.add.f32 [tilespmem:s31], [sflag:$0x3], $0x80, s30, s28, $0xb8;
	[tilespmem:$0x1B980] =	vst v63  }
0x8e: {  	_ =	swait.ge [sflag:s29], $0x4000  }
0x8f: {  	s5 =	sadd.s32 $0x400, s5;
	s6 =	smov.u32 s10;
	[sflag:s29] =	ssyncset.done $0x0  }
0x90: {  	[sflag:s29] =	ssyncadd.s32 $0xFFFFC000  }
0x91: {  	s5 =	simm.s32 @!p0 $0x0;
	s6 =	simm.s32 @!p0 $0x4080;
	s8 =	rddreg [dreg:$0x5]  }
0x92: {  	[tilespmem:s6], [sflag:$0x2] =	stream.linear.gather @!p0 [hbm4b:s8+s5], $0x80, $0x38;
	[tilespmem:$0x1B980] =	vst v63  }
0x93: {  	s10 =	rddreg [dreg:$0x6];
	s8 =	simm.s32 @!p0 $0x4100  }
0x94: {  	[tilespmem:s8], [sflag:$0x2] =	stream.linear.gather @!p0 [hbm4b:s10+s5], $0x4000, $0x38;
	[tilespmem:$0x1B980] =	vst v63  }
0x95: {  	_ =	swait.ge [sflag:s9], $0x80  }
0x96: {  	[sflag:s9] =	ssyncset.done $0x0  }
0x97: {  	[sflag:s9] =	ssyncadd.s32 $0xFFFFFF80  }
0x98: {  	_ =	swait.ge [sflag:s9], $0x4000  }
0x99: {  	[sflag:s9] =	ssyncset.done $0x0  }
0x9a: {  	[sflag:s9] =	ssyncadd.s32 $0xFFFFC000  }
0x9b: {  	[spmem:s1] =	stream.indirect.scatter.add.f32 [tilespmem:s28], [sflag:$0x4], $0x80, s2, s28, $0xb8;
	[tilespmem:$0x1B980] =	vst v63  }
0x9c: {  	_ =	swait.ge [sflag:s0], $0x4000  }
0x9d: {  	[sflag:s0] =	ssyncset.done $0x0  }
0x9e: {  	s5 =	simm.s32 @!p0 $0x2;
	[sflag:s0] =	ssyncadd.s32 $0xFFFFC000  }
0x9f: {  	_ =	swait.ge @!p0 [sflag:s5], $0x80  }
0xa0: {  	[sflag:s5] =	ssyncset.done @!p0 $0x0  }
0xa1: {  	[sflag:s5] =	ssyncadd.s32 @!p0 $0xFFFFFF80  }
0xa2: {  	_ =	swait.ge @!p0 [sflag:s5], $0x4000  }
0xa3: {  	[sflag:s5] =	ssyncset.done @!p0 $0x0  }
0xa4: {  	[sflag:s5] =	ssyncadd.s32 @!p0 $0xFFFFC000;
	s5 =	simm.s32 @!p0 $0x80  }
0xa5: {  	[spmem:s1] =	stream.indirect.scatter.add.f32 @!p0 [tilespmem:s8], [sflag:$0x3], $0x80, s6, s5, $0xb8;
	[tilespmem:$0x1B980] =	vst v63  }
0xa6: {  	s5 =	simm.s32 @!p0 $0x3  }
0xa7: {  	_ =	swait.ge @!p0 [sflag:s5], $0x4000  }
0xa8: {  	[sflag:s5] =	ssyncset.done @!p0 $0x0  }
0xa9: {  	s8 =	stileid.u32;
	[sflag:s5] =	ssyncadd.s32 @!p0 $0xFFFFC000  }
0xaa: {  	s5 =	sshll.u32 s8, $0x6;
	[bflag:$0x0] =	sbarrier.arrive $0xFFFF  }
0xab: {  	s10 =	sshrl.u32 s18, $0x3;
	s5 =	sor.u32 $0x1C03, s5;
	s11 =	rddreg [dreg:$0x7]  }
0xac: {  	[hbm:s11], [sflag:s5] =	dma.local [spmem:s10], $0x500  }
0xad: {  	_ =	swait.ge [sflag:s29], $0x500  }
0xae: {  	[sflag:s29] =	ssyncset.done $0x0  }
0xaf: {  	s10 =	sshrl.u32 s19, $0x3;
	s11 =	rddreg [dreg:$0x8];
	[sflag:s29] =	ssyncadd.s32 $0xFFFFFB00  }
0xb0: {  	[hbm:s11], [sflag:s5] =	dma.local [spmem:s10], $0x500  }
0xb1: {  	_ =	swait.ge [sflag:s29], $0x500  }
0xb2: {  	[sflag:s29] =	ssyncset.done $0x0  }
0xb3: {  	s8 =	sshrl.u32 s20, $0x3;
	s10 =	rddreg [dreg:$0x9];
	[sflag:s29] =	ssyncadd.s32 $0xFFFFFB00  }
0xb4: {  	[hbm:s10], [sflag:s5] =	dma.local [spmem:s8], $0x500  }
0xb5: {  	_ =	swait.ge [sflag:s29], $0x500  }
0xb6: {  	[sflag:s29] =	ssyncset.done $0x0  }
0xb7: {  	s11 =	sshrl.u32 s21, $0x3;
	[sflag:s29] =	ssyncadd.s32 $0xFFFFFB00  }
0xb8: {  	[hbm:s12], [sflag:s5] =	dma.local [spmem:s11], $0x500  }
0xb9: {  	_ =	swait.ge [sflag:s29], $0x500  }
0xba: {  	[sflag:s29] =	ssyncset.done $0x0  }
0xbb: {  	s8 =	sshrl.u32 s22, $0x3;
	[sflag:s29] =	ssyncadd.s32 $0xFFFFFB00  }
0xbc: {  	[hbm:s13], [sflag:s5] =	dma.local [spmem:s8], $0x500  }
0xbd: {  	_ =	swait.ge [sflag:s29], $0x500  }
0xbe: {  	[sflag:s29] =	ssyncset.done $0x0  }
0xbf: {  	s10 =	sshrl.u32 s23, $0x3;
	[sflag:s29] =	ssyncadd.s32 $0xFFFFFB00  }
0xc0: {  	[hbm:s14], [sflag:s5] =	dma.local [spmem:s10], $0x500  }
0xc1: {  	_ =	swait.ge [sflag:s29], $0x500  }
0xc2: {  	[sflag:s29] =	ssyncset.done $0x0  }
0xc3: {  	s11 =	sshrl.u32 s24, $0x3;
	[sflag:s29] =	ssyncadd.s32 $0xFFFFFB00  }
0xc4: {  	[hbm:s15], [sflag:s5] =	dma.local [spmem:s11], $0x500  }
0xc5: {  	_ =	swait.ge [sflag:s29], $0x500  }
0xc6: {  	s4 =	sadd.s32 $0x1, s4;
	[sflag:s29] =	ssyncset.done $0x0  }
0xc7: {  	p2 =	sne.s32 s4, s17;
	s6 =	sshrl.u32 @!p1 s25, $0x3;
	[sflag:s29] =	ssyncadd.s32 $0xFFFFFB00  }
0xc8: {  	[hbm:s16], [sflag:s5] =	dma.local @!p1 [spmem:s6], $0x500  }
.Ltmp2:
0xc9: {  	_ = 	snop;
	(pc) =	sbr.rel @p2 .LBB2_1-.Ltmp2, $4  }
0xca: {  	s5 =	simm.s32 @!p1 $0x3  }
0xcb: {  	_ =	swait.ge @!p1 [sflag:s5], $0x500  }
0xcc: {  	[sflag:s5] =	ssyncset.done @!p1 $0x0  }
0xcd: {  	[sflag:s5] =	ssyncadd.s32 @!p1 $0xFFFFFB00  }
0xce: {  	_ =	sfence.sel $0x180000  }
0xcf: {  	[bflag:$0x0] =	sbarrier.arrive $0xFFFF  }
0xd0: {  	_ =	strace $0x90000053  }
0xd1: {  	s0 =	stileid.u32;
	[bflag:$0x2] =	sbarrier.arrive $0xFFFF  }
0xd2: {  	p0 =	sne.s32 s0, $0x0;
	s0 =	rddreg [dreg:$0x2]  }
0xd3: {  	s0 =	sadd.s32 @!p0 $0x100000, s0  }
0xd4: {  	[sflag:s0] =	ssyncadd.tile.s32 @!p0 $0x1;
	_ =	shalt  }
.Lfunc_end2:
_tile_overlayer_lowered:
.L_overlay_start_2:
0xd5: {  	(tag) =	ssettag $0x2  }
0xd6: {  	s0 =	rddreg [dreg:$0x0];
	s2 =	stileid.u32  }
0xd7: {  	s1 =	rddreg [dreg:$0x1];
	p0 =	sne.s32 s2, $0x0  }
0xd8: {  	s3 =	rddreg [dreg:$0x2];
	[bflag:$0x3] =	sbarrier.arrive $0xFFFF;
	s2 =	simm.s32 @!p0 $0x1C03  }
0xd9: {  	[timem:s3], [sflag:s2] =	dma.local @!p0 [hbm:s0], s1  }
0xda: {  	s0 =	simm.s32 @!p0 $0x3  }
0xdb: {  	_ =	swait.ge @!p0 [sflag:s0], s1  }
0xdc: {  	s1 =	ssub.s32 @!p0 $0x0, s1;
	[sflag:s0] =	ssyncset.done @!p0 $0x0  }
0xdd: {  	[sflag:s0] =	ssyncadd.s32 @!p0 s1  }
0xde: {  	[bflag:$0x3] =	sbarrier.arrive $0xFFFF  }
0xdf: {  	_ =	shalt  }

// kernel: kernel.24.cloned.1.call-start
scs
__scs_entry_jumppad:
0x0: {  	(pc) =	sbr.rel $0x88, $3  }
0x1: {  	(tag) =	ssettag $0x0;
	lr =	simm.s32 $0x1  }
0x2: {  	[smem:$0x3F8E] =	sst lr;
	_ =	strace $0xD0000000  }
0x3: {  	_ = 	snop  }
0x4: {  	_ = 	snop  }
0x5: {  	_ = 	snop  }
0x6: {  	_ = 	snop  }
0x7: {  	_ = 	snop  }
__scs_overlays_trampoline_lowered:
0x8: {  	[smem:$0x3F9D] =	sst s0  }
0x9: {  	[smem:$0x3F9E] =	sst s1  }
0xa: {  	[smem:$0x3F9F] =	sst s2  }
0xb: {  	[smem:$0x3FA0] =	sst s3  }
0xc: {  	[smem:$0x3FA1] =	sst s4  }
0xd: {  	[smem:$0x3FA2] =	sst s5  }
0xe: {  	[smem:$0x3FA3] =	sst s6  }
0xf: {  	[smem:$0x3FA4] =	sst s7  }
0x10: {  	[smem:$0x3FA5] =	sst s8  }
0x11: {  	[smem:$0x3FA6] =	sst s9;
	s0 =	simm.s32 @!p0 $0x0  }
0x12: {  	s1 =	sld [smem:$0x3F8C];
	s0 =	simm.s32 @p0 $0x1  }
0x13: {  	[smem:$0x3FA7] =	sst s0;
	s0 =	simm.s32 @!p1 $0x0  }
0x14: {  	s2 =	sld [smem:$0x3F8B];
	s0 =	simm.s32 @p1 $0x1  }
0x15: {  	[smem:$0x3FA8] =	sst s0;
	s0 =	simm.s32 @!p2 $0x0  }
0x16: {  	s3 =	sld [smem:$0x3FDB];
	s0 =	simm.s32 @p2 $0x1  }
0x17: {  	s4 =	simm.s32 $0x1BF5;
	[smem:$0x3FAA] =	sst s0  }
0x18: {  	s0 =	sld [smem:$0x3F8D];
	_ =	swait.ge [sflag:s4], $0x0  }
0x19: {  	s7 =	sld [smem:$0x3F8E]  }
0x1a: {  	s8 =	sadd.s32 $0xFFFFE003, lr  }
0x1b: {  	s9 =	sadd.s32 $0xFFFFFEF7, lr;
	s5 =	simm.s32 $0xFFFFFFFF;
	p2 =	slt.u32 s8, $0xFFFFF086  }
0x1c: {  	p1 =	slt.u32 s9, $0xF7A;
	s5 =	simm.s32 @!p2 $0x0  }
0x1d: {  	s5 =	simm.s32 @p1 $0x1;
	p0 =	seq.s32 s7, s2  }
0x1e: {  	s7 =	smul.u32 @!p0 $0xF7A, s2;
	p2 =	seq.s32 @!p0 s5, $0x0  }
0x1f: {  	s9 =	smul.u32 $0xF7A, s1;
	s8 =	simm.s32 @!p0 $0x1BF5;
	p2 =	por !p2, p0  }
0x20: {  	[sflag:s8] =	ssyncset.s32 @!p0 $0xFFFFF086;
	s6 =	sadd.s32 @!p0 s3, s7;
	s7 =	simm.s32 @!p0 $0x108  }
0x21: {  	s3 =	sadd.s32 s3, s9;
	s6 =	sadd.s32 @!p0 $0x88, s6;
	s7 =	simm.s32 @p2 $0x1082  }
0x22: {  	[simem:s7], [sflag:s8] =	dma.local @!p0 [hbm:s6], $0xF7A  }
0x23: {  	s9 =	sor.u32 $0xD0000000, s2;
	s6 =	simm.s32 $0x108;
	_ =	swait.ge @!p0 [sflag:s8], $0x0  }
0x24: {  	s3 =	sadd.s32 $0x88, s3;
	s6 =	simm.s32 @!p1 $0x1082;
	[sflag:s4] =	ssyncset.s32 $0xFFFFF086  }
0x25: {  	[simem:s6], [sflag:s4] =	dma.local [hbm:s3], $0xF7A  }
0x26: {  	[smem:$0x3F8E] =	sst s1;
	(tag) =	ssettag s2;
	_ =	strace s9  }
0x27: {  	s1 =	sld [smem:$0x3F9E]  }
0x28: {  	s2 =	sld [smem:$0x3F9F]  }
0x29: {  	s4 =	sld [smem:$0x3FA1]  }
0x2a: {  	p0 =	seq.s32 s5, $0x0;
	s5 =	sld [smem:$0x3FA2]  }
0x2b: {  	s6 =	sld [smem:$0x3FA3]  }
0x2c: {  	s7 =	sld [smem:$0x3FA4]  }
0x2d: {  	s3 =	simm.s32 $0x108;
	s8 =	sld [smem:$0x3FA5]  }
0x2e: {  	s3 =	simm.s32 @!p0 $0x1082;
	s9 =	sld [smem:$0x3FA6]  }
0x2f: {  	lr =	sadd.s32 s0, s3;
	s0 =	sld [smem:$0x3F9D]  }
0x30: {  	s3 =	sld [smem:$0x3FA0]  }
0x31: {  	[smem:$0x3FA9] =	sst s10  }
0x32: {  	s10 =	sld [smem:$0x3FA7];
	_ =	sdelay $0x3  }
0x33: {  	p0 =	seq.s32 s10, $0x1;
	s10 =	sld [smem:$0x3FA9];
	_ =	sdelay $0x3  }
0x34: {  	[smem:$0x3FA9] =	sst s10  }
0x35: {  	s10 =	sld [smem:$0x3FA8];
	_ =	sdelay $0x3  }
0x36: {  	p1 =	seq.s32 s10, $0x1;
	s10 =	sld [smem:$0x3FA9];
	_ =	sdelay $0x3  }
0x37: {  	[smem:$0x3FA9] =	sst s10  }
0x38: {  	s10 =	sld [smem:$0x3FAA]  }
0x39: {  	_ = 	snop;
	(pc) =	sbr.ind lr, $3  }
0x3a: {  	_ = 	snop  }
0x3b: {  	_ = 	snop  }
0x3c: {  	p2 =	seq.s32 s10, $0x1;
	s10 =	sld [smem:$0x3FA9]  }
0x3d: {  	_ =	shalt  }
0x3e: {  	_ =	shalt  }
0x3f: {  	_ =	shalt  }
0x40: {  	_ =	shalt  }
0x41: {  	_ =	shalt  }
0x42: {  	_ =	shalt  }
0x43: {  	_ =	shalt  }
0x44: {  	_ =	shalt  }
0x45: {  	_ =	shalt  }
0x46: {  	_ =	shalt  }
0x47: {  	_ =	shalt  }
0x48: {  	_ =	shalt  }
0x49: {  	_ =	shalt  }
0x4a: {  	_ =	shalt  }
0x4b: {  	_ =	shalt  }
0x4c: {  	_ =	shalt  }
0x4d: {  	_ =	shalt  }
0x4e: {  	_ =	shalt  }
0x4f: {  	_ =	shalt  }
0x50: {  	_ =	shalt  }
0x51: {  	_ =	shalt  }
0x52: {  	_ =	shalt  }
0x53: {  	_ =	shalt  }
0x54: {  	_ =	shalt  }
0x55: {  	_ =	shalt  }
0x56: {  	_ =	shalt  }
0x57: {  	_ =	shalt  }
0x58: {  	_ =	shalt  }
0x59: {  	_ =	shalt  }
0x5a: {  	_ =	shalt  }
0x5b: {  	_ =	shalt  }
0x5c: {  	_ =	shalt  }
0x5d: {  	_ =	shalt  }
0x5e: {  	_ =	shalt  }
0x5f: {  	_ =	shalt  }
0x60: {  	_ =	shalt  }
0x61: {  	_ =	shalt  }
0x62: {  	_ =	shalt  }
0x63: {  	_ =	shalt  }
0x64: {  	_ =	shalt  }
0x65: {  	_ =	shalt  }
0x66: {  	_ =	shalt  }
0x67: {  	_ =	shalt  }
0x68: {  	_ =	shalt  }
0x69: {  	_ =	shalt  }
0x6a: {  	_ =	shalt  }
0x6b: {  	_ =	shalt  }
0x6c: {  	_ =	shalt  }
0x6d: {  	_ =	shalt  }
0x6e: {  	_ =	shalt  }
0x6f: {  	_ =	shalt  }
0x70: {  	_ =	shalt  }
0x71: {  	_ =	shalt  }
0x72: {  	_ =	shalt  }
0x73: {  	_ =	shalt  }
0x74: {  	_ =	shalt  }
0x75: {  	_ =	shalt  }
0x76: {  	_ =	shalt  }
0x77: {  	_ =	shalt  }
0x78: {  	_ =	shalt  }
0x79: {  	_ =	shalt  }
0x7a: {  	_ =	shalt  }
0x7b: {  	_ =	shalt  }
0x7c: {  	_ =	shalt  }
0x7d: {  	_ =	shalt  }
0x7e: {  	_ =	shalt  }
0x7f: {  	_ =	shalt  }
0x80: {  	_ =	shalt  }
0x81: {  	_ =	shalt  }
0x82: {  	_ =	shalt  }
0x83: {  	_ =	shalt  }
0x84: {  	_ =	shalt  }
0x85: {  	_ =	shalt  }
0x86: {  	_ =	shalt  }
0x87: {  	_ =	shalt  }
.Lfunc_end0:
.L_simem_size_0:
called_computation.3_lowered:
.L_overlay_start_0:
0x88: {  	s2 =	sld [smem:$0x3FD9]  }
0x89: {  	s3 =	sld [smem:$0x3FFE];
	_ =	sdelay $0x1  }
0x8a: {  	s1 =	srdreg.scid  }
0x8b: {  	s0 =	sand.u32 $0x1, s1  }
0x8c: {  	s17 =	sshll.u32 s0, $0xA;
	s2 =	sadd.s32 s3, s2  }
0x8d: {  	s2 =	sadd.s32 s2, s17  }
0x8e: {  	[smem:$0x3FB5] =	sst s2  }
0x8f: {  	_ = 	snop  }
0x90: {  	(tm) =	ssettm $0x1  }
0x91: {  	s18 =	sld [smem:$0x3FFB];
	_ =	sdelay $0x3  }
0x92: {  	_ =	strace s18  }
0x93: {  	s2 =	sld [smem:$0x3FFC];
	_ =	sdelay $0x3  }
0x94: {  	_ =	strace s2  }
0x95: {  	s2 =	sld [smem:$0x3FFD];
	_ =	sdelay $0x3  }
0x96: {  	_ =	strace s2  }
0x97: {  	_ =	strace $0x8FFFFFFF  }
0x98: {  	s19 =	sld [smem:$0x3FDB];
	_ =	sdelay $0x1  }
0x99: {  	s20 =	simm.s32 $_scs_section_size  }
0x9a: {  	s4 =	simm.s32 $_size__tile_overlayer_lowered;
	s5 =	simm.s32 $_tile_overlayer_lowered  }
0x9b: {  	s6 =	simm.s32 $0x1BFF;
	s21 =	sshll.u32 s5, $0x1;
	s3 =	sadd.s32 s20, s19  }
0x9c: {  	s22 =	simm.s32 $0x0;
	s4 =	sshll.u32 s4, $0x1;
	s5 =	sadd.s32 s21, s3  }
0x9d: {  	[timem:s22], [sflag:s6] =	dma.local [hbm:s5], s4  }
0x9e: {  	_ =	swait.ge [sflag:s6], s4  }
0x9f: {  	s4 =	ssub.s32 $0x0, s4;
	[sflag:s6] =	ssyncset.done $0x0  }
0xa0: {  	[sflag:s6] =	ssyncadd.s32 s4;
	_ =	sdelay $0x1  }
0xa1: {  	s23 =	simm.s32 $0x1B8B  }
0xa2: {  	_ =	swait.ge [sflag:s23], $0x1  }
0xa3: {  	[sflag:s23] =	ssyncset.done $0x0  }
0xa4: {  	[sflag:s23] =	ssyncadd.s32 $0xFFFFFFFF  }
0xa5: {  	s4 =	sld [smem:$0x0]  }
0xa6: {  	s5 =	sand.u32 $0xFFFFFFFE, s1  }
0xa7: {  	p0 =	sne.s32 s1, s5  }
0xa8: {  	s5 =	sshll.u32 @p0 s5, $0xE  }
0xa9: {  	s5 =	sadd.s32 @p0 $0x11B8D, s5;
	s6 =	sshll.u32 @p0 s4, $0x11  }
0xaa: {  	s5 =	sor.u32 @p0 s6, s5  }
0xab: {  	[sflag:s5] =	ssyncadd.remote.s32 @p0 $0x1;
	_ =	sdelay $0x1  }
0xac: {  	s5 =	simm.s32 @p0 $0x1B8D  }
0xad: {  	_ =	swait.eq @p0 [sflag:s5], $0x1  }
0xae: {  	[sflag:s5] =	ssyncadd.s32 @p0 $0xFFFFFFFF  }
0xaf: {  	s6 =	sshll.u32 @!p0 s1, $0xE  }
0xb0: {  	s6 =	sor.u32 @!p0 $0x4000, s6;
	s5 =	simm.s32 @!p0 $0x1B8D  }
0xb1: {  	s4 =	sshll.u32 @!p0 s4, $0x11;
	s6 =	sadd.s32 @!p0 $0x11B8D, s6;
	_ =	swait.eq @!p0 [sflag:s5], $0x1  }
0xb2: {  	s4 =	sor.u32 @!p0 s4, s6;
	[sflag:s5] =	ssyncadd.s32 @!p0 $0xFFFFFFFF  }
0xb3: {  	s25 =	simm.s32 $0x1B8E;
	s24 =	sld [smem:$0x3FFE];
	[sflag:s4] =	ssyncadd.remote.s32 @!p0 $0x1  }
0xb4: {  	s26 =	simm.s32 $execute0_lowered;
	[smem:$0x3FD2] =	sst s25  }
0xb5: {  	s5 =	sshll.u32 s26, $0x1;
	_ =	strace $0x80000055;
	[dreg:$0x1] =	wrdreg $0xFFFFFFFF  }
0xb6: {  	s28 =	simm.s32 $_size_execute0_lowered;
	s3 =	sadd.s32 s3, s5;
	[dreg:$0x0] =	wrdreg $0x0  }
0xb7: {  	s5 =	sshll.u32 s28, $0x1;
	[dreg:$0x2] =	wrdreg s3  }
0xb8: {  	[dreg:$0x3] =	wrdreg s5  }
0xb9: {  	[dreg:$0x4] =	wrdreg $0xC0  }
0xba: {  	_ =	task [dreg:s22], $0x5FFFF  }
0xbb: {  	[dreg:$0x1] =	wrdreg $0xFFFFFFFF  }
0xbc: {  	[dreg:$0x0] =	wrdreg $0x60  }
0xbd: {  	[dreg:$0x2] =	wrdreg s24  }
0xbe: {  	[dreg:$0x3] =	wrdreg $0x81000  }
0xbf: {  	[dreg:$0x4] =	wrdreg $0xB  }
0xc0: {  	_ =	task.clear_ibuf [dreg:s22], $0x5FFFF;
	_ =	strace $0x90000055  }
0xc1: {  	s29 =	simm.s32 $0xB;
	_ =	strace $0x80000057  }
0xc2: {  	_ =	swait.ge [sflag:s29], $0x1  }
0xc3: {  	[sflag:s29] =	ssyncadd.s32 $0xFFFFFFFF  }
0xc4: {  	_ =	strace $0x90000057  }
0xc5: {  	_ =	sfence  }
0xc6: {  	s30 =	sld [smem:$0x0];
	_ =	sdelay $0x2  }
0xc7: {  	s31 =	sshll.u32 s1, $0xD;
	s1 =	sshrl.u32 s1, $0x2  }
0xc8: {  	s4 =	sand.u32 $0x4000, s31;
	s1 =	sadd.s32 s1, s30  }
0xc9: {  	s0 =	sor.u32 s4, s0;
	s1 =	sshll.u32 s1, $0x11  }
0xca: {  	s0 =	sor.u32 s1, s0  }
0xcb: {  	s0 =	sadd.s32 $0x8F2B, s0  }
0xcc: {  	[sflag:s0] =	ssyncadd.remote.s32 $0x1  }
0xcd: {  	_ =	sfence.sel $0xFFFF  }
0xce: {  	[dreg:$0x0] =	wrdreg $0xFFFFFFFF;
	(pc) =	sbr.abs _section_cstart, $3  }
0xcf: {  	[dreg:$0x1] =	wrdreg $0xFFFFFFFF  }
0xd0: {  	_ =	task.clear_ibuf [dreg:s22], $0x2FFFF;
	_ =	strace $0x9FFFFFFF  }
0xd1: {  	(tm) =	ssettm $0x7FFFFFFF  }
tec
execute0_lowered:
.L_overlay_start_1:
0x0: {  	(tag) =	ssettag $0x1  }
0x1: {  	s0 =	rddreg [dreg:$0x0]  }
0x2: {  	s1 =	rddreg [dreg:$0x1];
	s2 =	simm.s32 $0x0;
	s3 =	srdreg.scid  }
0x3: {  	s22 =	stileid.u32;
	s29 =	simm.s32 $0x80;
	s30 =	simm.s32 $0x3  }
0x4: {  	s31 =	simm.s32 $0x4080;
	[smem:$0x7FF] =	sst s2;
	s3 =	sand.u32 $0x1, s3  }
0x5: {  	s4 =	sshll.u32 s22, $0x1;
	s5 =	sadd.s32 $0xF25A00, s0;
	s7 =	sadd.s32 $0xEE00, s0  }
0x6: {  	s26 =	sor.u32 $0x10, s22;
	s11 =	sor.u32 $0x20, s22;
	s14 =	smul.u32 $0x500, s22  }
0x7: {  	s15 =	sor.u32 $0x30, s22;
	s16 =	sor.u32 $0x40, s22;
	s6 =	smul.u32 $0x27100, s3  }
0x8: {  	s19 =	sor.u32 $0x50, s22;
	s20 =	sor.u32 $0x60, s22;
	s17 =	smul.u32 $0xA000, s26  }
0x9: {  	s4 =	sor.u32 s3, s4;
	s8 =	ssub.s32 $0x2, s3;
	s18 =	smul.u32 $0xA000, s11  }
0xa: {  	s11 =	smul.u32 $0x500, s11;
	s9 =	sshll.u32 s4, $0x7;
	s21 =	sshrl.u32 s8, $0x1  }
0xb: {  	s24 =	sshll.u32 s4, $0xB;
	s4 =	sand.u32 $0x7, s4;
	s6 =	sadd.s32 s6, s0  }
0xc: {  	s9 =	sadd.s32 $0x1F400, s9;
	s0 =	ssub.s32 s8, s21;
	s21 =	sor.u32 $0x70, s22  }
0xd: {  	s4 =	sshll.u32 s4, $0x4;
	s23 =	sshrl.u32 s9, $0x3;
	s9 =	sor.u32 $0xF0, s22  }
0xe: {  	s6 =	sadd.s32 $0x18C00, s6;
	p1 =	sgt.u32 s21, $0x7C;
	s8 =	sadd.s32 s7, s23  }
0xf: {  	s10 =	sshll.u32 s9, $0x5;
	s12 =	sshll.u32 s9, $0x1;
	s23 =	sshll.u32 s22, $0x5  }
0x10: {  	p0 =	sgt.u32 s9, $0xF9;
	s14 =	sadd.s32 s14, s6;
	[dreg:$0x3] =	wrdreg s8  }
0x11: {  	s8 =	sadd.s32 s5, s24;
	s25 =	sand.u32 $0x1F80, s10;
	s12 =	sor.u32 s3, s12  }
0x12: {  	s10 =	smul.u32 $0x500, s26;
	s3 =	sshll.u32 s3, $0xB;
	[dreg:$0x6] =	wrdreg s14  }
0x13: {  	s24 =	sor.u32 $0x200, s23;
	s26 =	smul.u32 $0x500, s20;
	[dreg:$0x4] =	wrdreg s8  }
0x14: {  	s8 =	sadd.s32 s25, s7;
	s13 =	sshll.u32 s12, $0x4;
	s12 =	sshll.u32 s12, $0xB  }
0x15: {  	s25 =	smul.u32 $0x500, s16;
	s13 =	sand.u32 $0x70, s13;
	s12 =	sadd.s32 s5, s12  }
0x16: {  	s10 =	sadd.s32 s10, s6;
	s8 =	sadd.s32 s13, s8;
	[dreg:$0x5] =	wrdreg s12  }
0x17: {  	s13 =	sshll.u32 s22, $0xC;
	s12 =	smul.u32 $0x500, s15;
	[dreg:$0x7] =	wrdreg s10  }
0x18: {  	s25 =	sadd.s32 s25, s6;
	s10 =	smul.u32 $0xA000, s16;
	s5 =	sadd.s32 s13, s5  }
0x19: {  	s13 =	sor.u32 $0x400, s23;
	s23 =	sadd.s32 s11, s6;
	[dreg:$0xa] =	wrdreg s25  }
0x1a: {  	s11 =	sshrl.u32 s17, $0x2;
	s3 =	sadd.s32 s3, s5;
	s5 =	sand.u32 $0x380, s24  }
0x1b: {  	s13 =	sand.u32 $0x580, s13;
	s24 =	sadd.s32 s12, s6;
	s12 =	smul.u32 $0xA000, s19  }
0x1c: {  	[dreg:$0x8] =	wrdreg s23;
	s17 =	sadd.s32 s11, s1;
	s23 =	smul.u32 $0xA000, s20  }
0x1d: {  	s5 =	sadd.s32 s5, s7;
	s7 =	sadd.s32 s13, s7;
	[dreg:$0x9] =	wrdreg s24  }
0x1e: {  	s13 =	sadd.s32 s26, s6;
	s26 =	smul.u32 $0xA000, s22;
	s22 =	sshrl.u32 s18, $0x2  }
0x1f: {  	s5 =	sadd.s32 s4, s5;
	s4 =	sadd.s32 s4, s7;
	s7 =	smul.u32 $0x500, s19  }
0x20: {  	s18 =	sadd.s32 s22, s1;
	s24 =	sshrl.u32 s12, $0x2;
	s25 =	sshrl.u32 s23, $0x2  }
0x21: {  	s9 =	sshrl.u32 s26, $0x2;
	s22 =	sadd.s32 s25, s1;
	s25 =	sadd.s32 $0x3E80, s5  }
0x22: {  	s28 =	sadd.s32 $0x3E80, s4;
	s4 =	simm.s32 $0x2;
	s7 =	sadd.s32 s7, s6  }
0x23: {  	s5 =	simm.s32 $0x0;
	[dreg:$0xb] =	wrdreg s7;
	s7 =	smul.u32 $0x500, s21  }
0x24: {  	s16 =	sadd.s32 s9, s1;
	s21 =	smul.u32 $0xA000, s21;
	_ =	strace $0x80000056  }
0x25: {  	s14 =	sadd.s32 @!p1 s7, s6;
	s7 =	smul.u32 $0xA000, s15;
	s15 =	smax.u32 s0, $0x1  }
0x26: {  	s26 =	sshrl.u32 s21, $0x2;
	s21 =	sadd.s32 s24, s1;
	s24 =	sadd.s32 $0x3E80, s8  }
0x27: {  	s8 =	simm.s32 $0x4100;
	s0 =	simm.s32 $0x1;
	s23 =	sadd.s32 s26, s1  }
0x28: {  	s26 =	sadd.s32 $0x10000, s3;
	s6 =	sshrl.u32 s7, $0x2;
	s7 =	sshrl.u32 s10, $0x2  }
0x29: {  	v0 =	vimm.f32 $0.0e+00;
	s3 =	simm.s32 $0x4;
	s19 =	sadd.s32 s6, s1;
	s20 =	sadd.s32 s7, s1  }
.LBB2_1:
0x2a: {  	s6 =	simm.s32 $0x0;
	s7 =	simm.s32 $0x200  }
.LBB2_2:
0x2b: {  	p2 =	sne.s32 s7, $0x9E00;
	[tilespmem:s6+$0xF0] =	vst v0  }
0x2c: {  	[tilespmem:s6+$0x80] =	vst v0  }
0x2d: {  	[tilespmem:s6+$0x90] =	vst v0  }
.Ltmp0:
0x2e: {  	[tilespmem:s6+$0xA0] =	vst v0;
	(pc) =	sbr.rel @p2 .LBB2_2-.Ltmp0, $4  }
0x2f: {  	[tilespmem:s6+$0xB0] =	vst v0  }
0x30: {  	[tilespmem:s6+$0xC0] =	vst v0  }
0x31: {  	[tilespmem:s6+$0xD0] =	vst v0  }
0x32: {  	[tilespmem:s6+$0xE0] =	vst v0;
	s6 =	sshra.s32 s7, $0x2;
	s7 =	sadd.s32 $0x200, s7  }
0x33: {  	[tilespmem:s6+$0xF0] =	vst v0  }
0x34: {  	[tilespmem:s6+$0x80] =	vst v0  }
0x35: {  	[tilespmem:s6+$0x90] =	vst v0  }
0x36: {  	[tilespmem:s6+$0xA0] =	vst v0  }
0x37: {  	[tilespmem:s6+$0xB0] =	vst v0  }
0x38: {  	[tilespmem:s6+$0xC0] =	vst v0  }
0x39: {  	[tilespmem:s6+$0xD0] =	vst v0  }
0x3a: {  	[tilespmem:s6+$0xE0] =	vst v0  }
0x3b: {  	[spmem:s16] =	stream.linear.scatter [tilespmem:s29], [sflag:$0x3], $0x2800, $0x38;
	[tilespmem:$0x1B980] =	vst v63  }
0x3c: {  	_ =	swait.ge [sflag:s30], $0x2800  }
0x3d: {  	[sflag:s30] =	ssyncset.done $0x0  }
0x3e: {  	[sflag:s30] =	ssyncadd.s32 $0xFFFFD800  }
0x3f: {  	[spmem:s17] =	stream.linear.scatter [tilespmem:s29], [sflag:$0x3], $0x2800, $0x38;
	[tilespmem:$0x1B980] =	vst v63  }
0x40: {  	_ =	swait.ge [sflag:s30], $0x2800  }
0x41: {  	[sflag:s30] =	ssyncset.done $0x0  }
0x42: {  	[sflag:s30] =	ssyncadd.s32 $0xFFFFD800  }
0x43: {  	[spmem:s18] =	stream.linear.scatter [tilespmem:s29], [sflag:$0x3], $0x2800, $0x38;
	[tilespmem:$0x1B980] =	vst v63  }
0x44: {  	_ =	swait.ge [sflag:s30], $0x2800  }
0x45: {  	[sflag:s30] =	ssyncset.done $0x0  }
0x46: {  	[sflag:s30] =	ssyncadd.s32 $0xFFFFD800  }
0x47: {  	[spmem:s19] =	stream.linear.scatter [tilespmem:s29], [sflag:$0x3], $0x2800, $0x38;
	[tilespmem:$0x1B980] =	vst v63  }
0x48: {  	_ =	swait.ge [sflag:s30], $0x2800  }
0x49: {  	[sflag:s30] =	ssyncset.done $0x0  }
0x4a: {  	[sflag:s30] =	ssyncadd.s32 $0xFFFFD800  }
0x4b: {  	[spmem:s20] =	stream.linear.scatter [tilespmem:s29], [sflag:$0x3], $0x2800, $0x38;
	[tilespmem:$0x1B980] =	vst v63  }
0x4c: {  	_ =	swait.ge [sflag:s30], $0x2800  }
0x4d: {  	[sflag:s30] =	ssyncset.done $0x0  }
0x4e: {  	[sflag:s30] =	ssyncadd.s32 $0xFFFFD800  }
0x4f: {  	[spmem:s21] =	stream.linear.scatter [tilespmem:s29], [sflag:$0x3], $0x2800, $0x38;
	[tilespmem:$0x1B980] =	vst v63  }
0x50: {  	_ =	swait.ge [sflag:s30], $0x2800  }
0x51: {  	[sflag:s30] =	ssyncset.done $0x0  }
0x52: {  	[sflag:s30] =	ssyncadd.s32 $0xFFFFD800  }
0x53: {  	[spmem:s22] =	stream.linear.scatter [tilespmem:s29], [sflag:$0x3], $0x2800, $0x38;
	[tilespmem:$0x1B980] =	vst v63  }
0x54: {  	_ =	swait.ge [sflag:s30], $0x2800  }
0x55: {  	[sflag:s30] =	ssyncset.done $0x0  }
0x56: {  	s6 =	simm.s32 @!p1 $0x80;
	[sflag:s30] =	ssyncadd.s32 $0xFFFFD800  }
0x57: {  	[spmem:s23] =	stream.linear.scatter @!p1 [tilespmem:s6], [sflag:$0x3], $0x2800, $0x38;
	[tilespmem:$0x1B980] =	vst v63  }
0x58: {  	s6 =	simm.s32 @!p1 $0x3  }
0x59: {  	_ =	swait.ge @!p1 [sflag:s6], $0x2800  }
0x5a: {  	[sflag:s6] =	ssyncset.done @!p1 $0x0  }
0x5b: {  	[sflag:s6] =	ssyncadd.s32 @!p1 $0xFFFFD800  }
0x5c: {  	[bflag:$0x0] =	sbarrier.arrive $0xFFFF  }
0x5d: {  	s12 =	simm.s32 $0x0;
	s7 =	rddreg [dreg:$0x3]  }
0x5e: {  	[tilespmem:s12], [sflag:$0x1] =	stream.linear.gather [hbm4b:s7+s12], $0x80, $0x38;
	[tilespmem:$0x1B980] =	vst v63  }
0x5f: {  	s9 =	rddreg [dreg:$0x4]  }
0x60: {  	[tilespmem:s29], [sflag:$0x1] =	stream.linear.gather [hbm4b:s9+s12], $0x4000, $0x38;
	[tilespmem:$0x1B980] =	vst v63  }
0x61: {  	s10 =	sadd.s32 $0x0, s25  }
0x62: {  	[tilespmem:s31], [sflag:$0x2] =	stream.linear.gather [hbm4b:s10+s2], $0x80, $0x38;
	[tilespmem:$0x1B980] =	vst v63  }
0x63: {  	_ = 	snop  }
0x64: {  	[tilespmem:s8], [sflag:$0x2] =	stream.linear.gather [hbm4b:s26+s2], $0x4000, $0x38;
	[tilespmem:$0x1B980] =	vst v63  }
0x65: {  	_ =	swait.ge [sflag:s0], $0x80  }
0x66: {  	[sflag:s0] =	ssyncset.done $0x0  }
0x67: {  	[sflag:s0] =	ssyncadd.s32 $0xFFFFFF80  }
0x68: {  	_ =	swait.ge [sflag:s0], $0x4000  }
0x69: {  	[sflag:s0] =	ssyncset.done $0x0  }
0x6a: {  	[sflag:s0] =	ssyncadd.s32 $0xFFFFC000  }
0x6b: {  	[spmem:s1] =	stream.indirect.scatter.add.f32 [tilespmem:s29], [sflag:$0x4], $0x80, s2, s29, $0xb8;
	[tilespmem:$0x1B980] =	vst v63  }
0x6c: {  	_ =	swait.ge [sflag:s3], $0x4000  }
0x6d: {  	[sflag:s3] =	ssyncset.done $0x0  }
0x6e: {  	s11 =	sadd.s32 $0x0, s28;
	[sflag:s3] =	ssyncadd.s32 $0xFFFFC000  }
0x6f: {  	[tilespmem:s2], [sflag:$0x1] =	stream.linear.gather [hbm4b:s11+s2], $0x80, $0x38;
	[tilespmem:$0x1B980] =	vst v63  }
0x70: {  	s12 =	sadd.s32 $0x10000, s26  }
0x71: {  	[tilespmem:s29], [sflag:$0x1] =	stream.linear.gather [hbm4b:s12+s2], $0x4000, $0x38;
	[tilespmem:$0x1B980] =	vst v63  }
0x72: {  	_ =	swait.ge [sflag:s4], $0x80  }
0x73: {  	[sflag:s4] =	ssyncset.done $0x0  }
0x74: {  	[sflag:s4] =	ssyncadd.s32 $0xFFFFFF80  }
0x75: {  	_ =	swait.ge [sflag:s4], $0x4000  }
0x76: {  	[sflag:s4] =	ssyncset.done $0x0  }
0x77: {  	[sflag:s4] =	ssyncadd.s32 $0xFFFFC000  }
0x78: {  	[spmem:s1] =	stream.indirect.scatter.add.f32 [tilespmem:s8], [sflag:$0x3], $0x80, s31, s29, $0xb8;
	[tilespmem:$0x1B980] =	vst v63  }
0x79: {  	s6 =	simm.s32 $0x400;
	_ =	swait.ge [sflag:s30], $0x4000  }
0x7a: {  	s7 =	sadd.s32 $0x20000, s26;
	s9 =	simm.s32 $0x800;
	[sflag:s30] =	ssyncset.done $0x0  }
.LBB2_4:
0x7b: {  	s10 =	sadd.s32 s6, s25  }
0x7c: {  	[sflag:s30] =	ssyncadd.s32 $0xFFFFC000;
	s11 =	smov.u32 s9;
	s12 =	sadd.s32 $0x400, s9  }
0x7d: {  	[tilespmem:s31], [sflag:$0x2] =	stream.linear.gather [hbm4b:s10+s2], $0x80, $0x38;
	[tilespmem:$0x1B980] =	vst v63  }
0x7e: {  	p2 =	sne.s32 s9, $0x1800  }
0x7f: {  	[tilespmem:s8], [sflag:$0x2] =	stream.linear.gather [hbm4b:s7+s2], $0x4000, $0x38;
	[tilespmem:$0x1B980] =	vst v63  }
0x80: {  	_ =	swait.ge [sflag:s0], $0x80  }
0x81: {  	[sflag:s0] =	ssyncset.done $0x0  }
0x82: {  	[sflag:s0] =	ssyncadd.s32 $0xFFFFFF80  }
0x83: {  	_ =	swait.ge [sflag:s0], $0x4000  }
0x84: {  	[sflag:s0] =	ssyncset.done $0x0  }
0x85: {  	[sflag:s0] =	ssyncadd.s32 $0xFFFFC000  }
0x86: {  	[spmem:s1] =	stream.indirect.scatter.add.f32 [tilespmem:s29], [sflag:$0x4], $0x80, s2, s29, $0xb8;
	[tilespmem:$0x1B980] =	vst v63  }
0x87: {  	_ =	swait.ge [sflag:s3], $0x4000  }
0x88: {  	[sflag:s3] =	ssyncset.done $0x0  }
0x89: {  	s9 =	sadd.s32 s6, s28;
	s6 =	smov.u32 s11;
	[sflag:s3] =	ssyncadd.s32 $0xFFFFC000  }
0x8a: {  	[tilespmem:s2], [sflag:$0x1] =	stream.linear.gather [hbm4b:s9+s2], $0x80, $0x38;
	[tilespmem:$0x1B980] =	vst v63  }
0x8b: {  	s9 =	sadd.s32 $0x10000, s7  }
0x8c: {  	[tilespmem:s29], [sflag:$0x1] =	stream.linear.gather [hbm4b:s9+s2], $0x4000, $0x38;
	[tilespmem:$0x1B980] =	vst v63  }
0x8d: {  	_ =	swait.ge [sflag:s4], $0x80  }
0x8e: {  	[sflag:s4] =	ssyncset.done $0x0  }
0x8f: {  	[sflag:s4] =	ssyncadd.s32 $0xFFFFFF80  }
0x90: {  	_ =	swait.ge [sflag:s4], $0x4000  }
.Ltmp1:
0x91: {  	[sflag:s4] =	ssyncset.done $0x0;
	(pc) =	sbr.rel @p2 .LBB2_4-.Ltmp1, $4  }
0x92: {  	[sflag:s4] =	ssyncadd.s32 $0xFFFFC000  }
0x93: {  	[spmem:s1] =	stream.indirect.scatter.add.f32 [tilespmem:s8], [sflag:$0x3], $0x80, s31, s29, $0xb8;
	[tilespmem:$0x1B980] =	vst v63  }
0x94: {  	_ =	swait.ge [sflag:s30], $0x4000  }
0x95: {  	s7 =	sadd.s32 $0x20000, s7;
	s9 =	smov.u32 s12;
	[sflag:s30] =	ssyncset.done $0x0  }
0x96: {  	s9 =	sadd.s32 s6, s25;
	[sflag:s30] =	ssyncadd.s32 $0xFFFFC000  }
0x97: {  	[tilespmem:s31], [sflag:$0x2] =	stream.linear.gather [hbm4b:s9+s2], $0x80, $0x38;
	[tilespmem:$0x1B980] =	vst v63  }
0x98: {  	_ = 	snop  }
0x99: {  	[tilespmem:s8], [sflag:$0x2] =	stream.linear.gather [hbm4b:s7+s2], $0x4000, $0x38;
	[tilespmem:$0x1B980] =	vst v63  }
0x9a: {  	_ =	swait.ge [sflag:s0], $0x80  }
0x9b: {  	[sflag:s0] =	ssyncset.done $0x0  }
0x9c: {  	[sflag:s0] =	ssyncadd.s32 $0xFFFFFF80  }
0x9d: {  	_ =	swait.ge [sflag:s0], $0x4000  }
0x9e: {  	[sflag:s0] =	ssyncset.done $0x0  }
0x9f: {  	[sflag:s0] =	ssyncadd.s32 $0xFFFFC000  }
0xa0: {  	[spmem:s1] =	stream.indirect.scatter.add.f32 [tilespmem:s29], [sflag:$0x4], $0x80, s2, s29, $0xb8;
	[tilespmem:$0x1B980] =	vst v63  }
0xa1: {  	_ =	swait.ge [sflag:s3], $0x4000  }
0xa2: {  	[sflag:s3] =	ssyncset.done $0x0  }
0xa3: {  	s12 =	sadd.s32 s6, s28;
	[sflag:s3] =	ssyncadd.s32 $0xFFFFC000  }
0xa4: {  	[tilespmem:s2], [sflag:$0x1] =	stream.linear.gather [hbm4b:s12+s2], $0x80, $0x38;
	[tilespmem:$0x1B980] =	vst v63  }
0xa5: {  	s9 =	sadd.s32 $0x10000, s7  }
0xa6: {  	[tilespmem:s29], [sflag:$0x1] =	stream.linear.gather [hbm4b:s9+s2], $0x4000, $0x38;
	[tilespmem:$0x1B980] =	vst v63  }
0xa7: {  	_ =	swait.ge [sflag:s4], $0x80  }
0xa8: {  	[sflag:s4] =	ssyncset.done $0x0  }
0xa9: {  	[sflag:s4] =	ssyncadd.s32 $0xFFFFFF80  }
0xaa: {  	_ =	swait.ge [sflag:s4], $0x4000  }
0xab: {  	[sflag:s4] =	ssyncset.done $0x0  }
0xac: {  	[sflag:s4] =	ssyncadd.s32 $0xFFFFC000  }
0xad: {  	[spmem:s1] =	stream.indirect.scatter.add.f32 [tilespmem:s8], [sflag:$0x3], $0x80, s31, s29, $0xb8;
	[tilespmem:$0x1B980] =	vst v63  }
0xae: {  	_ =	swait.ge [sflag:s30], $0x4000  }
0xaf: {  	[sflag:s30] =	ssyncset.done $0x0  }
0xb0: {  	s6 =	simm.s32 @!p0 $0x0;
	s7 =	simm.s32 @!p0 $0x4080;
	[sflag:s30] =	ssyncadd.s32 $0xFFFFC000  }
0xb1: {  	[tilespmem:s7], [sflag:$0x2] =	stream.linear.gather @!p0 [hbm4b:s24+s6], $0x80, $0x38;
	[tilespmem:$0x1B980] =	vst v63  }
0xb2: {  	s9 =	simm.s32 @!p0 $0x4100;
	s10 =	rddreg [dreg:$0x5]  }
0xb3: {  	[tilespmem:s9], [sflag:$0x2] =	stream.linear.gather @!p0 [hbm4b:s10+s6], $0x4000, $0x38;
	[tilespmem:$0x1B980] =	vst v63  }
0xb4: {  	_ =	swait.ge [sflag:s0], $0x80  }
0xb5: {  	[sflag:s0] =	ssyncset.done $0x0  }
0xb6: {  	[sflag:s0] =	ssyncadd.s32 $0xFFFFFF80  }
0xb7: {  	_ =	swait.ge [sflag:s0], $0x4000  }
0xb8: {  	[sflag:s0] =	ssyncset.done $0x0  }
0xb9: {  	[sflag:s0] =	ssyncadd.s32 $0xFFFFC000  }
0xba: {  	[spmem:s1] =	stream.indirect.scatter.add.f32 [tilespmem:s29], [sflag:$0x4], $0x80, s2, s29, $0xb8;
	[tilespmem:$0x1B980] =	vst v63  }
0xbb: {  	_ =	swait.ge [sflag:s3], $0x4000  }
0xbc: {  	[sflag:s3] =	ssyncset.done $0x0  }
0xbd: {  	s6 =	simm.s32 @!p0 $0x2;
	[sflag:s3] =	ssyncadd.s32 $0xFFFFC000  }
0xbe: {  	_ =	swait.ge @!p0 [sflag:s6], $0x80  }
0xbf: {  	[sflag:s6] =	ssyncset.done @!p0 $0x0  }
0xc0: {  	[sflag:s6] =	ssyncadd.s32 @!p0 $0xFFFFFF80  }
0xc1: {  	_ =	swait.ge @!p0 [sflag:s6], $0x4000  }
0xc2: {  	[sflag:s6] =	ssyncset.done @!p0 $0x0  }
0xc3: {  	[sflag:s6] =	ssyncadd.s32 @!p0 $0xFFFFC000;
	s6 =	simm.s32 @!p0 $0x80  }
0xc4: {  	[spmem:s1] =	stream.indirect.scatter.add.f32 @!p0 [tilespmem:s9], [sflag:$0x3], $0x80, s7, s6, $0xb8;
	[tilespmem:$0x1B980] =	vst v63  }
0xc5: {  	s6 =	simm.s32 @!p0 $0x3  }
0xc6: {  	_ =	swait.ge @!p0 [sflag:s6], $0x4000  }
0xc7: {  	[sflag:s6] =	ssyncset.done @!p0 $0x0  }
0xc8: {  	s10 =	stileid.u32;
	[sflag:s6] =	ssyncadd.s32 @!p0 $0xFFFFC000  }
0xc9: {  	s6 =	sshll.u32 s10, $0x6;
	[bflag:$0x0] =	sbarrier.arrive $0xFFFF  }
0xca: {  	s11 =	sshrl.u32 s16, $0x3;
	s6 =	sor.u32 $0x1C03, s6;
	s12 =	rddreg [dreg:$0x6]  }
0xcb: {  	[hbm:s12], [sflag:s6] =	dma.local [spmem:s11], $0x500  }
0xcc: {  	_ =	swait.ge [sflag:s30], $0x500  }
0xcd: {  	[sflag:s30] =	ssyncset.done $0x0  }
0xce: {  	s9 =	sshrl.u32 s17, $0x3;
	s10 =	rddreg [dreg:$0x7];
	[sflag:s30] =	ssyncadd.s32 $0xFFFFFB00  }
0xcf: {  	[hbm:s10], [sflag:s6] =	dma.local [spmem:s9], $0x500  }
0xd0: {  	_ =	swait.ge [sflag:s30], $0x500  }
0xd1: {  	[sflag:s30] =	ssyncset.done $0x0  }
0xd2: {  	s11 =	sshrl.u32 s18, $0x3;
	s12 =	rddreg [dreg:$0x8];
	[sflag:s30] =	ssyncadd.s32 $0xFFFFFB00  }
0xd3: {  	[hbm:s12], [sflag:s6] =	dma.local [spmem:s11], $0x500  }
0xd4: {  	_ =	swait.ge [sflag:s30], $0x500  }
0xd5: {  	[sflag:s30] =	ssyncset.done $0x0  }
0xd6: {  	s9 =	sshrl.u32 s19, $0x3;
	s10 =	rddreg [dreg:$0x9];
	[sflag:s30] =	ssyncadd.s32 $0xFFFFFB00  }
0xd7: {  	[hbm:s10], [sflag:s6] =	dma.local [spmem:s9], $0x500  }
0xd8: {  	_ =	swait.ge [sflag:s30], $0x500  }
0xd9: {  	[sflag:s30] =	ssyncset.done $0x0  }
0xda: {  	s11 =	sshrl.u32 s20, $0x3;
	s12 =	rddreg [dreg:$0xa];
	[sflag:s30] =	ssyncadd.s32 $0xFFFFFB00  }
0xdb: {  	[hbm:s12], [sflag:s6] =	dma.local [spmem:s11], $0x500  }
0xdc: {  	_ =	swait.ge [sflag:s30], $0x500  }
0xdd: {  	[sflag:s30] =	ssyncset.done $0x0  }
0xde: {  	s10 =	sshrl.u32 s21, $0x3;
	s11 =	rddreg [dreg:$0xb];
	[sflag:s30] =	ssyncadd.s32 $0xFFFFFB00  }
0xdf: {  	[hbm:s11], [sflag:s6] =	dma.local [spmem:s10], $0x500  }
0xe0: {  	_ =	swait.ge [sflag:s30], $0x500  }
0xe1: {  	[sflag:s30] =	ssyncset.done $0x0  }
0xe2: {  	s12 =	sshrl.u32 s22, $0x3;
	[sflag:s30] =	ssyncadd.s32 $0xFFFFFB00  }
0xe3: {  	[hbm:s13], [sflag:s6] =	dma.local [spmem:s12], $0x500  }
0xe4: {  	_ =	swait.ge [sflag:s30], $0x500  }
0xe5: {  	s5 =	sadd.s32 $0x1, s5;
	[sflag:s30] =	ssyncset.done $0x0  }
0xe6: {  	p2 =	sne.s32 s5, s15;
	s7 =	sshrl.u32 @!p1 s23, $0x3;
	[sflag:s30] =	ssyncadd.s32 $0xFFFFFB00  }
0xe7: {  	[hbm:s14], [sflag:s6] =	dma.local @!p1 [spmem:s7], $0x500  }
.Ltmp2:
0xe8: {  	_ = 	snop;
	(pc) =	sbr.rel @p2 .LBB2_1-.Ltmp2, $4  }
0xe9: {  	s6 =	simm.s32 @!p1 $0x3  }
0xea: {  	_ =	swait.ge @!p1 [sflag:s6], $0x500  }
0xeb: {  	[sflag:s6] =	ssyncset.done @!p1 $0x0  }
0xec: {  	[sflag:s6] =	ssyncadd.s32 @!p1 $0xFFFFFB00  }
0xed: {  	_ =	sfence.sel $0x180000  }
0xee: {  	[bflag:$0x0] =	sbarrier.arrive $0xFFFF  }
0xef: {  	_ =	strace $0x90000056  }
0xf0: {  	s0 =	stileid.u32;
	[bflag:$0x2] =	sbarrier.arrive $0xFFFF  }
0xf1: {  	p0 =	sne.s32 s0, $0x0;
	s0 =	rddreg [dreg:$0x2]  }
0xf2: {  	s0 =	sadd.s32 @!p0 $0x100000, s0  }
0xf3: {  	[sflag:s0] =	ssyncadd.tile.s32 @!p0 $0x1;
	_ =	shalt  }
.Lfunc_end2:
_tile_overlayer_lowered:
.L_overlay_start_2:
0xf4: {  	(tag) =	ssettag $0x2  }
0xf5: {  	s0 =	rddreg [dreg:$0x0];
	s2 =	stileid.u32  }
0xf6: {  	s1 =	rddreg [dreg:$0x1];
	p0 =	sne.s32 s2, $0x0  }
0xf7: {  	s3 =	rddreg [dreg:$0x2];
	[bflag:$0x3] =	sbarrier.arrive $0xFFFF;
	s2 =	simm.s32 @!p0 $0x1C03  }
0xf8: {  	[timem:s3], [sflag:s2] =	dma.local @!p0 [hbm:s0], s1  }
0xf9: {  	s0 =	simm.s32 @!p0 $0x3  }
0xfa: {  	_ =	swait.ge @!p0 [sflag:s0], s1  }
0xfb: {  	s1 =	ssub.s32 @!p0 $0x0, s1;
	[sflag:s0] =	ssyncset.done @!p0 $0x0  }
0xfc: {  	[sflag:s0] =	ssyncadd.s32 @!p0 s1  }
0xfd: {  	[bflag:$0x3] =	sbarrier.arrive $0xFFFF  }
0xfe: {  	_ =	shalt  }

// kernel: kernel.27.cloned.1.call-start
scs
__scs_entry_jumppad:
0x0: {  	(pc) =	sbr.rel $0x88, $3  }
0x1: {  	(tag) =	ssettag $0x0;
	lr =	simm.s32 $0x1  }
0x2: {  	[smem:$0x3F8E] =	sst lr;
	_ =	strace $0xD0000000  }
0x3: {  	_ = 	snop  }
0x4: {  	_ = 	snop  }
0x5: {  	_ = 	snop  }
0x6: {  	_ = 	snop  }
0x7: {  	_ = 	snop  }
__scs_overlays_trampoline_lowered:
0x8: {  	[smem:$0x3F9D] =	sst s0  }
0x9: {  	[smem:$0x3F9E] =	sst s1  }
0xa: {  	[smem:$0x3F9F] =	sst s2  }
0xb: {  	[smem:$0x3FA0] =	sst s3  }
0xc: {  	[smem:$0x3FA1] =	sst s4  }
0xd: {  	[smem:$0x3FA2] =	sst s5  }
0xe: {  	[smem:$0x3FA3] =	sst s6  }
0xf: {  	[smem:$0x3FA4] =	sst s7  }
0x10: {  	[smem:$0x3FA5] =	sst s8  }
0x11: {  	[smem:$0x3FA6] =	sst s9;
	s0 =	simm.s32 @!p0 $0x0  }
0x12: {  	s1 =	sld [smem:$0x3F8C];
	s0 =	simm.s32 @p0 $0x1  }
0x13: {  	[smem:$0x3FA7] =	sst s0;
	s0 =	simm.s32 @!p1 $0x0  }
0x14: {  	s2 =	sld [smem:$0x3F8B];
	s0 =	simm.s32 @p1 $0x1  }
0x15: {  	[smem:$0x3FA8] =	sst s0;
	s0 =	simm.s32 @!p2 $0x0  }
0x16: {  	s3 =	sld [smem:$0x3FDB];
	s0 =	simm.s32 @p2 $0x1  }
0x17: {  	s4 =	simm.s32 $0x1BF5;
	[smem:$0x3FAA] =	sst s0  }
0x18: {  	s0 =	sld [smem:$0x3F8D];
	_ =	swait.ge [sflag:s4], $0x0  }
0x19: {  	s7 =	sld [smem:$0x3F8E]  }
0x1a: {  	s8 =	sadd.s32 $0xFFFFE003, lr  }
0x1b: {  	s9 =	sadd.s32 $0xFFFFFEF7, lr;
	s5 =	simm.s32 $0xFFFFFFFF;
	p2 =	slt.u32 s8, $0xFFFFF086  }
0x1c: {  	p1 =	slt.u32 s9, $0xF7A;
	s5 =	simm.s32 @!p2 $0x0  }
0x1d: {  	s5 =	simm.s32 @p1 $0x1;
	p0 =	seq.s32 s7, s2  }
0x1e: {  	s7 =	smul.u32 @!p0 $0xF7A, s2;
	p2 =	seq.s32 @!p0 s5, $0x0  }
0x1f: {  	s9 =	smul.u32 $0xF7A, s1;
	s8 =	simm.s32 @!p0 $0x1BF5;
	p2 =	por !p2, p0  }
0x20: {  	[sflag:s8] =	ssyncset.s32 @!p0 $0xFFFFF086;
	s6 =	sadd.s32 @!p0 s3, s7;
	s7 =	simm.s32 @!p0 $0x108  }
0x21: {  	s3 =	sadd.s32 s3, s9;
	s6 =	sadd.s32 @!p0 $0x88, s6;
	s7 =	simm.s32 @p2 $0x1082  }
0x22: {  	[simem:s7], [sflag:s8] =	dma.local @!p0 [hbm:s6], $0xF7A  }
0x23: {  	s9 =	sor.u32 $0xD0000000, s2;
	s6 =	simm.s32 $0x108;
	_ =	swait.ge @!p0 [sflag:s8], $0x0  }
0x24: {  	s3 =	sadd.s32 $0x88, s3;
	s6 =	simm.s32 @!p1 $0x1082;
	[sflag:s4] =	ssyncset.s32 $0xFFFFF086  }
0x25: {  	[simem:s6], [sflag:s4] =	dma.local [hbm:s3], $0xF7A  }
0x26: {  	[smem:$0x3F8E] =	sst s1;
	(tag) =	ssettag s2;
	_ =	strace s9  }
0x27: {  	s1 =	sld [smem:$0x3F9E]  }
0x28: {  	s2 =	sld [smem:$0x3F9F]  }
0x29: {  	s4 =	sld [smem:$0x3FA1]  }
0x2a: {  	p0 =	seq.s32 s5, $0x0;
	s5 =	sld [smem:$0x3FA2]  }
0x2b: {  	s6 =	sld [smem:$0x3FA3]  }
0x2c: {  	s7 =	sld [smem:$0x3FA4]  }
0x2d: {  	s3 =	simm.s32 $0x108;
	s8 =	sld [smem:$0x3FA5]  }
0x2e: {  	s3 =	simm.s32 @!p0 $0x1082;
	s9 =	sld [smem:$0x3FA6]  }
0x2f: {  	lr =	sadd.s32 s0, s3;
	s0 =	sld [smem:$0x3F9D]  }
0x30: {  	s3 =	sld [smem:$0x3FA0]  }
0x31: {  	[smem:$0x3FA9] =	sst s10  }
0x32: {  	s10 =	sld [smem:$0x3FA7];
	_ =	sdelay $0x3  }
0x33: {  	p0 =	seq.s32 s10, $0x1;
	s10 =	sld [smem:$0x3FA9];
	_ =	sdelay $0x3  }
0x34: {  	[smem:$0x3FA9] =	sst s10  }
0x35: {  	s10 =	sld [smem:$0x3FA8];
	_ =	sdelay $0x3  }
0x36: {  	p1 =	seq.s32 s10, $0x1;
	s10 =	sld [smem:$0x3FA9];
	_ =	sdelay $0x3  }
0x37: {  	[smem:$0x3FA9] =	sst s10  }
0x38: {  	s10 =	sld [smem:$0x3FAA]  }
0x39: {  	_ = 	snop;
	(pc) =	sbr.ind lr, $3  }
0x3a: {  	_ = 	snop  }
0x3b: {  	_ = 	snop  }
0x3c: {  	p2 =	seq.s32 s10, $0x1;
	s10 =	sld [smem:$0x3FA9]  }
0x3d: {  	_ =	shalt  }
0x3e: {  	_ =	shalt  }
0x3f: {  	_ =	shalt  }
0x40: {  	_ =	shalt  }
0x41: {  	_ =	shalt  }
0x42: {  	_ =	shalt  }
0x43: {  	_ =	shalt  }
0x44: {  	_ =	shalt  }
0x45: {  	_ =	shalt  }
0x46: {  	_ =	shalt  }
0x47: {  	_ =	shalt  }
0x48: {  	_ =	shalt  }
0x49: {  	_ =	shalt  }
0x4a: {  	_ =	shalt  }
0x4b: {  	_ =	shalt  }
0x4c: {  	_ =	shalt  }
0x4d: {  	_ =	shalt  }
0x4e: {  	_ =	shalt  }
0x4f: {  	_ =	shalt  }
0x50: {  	_ =	shalt  }
0x51: {  	_ =	shalt  }
0x52: {  	_ =	shalt  }
0x53: {  	_ =	shalt  }
0x54: {  	_ =	shalt  }
0x55: {  	_ =	shalt  }
0x56: {  	_ =	shalt  }
0x57: {  	_ =	shalt  }
0x58: {  	_ =	shalt  }
0x59: {  	_ =	shalt  }
0x5a: {  	_ =	shalt  }
0x5b: {  	_ =	shalt  }
0x5c: {  	_ =	shalt  }
0x5d: {  	_ =	shalt  }
0x5e: {  	_ =	shalt  }
0x5f: {  	_ =	shalt  }
0x60: {  	_ =	shalt  }
0x61: {  	_ =	shalt  }
0x62: {  	_ =	shalt  }
0x63: {  	_ =	shalt  }
0x64: {  	_ =	shalt  }
0x65: {  	_ =	shalt  }
0x66: {  	_ =	shalt  }
0x67: {  	_ =	shalt  }
0x68: {  	_ =	shalt  }
0x69: {  	_ =	shalt  }
0x6a: {  	_ =	shalt  }
0x6b: {  	_ =	shalt  }
0x6c: {  	_ =	shalt  }
0x6d: {  	_ =	shalt  }
0x6e: {  	_ =	shalt  }
0x6f: {  	_ =	shalt  }
0x70: {  	_ =	shalt  }
0x71: {  	_ =	shalt  }
0x72: {  	_ =	shalt  }
0x73: {  	_ =	shalt  }
0x74: {  	_ =	shalt  }
0x75: {  	_ =	shalt  }
0x76: {  	_ =	shalt  }
0x77: {  	_ =	shalt  }
0x78: {  	_ =	shalt  }
0x79: {  	_ =	shalt  }
0x7a: {  	_ =	shalt  }
0x7b: {  	_ =	shalt  }
0x7c: {  	_ =	shalt  }
0x7d: {  	_ =	shalt  }
0x7e: {  	_ =	shalt  }
0x7f: {  	_ =	shalt  }
0x80: {  	_ =	shalt  }
0x81: {  	_ =	shalt  }
0x82: {  	_ =	shalt  }
0x83: {  	_ =	shalt  }
0x84: {  	_ =	shalt  }
0x85: {  	_ =	shalt  }
0x86: {  	_ =	shalt  }
0x87: {  	_ =	shalt  }
.Lfunc_end0:
.L_simem_size_0:
called_computation.4_lowered:
.L_overlay_start_0:
0x88: {  	s2 =	sld [smem:$0x3FD9]  }
0x89: {  	s3 =	sld [smem:$0x3FFE];
	_ =	sdelay $0x1  }
0x8a: {  	s1 =	srdreg.scid  }
0x8b: {  	s0 =	sand.u32 $0x1, s1  }
0x8c: {  	s17 =	sshll.u32 s0, $0xA;
	s2 =	sadd.s32 s3, s2  }
0x8d: {  	s2 =	sadd.s32 s2, s17  }
0x8e: {  	[smem:$0x3FB5] =	sst s2  }
0x8f: {  	_ = 	snop  }
0x90: {  	(tm) =	ssettm $0x1  }
0x91: {  	s18 =	sld [smem:$0x3FFB];
	_ =	sdelay $0x3  }
0x92: {  	_ =	strace s18  }
0x93: {  	s2 =	sld [smem:$0x3FFC];
	_ =	sdelay $0x3  }
0x94: {  	_ =	strace s2  }
0x95: {  	s2 =	sld [smem:$0x3FFD];
	_ =	sdelay $0x3  }
0x96: {  	_ =	strace s2  }
0x97: {  	_ =	strace $0x8FFFFFFF  }
0x98: {  	s19 =	sld [smem:$0x3FDB];
	_ =	sdelay $0x1  }
0x99: {  	s20 =	simm.s32 $_scs_section_size  }
0x9a: {  	s4 =	simm.s32 $_size__tile_overlayer_lowered;
	s5 =	simm.s32 $_tile_overlayer_lowered  }
0x9b: {  	s6 =	simm.s32 $0x1BFF;
	s21 =	sshll.u32 s5, $0x1;
	s3 =	sadd.s32 s20, s19  }
0x9c: {  	s22 =	simm.s32 $0x0;
	s4 =	sshll.u32 s4, $0x1;
	s5 =	sadd.s32 s21, s3  }
0x9d: {  	[timem:s22], [sflag:s6] =	dma.local [hbm:s5], s4  }
0x9e: {  	_ =	swait.ge [sflag:s6], s4  }
0x9f: {  	s4 =	ssub.s32 $0x0, s4;
	[sflag:s6] =	ssyncset.done $0x0  }
0xa0: {  	[sflag:s6] =	ssyncadd.s32 s4;
	_ =	sdelay $0x1  }
0xa1: {  	s23 =	simm.s32 $0x1B8B  }
0xa2: {  	_ =	swait.ge [sflag:s23], $0x1  }
0xa3: {  	[sflag:s23] =	ssyncset.done $0x0  }
0xa4: {  	[sflag:s23] =	ssyncadd.s32 $0xFFFFFFFF  }
0xa5: {  	s4 =	sld [smem:$0x0]  }
0xa6: {  	s5 =	sand.u32 $0xFFFFFFFE, s1  }
0xa7: {  	p0 =	sne.s32 s1, s5  }
0xa8: {  	s5 =	sshll.u32 @p0 s5, $0xE  }
0xa9: {  	s5 =	sadd.s32 @p0 $0x11B8D, s5;
	s6 =	sshll.u32 @p0 s4, $0x11  }
0xaa: {  	s5 =	sor.u32 @p0 s6, s5  }
0xab: {  	[sflag:s5] =	ssyncadd.remote.s32 @p0 $0x1;
	_ =	sdelay $0x1  }
0xac: {  	s5 =	simm.s32 @p0 $0x1B8D  }
0xad: {  	_ =	swait.eq @p0 [sflag:s5], $0x1  }
0xae: {  	[sflag:s5] =	ssyncadd.s32 @p0 $0xFFFFFFFF  }
0xaf: {  	s6 =	sshll.u32 @!p0 s1, $0xE  }
0xb0: {  	s6 =	sor.u32 @!p0 $0x4000, s6;
	s5 =	simm.s32 @!p0 $0x1B8D  }
0xb1: {  	s4 =	sshll.u32 @!p0 s4, $0x11;
	s6 =	sadd.s32 @!p0 $0x11B8D, s6;
	_ =	swait.eq @!p0 [sflag:s5], $0x1  }
0xb2: {  	s4 =	sor.u32 @!p0 s4, s6;
	[sflag:s5] =	ssyncadd.s32 @!p0 $0xFFFFFFFF  }
0xb3: {  	s25 =	simm.s32 $0x1B8E;
	s24 =	sld [smem:$0x3FFE];
	[sflag:s4] =	ssyncadd.remote.s32 @!p0 $0x1  }
0xb4: {  	s26 =	simm.s32 $execute0_lowered;
	[smem:$0x3FD2] =	sst s25  }
0xb5: {  	s5 =	sshll.u32 s26, $0x1;
	_ =	strace $0x8000004C;
	[dreg:$0x1] =	wrdreg $0xFFFFFFFF  }
0xb6: {  	s28 =	simm.s32 $_size_execute0_lowered;
	s3 =	sadd.s32 s3, s5;
	[dreg:$0x0] =	wrdreg $0x0  }
0xb7: {  	s5 =	sshll.u32 s28, $0x1;
	[dreg:$0x2] =	wrdreg s3  }
0xb8: {  	[dreg:$0x3] =	wrdreg s5  }
0xb9: {  	[dreg:$0x4] =	wrdreg $0xC0  }
0xba: {  	_ =	task [dreg:s22], $0x5FFFF  }
0xbb: {  	[dreg:$0x1] =	wrdreg $0xFFFFFFFF  }
0xbc: {  	[dreg:$0x0] =	wrdreg $0x60  }
0xbd: {  	[dreg:$0x2] =	wrdreg s24  }
0xbe: {  	[dreg:$0x3] =	wrdreg $0x81000  }
0xbf: {  	[dreg:$0x4] =	wrdreg $0xC  }
0xc0: {  	_ =	task.clear_ibuf [dreg:s22], $0x5FFFF;
	_ =	strace $0x9000004C  }
0xc1: {  	s29 =	simm.s32 $0xC;
	_ =	strace $0x8000004E  }
0xc2: {  	_ =	swait.ge [sflag:s29], $0x1  }
0xc3: {  	[sflag:s29] =	ssyncadd.s32 $0xFFFFFFFF  }
0xc4: {  	_ =	strace $0x9000004E  }
0xc5: {  	_ =	sfence  }
0xc6: {  	s30 =	sld [smem:$0x0];
	_ =	sdelay $0x2  }
0xc7: {  	s31 =	sshll.u32 s1, $0xD;
	s1 =	sshrl.u32 s1, $0x2  }
0xc8: {  	s4 =	sand.u32 $0x4000, s31;
	s1 =	sadd.s32 s1, s30  }
0xc9: {  	s0 =	sor.u32 s4, s0;
	s1 =	sshll.u32 s1, $0x11  }
0xca: {  	s0 =	sor.u32 s1, s0  }
0xcb: {  	s0 =	sadd.s32 $0x8F2B, s0  }
0xcc: {  	[sflag:s0] =	ssyncadd.remote.s32 $0x1  }
0xcd: {  	_ =	sfence.sel $0xFFFF  }
0xce: {  	[dreg:$0x0] =	wrdreg $0xFFFFFFFF;
	(pc) =	sbr.abs _section_cstart, $3  }
0xcf: {  	[dreg:$0x1] =	wrdreg $0xFFFFFFFF  }
0xd0: {  	_ =	task.clear_ibuf [dreg:s22], $0x2FFFF;
	_ =	strace $0x9FFFFFFF  }
0xd1: {  	(tm) =	ssettm $0x7FFFFFFF  }
tec
execute0_lowered:
.L_overlay_start_1:
0x0: {  	(tag) =	ssettag $0x1  }
0x1: {  	s0 =	rddreg [dreg:$0x0]  }
0x2: {  	s1 =	rddreg [dreg:$0x1];
	s2 =	simm.s32 $0x0;
	s3 =	srdreg.scid  }
0x3: {  	s23 =	stileid.u32;
	s28 =	simm.s32 $0x80;
	s29 =	simm.s32 $0x3  }
0x4: {  	s30 =	simm.s32 $0x4080;
	s31 =	simm.s32 $0x4100;
	[smem:$0x7FF] =	sst s2  }
0x5: {  	s3 =	sand.u32 $0x1, s3;
	s4 =	sadd.s32 $0xB4D400, s0;
	s5 =	sshll.u32 s23, $0x5  }
0x6: {  	s8 =	sshll.u32 s23, $0x1;
	s16 =	sor.u32 $0x10, s23;
	s24 =	sor.u32 $0x20, s23  }
0x7: {  	s10 =	sor.u32 $0xF0, s23;
	s17 =	sor.u32 $0x30, s23;
	s12 =	smul.u32 $0x500, s23  }
0x8: {  	s18 =	sor.u32 $0x40, s23;
	s21 =	sor.u32 $0x50, s23;
	s6 =	smul.u32 $0x27100, s3  }
0x9: {  	s22 =	sor.u32 $0x60, s23;
	s5 =	sadd.s32 s5, s0;
	s19 =	smul.u32 $0xA000, s16  }
0xa: {  	s7 =	ssub.s32 $0x2, s3;
	s8 =	sor.u32 s3, s8;
	s20 =	smul.u32 $0xA000, s24  }
0xb: {  	s11 =	sshll.u32 s10, $0x1;
	s26 =	smul.u32 $0x500, s24;
	p0 =	sgt.u32 s10, $0xF9  }
0xc: {  	s9 =	sshrl.u32 s7, $0x1;
	s14 =	sshll.u32 s8, $0x4;
	s15 =	sshll.u32 s8, $0xB  }
0xd: {  	s11 =	sor.u32 s3, s11;
	s8 =	smul.u32 $0xA000, s17;
	s6 =	sadd.s32 s6, s0  }
0xe: {  	s9 =	ssub.s32 s7, s9;
	s0 =	sadd.s32 $0x14BC0, s0;
	s13 =	sshll.u32 s11, $0x4  }
0xf: {  	s25 =	sshll.u32 s11, $0xB;
	s10 =	sshrl.u32 s19, $0x2;
	s11 =	smul.u32 $0xA000, s21  }
0x10: {  	s7 =	sadd.s32 s14, s0;
	s6 =	sadd.s32 $0xC47400, s6;
	s14 =	smul.u32 $0x500, s16  }
0x11: {  	s0 =	sadd.s32 s13, s0;
	s13 =	smul.u32 $0x500, s18;
	s16 =	sshll.u32 s3, $0xB  }
0x12: {  	s3 =	sshll.u32 s3, $0x4;
	s19 =	sadd.s32 s10, s1;
	[dreg:$0x3] =	wrdreg s7  }
0x13: {  	s7 =	sadd.s32 s4, s15;
	[dreg:$0x5] =	wrdreg s0;
	s0 =	sadd.s32 s4, s25  }
0x14: {  	s15 =	sshll.u32 s23, $0xC;
	s3 =	sadd.s32 s3, s5;
	s5 =	smul.u32 $0x500, s22  }
0x15: {  	s24 =	sadd.s32 s12, s6;
	s26 =	sadd.s32 s26, s6;
	[dreg:$0x4] =	wrdreg s7  }
0x16: {  	[dreg:$0x6] =	wrdreg s0;
	s0 =	smul.u32 $0x500, s17;
	s4 =	sadd.s32 s15, s4  }
0x17: {  	s15 =	smul.u32 $0x500, s21;
	[dreg:$0x7] =	wrdreg s24;
	s25 =	sadd.s32 s14, s6  }
0x18: {  	[dreg:$0x9] =	wrdreg s26;
	s17 =	smax.u32 s9, $0x1;
	s9 =	smul.u32 $0xA000, s18  }
0x19: {  	s13 =	sadd.s32 s13, s6;
	s24 =	smul.u32 $0xA000, s22;
	s7 =	sadd.s32 s16, s4  }
0x1a: {  	s4 =	sor.u32 $0x70, s23;
	[dreg:$0x8] =	wrdreg s25;
	s25 =	sshrl.u32 s11, $0x2  }
0x1b: {  	s16 =	smul.u32 $0x500, s4;
	p1 =	sgt.u32 s4, $0x7C;
	s12 =	sadd.s32 s0, s6  }
0x1c: {  	s14 =	sadd.s32 s15, s6;
	s15 =	sadd.s32 s5, s6;
	s5 =	smul.u32 $0xA000, s23  }
0x1d: {  	_ =	strace $0x8000004D;
	s23 =	sshrl.u32 s20, $0x2;
	s4 =	smul.u32 $0xA000, s4  }
0x1e: {  	s26 =	sshrl.u32 s24, $0x2;
	s20 =	sadd.s32 s23, s1;
	s23 =	sadd.s32 s25, s1  }
0x1f: {  	s24 =	sadd.s32 s26, s1;
	s26 =	sadd.s32 $0x14DC0, s3;
	s3 =	simm.s32 $0x2  }
0x20: {  	s16 =	sadd.s32 @!p1 s16, s6;
	s0 =	sshrl.u32 s5, $0x2;
	s5 =	sshrl.u32 s8, $0x2  }
0x21: {  	s6 =	sshrl.u32 s9, $0x2;
	s4 =	sshrl.u32 s4, $0x2;
	s9 =	simm.s32 $0x1  }
0x22: {  	s18 =	sadd.s32 s0, s1;
	s21 =	sadd.s32 s5, s1;
	s22 =	sadd.s32 s6, s1  }
0x23: {  	v0 =	vimm.f32 $0.0e+00;
	s25 =	sadd.s32 s4, s1;
	s0 =	simm.s32 $0x4;
	s4 =	simm.s32 $0x0  }
.LBB2_1:
0x24: {  	s5 =	simm.s32 $0x0;
	s6 =	simm.s32 $0x200  }
.LBB2_2:
0x25: {  	p2 =	sne.s32 s6, $0x9E00;
	[tilespmem:s5+$0xF0] =	vst v0  }
0x26: {  	[tilespmem:s5+$0x80] =	vst v0  }
0x27: {  	[tilespmem:s5+$0x90] =	vst v0  }
.Ltmp0:
0x28: {  	[tilespmem:s5+$0xA0] =	vst v0;
	(pc) =	sbr.rel @p2 .LBB2_2-.Ltmp0, $4  }
0x29: {  	[tilespmem:s5+$0xB0] =	vst v0  }
0x2a: {  	[tilespmem:s5+$0xC0] =	vst v0  }
0x2b: {  	[tilespmem:s5+$0xD0] =	vst v0  }
0x2c: {  	[tilespmem:s5+$0xE0] =	vst v0;
	s5 =	sshra.s32 s6, $0x2;
	s6 =	sadd.s32 $0x200, s6  }
0x2d: {  	[tilespmem:s5+$0xF0] =	vst v0  }
0x2e: {  	[tilespmem:s5+$0x80] =	vst v0  }
0x2f: {  	[tilespmem:s5+$0x90] =	vst v0  }
0x30: {  	[tilespmem:s5+$0xA0] =	vst v0  }
0x31: {  	[tilespmem:s5+$0xB0] =	vst v0  }
0x32: {  	[tilespmem:s5+$0xC0] =	vst v0  }
0x33: {  	[tilespmem:s5+$0xD0] =	vst v0  }
0x34: {  	[tilespmem:s5+$0xE0] =	vst v0  }
0x35: {  	[spmem:s18] =	stream.linear.scatter [tilespmem:s28], [sflag:$0x3], $0x2800, $0x38;
	[tilespmem:$0x1B980] =	vst v63  }
0x36: {  	_ =	swait.ge [sflag:s29], $0x2800  }
0x37: {  	[sflag:s29] =	ssyncset.done $0x0  }
0x38: {  	[sflag:s29] =	ssyncadd.s32 $0xFFFFD800  }
0x39: {  	[spmem:s19] =	stream.linear.scatter [tilespmem:s28], [sflag:$0x3], $0x2800, $0x38;
	[tilespmem:$0x1B980] =	vst v63  }
0x3a: {  	_ =	swait.ge [sflag:s29], $0x2800  }
0x3b: {  	[sflag:s29] =	ssyncset.done $0x0  }
0x3c: {  	[sflag:s29] =	ssyncadd.s32 $0xFFFFD800  }
0x3d: {  	[spmem:s20] =	stream.linear.scatter [tilespmem:s28], [sflag:$0x3], $0x2800, $0x38;
	[tilespmem:$0x1B980] =	vst v63  }
0x3e: {  	_ =	swait.ge [sflag:s29], $0x2800  }
0x3f: {  	[sflag:s29] =	ssyncset.done $0x0  }
0x40: {  	[sflag:s29] =	ssyncadd.s32 $0xFFFFD800  }
0x41: {  	[spmem:s21] =	stream.linear.scatter [tilespmem:s28], [sflag:$0x3], $0x2800, $0x38;
	[tilespmem:$0x1B980] =	vst v63  }
0x42: {  	_ =	swait.ge [sflag:s29], $0x2800  }
0x43: {  	[sflag:s29] =	ssyncset.done $0x0  }
0x44: {  	[sflag:s29] =	ssyncadd.s32 $0xFFFFD800  }
0x45: {  	[spmem:s22] =	stream.linear.scatter [tilespmem:s28], [sflag:$0x3], $0x2800, $0x38;
	[tilespmem:$0x1B980] =	vst v63  }
0x46: {  	_ =	swait.ge [sflag:s29], $0x2800  }
0x47: {  	[sflag:s29] =	ssyncset.done $0x0  }
0x48: {  	[sflag:s29] =	ssyncadd.s32 $0xFFFFD800  }
0x49: {  	[spmem:s23] =	stream.linear.scatter [tilespmem:s28], [sflag:$0x3], $0x2800, $0x38;
	[tilespmem:$0x1B980] =	vst v63  }
0x4a: {  	_ =	swait.ge [sflag:s29], $0x2800  }
0x4b: {  	[sflag:s29] =	ssyncset.done $0x0  }
0x4c: {  	[sflag:s29] =	ssyncadd.s32 $0xFFFFD800  }
0x4d: {  	[spmem:s24] =	stream.linear.scatter [tilespmem:s28], [sflag:$0x3], $0x2800, $0x38;
	[tilespmem:$0x1B980] =	vst v63  }
0x4e: {  	_ =	swait.ge [sflag:s29], $0x2800  }
0x4f: {  	[sflag:s29] =	ssyncset.done $0x0  }
0x50: {  	s5 =	simm.s32 @!p1 $0x80;
	[sflag:s29] =	ssyncadd.s32 $0xFFFFD800  }
0x51: {  	[spmem:s25] =	stream.linear.scatter @!p1 [tilespmem:s5], [sflag:$0x3], $0x2800, $0x38;
	[tilespmem:$0x1B980] =	vst v63  }
0x52: {  	s5 =	simm.s32 @!p1 $0x3  }
0x53: {  	_ =	swait.ge @!p1 [sflag:s5], $0x2800  }
0x54: {  	[sflag:s5] =	ssyncset.done @!p1 $0x0  }
0x55: {  	[sflag:s5] =	ssyncadd.s32 @!p1 $0xFFFFD800  }
0x56: {  	[bflag:$0x0] =	sbarrier.arrive $0xFFFF  }
0x57: {  	s10 =	simm.s32 $0x0;
	s6 =	rddreg [dreg:$0x3]  }
0x58: {  	[tilespmem:s10], [sflag:$0x1] =	stream.linear.gather [hbm4b:s6+s10], $0x80, $0x38;
	[tilespmem:$0x1B980] =	vst v63  }
0x59: {  	s11 =	rddreg [dreg:$0x4]  }
0x5a: {  	[tilespmem:s28], [sflag:$0x1] =	stream.linear.gather [hbm4b:s11+s10], $0x4000, $0x38;
	[tilespmem:$0x1B980] =	vst v63  }
0x5b: {  	s8 =	sadd.s32 $0x0, s7  }
0x5c: {  	[tilespmem:s30], [sflag:$0x2] =	stream.linear.gather [hbm4b:s26+s2], $0x80, $0x38;
	[tilespmem:$0x1B980] =	vst v63  }
0x5d: {  	s10 =	sadd.s32 $0x10000, s8  }
0x5e: {  	[tilespmem:s31], [sflag:$0x2] =	stream.linear.gather [hbm4b:s10+s2], $0x4000, $0x38;
	[tilespmem:$0x1B980] =	vst v63  }
0x5f: {  	_ =	swait.ge [sflag:s9], $0x80  }
0x60: {  	[sflag:s9] =	ssyncset.done $0x0  }
0x61: {  	[sflag:s9] =	ssyncadd.s32 $0xFFFFFF80  }
0x62: {  	_ =	swait.ge [sflag:s9], $0x4000  }
0x63: {  	[sflag:s9] =	ssyncset.done $0x0  }
0x64: {  	[sflag:s9] =	ssyncadd.s32 $0xFFFFC000  }
0x65: {  	[spmem:s1] =	stream.indirect.scatter.add.f32 [tilespmem:s28], [sflag:$0x4], $0x80, s2, s28, $0xb8;
	[tilespmem:$0x1B980] =	vst v63  }
0x66: {  	_ =	swait.ge [sflag:s0], $0x4000  }
0x67: {  	[sflag:s0] =	ssyncset.done $0x0  }
0x68: {  	s11 =	sadd.s32 $0x200, s26;
	[sflag:s0] =	ssyncadd.s32 $0xFFFFC000  }
0x69: {  	[tilespmem:s2], [sflag:$0x1] =	stream.linear.gather [hbm4b:s11+s2], $0x80, $0x38;
	[tilespmem:$0x1B980] =	vst v63  }
0x6a: {  	s5 =	sadd.s32 $0x20000, s8  }
0x6b: {  	[tilespmem:s28], [sflag:$0x1] =	stream.linear.gather [hbm4b:s5+s2], $0x4000, $0x38;
	[tilespmem:$0x1B980] =	vst v63  }
0x6c: {  	_ =	swait.ge [sflag:s3], $0x80  }
0x6d: {  	[sflag:s3] =	ssyncset.done $0x0  }
0x6e: {  	[sflag:s3] =	ssyncadd.s32 $0xFFFFFF80  }
0x6f: {  	_ =	swait.ge [sflag:s3], $0x4000  }
0x70: {  	[sflag:s3] =	ssyncset.done $0x0  }
0x71: {  	[sflag:s3] =	ssyncadd.s32 $0xFFFFC000  }
0x72: {  	[spmem:s1] =	stream.indirect.scatter.add.f32 [tilespmem:s31], [sflag:$0x3], $0x80, s30, s28, $0xb8;
	[tilespmem:$0x1B980] =	vst v63  }
0x73: {  	_ =	swait.ge [sflag:s29], $0x4000  }
0x74: {  	s6 =	simm.s32 $0x20000;
	s5 =	sadd.s32 $0x400, s26;
	[sflag:s29] =	ssyncset.done $0x0  }
.LBB2_4:
0x75: {  	s10 =	smov.u32 s6  }
0x76: {  	s8 =	sadd.s32 s6, s7;
	[sflag:s29] =	ssyncadd.s32 $0xFFFFC000;
	s10 =	sadd.s32 $0x20000, s6  }
0x77: {  	[tilespmem:s30], [sflag:$0x2] =	stream.linear.gather [hbm4b:s5+s2], $0x80, $0x38;
	[tilespmem:$0x1B980] =	vst v63  }
0x78: {  	p2 =	sne.s32 s6, $0xC0000;
	s11 =	sadd.s32 $0x10000, s8  }
0x79: {  	[tilespmem:s31], [sflag:$0x2] =	stream.linear.gather [hbm4b:s11+s2], $0x4000, $0x38;
	[tilespmem:$0x1B980] =	vst v63  }
0x7a: {  	_ =	swait.ge [sflag:s9], $0x80  }
0x7b: {  	[sflag:s9] =	ssyncset.done $0x0  }
0x7c: {  	[sflag:s9] =	ssyncadd.s32 $0xFFFFFF80  }
0x7d: {  	_ =	swait.ge [sflag:s9], $0x4000  }
0x7e: {  	[sflag:s9] =	ssyncset.done $0x0  }
0x7f: {  	[sflag:s9] =	ssyncadd.s32 $0xFFFFC000  }
0x80: {  	[spmem:s1] =	stream.indirect.scatter.add.f32 [tilespmem:s28], [sflag:$0x4], $0x80, s2, s28, $0xb8;
	[tilespmem:$0x1B980] =	vst v63  }
0x81: {  	_ =	swait.ge [sflag:s0], $0x4000  }
0x82: {  	[sflag:s0] =	ssyncset.done $0x0  }
0x83: {  	s6 =	sadd.s32 $0x200, s5;
	[sflag:s0] =	ssyncadd.s32 $0xFFFFC000  }
0x84: {  	[tilespmem:s2], [sflag:$0x1] =	stream.linear.gather [hbm4b:s6+s2], $0x80, $0x38;
	[tilespmem:$0x1B980] =	vst v63  }
0x85: {  	s6 =	sadd.s32 $0x20000, s8  }
0x86: {  	[tilespmem:s28], [sflag:$0x1] =	stream.linear.gather [hbm4b:s6+s2], $0x4000, $0x38;
	[tilespmem:$0x1B980] =	vst v63  }
0x87: {  	_ =	swait.ge [sflag:s3], $0x80  }
0x88: {  	[sflag:s3] =	ssyncset.done $0x0  }
0x89: {  	[sflag:s3] =	ssyncadd.s32 $0xFFFFFF80  }
0x8a: {  	_ =	swait.ge [sflag:s3], $0x4000  }
.Ltmp1:
0x8b: {  	[sflag:s3] =	ssyncset.done $0x0;
	(pc) =	sbr.rel @p2 .LBB2_4-.Ltmp1, $4  }
0x8c: {  	[sflag:s3] =	ssyncadd.s32 $0xFFFFC000  }
0x8d: {  	[spmem:s1] =	stream.indirect.scatter.add.f32 [tilespmem:s31], [sflag:$0x3], $0x80, s30, s28, $0xb8;
	[tilespmem:$0x1B980] =	vst v63  }
0x8e: {  	_ =	swait.ge [sflag:s29], $0x4000  }
0x8f: {  	s5 =	sadd.s32 $0x400, s5;
	s6 =	smov.u32 s10;
	[sflag:s29] =	ssyncset.done $0x0  }
0x90: {  	[sflag:s29] =	ssyncadd.s32 $0xFFFFC000  }
0x91: {  	s5 =	simm.s32 @!p0 $0x0;
	s6 =	simm.s32 @!p0 $0x4080;
	s8 =	rddreg [dreg:$0x5]  }
0x92: {  	[tilespmem:s6], [sflag:$0x2] =	stream.linear.gather @!p0 [hbm4b:s8+s5], $0x80, $0x38;
	[tilespmem:$0x1B980] =	vst v63  }
0x93: {  	s10 =	rddreg [dreg:$0x6];
	s8 =	simm.s32 @!p0 $0x4100  }
0x94: {  	[tilespmem:s8], [sflag:$0x2] =	stream.linear.gather @!p0 [hbm4b:s10+s5], $0x4000, $0x38;
	[tilespmem:$0x1B980] =	vst v63  }
0x95: {  	_ =	swait.ge [sflag:s9], $0x80  }
0x96: {  	[sflag:s9] =	ssyncset.done $0x0  }
0x97: {  	[sflag:s9] =	ssyncadd.s32 $0xFFFFFF80  }
0x98: {  	_ =	swait.ge [sflag:s9], $0x4000  }
0x99: {  	[sflag:s9] =	ssyncset.done $0x0  }
0x9a: {  	[sflag:s9] =	ssyncadd.s32 $0xFFFFC000  }
0x9b: {  	[spmem:s1] =	stream.indirect.scatter.add.f32 [tilespmem:s28], [sflag:$0x4], $0x80, s2, s28, $0xb8;
	[tilespmem:$0x1B980] =	vst v63  }
0x9c: {  	_ =	swait.ge [sflag:s0], $0x4000  }
0x9d: {  	[sflag:s0] =	ssyncset.done $0x0  }
0x9e: {  	s5 =	simm.s32 @!p0 $0x2;
	[sflag:s0] =	ssyncadd.s32 $0xFFFFC000  }
0x9f: {  	_ =	swait.ge @!p0 [sflag:s5], $0x80  }
0xa0: {  	[sflag:s5] =	ssyncset.done @!p0 $0x0  }
0xa1: {  	[sflag:s5] =	ssyncadd.s32 @!p0 $0xFFFFFF80  }
0xa2: {  	_ =	swait.ge @!p0 [sflag:s5], $0x4000  }
0xa3: {  	[sflag:s5] =	ssyncset.done @!p0 $0x0  }
0xa4: {  	[sflag:s5] =	ssyncadd.s32 @!p0 $0xFFFFC000;
	s5 =	simm.s32 @!p0 $0x80  }
0xa5: {  	[spmem:s1] =	stream.indirect.scatter.add.f32 @!p0 [tilespmem:s8], [sflag:$0x3], $0x80, s6, s5, $0xb8;
	[tilespmem:$0x1B980] =	vst v63  }
0xa6: {  	s5 =	simm.s32 @!p0 $0x3  }
0xa7: {  	_ =	swait.ge @!p0 [sflag:s5], $0x4000  }
0xa8: {  	[sflag:s5] =	ssyncset.done @!p0 $0x0  }
0xa9: {  	s8 =	stileid.u32;
	[sflag:s5] =	ssyncadd.s32 @!p0 $0xFFFFC000  }
0xaa: {  	s5 =	sshll.u32 s8, $0x6;
	[bflag:$0x0] =	sbarrier.arrive $0xFFFF  }
0xab: {  	s10 =	sshrl.u32 s18, $0x3;
	s5 =	sor.u32 $0x1C03, s5;
	s11 =	rddreg [dreg:$0x7]  }
0xac: {  	[hbm:s11], [sflag:s5] =	dma.local [spmem:s10], $0x500  }
0xad: {  	_ =	swait.ge [sflag:s29], $0x500  }
0xae: {  	[sflag:s29] =	ssyncset.done $0x0  }
0xaf: {  	s10 =	sshrl.u32 s19, $0x3;
	s11 =	rddreg [dreg:$0x8];
	[sflag:s29] =	ssyncadd.s32 $0xFFFFFB00  }
0xb0: {  	[hbm:s11], [sflag:s5] =	dma.local [spmem:s10], $0x500  }
0xb1: {  	_ =	swait.ge [sflag:s29], $0x500  }
0xb2: {  	[sflag:s29] =	ssyncset.done $0x0  }
0xb3: {  	s8 =	sshrl.u32 s20, $0x3;
	s10 =	rddreg [dreg:$0x9];
	[sflag:s29] =	ssyncadd.s32 $0xFFFFFB00  }
0xb4: {  	[hbm:s10], [sflag:s5] =	dma.local [spmem:s8], $0x500  }
0xb5: {  	_ =	swait.ge [sflag:s29], $0x500  }
0xb6: {  	[sflag:s29] =	ssyncset.done $0x0  }
0xb7: {  	s11 =	sshrl.u32 s21, $0x3;
	[sflag:s29] =	ssyncadd.s32 $0xFFFFFB00  }
0xb8: {  	[hbm:s12], [sflag:s5] =	dma.local [spmem:s11], $0x500  }
0xb9: {  	_ =	swait.ge [sflag:s29], $0x500  }
0xba: {  	[sflag:s29] =	ssyncset.done $0x0  }
0xbb: {  	s8 =	sshrl.u32 s22, $0x3;
	[sflag:s29] =	ssyncadd.s32 $0xFFFFFB00  }
0xbc: {  	[hbm:s13], [sflag:s5] =	dma.local [spmem:s8], $0x500  }
0xbd: {  	_ =	swait.ge [sflag:s29], $0x500  }
0xbe: {  	[sflag:s29] =	ssyncset.done $0x0  }
0xbf: {  	s10 =	sshrl.u32 s23, $0x3;
	[sflag:s29] =	ssyncadd.s32 $0xFFFFFB00  }
0xc0: {  	[hbm:s14], [sflag:s5] =	dma.local [spmem:s10], $0x500  }
0xc1: {  	_ =	swait.ge [sflag:s29], $0x500  }
0xc2: {  	[sflag:s29] =	ssyncset.done $0x0  }
0xc3: {  	s11 =	sshrl.u32 s24, $0x3;
	[sflag:s29] =	ssyncadd.s32 $0xFFFFFB00  }
0xc4: {  	[hbm:s15], [sflag:s5] =	dma.local [spmem:s11], $0x500  }
0xc5: {  	_ =	swait.ge [sflag:s29], $0x500  }
0xc6: {  	s4 =	sadd.s32 $0x1, s4;
	[sflag:s29] =	ssyncset.done $0x0  }
0xc7: {  	p2 =	sne.s32 s4, s17;
	s6 =	sshrl.u32 @!p1 s25, $0x3;
	[sflag:s29] =	ssyncadd.s32 $0xFFFFFB00  }
0xc8: {  	[hbm:s16], [sflag:s5] =	dma.local @!p1 [spmem:s6], $0x500  }
.Ltmp2:
0xc9: {  	_ = 	snop;
	(pc) =	sbr.rel @p2 .LBB2_1-.Ltmp2, $4  }
0xca: {  	s5 =	simm.s32 @!p1 $0x3  }
0xcb: {  	_ =	swait.ge @!p1 [sflag:s5], $0x500  }
0xcc: {  	[sflag:s5] =	ssyncset.done @!p1 $0x0  }
0xcd: {  	[sflag:s5] =	ssyncadd.s32 @!p1 $0xFFFFFB00  }
0xce: {  	_ =	sfence.sel $0x180000  }
0xcf: {  	[bflag:$0x0] =	sbarrier.arrive $0xFFFF  }
0xd0: {  	_ =	strace $0x9000004D  }
0xd1: {  	s0 =	stileid.u32;
	[bflag:$0x2] =	sbarrier.arrive $0xFFFF  }
0xd2: {  	p0 =	sne.s32 s0, $0x0;
	s0 =	rddreg [dreg:$0x2]  }
0xd3: {  	s0 =	sadd.s32 @!p0 $0x100000, s0  }
0xd4: {  	[sflag:s0] =	ssyncadd.tile.s32 @!p0 $0x1;
	_ =	shalt  }
.Lfunc_end2:
_tile_overlayer_lowered:
.L_overlay_start_2:
0xd5: {  	(tag) =	ssettag $0x2  }
0xd6: {  	s0 =	rddreg [dreg:$0x0];
	s2 =	stileid.u32  }
0xd7: {  	s1 =	rddreg [dreg:$0x1];
	p0 =	sne.s32 s2, $0x0  }
0xd8: {  	s3 =	rddreg [dreg:$0x2];
	[bflag:$0x3] =	sbarrier.arrive $0xFFFF;
	s2 =	simm.s32 @!p0 $0x1C03  }
0xd9: {  	[timem:s3], [sflag:s2] =	dma.local @!p0 [hbm:s0], s1  }
0xda: {  	s0 =	simm.s32 @!p0 $0x3  }
0xdb: {  	_ =	swait.ge @!p0 [sflag:s0], s1  }
0xdc: {  	s1 =	ssub.s32 @!p0 $0x0, s1;
	[sflag:s0] =	ssyncset.done @!p0 $0x0  }
0xdd: {  	[sflag:s0] =	ssyncadd.s32 @!p0 s1  }
0xde: {  	[bflag:$0x3] =	sbarrier.arrive $0xFFFF  }
0xdf: {  	_ =	shalt  }

// kernel: kernel.30.cloned.1.call-start
scs
__scs_entry_jumppad:
0x0: {  	(pc) =	sbr.rel $0x88, $3  }
0x1: {  	(tag) =	ssettag $0x0;
	lr =	simm.s32 $0x1  }
0x2: {  	[smem:$0x3F8E] =	sst lr;
	_ =	strace $0xD0000000  }
0x3: {  	_ = 	snop  }
0x4: {  	_ = 	snop  }
0x5: {  	_ = 	snop  }
0x6: {  	_ = 	snop  }
0x7: {  	_ = 	snop  }
__scs_overlays_trampoline_lowered:
0x8: {  	[smem:$0x3F9D] =	sst s0  }
0x9: {  	[smem:$0x3F9E] =	sst s1  }
0xa: {  	[smem:$0x3F9F] =	sst s2  }
0xb: {  	[smem:$0x3FA0] =	sst s3  }
0xc: {  	[smem:$0x3FA1] =	sst s4  }
0xd: {  	[smem:$0x3FA2] =	sst s5  }
0xe: {  	[smem:$0x3FA3] =	sst s6  }
0xf: {  	[smem:$0x3FA4] =	sst s7  }
0x10: {  	[smem:$0x3FA5] =	sst s8  }
0x11: {  	[smem:$0x3FA6] =	sst s9;
	s0 =	simm.s32 @!p0 $0x0  }
0x12: {  	s1 =	sld [smem:$0x3F8C];
	s0 =	simm.s32 @p0 $0x1  }
0x13: {  	[smem:$0x3FA7] =	sst s0;
	s0 =	simm.s32 @!p1 $0x0  }
0x14: {  	s2 =	sld [smem:$0x3F8B];
	s0 =	simm.s32 @p1 $0x1  }
0x15: {  	[smem:$0x3FA8] =	sst s0;
	s0 =	simm.s32 @!p2 $0x0  }
0x16: {  	s3 =	sld [smem:$0x3FDB];
	s0 =	simm.s32 @p2 $0x1  }
0x17: {  	s4 =	simm.s32 $0x1BF5;
	[smem:$0x3FAA] =	sst s0  }
0x18: {  	s0 =	sld [smem:$0x3F8D];
	_ =	swait.ge [sflag:s4], $0x0  }
0x19: {  	s7 =	sld [smem:$0x3F8E]  }
0x1a: {  	s8 =	sadd.s32 $0xFFFFE003, lr  }
0x1b: {  	s9 =	sadd.s32 $0xFFFFFEF7, lr;
	s5 =	simm.s32 $0xFFFFFFFF;
	p2 =	slt.u32 s8, $0xFFFFF086  }
0x1c: {  	p1 =	slt.u32 s9, $0xF7A;
	s5 =	simm.s32 @!p2 $0x0  }
0x1d: {  	s5 =	simm.s32 @p1 $0x1;
	p0 =	seq.s32 s7, s2  }
0x1e: {  	s7 =	smul.u32 @!p0 $0xF7A, s2;
	p2 =	seq.s32 @!p0 s5, $0x0  }
0x1f: {  	s9 =	smul.u32 $0xF7A, s1;
	s8 =	simm.s32 @!p0 $0x1BF5;
	p2 =	por !p2, p0  }
0x20: {  	[sflag:s8] =	ssyncset.s32 @!p0 $0xFFFFF086;
	s6 =	sadd.s32 @!p0 s3, s7;
	s7 =	simm.s32 @!p0 $0x108  }
0x21: {  	s3 =	sadd.s32 s3, s9;
	s6 =	sadd.s32 @!p0 $0x88, s6;
	s7 =	simm.s32 @p2 $0x1082  }
0x22: {  	[simem:s7], [sflag:s8] =	dma.local @!p0 [hbm:s6], $0xF7A  }
0x23: {  	s9 =	sor.u32 $0xD0000000, s2;
	s6 =	simm.s32 $0x108;
	_ =	swait.ge @!p0 [sflag:s8], $0x0  }
0x24: {  	s3 =	sadd.s32 $0x88, s3;
	s6 =	simm.s32 @!p1 $0x1082;
	[sflag:s4] =	ssyncset.s32 $0xFFFFF086  }
0x25: {  	[simem:s6], [sflag:s4] =	dma.local [hbm:s3], $0xF7A  }
0x26: {  	[smem:$0x3F8E] =	sst s1;
	(tag) =	ssettag s2;
	_ =	strace s9  }
0x27: {  	s1 =	sld [smem:$0x3F9E]  }
0x28: {  	s2 =	sld [smem:$0x3F9F]  }
0x29: {  	s4 =	sld [smem:$0x3FA1]  }
0x2a: {  	p0 =	seq.s32 s5, $0x0;
	s5 =	sld [smem:$0x3FA2]  }
0x2b: {  	s6 =	sld [smem:$0x3FA3]  }
0x2c: {  	s7 =	sld [smem:$0x3FA4]  }
0x2d: {  	s3 =	simm.s32 $0x108;
	s8 =	sld [smem:$0x3FA5]  }
0x2e: {  	s3 =	simm.s32 @!p0 $0x1082;
	s9 =	sld [smem:$0x3FA6]  }
0x2f: {  	lr =	sadd.s32 s0, s3;
	s0 =	sld [smem:$0x3F9D]  }
0x30: {  	s3 =	sld [smem:$0x3FA0]  }
0x31: {  	[smem:$0x3FA9] =	sst s10  }
0x32: {  	s10 =	sld [smem:$0x3FA7];
	_ =	sdelay $0x3  }
0x33: {  	p0 =	seq.s32 s10, $0x1;
	s10 =	sld [smem:$0x3FA9];
	_ =	sdelay $0x3  }
0x34: {  	[smem:$0x3FA9] =	sst s10  }
0x35: {  	s10 =	sld [smem:$0x3FA8];
	_ =	sdelay $0x3  }
0x36: {  	p1 =	seq.s32 s10, $0x1;
	s10 =	sld [smem:$0x3FA9];
	_ =	sdelay $0x3  }
0x37: {  	[smem:$0x3FA9] =	sst s10  }
0x38: {  	s10 =	sld [smem:$0x3FAA]  }
0x39: {  	_ = 	snop;
	(pc) =	sbr.ind lr, $3  }
0x3a: {  	_ = 	snop  }
0x3b: {  	_ = 	snop  }
0x3c: {  	p2 =	seq.s32 s10, $0x1;
	s10 =	sld [smem:$0x3FA9]  }
0x3d: {  	_ =	shalt  }
0x3e: {  	_ =	shalt  }
0x3f: {  	_ =	shalt  }
0x40: {  	_ =	shalt  }
0x41: {  	_ =	shalt  }
0x42: {  	_ =	shalt  }
0x43: {  	_ =	shalt  }
0x44: {  	_ =	shalt  }
0x45: {  	_ =	shalt  }
0x46: {  	_ =	shalt  }
0x47: {  	_ =	shalt  }
0x48: {  	_ =	shalt  }
0x49: {  	_ =	shalt  }
0x4a: {  	_ =	shalt  }
0x4b: {  	_ =	shalt  }
0x4c: {  	_ =	shalt  }
0x4d: {  	_ =	shalt  }
0x4e: {  	_ =	shalt  }
0x4f: {  	_ =	shalt  }
0x50: {  	_ =	shalt  }
0x51: {  	_ =	shalt  }
0x52: {  	_ =	shalt  }
0x53: {  	_ =	shalt  }
0x54: {  	_ =	shalt  }
0x55: {  	_ =	shalt  }
0x56: {  	_ =	shalt  }
0x57: {  	_ =	shalt  }
0x58: {  	_ =	shalt  }
0x59: {  	_ =	shalt  }
0x5a: {  	_ =	shalt  }
0x5b: {  	_ =	shalt  }
0x5c: {  	_ =	shalt  }
0x5d: {  	_ =	shalt  }
0x5e: {  	_ =	shalt  }
0x5f: {  	_ =	shalt  }
0x60: {  	_ =	shalt  }
0x61: {  	_ =	shalt  }
0x62: {  	_ =	shalt  }
0x63: {  	_ =	shalt  }
0x64: {  	_ =	shalt  }
0x65: {  	_ =	shalt  }
0x66: {  	_ =	shalt  }
0x67: {  	_ =	shalt  }
0x68: {  	_ =	shalt  }
0x69: {  	_ =	shalt  }
0x6a: {  	_ =	shalt  }
0x6b: {  	_ =	shalt  }
0x6c: {  	_ =	shalt  }
0x6d: {  	_ =	shalt  }
0x6e: {  	_ =	shalt  }
0x6f: {  	_ =	shalt  }
0x70: {  	_ =	shalt  }
0x71: {  	_ =	shalt  }
0x72: {  	_ =	shalt  }
0x73: {  	_ =	shalt  }
0x74: {  	_ =	shalt  }
0x75: {  	_ =	shalt  }
0x76: {  	_ =	shalt  }
0x77: {  	_ =	shalt  }
0x78: {  	_ =	shalt  }
0x79: {  	_ =	shalt  }
0x7a: {  	_ =	shalt  }
0x7b: {  	_ =	shalt  }
0x7c: {  	_ =	shalt  }
0x7d: {  	_ =	shalt  }
0x7e: {  	_ =	shalt  }
0x7f: {  	_ =	shalt  }
0x80: {  	_ =	shalt  }
0x81: {  	_ =	shalt  }
0x82: {  	_ =	shalt  }
0x83: {  	_ =	shalt  }
0x84: {  	_ =	shalt  }
0x85: {  	_ =	shalt  }
0x86: {  	_ =	shalt  }
0x87: {  	_ =	shalt  }
.Lfunc_end0:
.L_simem_size_0:
called_computation.5_lowered:
.L_overlay_start_0:
0x88: {  	s2 =	sld [smem:$0x3FD9]  }
0x89: {  	s3 =	sld [smem:$0x3FFE];
	_ =	sdelay $0x1  }
0x8a: {  	s1 =	srdreg.scid  }
0x8b: {  	s0 =	sand.u32 $0x1, s1  }
0x8c: {  	s17 =	sshll.u32 s0, $0xA;
	s2 =	sadd.s32 s3, s2  }
0x8d: {  	s2 =	sadd.s32 s2, s17  }
0x8e: {  	[smem:$0x3FB5] =	sst s2  }
0x8f: {  	_ = 	snop  }
0x90: {  	(tm) =	ssettm $0x1  }
0x91: {  	s18 =	sld [smem:$0x3FFB];
	_ =	sdelay $0x3  }
0x92: {  	_ =	strace s18  }
0x93: {  	s2 =	sld [smem:$0x3FFC];
	_ =	sdelay $0x3  }
0x94: {  	_ =	strace s2  }
0x95: {  	s2 =	sld [smem:$0x3FFD];
	_ =	sdelay $0x3  }
0x96: {  	_ =	strace s2  }
0x97: {  	_ =	strace $0x8FFFFFFF  }
0x98: {  	s19 =	sld [smem:$0x3FDB];
	_ =	sdelay $0x1  }
0x99: {  	s20 =	simm.s32 $_scs_section_size  }
0x9a: {  	s4 =	simm.s32 $_size__tile_overlayer_lowered;
	s5 =	simm.s32 $_tile_overlayer_lowered  }
0x9b: {  	s6 =	simm.s32 $0x1BFF;
	s21 =	sshll.u32 s5, $0x1;
	s3 =	sadd.s32 s20, s19  }
0x9c: {  	s22 =	simm.s32 $0x0;
	s4 =	sshll.u32 s4, $0x1;
	s5 =	sadd.s32 s21, s3  }
0x9d: {  	[timem:s22], [sflag:s6] =	dma.local [hbm:s5], s4  }
0x9e: {  	_ =	swait.ge [sflag:s6], s4  }
0x9f: {  	s4 =	ssub.s32 $0x0, s4;
	[sflag:s6] =	ssyncset.done $0x0  }
0xa0: {  	[sflag:s6] =	ssyncadd.s32 s4;
	_ =	sdelay $0x1  }
0xa1: {  	s23 =	simm.s32 $0x1B8B  }
0xa2: {  	_ =	swait.ge [sflag:s23], $0x1  }
0xa3: {  	[sflag:s23] =	ssyncset.done $0x0  }
0xa4: {  	[sflag:s23] =	ssyncadd.s32 $0xFFFFFFFF  }
0xa5: {  	s4 =	sld [smem:$0x0]  }
0xa6: {  	s5 =	sand.u32 $0xFFFFFFFE, s1  }
0xa7: {  	p0 =	sne.s32 s1, s5  }
0xa8: {  	s5 =	sshll.u32 @p0 s5, $0xE  }
0xa9: {  	s5 =	sadd.s32 @p0 $0x11B8D, s5;
	s6 =	sshll.u32 @p0 s4, $0x11  }
0xaa: {  	s5 =	sor.u32 @p0 s6, s5  }
0xab: {  	[sflag:s5] =	ssyncadd.remote.s32 @p0 $0x1;
	_ =	sdelay $0x1  }
0xac: {  	s5 =	simm.s32 @p0 $0x1B8D  }
0xad: {  	_ =	swait.eq @p0 [sflag:s5], $0x1  }
0xae: {  	[sflag:s5] =	ssyncadd.s32 @p0 $0xFFFFFFFF  }
0xaf: {  	s6 =	sshll.u32 @!p0 s1, $0xE  }
0xb0: {  	s6 =	sor.u32 @!p0 $0x4000, s6;
	s5 =	simm.s32 @!p0 $0x1B8D  }
0xb1: {  	s4 =	sshll.u32 @!p0 s4, $0x11;
	s6 =	sadd.s32 @!p0 $0x11B8D, s6;
	_ =	swait.eq @!p0 [sflag:s5], $0x1  }
0xb2: {  	s4 =	sor.u32 @!p0 s4, s6;
	[sflag:s5] =	ssyncadd.s32 @!p0 $0xFFFFFFFF  }
0xb3: {  	s25 =	simm.s32 $0x1B8E;
	s24 =	sld [smem:$0x3FFE];
	[sflag:s4] =	ssyncadd.remote.s32 @!p0 $0x1  }
0xb4: {  	s26 =	simm.s32 $execute0_lowered;
	[smem:$0x3FD2] =	sst s25  }
0xb5: {  	s5 =	sshll.u32 s26, $0x1;
	_ =	strace $0x8000004F;
	[dreg:$0x1] =	wrdreg $0xFFFFFFFF  }
0xb6: {  	s28 =	simm.s32 $_size_execute0_lowered;
	s3 =	sadd.s32 s3, s5;
	[dreg:$0x0] =	wrdreg $0x0  }
0xb7: {  	s5 =	sshll.u32 s28, $0x1;
	[dreg:$0x2] =	wrdreg s3  }
0xb8: {  	[dreg:$0x3] =	wrdreg s5  }
0xb9: {  	[dreg:$0x4] =	wrdreg $0xC0  }
0xba: {  	_ =	task [dreg:s22], $0x5FFFF  }
0xbb: {  	[dreg:$0x1] =	wrdreg $0xFFFFFFFF  }
0xbc: {  	[dreg:$0x0] =	wrdreg $0x60  }
0xbd: {  	[dreg:$0x2] =	wrdreg s24  }
0xbe: {  	[dreg:$0x3] =	wrdreg $0x81000  }
0xbf: {  	[dreg:$0x4] =	wrdreg $0xD  }
0xc0: {  	_ =	task.clear_ibuf [dreg:s22], $0x5FFFF;
	_ =	strace $0x9000004F  }
0xc1: {  	s29 =	simm.s32 $0xD;
	_ =	strace $0x80000051  }
0xc2: {  	_ =	swait.ge [sflag:s29], $0x1  }
0xc3: {  	[sflag:s29] =	ssyncadd.s32 $0xFFFFFFFF  }
0xc4: {  	_ =	strace $0x90000051  }
0xc5: {  	_ =	sfence  }
0xc6: {  	s30 =	sld [smem:$0x0];
	_ =	sdelay $0x2  }
0xc7: {  	s31 =	sshll.u32 s1, $0xD;
	s1 =	sshrl.u32 s1, $0x2  }
0xc8: {  	s4 =	sand.u32 $0x4000, s31;
	s1 =	sadd.s32 s1, s30  }
0xc9: {  	s0 =	sor.u32 s4, s0;
	s1 =	sshll.u32 s1, $0x11  }
0xca: {  	s0 =	sor.u32 s1, s0  }
0xcb: {  	s0 =	sadd.s32 $0x8F2B, s0  }
0xcc: {  	[sflag:s0] =	ssyncadd.remote.s32 $0x1  }
0xcd: {  	_ =	sfence.sel $0xFFFF  }
0xce: {  	[dreg:$0x0] =	wrdreg $0xFFFFFFFF;
	(pc) =	sbr.abs _section_cstart, $3  }
0xcf: {  	[dreg:$0x1] =	wrdreg $0xFFFFFFFF  }
0xd0: {  	_ =	task.clear_ibuf [dreg:s22], $0x2FFFF;
	_ =	strace $0x9FFFFFFF  }
0xd1: {  	(tm) =	ssettm $0x7FFFFFFF  }
tec
execute0_lowered:
.L_overlay_start_1:
0x0: {  	(tag) =	ssettag $0x1  }
0x1: {  	s0 =	rddreg [dreg:$0x0]  }
0x2: {  	s1 =	rddreg [dreg:$0x1];
	s2 =	simm.s32 $0x0;
	s3 =	srdreg.scid  }
0x3: {  	s22 =	stileid.u32;
	s29 =	simm.s32 $0x80;
	s30 =	simm.s32 $0x3  }
0x4: {  	s31 =	simm.s32 $0x4080;
	[smem:$0x7FF] =	sst s2;
	s3 =	sand.u32 $0x1, s3  }
0x5: {  	s4 =	sshll.u32 s22, $0x1;
	s5 =	sadd.s32 $0xC95600, s0;
	s7 =	sadd.s32 $0xEE00, s0  }
0x6: {  	s26 =	sor.u32 $0x10, s22;
	s11 =	sor.u32 $0x20, s22;
	s14 =	smul.u32 $0x500, s22  }
0x7: {  	s15 =	sor.u32 $0x30, s22;
	s16 =	sor.u32 $0x40, s22;
	s6 =	smul.u32 $0x27100, s3  }
0x8: {  	s19 =	sor.u32 $0x50, s22;
	s20 =	sor.u32 $0x60, s22;
	s17 =	smul.u32 $0xA000, s26  }
0x9: {  	s4 =	sor.u32 s3, s4;
	s8 =	ssub.s32 $0x2, s3;
	s18 =	smul.u32 $0xA000, s11  }
0xa: {  	s11 =	smul.u32 $0x500, s11;
	s9 =	sshll.u32 s4, $0x7;
	s21 =	sshrl.u32 s8, $0x1  }
0xb: {  	s24 =	sshll.u32 s4, $0xB;
	s4 =	sand.u32 $0x7, s4;
	s6 =	sadd.s32 s6, s0  }
0xc: {  	s9 =	sadd.s32 $0x3E800, s9;
	s0 =	ssub.s32 s8, s21;
	s21 =	sor.u32 $0x70, s22  }
0xd: {  	s4 =	sshll.u32 s4, $0x4;
	s23 =	sshrl.u32 s9, $0x3;
	s9 =	sor.u32 $0xF0, s22  }
0xe: {  	s6 =	sadd.s32 $0xD8F600, s6;
	p1 =	sgt.u32 s21, $0x7C;
	s8 =	sadd.s32 s7, s23  }
0xf: {  	s10 =	sshll.u32 s9, $0x5;
	s12 =	sshll.u32 s9, $0x1;
	s23 =	sshll.u32 s22, $0x5  }
0x10: {  	p0 =	sgt.u32 s9, $0xF9;
	s14 =	sadd.s32 s14, s6;
	[dreg:$0x3] =	wrdreg s8  }
0x11: {  	s8 =	sadd.s32 s5, s24;
	s25 =	sand.u32 $0x1F80, s10;
	s12 =	sor.u32 s3, s12  }
0x12: {  	s10 =	smul.u32 $0x500, s26;
	s3 =	sshll.u32 s3, $0xB;
	[dreg:$0x6] =	wrdreg s14  }
0x13: {  	s24 =	sor.u32 $0x200, s23;
	s26 =	smul.u32 $0x500, s20;
	[dreg:$0x4] =	wrdreg s8  }
0x14: {  	s8 =	sadd.s32 s25, s7;
	s13 =	sshll.u32 s12, $0x4;
	s12 =	sshll.u32 s12, $0xB  }
0x15: {  	s25 =	smul.u32 $0x500, s16;
	s13 =	sand.u32 $0x70, s13;
	s12 =	sadd.s32 s5, s12  }
0x16: {  	s10 =	sadd.s32 s10, s6;
	s8 =	sadd.s32 s13, s8;
	[dreg:$0x5] =	wrdreg s12  }
0x17: {  	s13 =	sshll.u32 s22, $0xC;
	s12 =	smul.u32 $0x500, s15;
	[dreg:$0x7] =	wrdreg s10  }
0x18: {  	s25 =	sadd.s32 s25, s6;
	s10 =	smul.u32 $0xA000, s16;
	s5 =	sadd.s32 s13, s5  }
0x19: {  	s13 =	sor.u32 $0x400, s23;
	s23 =	sadd.s32 s11, s6;
	[dreg:$0xa] =	wrdreg s25  }
0x1a: {  	s11 =	sshrl.u32 s17, $0x2;
	s3 =	sadd.s32 s3, s5;
	s5 =	sand.u32 $0x380, s24  }
0x1b: {  	s13 =	sand.u32 $0x580, s13;
	s24 =	sadd.s32 s12, s6;
	s12 =	smul.u32 $0xA000, s19  }
0x1c: {  	[dreg:$0x8] =	wrdreg s23;
	s17 =	sadd.s32 s11, s1;
	s23 =	smul.u32 $0xA000, s20  }
0x1d: {  	s5 =	sadd.s32 s5, s7;
	s7 =	sadd.s32 s13, s7;
	[dreg:$0x9] =	wrdreg s24  }
0x1e: {  	s13 =	sadd.s32 s26, s6;
	s26 =	smul.u32 $0xA000, s22;
	s22 =	sshrl.u32 s18, $0x2  }
0x1f: {  	s5 =	sadd.s32 s4, s5;
	s4 =	sadd.s32 s4, s7;
	s7 =	smul.u32 $0x500, s19  }
0x20: {  	s18 =	sadd.s32 s22, s1;
	s24 =	sshrl.u32 s12, $0x2;
	s25 =	sshrl.u32 s23, $0x2  }
0x21: {  	s9 =	sshrl.u32 s26, $0x2;
	s22 =	sadd.s32 s25, s1;
	s25 =	sadd.s32 $0x7D00, s5  }
0x22: {  	s28 =	sadd.s32 $0x7D00, s4;
	s4 =	simm.s32 $0x2;
	s7 =	sadd.s32 s7, s6  }
0x23: {  	s5 =	simm.s32 $0x0;
	[dreg:$0xb] =	wrdreg s7;
	s7 =	smul.u32 $0x500, s21  }
0x24: {  	s16 =	sadd.s32 s9, s1;
	s21 =	smul.u32 $0xA000, s21;
	_ =	strace $0x80000050  }
0x25: {  	s14 =	sadd.s32 @!p1 s7, s6;
	s7 =	smul.u32 $0xA000, s15;
	s15 =	smax.u32 s0, $0x1  }
0x26: {  	s26 =	sshrl.u32 s21, $0x2;
	s21 =	sadd.s32 s24, s1;
	s24 =	sadd.s32 $0x7D00, s8  }
0x27: {  	s8 =	simm.s32 $0x4100;
	s0 =	simm.s32 $0x1;
	s23 =	sadd.s32 s26, s1  }
0x28: {  	s26 =	sadd.s32 $0x10000, s3;
	s6 =	sshrl.u32 s7, $0x2;
	s7 =	sshrl.u32 s10, $0x2  }
0x29: {  	v0 =	vimm.f32 $0.0e+00;
	s3 =	simm.s32 $0x4;
	s19 =	sadd.s32 s6, s1;
	s20 =	sadd.s32 s7, s1  }
.LBB2_1:
0x2a: {  	s6 =	simm.s32 $0x0;
	s7 =	simm.s32 $0x200  }
.LBB2_2:
0x2b: {  	p2 =	sne.s32 s7, $0x9E00;
	[tilespmem:s6+$0xF0] =	vst v0  }
0x2c: {  	[tilespmem:s6+$0x80] =	vst v0  }
0x2d: {  	[tilespmem:s6+$0x90] =	vst v0  }
.Ltmp0:
0x2e: {  	[tilespmem:s6+$0xA0] =	vst v0;
	(pc) =	sbr.rel @p2 .LBB2_2-.Ltmp0, $4  }
0x2f: {  	[tilespmem:s6+$0xB0] =	vst v0  }
0x30: {  	[tilespmem:s6+$0xC0] =	vst v0  }
0x31: {  	[tilespmem:s6+$0xD0] =	vst v0  }
0x32: {  	[tilespmem:s6+$0xE0] =	vst v0;
	s6 =	sshra.s32 s7, $0x2;
	s7 =	sadd.s32 $0x200, s7  }
0x33: {  	[tilespmem:s6+$0xF0] =	vst v0  }
0x34: {  	[tilespmem:s6+$0x80] =	vst v0  }
0x35: {  	[tilespmem:s6+$0x90] =	vst v0  }
0x36: {  	[tilespmem:s6+$0xA0] =	vst v0  }
0x37: {  	[tilespmem:s6+$0xB0] =	vst v0  }
0x38: {  	[tilespmem:s6+$0xC0] =	vst v0  }
0x39: {  	[tilespmem:s6+$0xD0] =	vst v0  }
0x3a: {  	[tilespmem:s6+$0xE0] =	vst v0  }
0x3b: {  	[spmem:s16] =	stream.linear.scatter [tilespmem:s29], [sflag:$0x3], $0x2800, $0x38;
	[tilespmem:$0x1B980] =	vst v63  }
0x3c: {  	_ =	swait.ge [sflag:s30], $0x2800  }
0x3d: {  	[sflag:s30] =	ssyncset.done $0x0  }
0x3e: {  	[sflag:s30] =	ssyncadd.s32 $0xFFFFD800  }
0x3f: {  	[spmem:s17] =	stream.linear.scatter [tilespmem:s29], [sflag:$0x3], $0x2800, $0x38;
	[tilespmem:$0x1B980] =	vst v63  }
0x40: {  	_ =	swait.ge [sflag:s30], $0x2800  }
0x41: {  	[sflag:s30] =	ssyncset.done $0x0  }
0x42: {  	[sflag:s30] =	ssyncadd.s32 $0xFFFFD800  }
0x43: {  	[spmem:s18] =	stream.linear.scatter [tilespmem:s29], [sflag:$0x3], $0x2800, $0x38;
	[tilespmem:$0x1B980] =	vst v63  }
0x44: {  	_ =	swait.ge [sflag:s30], $0x2800  }
0x45: {  	[sflag:s30] =	ssyncset.done $0x0  }
0x46: {  	[sflag:s30] =	ssyncadd.s32 $0xFFFFD800  }
0x47: {  	[spmem:s19] =	stream.linear.scatter [tilespmem:s29], [sflag:$0x3], $0x2800, $0x38;
	[tilespmem:$0x1B980] =	vst v63  }
0x48: {  	_ =	swait.ge [sflag:s30], $0x2800  }
0x49: {  	[sflag:s30] =	ssyncset.done $0x0  }
0x4a: {  	[sflag:s30] =	ssyncadd.s32 $0xFFFFD800  }
0x4b: {  	[spmem:s20] =	stream.linear.scatter [tilespmem:s29], [sflag:$0x3], $0x2800, $0x38;
	[tilespmem:$0x1B980] =	vst v63  }
0x4c: {  	_ =	swait.ge [sflag:s30], $0x2800  }
0x4d: {  	[sflag:s30] =	ssyncset.done $0x0  }
0x4e: {  	[sflag:s30] =	ssyncadd.s32 $0xFFFFD800  }
0x4f: {  	[spmem:s21] =	stream.linear.scatter [tilespmem:s29], [sflag:$0x3], $0x2800, $0x38;
	[tilespmem:$0x1B980] =	vst v63  }
0x50: {  	_ =	swait.ge [sflag:s30], $0x2800  }
0x51: {  	[sflag:s30] =	ssyncset.done $0x0  }
0x52: {  	[sflag:s30] =	ssyncadd.s32 $0xFFFFD800  }
0x53: {  	[spmem:s22] =	stream.linear.scatter [tilespmem:s29], [sflag:$0x3], $0x2800, $0x38;
	[tilespmem:$0x1B980] =	vst v63  }
0x54: {  	_ =	swait.ge [sflag:s30], $0x2800  }
0x55: {  	[sflag:s30] =	ssyncset.done $0x0  }
0x56: {  	s6 =	simm.s32 @!p1 $0x80;
	[sflag:s30] =	ssyncadd.s32 $0xFFFFD800  }
0x57: {  	[spmem:s23] =	stream.linear.scatter @!p1 [tilespmem:s6], [sflag:$0x3], $0x2800, $0x38;
	[tilespmem:$0x1B980] =	vst v63  }
0x58: {  	s6 =	simm.s32 @!p1 $0x3  }
0x59: {  	_ =	swait.ge @!p1 [sflag:s6], $0x2800  }
0x5a: {  	[sflag:s6] =	ssyncset.done @!p1 $0x0  }
0x5b: {  	[sflag:s6] =	ssyncadd.s32 @!p1 $0xFFFFD800  }
0x5c: {  	[bflag:$0x0] =	sbarrier.arrive $0xFFFF  }
0x5d: {  	s12 =	simm.s32 $0x0;
	s7 =	rddreg [dreg:$0x3]  }
0x5e: {  	[tilespmem:s12], [sflag:$0x1] =	stream.linear.gather [hbm4b:s7+s12], $0x80, $0x38;
	[tilespmem:$0x1B980] =	vst v63  }
0x5f: {  	s9 =	rddreg [dreg:$0x4]  }
0x60: {  	[tilespmem:s29], [sflag:$0x1] =	stream.linear.gather [hbm4b:s9+s12], $0x4000, $0x38;
	[tilespmem:$0x1B980] =	vst v63  }
0x61: {  	s10 =	sadd.s32 $0x0, s25  }
0x62: {  	[tilespmem:s31], [sflag:$0x2] =	stream.linear.gather [hbm4b:s10+s2], $0x80, $0x38;
	[tilespmem:$0x1B980] =	vst v63  }
0x63: {  	_ = 	snop  }
0x64: {  	[tilespmem:s8], [sflag:$0x2] =	stream.linear.gather [hbm4b:s26+s2], $0x4000, $0x38;
	[tilespmem:$0x1B980] =	vst v63  }
0x65: {  	_ =	swait.ge [sflag:s0], $0x80  }
0x66: {  	[sflag:s0] =	ssyncset.done $0x0  }
0x67: {  	[sflag:s0] =	ssyncadd.s32 $0xFFFFFF80  }
0x68: {  	_ =	swait.ge [sflag:s0], $0x4000  }
0x69: {  	[sflag:s0] =	ssyncset.done $0x0  }
0x6a: {  	[sflag:s0] =	ssyncadd.s32 $0xFFFFC000  }
0x6b: {  	[spmem:s1] =	stream.indirect.scatter.add.f32 [tilespmem:s29], [sflag:$0x4], $0x80, s2, s29, $0xb8;
	[tilespmem:$0x1B980] =	vst v63  }
0x6c: {  	_ =	swait.ge [sflag:s3], $0x4000  }
0x6d: {  	[sflag:s3] =	ssyncset.done $0x0  }
0x6e: {  	s11 =	sadd.s32 $0x0, s28;
	[sflag:s3] =	ssyncadd.s32 $0xFFFFC000  }
0x6f: {  	[tilespmem:s2], [sflag:$0x1] =	stream.linear.gather [hbm4b:s11+s2], $0x80, $0x38;
	[tilespmem:$0x1B980] =	vst v63  }
0x70: {  	s12 =	sadd.s32 $0x10000, s26  }
0x71: {  	[tilespmem:s29], [sflag:$0x1] =	stream.linear.gather [hbm4b:s12+s2], $0x4000, $0x38;
	[tilespmem:$0x1B980] =	vst v63  }
0x72: {  	_ =	swait.ge [sflag:s4], $0x80  }
0x73: {  	[sflag:s4] =	ssyncset.done $0x0  }
0x74: {  	[sflag:s4] =	ssyncadd.s32 $0xFFFFFF80  }
0x75: {  	_ =	swait.ge [sflag:s4], $0x4000  }
0x76: {  	[sflag:s4] =	ssyncset.done $0x0  }
0x77: {  	[sflag:s4] =	ssyncadd.s32 $0xFFFFC000  }
0x78: {  	[spmem:s1] =	stream.indirect.scatter.add.f32 [tilespmem:s8], [sflag:$0x3], $0x80, s31, s29, $0xb8;
	[tilespmem:$0x1B980] =	vst v63  }
0x79: {  	s6 =	simm.s32 $0x400;
	_ =	swait.ge [sflag:s30], $0x4000  }
0x7a: {  	s7 =	sadd.s32 $0x20000, s26;
	s9 =	simm.s32 $0x800;
	[sflag:s30] =	ssyncset.done $0x0  }
.LBB2_4:
0x7b: {  	s10 =	sadd.s32 s6, s25  }
0x7c: {  	[sflag:s30] =	ssyncadd.s32 $0xFFFFC000;
	s11 =	smov.u32 s9;
	s12 =	sadd.s32 $0x400, s9  }
0x7d: {  	[tilespmem:s31], [sflag:$0x2] =	stream.linear.gather [hbm4b:s10+s2], $0x80, $0x38;
	[tilespmem:$0x1B980] =	vst v63  }
0x7e: {  	p2 =	sne.s32 s9, $0x1800  }
0x7f: {  	[tilespmem:s8], [sflag:$0x2] =	stream.linear.gather [hbm4b:s7+s2], $0x4000, $0x38;
	[tilespmem:$0x1B980] =	vst v63  }
0x80: {  	_ =	swait.ge [sflag:s0], $0x80  }
0x81: {  	[sflag:s0] =	ssyncset.done $0x0  }
0x82: {  	[sflag:s0] =	ssyncadd.s32 $0xFFFFFF80  }
0x83: {  	_ =	swait.ge [sflag:s0], $0x4000  }
0x84: {  	[sflag:s0] =	ssyncset.done $0x0  }
0x85: {  	[sflag:s0] =	ssyncadd.s32 $0xFFFFC000  }
0x86: {  	[spmem:s1] =	stream.indirect.scatter.add.f32 [tilespmem:s29], [sflag:$0x4], $0x80, s2, s29, $0xb8;
	[tilespmem:$0x1B980] =	vst v63  }
0x87: {  	_ =	swait.ge [sflag:s3], $0x4000  }
0x88: {  	[sflag:s3] =	ssyncset.done $0x0  }
0x89: {  	s9 =	sadd.s32 s6, s28;
	s6 =	smov.u32 s11;
	[sflag:s3] =	ssyncadd.s32 $0xFFFFC000  }
0x8a: {  	[tilespmem:s2], [sflag:$0x1] =	stream.linear.gather [hbm4b:s9+s2], $0x80, $0x38;
	[tilespmem:$0x1B980] =	vst v63  }
0x8b: {  	s9 =	sadd.s32 $0x10000, s7  }
0x8c: {  	[tilespmem:s29], [sflag:$0x1] =	stream.linear.gather [hbm4b:s9+s2], $0x4000, $0x38;
	[tilespmem:$0x1B980] =	vst v63  }
0x8d: {  	_ =	swait.ge [sflag:s4], $0x80  }
0x8e: {  	[sflag:s4] =	ssyncset.done $0x0  }
0x8f: {  	[sflag:s4] =	ssyncadd.s32 $0xFFFFFF80  }
0x90: {  	_ =	swait.ge [sflag:s4], $0x4000  }
.Ltmp1:
0x91: {  	[sflag:s4] =	ssyncset.done $0x0;
	(pc) =	sbr.rel @p2 .LBB2_4-.Ltmp1, $4  }
0x92: {  	[sflag:s4] =	ssyncadd.s32 $0xFFFFC000  }
0x93: {  	[spmem:s1] =	stream.indirect.scatter.add.f32 [tilespmem:s8], [sflag:$0x3], $0x80, s31, s29, $0xb8;
	[tilespmem:$0x1B980] =	vst v63  }
0x94: {  	_ =	swait.ge [sflag:s30], $0x4000  }
0x95: {  	s7 =	sadd.s32 $0x20000, s7;
	s9 =	smov.u32 s12;
	[sflag:s30] =	ssyncset.done $0x0  }
0x96: {  	s9 =	sadd.s32 s6, s25;
	[sflag:s30] =	ssyncadd.s32 $0xFFFFC000  }
0x97: {  	[tilespmem:s31], [sflag:$0x2] =	stream.linear.gather [hbm4b:s9+s2], $0x80, $0x38;
	[tilespmem:$0x1B980] =	vst v63  }
0x98: {  	_ = 	snop  }
0x99: {  	[tilespmem:s8], [sflag:$0x2] =	stream.linear.gather [hbm4b:s7+s2], $0x4000, $0x38;
	[tilespmem:$0x1B980] =	vst v63  }
0x9a: {  	_ =	swait.ge [sflag:s0], $0x80  }
0x9b: {  	[sflag:s0] =	ssyncset.done $0x0  }
0x9c: {  	[sflag:s0] =	ssyncadd.s32 $0xFFFFFF80  }
0x9d: {  	_ =	swait.ge [sflag:s0], $0x4000  }
0x9e: {  	[sflag:s0] =	ssyncset.done $0x0  }
0x9f: {  	[sflag:s0] =	ssyncadd.s32 $0xFFFFC000  }
0xa0: {  	[spmem:s1] =	stream.indirect.scatter.add.f32 [tilespmem:s29], [sflag:$0x4], $0x80, s2, s29, $0xb8;
	[tilespmem:$0x1B980] =	vst v63  }
0xa1: {  	_ =	swait.ge [sflag:s3], $0x4000  }
0xa2: {  	[sflag:s3] =	ssyncset.done $0x0  }
0xa3: {  	s12 =	sadd.s32 s6, s28;
	[sflag:s3] =	ssyncadd.s32 $0xFFFFC000  }
0xa4: {  	[tilespmem:s2], [sflag:$0x1] =	stream.linear.gather [hbm4b:s12+s2], $0x80, $0x38;
	[tilespmem:$0x1B980] =	vst v63  }
0xa5: {  	s9 =	sadd.s32 $0x10000, s7  }
0xa6: {  	[tilespmem:s29], [sflag:$0x1] =	stream.linear.gather [hbm4b:s9+s2], $0x4000, $0x38;
	[tilespmem:$0x1B980] =	vst v63  }
0xa7: {  	_ =	swait.ge [sflag:s4], $0x80  }
0xa8: {  	[sflag:s4] =	ssyncset.done $0x0  }
0xa9: {  	[sflag:s4] =	ssyncadd.s32 $0xFFFFFF80  }
0xaa: {  	_ =	swait.ge [sflag:s4], $0x4000  }
0xab: {  	[sflag:s4] =	ssyncset.done $0x0  }
0xac: {  	[sflag:s4] =	ssyncadd.s32 $0xFFFFC000  }
0xad: {  	[spmem:s1] =	stream.indirect.scatter.add.f32 [tilespmem:s8], [sflag:$0x3], $0x80, s31, s29, $0xb8;
	[tilespmem:$0x1B980] =	vst v63  }
0xae: {  	_ =	swait.ge [sflag:s30], $0x4000  }
0xaf: {  	[sflag:s30] =	ssyncset.done $0x0  }
0xb0: {  	s6 =	simm.s32 @!p0 $0x0;
	s7 =	simm.s32 @!p0 $0x4080;
	[sflag:s30] =	ssyncadd.s32 $0xFFFFC000  }
0xb1: {  	[tilespmem:s7], [sflag:$0x2] =	stream.linear.gather @!p0 [hbm4b:s24+s6], $0x80, $0x38;
	[tilespmem:$0x1B980] =	vst v63  }
0xb2: {  	s9 =	simm.s32 @!p0 $0x4100;
	s10 =	rddreg [dreg:$0x5]  }
0xb3: {  	[tilespmem:s9], [sflag:$0x2] =	stream.linear.gather @!p0 [hbm4b:s10+s6], $0x4000, $0x38;
	[tilespmem:$0x1B980] =	vst v63  }
0xb4: {  	_ =	swait.ge [sflag:s0], $0x80  }
0xb5: {  	[sflag:s0] =	ssyncset.done $0x0  }
0xb6: {  	[sflag:s0] =	ssyncadd.s32 $0xFFFFFF80  }
0xb7: {  	_ =	swait.ge [sflag:s0], $0x4000  }
0xb8: {  	[sflag:s0] =	ssyncset.done $0x0  }
0xb9: {  	[sflag:s0] =	ssyncadd.s32 $0xFFFFC000  }
0xba: {  	[spmem:s1] =	stream.indirect.scatter.add.f32 [tilespmem:s29], [sflag:$0x4], $0x80, s2, s29, $0xb8;
	[tilespmem:$0x1B980] =	vst v63  }
0xbb: {  	_ =	swait.ge [sflag:s3], $0x4000  }
0xbc: {  	[sflag:s3] =	ssyncset.done $0x0  }
0xbd: {  	s6 =	simm.s32 @!p0 $0x2;
	[sflag:s3] =	ssyncadd.s32 $0xFFFFC000  }
0xbe: {  	_ =	swait.ge @!p0 [sflag:s6], $0x80  }
0xbf: {  	[sflag:s6] =	ssyncset.done @!p0 $0x0  }
0xc0: {  	[sflag:s6] =	ssyncadd.s32 @!p0 $0xFFFFFF80  }
0xc1: {  	_ =	swait.ge @!p0 [sflag:s6], $0x4000  }
0xc2: {  	[sflag:s6] =	ssyncset.done @!p0 $0x0  }
0xc3: {  	[sflag:s6] =	ssyncadd.s32 @!p0 $0xFFFFC000;
	s6 =	simm.s32 @!p0 $0x80  }
0xc4: {  	[spmem:s1] =	stream.indirect.scatter.add.f32 @!p0 [tilespmem:s9], [sflag:$0x3], $0x80, s7, s6, $0xb8;
	[tilespmem:$0x1B980] =	vst v63  }
0xc5: {  	s6 =	simm.s32 @!p0 $0x3  }
0xc6: {  	_ =	swait.ge @!p0 [sflag:s6], $0x4000  }
0xc7: {  	[sflag:s6] =	ssyncset.done @!p0 $0x0  }
0xc8: {  	s10 =	stileid.u32;
	[sflag:s6] =	ssyncadd.s32 @!p0 $0xFFFFC000  }
0xc9: {  	s6 =	sshll.u32 s10, $0x6;
	[bflag:$0x0] =	sbarrier.arrive $0xFFFF  }
0xca: {  	s11 =	sshrl.u32 s16, $0x3;
	s6 =	sor.u32 $0x1C03, s6;
	s12 =	rddreg [dreg:$0x6]  }
0xcb: {  	[hbm:s12], [sflag:s6] =	dma.local [spmem:s11], $0x500  }
0xcc: {  	_ =	swait.ge [sflag:s30], $0x500  }
0xcd: {  	[sflag:s30] =	ssyncset.done $0x0  }
0xce: {  	s9 =	sshrl.u32 s17, $0x3;
	s10 =	rddreg [dreg:$0x7];
	[sflag:s30] =	ssyncadd.s32 $0xFFFFFB00  }
0xcf: {  	[hbm:s10], [sflag:s6] =	dma.local [spmem:s9], $0x500  }
0xd0: {  	_ =	swait.ge [sflag:s30], $0x500  }
0xd1: {  	[sflag:s30] =	ssyncset.done $0x0  }
0xd2: {  	s11 =	sshrl.u32 s18, $0x3;
	s12 =	rddreg [dreg:$0x8];
	[sflag:s30] =	ssyncadd.s32 $0xFFFFFB00  }
0xd3: {  	[hbm:s12], [sflag:s6] =	dma.local [spmem:s11], $0x500  }
0xd4: {  	_ =	swait.ge [sflag:s30], $0x500  }
0xd5: {  	[sflag:s30] =	ssyncset.done $0x0  }
0xd6: {  	s9 =	sshrl.u32 s19, $0x3;
	s10 =	rddreg [dreg:$0x9];
	[sflag:s30] =	ssyncadd.s32 $0xFFFFFB00  }
0xd7: {  	[hbm:s10], [sflag:s6] =	dma.local [spmem:s9], $0x500  }
0xd8: {  	_ =	swait.ge [sflag:s30], $0x500  }
0xd9: {  	[sflag:s30] =	ssyncset.done $0x0  }
0xda: {  	s11 =	sshrl.u32 s20, $0x3;
	s12 =	rddreg [dreg:$0xa];
	[sflag:s30] =	ssyncadd.s32 $0xFFFFFB00  }
0xdb: {  	[hbm:s12], [sflag:s6] =	dma.local [spmem:s11], $0x500  }
0xdc: {  	_ =	swait.ge [sflag:s30], $0x500  }
0xdd: {  	[sflag:s30] =	ssyncset.done $0x0  }
0xde: {  	s10 =	sshrl.u32 s21, $0x3;
	s11 =	rddreg [dreg:$0xb];
	[sflag:s30] =	ssyncadd.s32 $0xFFFFFB00  }
0xdf: {  	[hbm:s11], [sflag:s6] =	dma.local [spmem:s10], $0x500  }
0xe0: {  	_ =	swait.ge [sflag:s30], $0x500  }
0xe1: {  	[sflag:s30] =	ssyncset.done $0x0  }
0xe2: {  	s12 =	sshrl.u32 s22, $0x3;
	[sflag:s30] =	ssyncadd.s32 $0xFFFFFB00  }
0xe3: {  	[hbm:s13], [sflag:s6] =	dma.local [spmem:s12], $0x500  }
0xe4: {  	_ =	swait.ge [sflag:s30], $0x500  }
0xe5: {  	s5 =	sadd.s32 $0x1, s5;
	[sflag:s30] =	ssyncset.done $0x0  }
0xe6: {  	p2 =	sne.s32 s5, s15;
	s7 =	sshrl.u32 @!p1 s23, $0x3;
	[sflag:s30] =	ssyncadd.s32 $0xFFFFFB00  }
0xe7: {  	[hbm:s14], [sflag:s6] =	dma.local @!p1 [spmem:s7], $0x500  }
.Ltmp2:
0xe8: {  	_ = 	snop;
	(pc) =	sbr.rel @p2 .LBB2_1-.Ltmp2, $4  }
0xe9: {  	s6 =	simm.s32 @!p1 $0x3  }
0xea: {  	_ =	swait.ge @!p1 [sflag:s6], $0x500  }
0xeb: {  	[sflag:s6] =	ssyncset.done @!p1 $0x0  }
0xec: {  	[sflag:s6] =	ssyncadd.s32 @!p1 $0xFFFFFB00  }
0xed: {  	_ =	sfence.sel $0x180000  }
0xee: {  	[bflag:$0x0] =	sbarrier.arrive $0xFFFF  }
0xef: {  	_ =	strace $0x90000050  }
0xf0: {  	s0 =	stileid.u32;
	[bflag:$0x2] =	sbarrier.arrive $0xFFFF  }
0xf1: {  	p0 =	sne.s32 s0, $0x0;
	s0 =	rddreg [dreg:$0x2]  }
0xf2: {  	s0 =	sadd.s32 @!p0 $0x100000, s0  }
0xf3: {  	[sflag:s0] =	ssyncadd.tile.s32 @!p0 $0x1;
	_ =	shalt  }
.Lfunc_end2:
_tile_overlayer_lowered:
.L_overlay_start_2:
0xf4: {  	(tag) =	ssettag $0x2  }
0xf5: {  	s0 =	rddreg [dreg:$0x0];
	s2 =	stileid.u32  }
0xf6: {  	s1 =	rddreg [dreg:$0x1];
	p0 =	sne.s32 s2, $0x0  }
0xf7: {  	s3 =	rddreg [dreg:$0x2];
	[bflag:$0x3] =	sbarrier.arrive $0xFFFF;
	s2 =	simm.s32 @!p0 $0x1C03  }
0xf8: {  	[timem:s3], [sflag:s2] =	dma.local @!p0 [hbm:s0], s1  }
0xf9: {  	s0 =	simm.s32 @!p0 $0x3  }
0xfa: {  	_ =	swait.ge @!p0 [sflag:s0], s1  }
0xfb: {  	s1 =	ssub.s32 @!p0 $0x0, s1;
	[sflag:s0] =	ssyncset.done @!p0 $0x0  }
0xfc: {  	[sflag:s0] =	ssyncadd.s32 @!p0 s1  }
0xfd: {  	[bflag:$0x3] =	sbarrier.arrive $0xFFFF  }
0xfe: {  	_ =	shalt  }

</sc_bundles>
